<compile_context>
chip_gen: v7x
topology: tpu7x:2x2x1
jax: 0.10.2.dev20260603
libtpu: 0.0.44.dev20260713+nightly
codegen_flags: <defaults>
</compile_context>

<pallas_src>
import functools
import math

import jax
import jax.numpy as jnp
import numpy as np
from jax import lax
from jax.experimental import pallas as pl
from jax.experimental.pallas import tpu as pltpu
from jax.experimental.pallas import tpu_sc as plsc

VOCAB = 100000
D_MODEL = 128
BATCH = 1024
SEQ = 50

_INFO = plsc.get_sparse_core_info()
_NC, _NS, _L = _INFO.num_cores, _INFO.num_subcores, _INFO.num_lanes
_NW = _NC * _NS
_ROWS = BATCH * SEQ
_ROWS_PER_W = _ROWS // _NW
_B_PER_CHUNK = 8
_CHUNK = _B_PER_CHUNK * SEQ
_NCHUNK = _ROWS_PER_W // _CHUNK
_LANE_CHUNKS = D_MODEL // _L
_SCALE = math.sqrt(float(D_MODEL))


def _pos_enc(seq_len, d_model):
    pos = np.arange(seq_len)[:, None].astype(np.float32)
    div = np.exp(
        np.arange(0, d_model, 2).astype(np.float32) * -(np.log(10000.0) / d_model)
    )
    pe = np.zeros((seq_len, d_model), dtype=np.float32)
    pe[:, 0::2] = np.sin(pos * div)
    pe[:, 1::2] = np.cos(pos * div)
    return pe


_MESH = plsc.VectorSubcoreMesh(core_axis_name="c", subcore_axis_name="s")


@functools.partial(
    pl.kernel,
    mesh=_MESH,
    out_type=jax.ShapeDtypeStruct((_ROWS, D_MODEL), jnp.float32),
    scratch_types=[
        pltpu.VMEM((_CHUNK,), jnp.int32),
        pltpu.VMEM((_CHUNK, D_MODEL), jnp.float32),
        pltpu.VMEM((SEQ, D_MODEL), jnp.float32),
        pltpu.SemaphoreType.DMA,
    ],
)
def _emb_kernel(idx_hbm, table_hbm, pe_hbm, out_hbm, idx_v, rows_v, pe_v, sem):
    wid = lax.axis_index("s") * _NC + lax.axis_index("c")
    base = wid * _ROWS_PER_W
    pltpu.sync_copy(pe_hbm, pe_v)

    for ch in range(_NCHUNK):
        gbase = base + ch * _CHUNK
        pltpu.sync_copy(idx_hbm.at[pl.ds(gbase, _CHUNK)], idx_v)
        pltpu.async_copy(table_hbm.at[idx_v], rows_v, sem).wait()

        def body(s, carry):
            pes = [pe_v[s, pl.ds(c * _L, _L)] for c in range(_LANE_CHUNKS)]
            for bb in range(_B_PER_CHUNK):
                r = bb * SEQ + s
                for c in range(_LANE_CHUNKS):
                    sl = pl.ds(c * _L, _L)
                    rows_v[r, sl] = rows_v[r, sl] * _SCALE + pes[c]
            return carry

        lax.fori_loop(0, SEQ, body, 0)
        pltpu.sync_copy(rows_v, out_hbm.at[pl.ds(gbase, _CHUNK)])


def kernel(text_ids, emb_table):
    pe = jnp.asarray(_pos_enc(SEQ, D_MODEL))
    flat_ids = text_ids.reshape(_ROWS).astype(jnp.int32)
    out = _emb_kernel(flat_ids, emb_table, pe)
    return out.reshape(BATCH, SEQ, D_MODEL)

# --- scband reference (transcript-rebuilt; emitter-appended) ---
"""Pipeline reference for scband-word-emb-30992484008298 (READ-ONLY COPY).

The authoritative reference and input builder live on the scoring server;
editing this copy changes nothing except your own understanding.
"""

import jax, jax.numpy as jnp
import numpy as np

VOCAB = 100000
D_MODEL = 128
BATCH = 1024
SEQ = 50

def _make_pe(seq_len, d_model):
    pos = np.arange(seq_len)[:, None].astype(np.float32)
    div = np.exp(np.arange(0, d_model, 2).astype(np.float32) * -(np.log(10000.0) / d_model))
    pe = np.zeros((seq_len, d_model), dtype=np.float32)
    pe[:, 0::2] = np.sin(pos * div)
    pe[:, 1::2] = np.cos(pos * div)
    return jnp.asarray(pe)

def setup_inputs(seed: int = 0) -> dict:
    key = jax.random.key(seed)
    k1, k2 = jax.random.split(key)
    text_ids = jax.random.randint(k1, (BATCH, SEQ), 0, VOCAB, dtype=jnp.int64 if jax.config.jax_enable_x64 else jnp.int32)
    emb_table = jax.random.normal(k2, (VOCAB, D_MODEL), dtype=jnp.float32) * 0.02
    return {"text_ids": text_ids, "emb_table": emb_table}

def reference(text_ids, emb_table):
    # VocabularyEmbedder: embedding lookup scaled by sqrt(d_model)
    d_model = emb_table.shape[1]
    x = jnp.take(emb_table, text_ids, axis=0) * jnp.sqrt(jnp.float32(d_model))
    # pre_dropout: identity in eval mode
    # PositionalEncoder: add sinusoidal positional encoding (dropout identity in eval)
    pe = _make_pe(text_ids.shape[1], d_model)
    x = x + pe[None, :, :]
    return x

if __name__ == "__main__":
    import jax
    _d = setup_inputs()
    print(jax.jit(kernel)(*tuple(_d.values())))

</pallas_src>

<mosaic_0001>
#map = affine_map<(d0, d1) -> (0)>
#map1 = affine_map<(d0, d1) -> (0, 0)>
module attributes {stable_mosaic.version = 14 : i64} {
  func.func @_emb_kernel(%arg0: i32, %arg1: i32, %arg2: memref<51200xi32, #tpu.memory_space<hbm>>, %arg3: memref<100000x128xf32, #tpu.memory_space<hbm>>, %arg4: memref<50x128xf32, #tpu.memory_space<hbm>>, %arg5: memref<51200x128xf32, #tpu.memory_space<hbm>>, %arg6: memref<400xi32, #tpu.memory_space<vmem>>, %arg7: memref<400x128xf32, #tpu.memory_space<vmem>>, %arg8: memref<50x128xf32, #tpu.memory_space<vmem>>, %arg9: memref<!tpu.dma_semaphore, #tpu.memory_space<semaphore_mem>>) attributes {dimension_semantics = [#tpu.dimension_semantics<core_parallel>, #tpu.dimension_semantics<subcore_parallel>], iteration_bounds = array<i64: 2, 16>, scalar_prefetch = 0 : i64, scratch_operands = 4 : i64, tpu.core_type = #tpu.core_type<sc_vector_subcore>, window_params = [{transform_indices = #map}, {transform_indices = #map1}, {transform_indices = #map1}, {transform_indices = #map1}]} {
    %mul3A = arith.constant 2 : i32
    %mul3A_0 = arith.muli %arg1, %mul3A : i32
    %add3A = arith.addi %mul3A_0, %arg0 : i32
    %mul3A_1 = arith.constant 1600 : i32
    %mul3A_2 = arith.muli %add3A, %mul3A_1 : i32
    "tpu.region"() ({
      %run_scoped3A = tpu.sem_alloc : memref<!tpu.dma_semaphore, #tpu.memory_space<semaphore_mem>>
      tpu.enqueue_dma source(%arg4 : memref<50x128xf32, #tpu.memory_space<hbm>>) target(%arg8 : memref<50x128xf32, #tpu.memory_space<vmem>>) target_semaphore(%run_scoped3A : memref<!tpu.dma_semaphore, #tpu.memory_space<semaphore_mem>>)
      tpu.wait_dma2 semaphore(%run_scoped3A : memref<!tpu.dma_semaphore, #tpu.memory_space<semaphore_mem>>) src(%arg4 : memref<50x128xf32, #tpu.memory_space<hbm>>) dst(%arg8 : memref<50x128xf32, #tpu.memory_space<vmem>>)
      tpu.yield
    }) : () -> ()
    %add3A_3 = arith.constant 0 : i32
    %add3A_4 = arith.addi %mul3A_2, %add3A_3 : i32
    "tpu.region"() ({
      %run_scoped3A = tpu.sem_alloc : memref<!tpu.dma_semaphore, #tpu.memory_space<semaphore_mem>>
      %dma_start3A_56 = tpu.memref_slice %arg2[%add3A_4] : memref<51200xi32, #tpu.memory_space<hbm>> -> memref<400xi32, #tpu.memory_space<hbm>>
      %dma_start3A_57 = tpu.memref_slice %arg2[%add3A_4] : memref<51200xi32, #tpu.memory_space<hbm>> -> memref<400xi32, #tpu.memory_space<hbm>>
      tpu.enqueue_dma source(%dma_start3A_57 : memref<400xi32, #tpu.memory_space<hbm>>) target(%arg6 : memref<400xi32, #tpu.memory_space<vmem>>) target_semaphore(%run_scoped3A : memref<!tpu.dma_semaphore, #tpu.memory_space<semaphore_mem>>)
      %dma_wait3A_58 = tpu.memref_slice %arg2[%add3A_4] : memref<51200xi32, #tpu.memory_space<hbm>> -> memref<400xi32, #tpu.memory_space<hbm>>
      %dma_wait3A_59 = tpu.memref_slice %arg2[%add3A_4] : memref<51200xi32, #tpu.memory_space<hbm>> -> memref<400xi32, #tpu.memory_space<hbm>>
      tpu.wait_dma2 semaphore(%run_scoped3A : memref<!tpu.dma_semaphore, #tpu.memory_space<semaphore_mem>>) src(%dma_wait3A_59 : memref<400xi32, #tpu.memory_space<hbm>>) dst(%arg6 : memref<400xi32, #tpu.memory_space<vmem>>)
      tpu.yield
    }) : () -> ()
    %dma_start3A = arith.constant 0 : i32
    %dma_start3A_5 = arith.constant 0 : i32
    %dma_start3A_6 = tpu.memref_slice %arg3[%dma_start3A, %dma_start3A_5] : memref<100000x128xf32, #tpu.memory_space<hbm>> -> memref<100000x128xf32, #tpu.memory_space<hbm>>
    tpu.enqueue_indirect_dma source(%dma_start3A_6 : memref<100000x128xf32, #tpu.memory_space<hbm>>) target(%arg7 : memref<400x128xf32, #tpu.memory_space<vmem>>) offsets(%arg6 : memref<400xi32, #tpu.memory_space<vmem>>) semaphore(%arg9 : memref<!tpu.dma_semaphore, #tpu.memory_space<semaphore_mem>>)
    %dma_wait3A = arith.constant 0 : i32
    %dma_wait3A_7 = arith.constant 0 : i32
    %dma_wait3A_8 = tpu.memref_slice %arg3[%dma_wait3A, %dma_wait3A_7] : memref<100000x128xf32, #tpu.memory_space<hbm>> -> memref<100000x128xf32, #tpu.memory_space<hbm>>
    tpu.wait_indirect_dma semaphore(%arg9 : memref<!tpu.dma_semaphore, #tpu.memory_space<semaphore_mem>>) src(%dma_wait3A_8 : memref<100000x128xf32, #tpu.memory_space<hbm>>) dst(%arg7 : memref<400x128xf32, #tpu.memory_space<vmem>>)
    %scan3A = arith.constant 0 : i32
    %scan3A_9 = arith.constant 0 : i32
    %scan3A_10 = arith.constant 50 : i32
    %scan3A_11 = arith.addi %scan3A_9, %scan3A_10 : i32
    %scan3A_12 = arith.constant 1 : i32
    scf.for %scan3A_56 = %scan3A_9 to %scan3A_11 step %scan3A_12  : i32 {
      %get3A = arith.index_cast %scan3A_56 : i32 to index
      %get3A_57 = arith.constant 0 : index
      %get3A_58 = tpu.vector_load %arg8[%get3A, %get3A_57] {strides = array<i32>} : memref<50x128xf32, #tpu.memory_space<vmem>>, vector<1x16xf32>,
      %get3A_59 = vector.shape_cast %get3A_58 : vector<1x16xf32> to vector<16xf32>
      %get3A_60 = arith.index_cast %scan3A_56 : i32 to index
      %get3A_61 = arith.constant 16 : index
      %get3A_62 = tpu.vector_load %arg8[%get3A_60, %get3A_61] {strides = array<i32>} : memref<50x128xf32, #tpu.memory_space<vmem>>, vector<1x16xf32>,
      %get3A_63 = vector.shape_cast %get3A_62 : vector<1x16xf32> to vector<16xf32>
      %get3A_64 = arith.index_cast %scan3A_56 : i32 to index
      %get3A_65 = arith.constant 32 : index
      %get3A_66 = tpu.vector_load %arg8[%get3A_64, %get3A_65] {strides = array<i32>} : memref<50x128xf32, #tpu.memory_space<vmem>>, vector<1x16xf32>,
      %get3A_67 = vector.shape_cast %get3A_66 : vector<1x16xf32> to vector<16xf32>
      %get3A_68 = arith.index_cast %scan3A_56 : i32 to index
      %get3A_69 = arith.constant 48 : index
      %get3A_70 = tpu.vector_load %arg8[%get3A_68, %get3A_69] {strides = array<i32>} : memref<50x128xf32, #tpu.memory_space<vmem>>, vector<1x16xf32>,
      %get3A_71 = vector.shape_cast %get3A_70 : vector<1x16xf32> to vector<16xf32>
      %get3A_72 = arith.index_cast %scan3A_56 : i32 to index
      %get3A_73 = arith.constant 64 : index
      %get3A_74 = tpu.vector_load %arg8[%get3A_72, %get3A_73] {strides = array<i32>} : memref<50x128xf32, #tpu.memory_space<vmem>>, vector<1x16xf32>,
      %get3A_75 = vector.shape_cast %get3A_74 : vector<1x16xf32> to vector<16xf32>
      %get3A_76 = arith.index_cast %scan3A_56 : i32 to index
      %get3A_77 = arith.constant 80 : index
      %get3A_78 = tpu.vector_load %arg8[%get3A_76, %get3A_77] {strides = array<i32>} : memref<50x128xf32, #tpu.memory_space<vmem>>, vector<1x16xf32>,
      %get3A_79 = vector.shape_cast %get3A_78 : vector<1x16xf32> to vector<16xf32>
      %get3A_80 = arith.index_cast %scan3A_56 : i32 to index
      %get3A_81 = arith.constant 96 : index
      %get3A_82 = tpu.vector_load %arg8[%get3A_80, %get3A_81] {strides = array<i32>} : memref<50x128xf32, #tpu.memory_space<vmem>>, vector<1x16xf32>,
      %get3A_83 = vector.shape_cast %get3A_82 : vector<1x16xf32> to vector<16xf32>
      %get3A_84 = arith.index_cast %scan3A_56 : i32 to index
      %get3A_85 = arith.constant 112 : index
      %get3A_86 = tpu.vector_load %arg8[%get3A_84, %get3A_85] {strides = array<i32>} : memref<50x128xf32, #tpu.memory_space<vmem>>, vector<1x16xf32>,
      %get3A_87 = vector.shape_cast %get3A_86 : vector<1x16xf32> to vector<16xf32>
      %add3A_88 = arith.constant 0 : i32
      %add3A_89 = arith.addi %add3A_88, %scan3A_56 : i32
      %get3A_90 = arith.index_cast %add3A_89 : i32 to index
      %get3A_91 = arith.constant 0 : index
      %get3A_92 = tpu.vector_load %arg7[%get3A_90, %get3A_91] {strides = array<i32>} : memref<400x128xf32, #tpu.memory_space<vmem>>, vector<1x16xf32>,
      %get3A_93 = vector.shape_cast %get3A_92 : vector<1x16xf32> to vector<16xf32>
      %mul3A_94 = arith.constant 11.3137083 : f32
      %mul3A_95 = vector.broadcast %mul3A_94 : f32 to vector<16xf32>
      %mul3A_96 = arith.mulf %get3A_93, %mul3A_95 : vector<16xf32>
      %add3A_97 = arith.addf %mul3A_96, %get3A_59 : vector<16xf32>
      %swap3A = arith.index_cast %add3A_89 : i32 to index
      %swap3A_98 = arith.constant 0 : index
      %swap3A_99 = tpu.vector_load %arg7[%swap3A, %swap3A_98] {strides = array<i32>} : memref<400x128xf32, #tpu.memory_space<vmem>>, vector<1x16xf32>,
      %swap3A_100 = vector.shape_cast %swap3A_99 : vector<1x16xf32> to vector<16xf32>
      %swap3A_101 = vector.shape_cast %add3A_97 : vector<16xf32> to vector<1x16xf32>
      tpu.vector_store %arg7[%swap3A, %swap3A_98], %swap3A_101 {strides = array<i32>} : memref<400x128xf32, #tpu.memory_space<vmem>>, vector<1x16xf32>,
      %get3A_102 = arith.index_cast %add3A_89 : i32 to index
      %get3A_103 = arith.constant 16 : index
      %get3A_104 = tpu.vector_load %arg7[%get3A_102, %get3A_103] {strides = array<i32>} : memref<400x128xf32, #tpu.memory_space<vmem>>, vector<1x16xf32>,
      %get3A_105 = vector.shape_cast %get3A_104 : vector<1x16xf32> to vector<16xf32>
      %mul3A_106 = arith.constant 11.3137083 : f32
      %mul3A_107 = vector.broadcast %mul3A_106 : f32 to vector<16xf32>
      %mul3A_108 = arith.mulf %get3A_105, %mul3A_107 : vector<16xf32>
      %add3A_109 = arith.addf %mul3A_108, %get3A_63 : vector<16xf32>
      %swap3A_110 = arith.index_cast %add3A_89 : i32 to index
      %swap3A_111 = arith.constant 16 : index
      %swap3A_112 = tpu.vector_load %arg7[%swap3A_110, %swap3A_111] {strides = array<i32>} : memref<400x128xf32, #tpu.memory_space<vmem>>, vector<1x16xf32>,
      %swap3A_113 = vector.shape_cast %swap3A_112 : vector<1x16xf32> to vector<16xf32>
      %swap3A_114 = vector.shape_cast %add3A_109 : vector<16xf32> to vector<1x16xf32>
      tpu.vector_store %arg7[%swap3A_110, %swap3A_111], %swap3A_114 {strides = array<i32>} : memref<400x128xf32, #tpu.memory_space<vmem>>, vector<1x16xf32>,
      %get3A_115 = arith.index_cast %add3A_89 : i32 to index
      %get3A_116 = arith.constant 32 : index
      %get3A_117 = tpu.vector_load %arg7[%get3A_115, %get3A_116] {strides = array<i32>} : memref<400x128xf32, #tpu.memory_space<vmem>>, vector<1x16xf32>,
      %get3A_118 = vector.shape_cast %get3A_117 : vector<1x16xf32> to vector<16xf32>
      %mul3A_119 = arith.constant 11.3137083 : f32
      %mul3A_120 = vector.broadcast %mul3A_119 : f32 to vector<16xf32>
      %mul3A_121 = arith.mulf %get3A_118, %mul3A_120 : vector<16xf32>
      %add3A_122 = arith.addf %mul3A_121, %get3A_67 : vector<16xf32>
      %swap3A_123 = arith.index_cast %add3A_89 : i32 to index
      %swap3A_124 = arith.constant 32 : index
      %swap3A_125 = tpu.vector_load %arg7[%swap3A_123, %swap3A_124] {strides = array<i32>} : memref<400x128xf32, #tpu.memory_space<vmem>>, vector<1x16xf32>,
      %swap3A_126 = vector.shape_cast %swap3A_125 : vector<1x16xf32> to vector<16xf32>
      %swap3A_127 = vector.shape_cast %add3A_122 : vector<16xf32> to vector<1x16xf32>
      tpu.vector_store %arg7[%swap3A_123, %swap3A_124], %swap3A_127 {strides = array<i32>} : memref<400x128xf32, #tpu.memory_space<vmem>>, vector<1x16xf32>,
      %get3A_128 = arith.index_cast %add3A_89 : i32 to index
      %get3A_129 = arith.constant 48 : index
      %get3A_130 = tpu.vector_load %arg7[%get3A_128, %get3A_129] {strides = array<i32>} : memref<400x128xf32, #tpu.memory_space<vmem>>, vector<1x16xf32>,
      %get3A_131 = vector.shape_cast %get3A_130 : vector<1x16xf32> to vector<16xf32>
      %mul3A_132 = arith.constant 11.3137083 : f32
      %mul3A_133 = vector.broadcast %mul3A_132 : f32 to vector<16xf32>
      %mul3A_134 = arith.mulf %get3A_131, %mul3A_133 : vector<16xf32>
      %add3A_135 = arith.addf %mul3A_134, %get3A_71 : vector<16xf32>
      %swap3A_136 = arith.index_cast %add3A_89 : i32 to index
      %swap3A_137 = arith.constant 48 : index
      %swap3A_138 = tpu.vector_load %arg7[%swap3A_136, %swap3A_137] {strides = array<i32>} : memref<400x128xf32, #tpu.memory_space<vmem>>, vector<1x16xf32>,
      %swap3A_139 = vector.shape_cast %swap3A_138 : vector<1x16xf32> to vector<16xf32>
      %swap3A_140 = vector.shape_cast %add3A_135 : vector<16xf32> to vector<1x16xf32>
      tpu.vector_store %arg7[%swap3A_136, %swap3A_137], %swap3A_140 {strides = array<i32>} : memref<400x128xf32, #tpu.memory_space<vmem>>, vector<1x16xf32>,
      %get3A_141 = arith.index_cast %add3A_89 : i32 to index
      %get3A_142 = arith.constant 64 : index
      %get3A_143 = tpu.vector_load %arg7[%get3A_141, %get3A_142] {strides = array<i32>} : memref<400x128xf32, #tpu.memory_space<vmem>>, vector<1x16xf32>,
      %get3A_144 = vector.shape_cast %get3A_143 : vector<1x16xf32> to vector<16xf32>
      %mul3A_145 = arith.constant 11.3137083 : f32
      %mul3A_146 = vector.broadcast %mul3A_145 : f32 to vector<16xf32>
      %mul3A_147 = arith.mulf %get3A_144, %mul3A_146 : vector<16xf32>
      %add3A_148 = arith.addf %mul3A_147, %get3A_75 : vector<16xf32>
      %swap3A_149 = arith.index_cast %add3A_89 : i32 to index
      %swap3A_150 = arith.constant 64 : index
      %swap3A_151 = tpu.vector_load %arg7[%swap3A_149, %swap3A_150] {strides = array<i32>} : memref<400x128xf32, #tpu.memory_space<vmem>>, vector<1x16xf32>,
      %swap3A_152 = vector.shape_cast %swap3A_151 : vector<1x16xf32> to vector<16xf32>
      %swap3A_153 = vector.shape_cast %add3A_148 : vector<16xf32> to vector<1x16xf32>
      tpu.vector_store %arg7[%swap3A_149, %swap3A_150], %swap3A_153 {strides = array<i32>} : memref<400x128xf32, #tpu.memory_space<vmem>>, vector<1x16xf32>,
      %get3A_154 = arith.index_cast %add3A_89 : i32 to index
      %get3A_155 = arith.constant 80 : index
      %get3A_156 = tpu.vector_load %arg7[%get3A_154, %get3A_155] {strides = array<i32>} : memref<400x128xf32, #tpu.memory_space<vmem>>, vector<1x16xf32>,
      %get3A_157 = vector.shape_cast %get3A_156 : vector<1x16xf32> to vector<16xf32>
      %mul3A_158 = arith.constant 11.3137083 : f32
      %mul3A_159 = vector.broadcast %mul3A_158 : f32 to vector<16xf32>
      %mul3A_160 = arith.mulf %get3A_157, %mul3A_159 : vector<16xf32>
      %add3A_161 = arith.addf %mul3A_160, %get3A_79 : vector<16xf32>
      %swap3A_162 = arith.index_cast %add3A_89 : i32 to index
      %swap3A_163 = arith.constant 80 : index
      %swap3A_164 = tpu.vector_load %arg7[%swap3A_162, %swap3A_163] {strides = array<i32>} : memref<400x128xf32, #tpu.memory_space<vmem>>, vector<1x16xf32>,
      %swap3A_165 = vector.shape_cast %swap3A_164 : vector<1x16xf32> to vector<16xf32>
      %swap3A_166 = vector.shape_cast %add3A_161 : vector<16xf32> to vector<1x16xf32>
      tpu.vector_store %arg7[%swap3A_162, %swap3A_163], %swap3A_166 {strides = array<i32>} : memref<400x128xf32, #tpu.memory_space<vmem>>, vector<1x16xf32>,
      %get3A_167 = arith.index_cast %add3A_89 : i32 to index
      %get3A_168 = arith.constant 96 : index
      %get3A_169 = tpu.vector_load %arg7[%get3A_167, %get3A_168] {strides = array<i32>} : memref<400x128xf32, #tpu.memory_space<vmem>>, vector<1x16xf32>,
      %get3A_170 = vector.shape_cast %get3A_169 : vector<1x16xf32> to vector<16xf32>
      %mul3A_171 = arith.constant 11.3137083 : f32
      %mul3A_172 = vector.broadcast %mul3A_171 : f32 to vector<16xf32>
      %mul3A_173 = arith.mulf %get3A_170, %mul3A_172 : vector<16xf32>
      %add3A_174 = arith.addf %mul3A_173, %get3A_83 : vector<16xf32>
      %swap3A_175 = arith.index_cast %add3A_89 : i32 to index
      %swap3A_176 = arith.constant 96 : index
      %swap3A_177 = tpu.vector_load %arg7[%swap3A_175, %swap3A_176] {strides = array<i32>} : memref<400x128xf32, #tpu.memory_space<vmem>>, vector<1x16xf32>,
      %swap3A_178 = vector.shape_cast %swap3A_177 : vector<1x16xf32> to vector<16xf32>
      %swap3A_179 = vector.shape_cast %add3A_174 : vector<16xf32> to vector<1x16xf32>
      tpu.vector_store %arg7[%swap3A_175, %swap3A_176], %swap3A_179 {strides = array<i32>} : memref<400x128xf32, #tpu.memory_space<vmem>>, vector<1x16xf32>,
      %get3A_180 = arith.index_cast %add3A_89 : i32 to index
      %get3A_181 = arith.constant 112 : index
      %get3A_182 = tpu.vector_load %arg7[%get3A_180, %get3A_181] {strides = array<i32>} : memref<400x128xf32, #tpu.memory_space<vmem>>, vector<1x16xf32>,
      %get3A_183 = vector.shape_cast %get3A_182 : vector<1x16xf32> to vector<16xf32>
      %mul3A_184 = arith.constant 11.3137083 : f32
      %mul3A_185 = vector.broadcast %mul3A_184 : f32 to vector<16xf32>
      %mul3A_186 = arith.mulf %get3A_183, %mul3A_185 : vector<16xf32>
      %add3A_187 = arith.addf %mul3A_186, %get3A_87 : vector<16xf32>
      %swap3A_188 = arith.index_cast %add3A_89 : i32 to index
      %swap3A_189 = arith.constant 112 : index
      %swap3A_190 = tpu.vector_load %arg7[%swap3A_188, %swap3A_189] {strides = array<i32>} : memref<400x128xf32, #tpu.memory_space<vmem>>, vector<1x16xf32>,
      %swap3A_191 = vector.shape_cast %swap3A_190 : vector<1x16xf32> to vector<16xf32>
      %swap3A_192 = vector.shape_cast %add3A_187 : vector<16xf32> to vector<1x16xf32>
      tpu.vector_store %arg7[%swap3A_188, %swap3A_189], %swap3A_192 {strides = array<i32>} : memref<400x128xf32, #tpu.memory_space<vmem>>, vector<1x16xf32>,
      %add3A_193 = arith.constant 50 : i32
      %add3A_194 = arith.addi %add3A_193, %scan3A_56 : i32
      %get3A_195 = arith.index_cast %add3A_194 : i32 to index
      %get3A_196 = arith.constant 0 : index
      %get3A_197 = tpu.vector_load %arg7[%get3A_195, %get3A_196] {strides = array<i32>} : memref<400x128xf32, #tpu.memory_space<vmem>>, vector<1x16xf32>,
      %get3A_198 = vector.shape_cast %get3A_197 : vector<1x16xf32> to vector<16xf32>
      %mul3A_199 = arith.constant 11.3137083 : f32
      %mul3A_200 = vector.broadcast %mul3A_199 : f32 to vector<16xf32>
      %mul3A_201 = arith.mulf %get3A_198, %mul3A_200 : vector<16xf32>
      %add3A_202 = arith.addf %mul3A_201, %get3A_59 : vector<16xf32>
      %swap3A_203 = arith.index_cast %add3A_194 : i32 to index
      %swap3A_204 = arith.constant 0 : index
      %swap3A_205 = tpu.vector_load %arg7[%swap3A_203, %swap3A_204] {strides = array<i32>} : memref<400x128xf32, #tpu.memory_space<vmem>>, vector<1x16xf32>,
      %swap3A_206 = vector.shape_cast %swap3A_205 : vector<1x16xf32> to vector<16xf32>
      %swap3A_207 = vector.shape_cast %add3A_202 : vector<16xf32> to vector<1x16xf32>
      tpu.vector_store %arg7[%swap3A_203, %swap3A_204], %swap3A_207 {strides = array<i32>} : memref<400x128xf32, #tpu.memory_space<vmem>>, vector<1x16xf32>,
      %get3A_208 = arith.index_cast %add3A_194 : i32 to index
      %get3A_209 = arith.constant 16 : index
      %get3A_210 = tpu.vector_load %arg7[%get3A_208, %get3A_209] {strides = array<i32>} : memref<400x128xf32, #tpu.memory_space<vmem>>, vector<1x16xf32>,
      %get3A_211 = vector.shape_cast %get3A_210 : vector<1x16xf32> to vector<16xf32>
      %mul3A_212 = arith.constant 11.3137083 : f32
      %mul3A_213 = vector.broadcast %mul3A_212 : f32 to vector<16xf32>
      %mul3A_214 = arith.mulf %get3A_211, %mul3A_213 : vector<16xf32>
      %add3A_215 = arith.addf %mul3A_214, %get3A_63 : vector<16xf32>
      %swap3A_216 = arith.index_cast %add3A_194 : i32 to index
      %swap3A_217 = arith.constant 16 : index
      %swap3A_218 = tpu.vector_load %arg7[%swap3A_216, %swap3A_217] {strides = array<i32>} : memref<400x128xf32, #tpu.memory_space<vmem>>, vector<1x16xf32>,
      %swap3A_219 = vector.shape_cast %swap3A_218 : vector<1x16xf32> to vector<16xf32>
      %swap3A_220 = vector.shape_cast %add3A_215 : vector<16xf32> to vector<1x16xf32>
      tpu.vector_store %arg7[%swap3A_216, %swap3A_217], %swap3A_220 {strides = array<i32>} : memref<400x128xf32, #tpu.memory_space<vmem>>, vector<1x16xf32>,
      %get3A_221 = arith.index_cast %add3A_194 : i32 to index
      %get3A_222 = arith.constant 32 : index
      %get3A_223 = tpu.vector_load %arg7[%get3A_221, %get3A_222] {strides = array<i32>} : memref<400x128xf32, #tpu.memory_space<vmem>>, vector<1x16xf32>,
      %get3A_224 = vector.shape_cast %get3A_223 : vector<1x16xf32> to vector<16xf32>
      %mul3A_225 = arith.constant 11.3137083 : f32
      %mul3A_226 = vector.broadcast %mul3A_225 : f32 to vector<16xf32>
      %mul3A_227 = arith.mulf %get3A_224, %mul3A_226 : vector<16xf32>
      %add3A_228 = arith.addf %mul3A_227, %get3A_67 : vector<16xf32>
      %swap3A_229 = arith.index_cast %add3A_194 : i32 to index
      %swap3A_230 = arith.constant 32 : index
      %swap3A_231 = tpu.vector_load %arg7[%swap3A_229, %swap3A_230] {strides = array<i32>} : memref<400x128xf32, #tpu.memory_space<vmem>>, vector<1x16xf32>,
      %swap3A_232 = vector.shape_cast %swap3A_231 : vector<1x16xf32> to vector<16xf32>
      %swap3A_233 = vector.shape_cast %add3A_228 : vector<16xf32> to vector<1x16xf32>
      tpu.vector_store %arg7[%swap3A_229, %swap3A_230], %swap3A_233 {strides = array<i32>} : memref<400x128xf32, #tpu.memory_space<vmem>>, vector<1x16xf32>,
      %get3A_234 = arith.index_cast %add3A_194 : i32 to index
      %get3A_235 = arith.constant 48 : index
      %get3A_236 = tpu.vector_load %arg7[%get3A_234, %get3A_235] {strides = array<i32>} : memref<400x128xf32, #tpu.memory_space<vmem>>, vector<1x16xf32>,
      %get3A_237 = vector.shape_cast %get3A_236 : vector<1x16xf32> to vector<16xf32>
      %mul3A_238 = arith.constant 11.3137083 : f32
      %mul3A_239 = vector.broadcast %mul3A_238 : f32 to vector<16xf32>
      %mul3A_240 = arith.mulf %get3A_237, %mul3A_239 : vector<16xf32>
      %add3A_241 = arith.addf %mul3A_240, %get3A_71 : vector<16xf32>
      %swap3A_242 = arith.index_cast %add3A_194 : i32 to index
      %swap3A_243 = arith.constant 48 : index
      %swap3A_244 = tpu.vector_load %arg7[%swap3A_242, %swap3A_243] {strides = array<i32>} : memref<400x128xf32, #tpu.memory_space<vmem>>, vector<1x16xf32>,
      %swap3A_245 = vector.shape_cast %swap3A_244 : vector<1x16xf32> to vector<16xf32>
      %swap3A_246 = vector.shape_cast %add3A_241 : vector<16xf32> to vector<1x16xf32>
      tpu.vector_store %arg7[%swap3A_242, %swap3A_243], %swap3A_246 {strides = array<i32>} : memref<400x128xf32, #tpu.memory_space<vmem>>, vector<1x16xf32>,
      %get3A_247 = arith.index_cast %add3A_194 : i32 to index
      %get3A_248 = arith.constant 64 : index
      %get3A_249 = tpu.vector_load %arg7[%get3A_247, %get3A_248] {strides = array<i32>} : memref<400x128xf32, #tpu.memory_space<vmem>>, vector<1x16xf32>,
      %get3A_250 = vector.shape_cast %get3A_249 : vector<1x16xf32> to vector<16xf32>
      %mul3A_251 = arith.constant 11.3137083 : f32
      %mul3A_252 = vector.broadcast %mul3A_251 : f32 to vector<16xf32>
      %mul3A_253 = arith.mulf %get3A_250, %mul3A_252 : vector<16xf32>
      %add3A_254 = arith.addf %mul3A_253, %get3A_75 : vector<16xf32>
      %swap3A_255 = arith.index_cast %add3A_194 : i32 to index
      %swap3A_256 = arith.constant 64 : index
      %swap3A_257 = tpu.vector_load %arg7[%swap3A_255, %swap3A_256] {strides = array<i32>} : memref<400x128xf32, #tpu.memory_space<vmem>>, vector<1x16xf32>,
      %swap3A_258 = vector.shape_cast %swap3A_257 : vector<1x16xf32> to vector<16xf32>
      %swap3A_259 = vector.shape_cast %add3A_254 : vector<16xf32> to vector<1x16xf32>
      tpu.vector_store %arg7[%swap3A_255, %swap3A_256], %swap3A_259 {strides = array<i32>} : memref<400x128xf32, #tpu.memory_space<vmem>>, vector<1x16xf32>,
      %get3A_260 = arith.index_cast %add3A_194 : i32 to index
      %get3A_261 = arith.constant 80 : index
      %get3A_262 = tpu.vector_load %arg7[%get3A_260, %get3A_261] {strides = array<i32>} : memref<400x128xf32, #tpu.memory_space<vmem>>, vector<1x16xf32>,
      %get3A_263 = vector.shape_cast %get3A_262 : vector<1x16xf32> to vector<16xf32>
      %mul3A_264 = arith.constant 11.3137083 : f32
      %mul3A_265 = vector.broadcast %mul3A_264 : f32 to vector<16xf32>
      %mul3A_266 = arith.mulf %get3A_263, %mul3A_265 : vector<16xf32>
      %add3A_267 = arith.addf %mul3A_266, %get3A_79 : vector<16xf32>
      %swap3A_268 = arith.index_cast %add3A_194 : i32 to index
      %swap3A_269 = arith.constant 80 : index
      %swap3A_270 = tpu.vector_load %arg7[%swap3A_268, %swap3A_269] {strides = array<i32>} : memref<400x128xf32, #tpu.memory_space<vmem>>, vector<1x16xf32>,
      %swap3A_271 = vector.shape_cast %swap3A_270 : vector<1x16xf32> to vector<16xf32>
      %swap3A_272 = vector.shape_cast %add3A_267 : vector<16xf32> to vector<1x16xf32>
      tpu.vector_store %arg7[%swap3A_268, %swap3A_269], %swap3A_272 {strides = array<i32>} : memref<400x128xf32, #tpu.memory_space<vmem>>, vector<1x16xf32>,
      %get3A_273 = arith.index_cast %add3A_194 : i32 to index
      %get3A_274 = arith.constant 96 : index
      %get3A_275 = tpu.vector_load %arg7[%get3A_273, %get3A_274] {strides = array<i32>} : memref<400x128xf32, #tpu.memory_space<vmem>>, vector<1x16xf32>,
      %get3A_276 = vector.shape_cast %get3A_275 : vector<1x16xf32> to vector<16xf32>
      %mul3A_277 = arith.constant 11.3137083 : f32
      %mul3A_278 = vector.broadcast %mul3A_277 : f32 to vector<16xf32>
      %mul3A_279 = arith.mulf %get3A_276, %mul3A_278 : vector<16xf32>
      %add3A_280 = arith.addf %mul3A_279, %get3A_83 : vector<16xf32>
      %swap3A_281 = arith.index_cast %add3A_194 : i32 to index
      %swap3A_282 = arith.constant 96 : index
      %swap3A_283 = tpu.vector_load %arg7[%swap3A_281, %swap3A_282] {strides = array<i32>} : memref<400x128xf32, #tpu.memory_space<vmem>>, vector<1x16xf32>,
      %swap3A_284 = vector.shape_cast %swap3A_283 : vector<1x16xf32> to vector<16xf32>
      %swap3A_285 = vector.shape_cast %add3A_280 : vector<16xf32> to vector<1x16xf32>
      tpu.vector_store %arg7[%swap3A_281, %swap3A_282], %swap3A_285 {strides = array<i32>} : memref<400x128xf32, #tpu.memory_space<vmem>>, vector<1x16xf32>,
      %get3A_286 = arith.index_cast %add3A_194 : i32 to index
      %get3A_287 = arith.constant 112 : index
      %get3A_288 = tpu.vector_load %arg7[%get3A_286, %get3A_287] {strides = array<i32>} : memref<400x128xf32, #tpu.memory_space<vmem>>, vector<1x16xf32>,
      %get3A_289 = vector.shape_cast %get3A_288 : vector<1x16xf32> to vector<16xf32>
      %mul3A_290 = arith.constant 11.3137083 : f32
      %mul3A_291 = vector.broadcast %mul3A_290 : f32 to vector<16xf32>
      %mul3A_292 = arith.mulf %get3A_289, %mul3A_291 : vector<16xf32>
      %add3A_293 = arith.addf %mul3A_292, %get3A_87 : vector<16xf32>
      %swap3A_294 = arith.index_cast %add3A_194 : i32 to index
      %swap3A_295 = arith.constant 112 : index
      %swap3A_296 = tpu.vector_load %arg7[%swap3A_294, %swap3A_295] {strides = array<i32>} : memref<400x128xf32, #tpu.memory_space<vmem>>, vector<1x16xf32>,
      %swap3A_297 = vector.shape_cast %swap3A_296 : vector<1x16xf32> to vector<16xf32>
      %swap3A_298 = vector.shape_cast %add3A_293 : vector<16xf32> to vector<1x16xf32>
      tpu.vector_store %arg7[%swap3A_294, %swap3A_295], %swap3A_298 {strides = array<i32>} : memref<400x128xf32, #tpu.memory_space<vmem>>, vector<1x16xf32>,
      %add3A_299 = arith.constant 100 : i32
      %add3A_300 = arith.addi %add3A_299, %scan3A_56 : i32
      %get3A_301 = arith.index_cast %add3A_300 : i32 to index
      %get3A_302 = arith.constant 0 : index
      %get3A_303 = tpu.vector_load %arg7[%get3A_301, %get3A_302] {strides = array<i32>} : memref<400x128xf32, #tpu.memory_space<vmem>>, vector<1x16xf32>,
      %get3A_304 = vector.shape_cast %get3A_303 : vector<1x16xf32> to vector<16xf32>
      %mul3A_305 = arith.constant 11.3137083 : f32
      %mul3A_306 = vector.broadcast %mul3A_305 : f32 to vector<16xf32>
      %mul3A_307 = arith.mulf %get3A_304, %mul3A_306 : vector<16xf32>
      %add3A_308 = arith.addf %mul3A_307, %get3A_59 : vector<16xf32>
      %swap3A_309 = arith.index_cast %add3A_300 : i32 to index
      %swap3A_310 = arith.constant 0 : index
      %swap3A_311 = tpu.vector_load %arg7[%swap3A_309, %swap3A_310] {strides = array<i32>} : memref<400x128xf32, #tpu.memory_space<vmem>>, vector<1x16xf32>,
      %swap3A_312 = vector.shape_cast %swap3A_311 : vector<1x16xf32> to vector<16xf32>
      %swap3A_313 = vector.shape_cast %add3A_308 : vector<16xf32> to vector<1x16xf32>
      tpu.vector_store %arg7[%swap3A_309, %swap3A_310], %swap3A_313 {strides = array<i32>} : memref<400x128xf32, #tpu.memory_space<vmem>>, vector<1x16xf32>,
      %get3A_314 = arith.index_cast %add3A_300 : i32 to index
      %get3A_315 = arith.constant 16 : index
      %get3A_316 = tpu.vector_load %arg7[%get3A_314, %get3A_315] {strides = array<i32>} : memref<400x128xf32, #tpu.memory_space<vmem>>, vector<1x16xf32>,
      %get3A_317 = vector.shape_cast %get3A_316 : vector<1x16xf32> to vector<16xf32>
      %mul3A_318 = arith.constant 11.3137083 : f32
      %mul3A_319 = vector.broadcast %mul3A_318 : f32 to vector<16xf32>
      %mul3A_320 = arith.mulf %get3A_317, %mul3A_319 : vector<16xf32>
      %add3A_321 = arith.addf %mul3A_320, %get3A_63 : vector<16xf32>
      %swap3A_322 = arith.index_cast %add3A_300 : i32 to index
      %swap3A_323 = arith.constant 16 : index
      %swap3A_324 = tpu.vector_load %arg7[%swap3A_322, %swap3A_323] {strides = array<i32>} : memref<400x128xf32, #tpu.memory_space<vmem>>, vector<1x16xf32>,
      %swap3A_325 = vector.shape_cast %swap3A_324 : vector<1x16xf32> to vector<16xf32>
      %swap3A_326 = vector.shape_cast %add3A_321 : vector<16xf32> to vector<1x16xf32>
      tpu.vector_store %arg7[%swap3A_322, %swap3A_323], %swap3A_326 {strides = array<i32>} : memref<400x128xf32, #tpu.memory_space<vmem>>, vector<1x16xf32>,
      %get3A_327 = arith.index_cast %add3A_300 : i32 to index
      %get3A_328 = arith.constant 32 : index
      %get3A_329 = tpu.vector_load %arg7[%get3A_327, %get3A_328] {strides = array<i32>} : memref<400x128xf32, #tpu.memory_space<vmem>>, vector<1x16xf32>,
      %get3A_330 = vector.shape_cast %get3A_329 : vector<1x16xf32> to vector<16xf32>
      %mul3A_331 = arith.constant 11.3137083 : f32
      %mul3A_332 = vector.broadcast %mul3A_331 : f32 to vector<16xf32>
      %mul3A_333 = arith.mulf %get3A_330, %mul3A_332 : vector<16xf32>
      %add3A_334 = arith.addf %mul3A_333, %get3A_67 : vector<16xf32>
      %swap3A_335 = arith.index_cast %add3A_300 : i32 to index
      %swap3A_336 = arith.constant 32 : index
      %swap3A_337 = tpu.vector_load %arg7[%swap3A_335, %swap3A_336] {strides = array<i32>} : memref<400x128xf32, #tpu.memory_space<vmem>>, vector<1x16xf32>,
      %swap3A_338 = vector.shape_cast %swap3A_337 : vector<1x16xf32> to vector<16xf32>
      %swap3A_339 = vector.shape_cast %add3A_334 : vector<16xf32> to vector<1x16xf32>
      tpu.vector_store %arg7[%swap3A_335, %swap3A_336], %swap3A_339 {strides = array<i32>} : memref<400x128xf32, #tpu.memory_space<vmem>>, vector<1x16xf32>,
      %get3A_340 = arith.index_cast %add3A_300 : i32 to index
      %get3A_341 = arith.constant 48 : index
      %get3A_342 = tpu.vector_load %arg7[%get3A_340, %get3A_341] {strides = array<i32>} : memref<400x128xf32, #tpu.memory_space<vmem>>, vector<1x16xf32>,
      %get3A_343 = vector.shape_cast %get3A_342 : vector<1x16xf32> to vector<16xf32>
      %mul3A_344 = arith.constant 11.3137083 : f32
      %mul3A_345 = vector.broadcast %mul3A_344 : f32 to vector<16xf32>
      %mul3A_346 = arith.mulf %get3A_343, %mul3A_345 : vector<16xf32>
      %add3A_347 = arith.addf %mul3A_346, %get3A_71 : vector<16xf32>
      %swap3A_348 = arith.index_cast %add3A_300 : i32 to index
      %swap3A_349 = arith.constant 48 : index
      %swap3A_350 = tpu.vector_load %arg7[%swap3A_348, %swap3A_349] {strides = array<i32>} : memref<400x128xf32, #tpu.memory_space<vmem>>, vector<1x16xf32>,
      %swap3A_351 = vector.shape_cast %swap3A_350 : vector<1x16xf32> to vector<16xf32>
      %swap3A_352 = vector.shape_cast %add3A_347 : vector<16xf32> to vector<1x16xf32>
      tpu.vector_store %arg7[%swap3A_348, %swap3A_349], %swap3A_352 {strides = array<i32>} : memref<400x128xf32, #tpu.memory_space<vmem>>, vector<1x16xf32>,
      %get3A_353 = arith.index_cast %add3A_300 : i32 to index
      %get3A_354 = arith.constant 64 : index
      %get3A_355 = tpu.vector_load %arg7[%get3A_353, %get3A_354] {strides = array<i32>} : memref<400x128xf32, #tpu.memory_space<vmem>>, vector<1x16xf32>,
      %get3A_356 = vector.shape_cast %get3A_355 : vector<1x16xf32> to vector<16xf32>
      %mul3A_357 = arith.constant 11.3137083 : f32
      %mul3A_358 = vector.broadcast %mul3A_357 : f32 to vector<16xf32>
      %mul3A_359 = arith.mulf %get3A_356, %mul3A_358 : vector<16xf32>
      %add3A_360 = arith.addf %mul3A_359, %get3A_75 : vector<16xf32>
      %swap3A_361 = arith.index_cast %add3A_300 : i32 to index
      %swap3A_362 = arith.constant 64 : index
      %swap3A_363 = tpu.vector_load %arg7[%swap3A_361, %swap3A_362] {strides = array<i32>} : memref<400x128xf32, #tpu.memory_space<vmem>>, vector<1x16xf32>,
      %swap3A_364 = vector.shape_cast %swap3A_363 : vector<1x16xf32> to vector<16xf32>
      %swap3A_365 = vector.shape_cast %add3A_360 : vector<16xf32> to vector<1x16xf32>
      tpu.vector_store %arg7[%swap3A_361, %swap3A_362], %swap3A_365 {strides = array<i32>} : memref<400x128xf32, #tpu.memory_space<vmem>>, vector<1x16xf32>,
      %get3A_366 = arith.index_cast %add3A_300 : i32 to index
      %get3A_367 = arith.constant 80 : index
      %get3A_368 = tpu.vector_load %arg7[%get3A_366, %get3A_367] {strides = array<i32>} : memref<400x128xf32, #tpu.memory_space<vmem>>, vector<1x16xf32>,
      %get3A_369 = vector.shape_cast %get3A_368 : vector<1x16xf32> to vector<16xf32>
      %mul3A_370 = arith.constant 11.3137083 : f32
      %mul3A_371 = vector.broadcast %mul3A_370 : f32 to vector<16xf32>
      %mul3A_372 = arith.mulf %get3A_369, %mul3A_371 : vector<16xf32>
      %add3A_373 = arith.addf %mul3A_372, %get3A_79 : vector<16xf32>
      %swap3A_374 = arith.index_cast %add3A_300 : i32 to index
      %swap3A_375 = arith.constant 80 : index
      %swap3A_376 = tpu.vector_load %arg7[%swap3A_374, %swap3A_375] {strides = array<i32>} : memref<400x128xf32, #tpu.memory_space<vmem>>, vector<1x16xf32>,
      %swap3A_377 = vector.shape_cast %swap3A_376 : vector<1x16xf32> to vector<16xf32>
      %swap3A_378 = vector.shape_cast %add3A_373 : vector<16xf32> to vector<1x16xf32>
      tpu.vector_store %arg7[%swap3A_374, %swap3A_375], %swap3A_378 {strides = array<i32>} : memref<400x128xf32, #tpu.memory_space<vmem>>, vector<1x16xf32>,
      %get3A_379 = arith.index_cast %add3A_300 : i32 to index
      %get3A_380 = arith.constant 96 : index
      %get3A_381 = tpu.vector_load %arg7[%get3A_379, %get3A_380] {strides = array<i32>} : memref<400x128xf32, #tpu.memory_space<vmem>>, vector<1x16xf32>,
      %get3A_382 = vector.shape_cast %get3A_381 : vector<1x16xf32> to vector<16xf32>
      %mul3A_383 = arith.constant 11.3137083 : f32
      %mul3A_384 = vector.broadcast %mul3A_383 : f32 to vector<16xf32>
      %mul3A_385 = arith.mulf %get3A_382, %mul3A_384 : vector<16xf32>
      %add3A_386 = arith.addf %mul3A_385, %get3A_83 : vector<16xf32>
      %swap3A_387 = arith.index_cast %add3A_300 : i32 to index
      %swap3A_388 = arith.constant 96 : index
      %swap3A_389 = tpu.vector_load %arg7[%swap3A_387, %swap3A_388] {strides = array<i32>} : memref<400x128xf32, #tpu.memory_space<vmem>>, vector<1x16xf32>,
      %swap3A_390 = vector.shape_cast %swap3A_389 : vector<1x16xf32> to vector<16xf32>
      %swap3A_391 = vector.shape_cast %add3A_386 : vector<16xf32> to vector<1x16xf32>
      tpu.vector_store %arg7[%swap3A_387, %swap3A_388], %swap3A_391 {strides = array<i32>} : memref<400x128xf32, #tpu.memory_space<vmem>>, vector<1x16xf32>,
      %get3A_392 = arith.index_cast %add3A_300 : i32 to index
      %get3A_393 = arith.constant 112 : index
      %get3A_394 = tpu.vector_load %arg7[%get3A_392, %get3A_393] {strides = array<i32>} : memref<400x128xf32, #tpu.memory_space<vmem>>, vector<1x16xf32>,
      %get3A_395 = vector.shape_cast %get3A_394 : vector<1x16xf32> to vector<16xf32>
      %mul3A_396 = arith.constant 11.3137083 : f32
      %mul3A_397 = vector.broadcast %mul3A_396 : f32 to vector<16xf32>
      %mul3A_398 = arith.mulf %get3A_395, %mul3A_397 : vector<16xf32>
      %add3A_399 = arith.addf %mul3A_398, %get3A_87 : vector<16xf32>
      %swap3A_400 = arith.index_cast %add3A_300 : i32 to index
      %swap3A_401 = arith.constant 112 : index
      %swap3A_402 = tpu.vector_load %arg7[%swap3A_400, %swap3A_401] {strides = array<i32>} : memref<400x128xf32, #tpu.memory_space<vmem>>, vector<1x16xf32>,
      %swap3A_403 = vector.shape_cast %swap3A_402 : vector<1x16xf32> to vector<16xf32>
      %swap3A_404 = vector.shape_cast %add3A_399 : vector<16xf32> to vector<1x16xf32>
      tpu.vector_store %arg7[%swap3A_400, %swap3A_401], %swap3A_404 {strides = array<i32>} : memref<400x128xf32, #tpu.memory_space<vmem>>, vector<1x16xf32>,
      %add3A_405 = arith.constant 150 : i32
      %add3A_406 = arith.addi %add3A_405, %scan3A_56 : i32
      %get3A_407 = arith.index_cast %add3A_406 : i32 to index
      %get3A_408 = arith.constant 0 : index
      %get3A_409 = tpu.vector_load %arg7[%get3A_407, %get3A_408] {strides = array<i32>} : memref<400x128xf32, #tpu.memory_space<vmem>>, vector<1x16xf32>,
      %get3A_410 = vector.shape_cast %get3A_409 : vector<1x16xf32> to vector<16xf32>
      %mul3A_411 = arith.constant 11.3137083 : f32
      %mul3A_412 = vector.broadcast %mul3A_411 : f32 to vector<16xf32>
      %mul3A_413 = arith.mulf %get3A_410, %mul3A_412 : vector<16xf32>
      %add3A_414 = arith.addf %mul3A_413, %get3A_59 : vector<16xf32>
      %swap3A_415 = arith.index_cast %add3A_406 : i32 to index
      %swap3A_416 = arith.constant 0 : index
      %swap3A_417 = tpu.vector_load %arg7[%swap3A_415, %swap3A_416] {strides = array<i32>} : memref<400x128xf32, #tpu.memory_space<vmem>>, vector<1x16xf32>,
      %swap3A_418 = vector.shape_cast %swap3A_417 : vector<1x16xf32> to vector<16xf32>
      %swap3A_419 = vector.shape_cast %add3A_414 : vector<16xf32> to vector<1x16xf32>
      tpu.vector_store %arg7[%swap3A_415, %swap3A_416], %swap3A_419 {strides = array<i32>} : memref<400x128xf32, #tpu.memory_space<vmem>>, vector<1x16xf32>,
      %get3A_420 = arith.index_cast %add3A_406 : i32 to index
      %get3A_421 = arith.constant 16 : index
      %get3A_422 = tpu.vector_load %arg7[%get3A_420, %get3A_421] {strides = array<i32>} : memref<400x128xf32, #tpu.memory_space<vmem>>, vector<1x16xf32>,
      %get3A_423 = vector.shape_cast %get3A_422 : vector<1x16xf32> to vector<16xf32>
      %mul3A_424 = arith.constant 11.3137083 : f32
      %mul3A_425 = vector.broadcast %mul3A_424 : f32 to vector<16xf32>
      %mul3A_426 = arith.mulf %get3A_423, %mul3A_425 : vector<16xf32>
      %add3A_427 = arith.addf %mul3A_426, %get3A_63 : vector<16xf32>
      %swap3A_428 = arith.index_cast %add3A_406 : i32 to index
      %swap3A_429 = arith.constant 16 : index
      %swap3A_430 = tpu.vector_load %arg7[%swap3A_428, %swap3A_429] {strides = array<i32>} : memref<400x128xf32, #tpu.memory_space<vmem>>, vector<1x16xf32>,
      %swap3A_431 = vector.shape_cast %swap3A_430 : vector<1x16xf32> to vector<16xf32>
      %swap3A_432 = vector.shape_cast %add3A_427 : vector<16xf32> to vector<1x16xf32>
      tpu.vector_store %arg7[%swap3A_428, %swap3A_429], %swap3A_432 {strides = array<i32>} : memref<400x128xf32, #tpu.memory_space<vmem>>, vector<1x16xf32>,
      %get3A_433 = arith.index_cast %add3A_406 : i32 to index
      %get3A_434 = arith.constant 32 : index
      %get3A_435 = tpu.vector_load %arg7[%get3A_433, %get3A_434] {strides = array<i32>} : memref<400x128xf32, #tpu.memory_space<vmem>>, vector<1x16xf32>,
      %get3A_436 = vector.shape_cast %get3A_435 : vector<1x16xf32> to vector<16xf32>
      %mul3A_437 = arith.constant 11.3137083 : f32
      %mul3A_438 = vector.broadcast %mul3A_437 : f32 to vector<16xf32>
      %mul3A_439 = arith.mulf %get3A_436, %mul3A_438 : vector<16xf32>
      %add3A_440 = arith.addf %mul3A_439, %get3A_67 : vector<16xf32>
      %swap3A_441 = arith.index_cast %add3A_406 : i32 to index
      %swap3A_442 = arith.constant 32 : index
      %swap3A_443 = tpu.vector_load %arg7[%swap3A_441, %swap3A_442] {strides = array<i32>} : memref<400x128xf32, #tpu.memory_space<vmem>>, vector<1x16xf32>,
      %swap3A_444 = vector.shape_cast %swap3A_443 : vector<1x16xf32> to vector<16xf32>
      %swap3A_445 = vector.shape_cast %add3A_440 : vector<16xf32> to vector<1x16xf32>
      tpu.vector_store %arg7[%swap3A_441, %swap3A_442], %swap3A_445 {strides = array<i32>} : memref<400x128xf32, #tpu.memory_space<vmem>>, vector<1x16xf32>,
      %get3A_446 = arith.index_cast %add3A_406 : i32 to index
      %get3A_447 = arith.constant 48 : index
      %get3A_448 = tpu.vector_load %arg7[%get3A_446, %get3A_447] {strides = array<i32>} : memref<400x128xf32, #tpu.memory_space<vmem>>, vector<1x16xf32>,
      %get3A_449 = vector.shape_cast %get3A_448 : vector<1x16xf32> to vector<16xf32>
      %mul3A_450 = arith.constant 11.3137083 : f32
      %mul3A_451 = vector.broadcast %mul3A_450 : f32 to vector<16xf32>
      %mul3A_452 = arith.mulf %get3A_449, %mul3A_451 : vector<16xf32>
      %add3A_453 = arith.addf %mul3A_452, %get3A_71 : vector<16xf32>
      %swap3A_454 = arith.index_cast %add3A_406 : i32 to index
      %swap3A_455 = arith.constant 48 : index
      %swap3A_456 = tpu.vector_load %arg7[%swap3A_454, %swap3A_455] {strides = array<i32>} : memref<400x128xf32, #tpu.memory_space<vmem>>, vector<1x16xf32>,
      %swap3A_457 = vector.shape_cast %swap3A_456 : vector<1x16xf32> to vector<16xf32>
      %swap3A_458 = vector.shape_cast %add3A_453 : vector<16xf32> to vector<1x16xf32>
      tpu.vector_store %arg7[%swap3A_454, %swap3A_455], %swap3A_458 {strides = array<i32>} : memref<400x128xf32, #tpu.memory_space<vmem>>, vector<1x16xf32>,
      %get3A_459 = arith.index_cast %add3A_406 : i32 to index
      %get3A_460 = arith.constant 64 : index
      %get3A_461 = tpu.vector_load %arg7[%get3A_459, %get3A_460] {strides = array<i32>} : memref<400x128xf32, #tpu.memory_space<vmem>>, vector<1x16xf32>,
      %get3A_462 = vector.shape_cast %get3A_461 : vector<1x16xf32> to vector<16xf32>
      %mul3A_463 = arith.constant 11.3137083 : f32
      %mul3A_464 = vector.broadcast %mul3A_463 : f32 to vector<16xf32>
      %mul3A_465 = arith.mulf %get3A_462, %mul3A_464 : vector<16xf32>
      %add3A_466 = arith.addf %mul3A_465, %get3A_75 : vector<16xf32>
      %swap3A_467 = arith.index_cast %add3A_406 : i32 to index
      %swap3A_468 = arith.constant 64 : index
      %swap3A_469 = tpu.vector_load %arg7[%swap3A_467, %swap3A_468] {strides = array<i32>} : memref<400x128xf32, #tpu.memory_space<vmem>>, vector<1x16xf32>,
      %swap3A_470 = vector.shape_cast %swap3A_469 : vector<1x16xf32> to vector<16xf32>
      %swap3A_471 = vector.shape_cast %add3A_466 : vector<16xf32> to vector<1x16xf32>
      tpu.vector_store %arg7[%swap3A_467, %swap3A_468], %swap3A_471 {strides = array<i32>} : memref<400x128xf32, #tpu.memory_space<vmem>>, vector<1x16xf32>,
      %get3A_472 = arith.index_cast %add3A_406 : i32 to index
      %get3A_473 = arith.constant 80 : index
      %get3A_474 = tpu.vector_load %arg7[%get3A_472, %get3A_473] {strides = array<i32>} : memref<400x128xf32, #tpu.memory_space<vmem>>, vector<1x16xf32>,
      %get3A_475 = vector.shape_cast %get3A_474 : vector<1x16xf32> to vector<16xf32>
      %mul3A_476 = arith.constant 11.3137083 : f32
      %mul3A_477 = vector.broadcast %mul3A_476 : f32 to vector<16xf32>
      %mul3A_478 = arith.mulf %get3A_475, %mul3A_477 : vector<16xf32>
      %add3A_479 = arith.addf %mul3A_478, %get3A_79 : vector<16xf32>
      %swap3A_480 = arith.index_cast %add3A_406 : i32 to index
      %swap3A_481 = arith.constant 80 : index
      %swap3A_482 = tpu.vector_load %arg7[%swap3A_480, %swap3A_481] {strides = array<i32>} : memref<400x128xf32, #tpu.memory_space<vmem>>, vector<1x16xf32>,
      %swap3A_483 = vector.shape_cast %swap3A_482 : vector<1x16xf32> to vector<16xf32>
      %swap3A_484 = vector.shape_cast %add3A_479 : vector<16xf32> to vector<1x16xf32>
      tpu.vector_store %arg7[%swap3A_480, %swap3A_481], %swap3A_484 {strides = array<i32>} : memref<400x128xf32, #tpu.memory_space<vmem>>, vector<1x16xf32>,
      %get3A_485 = arith.index_cast %add3A_406 : i32 to index
      %get3A_486 = arith.constant 96 : index
      %get3A_487 = tpu.vector_load %arg7[%get3A_485, %get3A_486] {strides = array<i32>} : memref<400x128xf32, #tpu.memory_space<vmem>>, vector<1x16xf32>,
      %get3A_488 = vector.shape_cast %get3A_487 : vector<1x16xf32> to vector<16xf32>
      %mul3A_489 = arith.constant 11.3137083 : f32
      %mul3A_490 = vector.broadcast %mul3A_489 : f32 to vector<16xf32>
      %mul3A_491 = arith.mulf %get3A_488, %mul3A_490 : vector<16xf32>
      %add3A_492 = arith.addf %mul3A_491, %get3A_83 : vector<16xf32>
      %swap3A_493 = arith.index_cast %add3A_406 : i32 to index
      %swap3A_494 = arith.constant 96 : index
      %swap3A_495 = tpu.vector_load %arg7[%swap3A_493, %swap3A_494] {strides = array<i32>} : memref<400x128xf32, #tpu.memory_space<vmem>>, vector<1x16xf32>,
      %swap3A_496 = vector.shape_cast %swap3A_495 : vector<1x16xf32> to vector<16xf32>
      %swap3A_497 = vector.shape_cast %add3A_492 : vector<16xf32> to vector<1x16xf32>
      tpu.vector_store %arg7[%swap3A_493, %swap3A_494], %swap3A_497 {strides = array<i32>} : memref<400x128xf32, #tpu.memory_space<vmem>>, vector<1x16xf32>,
      %get3A_498 = arith.index_cast %add3A_406 : i32 to index
      %get3A_499 = arith.constant 112 : index
      %get3A_500 = tpu.vector_load %arg7[%get3A_498, %get3A_499] {strides = array<i32>} : memref<400x128xf32, #tpu.memory_space<vmem>>, vector<1x16xf32>,
      %get3A_501 = vector.shape_cast %get3A_500 : vector<1x16xf32> to vector<16xf32>
      %mul3A_502 = arith.constant 11.3137083 : f32
      %mul3A_503 = vector.broadcast %mul3A_502 : f32 to vector<16xf32>
      %mul3A_504 = arith.mulf %get3A_501, %mul3A_503 : vector<16xf32>
      %add3A_505 = arith.addf %mul3A_504, %get3A_87 : vector<16xf32>
      %swap3A_506 = arith.index_cast %add3A_406 : i32 to index
      %swap3A_507 = arith.constant 112 : index
      %swap3A_508 = tpu.vector_load %arg7[%swap3A_506, %swap3A_507] {strides = array<i32>} : memref<400x128xf32, #tpu.memory_space<vmem>>, vector<1x16xf32>,
      %swap3A_509 = vector.shape_cast %swap3A_508 : vector<1x16xf32> to vector<16xf32>
      %swap3A_510 = vector.shape_cast %add3A_505 : vector<16xf32> to vector<1x16xf32>
      tpu.vector_store %arg7[%swap3A_506, %swap3A_507], %swap3A_510 {strides = array<i32>} : memref<400x128xf32, #tpu.memory_space<vmem>>, vector<1x16xf32>,
      %add3A_511 = arith.constant 200 : i32
      %add3A_512 = arith.addi %add3A_511, %scan3A_56 : i32
      %get3A_513 = arith.index_cast %add3A_512 : i32 to index
      %get3A_514 = arith.constant 0 : index
      %get3A_515 = tpu.vector_load %arg7[%get3A_513, %get3A_514] {strides = array<i32>} : memref<400x128xf32, #tpu.memory_space<vmem>>, vector<1x16xf32>,
      %get3A_516 = vector.shape_cast %get3A_515 : vector<1x16xf32> to vector<16xf32>
      %mul3A_517 = arith.constant 11.3137083 : f32
      %mul3A_518 = vector.broadcast %mul3A_517 : f32 to vector<16xf32>
      %mul3A_519 = arith.mulf %get3A_516, %mul3A_518 : vector<16xf32>
      %add3A_520 = arith.addf %mul3A_519, %get3A_59 : vector<16xf32>
      %swap3A_521 = arith.index_cast %add3A_512 : i32 to index
      %swap3A_522 = arith.constant 0 : index
      %swap3A_523 = tpu.vector_load %arg7[%swap3A_521, %swap3A_522] {strides = array<i32>} : memref<400x128xf32, #tpu.memory_space<vmem>>, vector<1x16xf32>,
      %swap3A_524 = vector.shape_cast %swap3A_523 : vector<1x16xf32> to vector<16xf32>
      %swap3A_525 = vector.shape_cast %add3A_520 : vector<16xf32> to vector<1x16xf32>
      tpu.vector_store %arg7[%swap3A_521, %swap3A_522], %swap3A_525 {strides = array<i32>} : memref<400x128xf32, #tpu.memory_space<vmem>>, vector<1x16xf32>,
      %get3A_526 = arith.index_cast %add3A_512 : i32 to index
      %get3A_527 = arith.constant 16 : index
      %get3A_528 = tpu.vector_load %arg7[%get3A_526, %get3A_527] {strides = array<i32>} : memref<400x128xf32, #tpu.memory_space<vmem>>, vector<1x16xf32>,
      %get3A_529 = vector.shape_cast %get3A_528 : vector<1x16xf32> to vector<16xf32>
      %mul3A_530 = arith.constant 11.3137083 : f32
      %mul3A_531 = vector.broadcast %mul3A_530 : f32 to vector<16xf32>
      %mul3A_532 = arith.mulf %get3A_529, %mul3A_531 : vector<16xf32>
      %add3A_533 = arith.addf %mul3A_532, %get3A_63 : vector<16xf32>
      %swap3A_534 = arith.index_cast %add3A_512 : i32 to index
      %swap3A_535 = arith.constant 16 : index
      %swap3A_536 = tpu.vector_load %arg7[%swap3A_534, %swap3A_535] {strides = array<i32>} : memref<400x128xf32, #tpu.memory_space<vmem>>, vector<1x16xf32>,
      %swap3A_537 = vector.shape_cast %swap3A_536 : vector<1x16xf32> to vector<16xf32>
      %swap3A_538 = vector.shape_cast %add3A_533 : vector<16xf32> to vector<1x16xf32>
      tpu.vector_store %arg7[%swap3A_534, %swap3A_535], %swap3A_538 {strides = array<i32>} : memref<400x128xf32, #tpu.memory_space<vmem>>, vector<1x16xf32>,
      %get3A_539 = arith.index_cast %add3A_512 : i32 to index
      %get3A_540 = arith.constant 32 : index
      %get3A_541 = tpu.vector_load %arg7[%get3A_539, %get3A_540] {strides = array<i32>} : memref<400x128xf32, #tpu.memory_space<vmem>>, vector<1x16xf32>,
      %get3A_542 = vector.shape_cast %get3A_541 : vector<1x16xf32> to vector<16xf32>
      %mul3A_543 = arith.constant 11.3137083 : f32
      %mul3A_544 = vector.broadcast %mul3A_543 : f32 to vector<16xf32>
      %mul3A_545 = arith.mulf %get3A_542, %mul3A_544 : vector<16xf32>
      %add3A_546 = arith.addf %mul3A_545, %get3A_67 : vector<16xf32>
      %swap3A_547 = arith.index_cast %add3A_512 : i32 to index
      %swap3A_548 = arith.constant 32 : index
      %swap3A_549 = tpu.vector_load %arg7[%swap3A_547, %swap3A_548] {strides = array<i32>} : memref<400x128xf32, #tpu.memory_space<vmem>>, vector<1x16xf32>,
      %swap3A_550 = vector.shape_cast %swap3A_549 : vector<1x16xf32> to vector<16xf32>
      %swap3A_551 = vector.shape_cast %add3A_546 : vector<16xf32> to vector<1x16xf32>
      tpu.vector_store %arg7[%swap3A_547, %swap3A_548], %swap3A_551 {strides = array<i32>} : memref<400x128xf32, #tpu.memory_space<vmem>>, vector<1x16xf32>,
      %get3A_552 = arith.index_cast %add3A_512 : i32 to index
      %get3A_553 = arith.constant 48 : index
      %get3A_554 = tpu.vector_load %arg7[%get3A_552, %get3A_553] {strides = array<i32>} : memref<400x128xf32, #tpu.memory_space<vmem>>, vector<1x16xf32>,
      %get3A_555 = vector.shape_cast %get3A_554 : vector<1x16xf32> to vector<16xf32>
      %mul3A_556 = arith.constant 11.3137083 : f32
      %mul3A_557 = vector.broadcast %mul3A_556 : f32 to vector<16xf32>
      %mul3A_558 = arith.mulf %get3A_555, %mul3A_557 : vector<16xf32>
      %add3A_559 = arith.addf %mul3A_558, %get3A_71 : vector<16xf32>
      %swap3A_560 = arith.index_cast %add3A_512 : i32 to index
      %swap3A_561 = arith.constant 48 : index
      %swap3A_562 = tpu.vector_load %arg7[%swap3A_560, %swap3A_561] {strides = array<i32>} : memref<400x128xf32, #tpu.memory_space<vmem>>, vector<1x16xf32>,
      %swap3A_563 = vector.shape_cast %swap3A_562 : vector<1x16xf32> to vector<16xf32>
      %swap3A_564 = vector.shape_cast %add3A_559 : vector<16xf32> to vector<1x16xf32>
      tpu.vector_store %arg7[%swap3A_560, %swap3A_561], %swap3A_564 {strides = array<i32>} : memref<400x128xf32, #tpu.memory_space<vmem>>, vector<1x16xf32>,
      %get3A_565 = arith.index_cast %add3A_512 : i32 to index
      %get3A_566 = arith.constant 64 : index
      %get3A_567 = tpu.vector_load %arg7[%get3A_565, %get3A_566] {strides = array<i32>} : memref<400x128xf32, #tpu.memory_space<vmem>>, vector<1x16xf32>,
      %get3A_568 = vector.shape_cast %get3A_567 : vector<1x16xf32> to vector<16xf32>
      %mul3A_569 = arith.constant 11.3137083 : f32
      %mul3A_570 = vector.broadcast %mul3A_569 : f32 to vector<16xf32>
      %mul3A_571 = arith.mulf %get3A_568, %mul3A_570 : vector<16xf32>
      %add3A_572 = arith.addf %mul3A_571, %get3A_75 : vector<16xf32>
      %swap3A_573 = arith.index_cast %add3A_512 : i32 to index
      %swap3A_574 = arith.constant 64 : index
      %swap3A_575 = tpu.vector_load %arg7[%swap3A_573, %swap3A_574] {strides = array<i32>} : memref<400x128xf32, #tpu.memory_space<vmem>>, vector<1x16xf32>,
      %swap3A_576 = vector.shape_cast %swap3A_575 : vector<1x16xf32> to vector<16xf32>
      %swap3A_577 = vector.shape_cast %add3A_572 : vector<16xf32> to vector<1x16xf32>
      tpu.vector_store %arg7[%swap3A_573, %swap3A_574], %swap3A_577 {strides = array<i32>} : memref<400x128xf32, #tpu.memory_space<vmem>>, vector<1x16xf32>,
      %get3A_578 = arith.index_cast %add3A_512 : i32 to index
      %get3A_579 = arith.constant 80 : index
      %get3A_580 = tpu.vector_load %arg7[%get3A_578, %get3A_579] {strides = array<i32>} : memref<400x128xf32, #tpu.memory_space<vmem>>, vector<1x16xf32>,
      %get3A_581 = vector.shape_cast %get3A_580 : vector<1x16xf32> to vector<16xf32>
      %mul3A_582 = arith.constant 11.3137083 : f32
      %mul3A_583 = vector.broadcast %mul3A_582 : f32 to vector<16xf32>
      %mul3A_584 = arith.mulf %get3A_581, %mul3A_583 : vector<16xf32>
      %add3A_585 = arith.addf %mul3A_584, %get3A_79 : vector<16xf32>
      %swap3A_586 = arith.index_cast %add3A_512 : i32 to index
      %swap3A_587 = arith.constant 80 : index
      %swap3A_588 = tpu.vector_load %arg7[%swap3A_586, %swap3A_587] {strides = array<i32>} : memref<400x128xf32, #tpu.memory_space<vmem>>, vector<1x16xf32>,
      %swap3A_589 = vector.shape_cast %swap3A_588 : vector<1x16xf32> to vector<16xf32>
      %swap3A_590 = vector.shape_cast %add3A_585 : vector<16xf32> to vector<1x16xf32>
      tpu.vector_store %arg7[%swap3A_586, %swap3A_587], %swap3A_590 {strides = array<i32>} : memref<400x128xf32, #tpu.memory_space<vmem>>, vector<1x16xf32>,
      %get3A_591 = arith.index_cast %add3A_512 : i32 to index
      %get3A_592 = arith.constant 96 : index
      %get3A_593 = tpu.vector_load %arg7[%get3A_591, %get3A_592] {strides = array<i32>} : memref<400x128xf32, #tpu.memory_space<vmem>>, vector<1x16xf32>,
      %get3A_594 = vector.shape_cast %get3A_593 : vector<1x16xf32> to vector<16xf32>
      %mul3A_595 = arith.constant 11.3137083 : f32
      %mul3A_596 = vector.broadcast %mul3A_595 : f32 to vector<16xf32>
      %mul3A_597 = arith.mulf %get3A_594, %mul3A_596 : vector<16xf32>
      %add3A_598 = arith.addf %mul3A_597, %get3A_83 : vector<16xf32>
      %swap3A_599 = arith.index_cast %add3A_512 : i32 to index
      %swap3A_600 = arith.constant 96 : index
      %swap3A_601 = tpu.vector_load %arg7[%swap3A_599, %swap3A_600] {strides = array<i32>} : memref<400x128xf32, #tpu.memory_space<vmem>>, vector<1x16xf32>,
      %swap3A_602 = vector.shape_cast %swap3A_601 : vector<1x16xf32> to vector<16xf32>
      %swap3A_603 = vector.shape_cast %add3A_598 : vector<16xf32> to vector<1x16xf32>
      tpu.vector_store %arg7[%swap3A_599, %swap3A_600], %swap3A_603 {strides = array<i32>} : memref<400x128xf32, #tpu.memory_space<vmem>>, vector<1x16xf32>,
      %get3A_604 = arith.index_cast %add3A_512 : i32 to index
      %get3A_605 = arith.constant 112 : index
      %get3A_606 = tpu.vector_load %arg7[%get3A_604, %get3A_605] {strides = array<i32>} : memref<400x128xf32, #tpu.memory_space<vmem>>, vector<1x16xf32>,
      %get3A_607 = vector.shape_cast %get3A_606 : vector<1x16xf32> to vector<16xf32>
      %mul3A_608 = arith.constant 11.3137083 : f32
      %mul3A_609 = vector.broadcast %mul3A_608 : f32 to vector<16xf32>
      %mul3A_610 = arith.mulf %get3A_607, %mul3A_609 : vector<16xf32>
      %add3A_611 = arith.addf %mul3A_610, %get3A_87 : vector<16xf32>
      %swap3A_612 = arith.index_cast %add3A_512 : i32 to index
      %swap3A_613 = arith.constant 112 : index
      %swap3A_614 = tpu.vector_load %arg7[%swap3A_612, %swap3A_613] {strides = array<i32>} : memref<400x128xf32, #tpu.memory_space<vmem>>, vector<1x16xf32>,
      %swap3A_615 = vector.shape_cast %swap3A_614 : vector<1x16xf32> to vector<16xf32>
      %swap3A_616 = vector.shape_cast %add3A_611 : vector<16xf32> to vector<1x16xf32>
      tpu.vector_store %arg7[%swap3A_612, %swap3A_613], %swap3A_616 {strides = array<i32>} : memref<400x128xf32, #tpu.memory_space<vmem>>, vector<1x16xf32>,
      %add3A_617 = arith.constant 250 : i32
      %add3A_618 = arith.addi %add3A_617, %scan3A_56 : i32
      %get3A_619 = arith.index_cast %add3A_618 : i32 to index
      %get3A_620 = arith.constant 0 : index
      %get3A_621 = tpu.vector_load %arg7[%get3A_619, %get3A_620] {strides = array<i32>} : memref<400x128xf32, #tpu.memory_space<vmem>>, vector<1x16xf32>,
      %get3A_622 = vector.shape_cast %get3A_621 : vector<1x16xf32> to vector<16xf32>
      %mul3A_623 = arith.constant 11.3137083 : f32
      %mul3A_624 = vector.broadcast %mul3A_623 : f32 to vector<16xf32>
      %mul3A_625 = arith.mulf %get3A_622, %mul3A_624 : vector<16xf32>
      %add3A_626 = arith.addf %mul3A_625, %get3A_59 : vector<16xf32>
      %swap3A_627 = arith.index_cast %add3A_618 : i32 to index
      %swap3A_628 = arith.constant 0 : index
      %swap3A_629 = tpu.vector_load %arg7[%swap3A_627, %swap3A_628] {strides = array<i32>} : memref<400x128xf32, #tpu.memory_space<vmem>>, vector<1x16xf32>,
      %swap3A_630 = vector.shape_cast %swap3A_629 : vector<1x16xf32> to vector<16xf32>
      %swap3A_631 = vector.shape_cast %add3A_626 : vector<16xf32> to vector<1x16xf32>
      tpu.vector_store %arg7[%swap3A_627, %swap3A_628], %swap3A_631 {strides = array<i32>} : memref<400x128xf32, #tpu.memory_space<vmem>>, vector<1x16xf32>,
      %get3A_632 = arith.index_cast %add3A_618 : i32 to index
      %get3A_633 = arith.constant 16 : index
      %get3A_634 = tpu.vector_load %arg7[%get3A_632, %get3A_633] {strides = array<i32>} : memref<400x128xf32, #tpu.memory_space<vmem>>, vector<1x16xf32>,
      %get3A_635 = vector.shape_cast %get3A_634 : vector<1x16xf32> to vector<16xf32>
      %mul3A_636 = arith.constant 11.3137083 : f32
      %mul3A_637 = vector.broadcast %mul3A_636 : f32 to vector<16xf32>
      %mul3A_638 = arith.mulf %get3A_635, %mul3A_637 : vector<16xf32>
      %add3A_639 = arith.addf %mul3A_638, %get3A_63 : vector<16xf32>
      %swap3A_640 = arith.index_cast %add3A_618 : i32 to index
      %swap3A_641 = arith.constant 16 : index
      %swap3A_642 = tpu.vector_load %arg7[%swap3A_640, %swap3A_641] {strides = array<i32>} : memref<400x128xf32, #tpu.memory_space<vmem>>, vector<1x16xf32>,
      %swap3A_643 = vector.shape_cast %swap3A_642 : vector<1x16xf32> to vector<16xf32>
      %swap3A_644 = vector.shape_cast %add3A_639 : vector<16xf32> to vector<1x16xf32>
      tpu.vector_store %arg7[%swap3A_640, %swap3A_641], %swap3A_644 {strides = array<i32>} : memref<400x128xf32, #tpu.memory_space<vmem>>, vector<1x16xf32>,
      %get3A_645 = arith.index_cast %add3A_618 : i32 to index
      %get3A_646 = arith.constant 32 : index
      %get3A_647 = tpu.vector_load %arg7[%get3A_645, %get3A_646] {strides = array<i32>} : memref<400x128xf32, #tpu.memory_space<vmem>>, vector<1x16xf32>,
      %get3A_648 = vector.shape_cast %get3A_647 : vector<1x16xf32> to vector<16xf32>
      %mul3A_649 = arith.constant 11.3137083 : f32
      %mul3A_650 = vector.broadcast %mul3A_649 : f32 to vector<16xf32>
      %mul3A_651 = arith.mulf %get3A_648, %mul3A_650 : vector<16xf32>
      %add3A_652 = arith.addf %mul3A_651, %get3A_67 : vector<16xf32>
      %swap3A_653 = arith.index_cast %add3A_618 : i32 to index
      %swap3A_654 = arith.constant 32 : index
      %swap3A_655 = tpu.vector_load %arg7[%swap3A_653, %swap3A_654] {strides = array<i32>} : memref<400x128xf32, #tpu.memory_space<vmem>>, vector<1x16xf32>,
      %swap3A_656 = vector.shape_cast %swap3A_655 : vector<1x16xf32> to vector<16xf32>
      %swap3A_657 = vector.shape_cast %add3A_652 : vector<16xf32> to vector<1x16xf32>
      tpu.vector_store %arg7[%swap3A_653, %swap3A_654], %swap3A_657 {strides = array<i32>} : memref<400x128xf32, #tpu.memory_space<vmem>>, vector<1x16xf32>,
      %get3A_658 = arith.index_cast %add3A_618 : i32 to index
      %get3A_659 = arith.constant 48 : index
      %get3A_660 = tpu.vector_load %arg7[%get3A_658, %get3A_659] {strides = array<i32>} : memref<400x128xf32, #tpu.memory_space<vmem>>, vector<1x16xf32>,
      %get3A_661 = vector.shape_cast %get3A_660 : vector<1x16xf32> to vector<16xf32>
      %mul3A_662 = arith.constant 11.3137083 : f32
      %mul3A_663 = vector.broadcast %mul3A_662 : f32 to vector<16xf32>
      %mul3A_664 = arith.mulf %get3A_661, %mul3A_663 : vector<16xf32>
      %add3A_665 = arith.addf %mul3A_664, %get3A_71 : vector<16xf32>
      %swap3A_666 = arith.index_cast %add3A_618 : i32 to index
      %swap3A_667 = arith.constant 48 : index
      %swap3A_668 = tpu.vector_load %arg7[%swap3A_666, %swap3A_667] {strides = array<i32>} : memref<400x128xf32, #tpu.memory_space<vmem>>, vector<1x16xf32>,
      %swap3A_669 = vector.shape_cast %swap3A_668 : vector<1x16xf32> to vector<16xf32>
      %swap3A_670 = vector.shape_cast %add3A_665 : vector<16xf32> to vector<1x16xf32>
      tpu.vector_store %arg7[%swap3A_666, %swap3A_667], %swap3A_670 {strides = array<i32>} : memref<400x128xf32, #tpu.memory_space<vmem>>, vector<1x16xf32>,
      %get3A_671 = arith.index_cast %add3A_618 : i32 to index
      %get3A_672 = arith.constant 64 : index
      %get3A_673 = tpu.vector_load %arg7[%get3A_671, %get3A_672] {strides = array<i32>} : memref<400x128xf32, #tpu.memory_space<vmem>>, vector<1x16xf32>,
      %get3A_674 = vector.shape_cast %get3A_673 : vector<1x16xf32> to vector<16xf32>
      %mul3A_675 = arith.constant 11.3137083 : f32
      %mul3A_676 = vector.broadcast %mul3A_675 : f32 to vector<16xf32>
      %mul3A_677 = arith.mulf %get3A_674, %mul3A_676 : vector<16xf32>
      %add3A_678 = arith.addf %mul3A_677, %get3A_75 : vector<16xf32>
      %swap3A_679 = arith.index_cast %add3A_618 : i32 to index
      %swap3A_680 = arith.constant 64 : index
      %swap3A_681 = tpu.vector_load %arg7[%swap3A_679, %swap3A_680] {strides = array<i32>} : memref<400x128xf32, #tpu.memory_space<vmem>>, vector<1x16xf32>,
      %swap3A_682 = vector.shape_cast %swap3A_681 : vector<1x16xf32> to vector<16xf32>
      %swap3A_683 = vector.shape_cast %add3A_678 : vector<16xf32> to vector<1x16xf32>
      tpu.vector_store %arg7[%swap3A_679, %swap3A_680], %swap3A_683 {strides = array<i32>} : memref<400x128xf32, #tpu.memory_space<vmem>>, vector<1x16xf32>,
      %get3A_684 = arith.index_cast %add3A_618 : i32 to index
      %get3A_685 = arith.constant 80 : index
      %get3A_686 = tpu.vector_load %arg7[%get3A_684, %get3A_685] {strides = array<i32>} : memref<400x128xf32, #tpu.memory_space<vmem>>, vector<1x16xf32>,
      %get3A_687 = vector.shape_cast %get3A_686 : vector<1x16xf32> to vector<16xf32>
      %mul3A_688 = arith.constant 11.3137083 : f32
      %mul3A_689 = vector.broadcast %mul3A_688 : f32 to vector<16xf32>
      %mul3A_690 = arith.mulf %get3A_687, %mul3A_689 : vector<16xf32>
      %add3A_691 = arith.addf %mul3A_690, %get3A_79 : vector<16xf32>
      %swap3A_692 = arith.index_cast %add3A_618 : i32 to index
      %swap3A_693 = arith.constant 80 : index
      %swap3A_694 = tpu.vector_load %arg7[%swap3A_692, %swap3A_693] {strides = array<i32>} : memref<400x128xf32, #tpu.memory_space<vmem>>, vector<1x16xf32>,
      %swap3A_695 = vector.shape_cast %swap3A_694 : vector<1x16xf32> to vector<16xf32>
      %swap3A_696 = vector.shape_cast %add3A_691 : vector<16xf32> to vector<1x16xf32>
      tpu.vector_store %arg7[%swap3A_692, %swap3A_693], %swap3A_696 {strides = array<i32>} : memref<400x128xf32, #tpu.memory_space<vmem>>, vector<1x16xf32>,
      %get3A_697 = arith.index_cast %add3A_618 : i32 to index
      %get3A_698 = arith.constant 96 : index
      %get3A_699 = tpu.vector_load %arg7[%get3A_697, %get3A_698] {strides = array<i32>} : memref<400x128xf32, #tpu.memory_space<vmem>>, vector<1x16xf32>,
      %get3A_700 = vector.shape_cast %get3A_699 : vector<1x16xf32> to vector<16xf32>
      %mul3A_701 = arith.constant 11.3137083 : f32
      %mul3A_702 = vector.broadcast %mul3A_701 : f32 to vector<16xf32>
      %mul3A_703 = arith.mulf %get3A_700, %mul3A_702 : vector<16xf32>
      %add3A_704 = arith.addf %mul3A_703, %get3A_83 : vector<16xf32>
      %swap3A_705 = arith.index_cast %add3A_618 : i32 to index
      %swap3A_706 = arith.constant 96 : index
      %swap3A_707 = tpu.vector_load %arg7[%swap3A_705, %swap3A_706] {strides = array<i32>} : memref<400x128xf32, #tpu.memory_space<vmem>>, vector<1x16xf32>,
      %swap3A_708 = vector.shape_cast %swap3A_707 : vector<1x16xf32> to vector<16xf32>
      %swap3A_709 = vector.shape_cast %add3A_704 : vector<16xf32> to vector<1x16xf32>
      tpu.vector_store %arg7[%swap3A_705, %swap3A_706], %swap3A_709 {strides = array<i32>} : memref<400x128xf32, #tpu.memory_space<vmem>>, vector<1x16xf32>,
      %get3A_710 = arith.index_cast %add3A_618 : i32 to index
      %get3A_711 = arith.constant 112 : index
      %get3A_712 = tpu.vector_load %arg7[%get3A_710, %get3A_711] {strides = array<i32>} : memref<400x128xf32, #tpu.memory_space<vmem>>, vector<1x16xf32>,
      %get3A_713 = vector.shape_cast %get3A_712 : vector<1x16xf32> to vector<16xf32>
      %mul3A_714 = arith.constant 11.3137083 : f32
      %mul3A_715 = vector.broadcast %mul3A_714 : f32 to vector<16xf32>
      %mul3A_716 = arith.mulf %get3A_713, %mul3A_715 : vector<16xf32>
      %add3A_717 = arith.addf %mul3A_716, %get3A_87 : vector<16xf32>
      %swap3A_718 = arith.index_cast %add3A_618 : i32 to index
      %swap3A_719 = arith.constant 112 : index
      %swap3A_720 = tpu.vector_load %arg7[%swap3A_718, %swap3A_719] {strides = array<i32>} : memref<400x128xf32, #tpu.memory_space<vmem>>, vector<1x16xf32>,
      %swap3A_721 = vector.shape_cast %swap3A_720 : vector<1x16xf32> to vector<16xf32>
      %swap3A_722 = vector.shape_cast %add3A_717 : vector<16xf32> to vector<1x16xf32>
      tpu.vector_store %arg7[%swap3A_718, %swap3A_719], %swap3A_722 {strides = array<i32>} : memref<400x128xf32, #tpu.memory_space<vmem>>, vector<1x16xf32>,
      %add3A_723 = arith.constant 300 : i32
      %add3A_724 = arith.addi %add3A_723, %scan3A_56 : i32
      %get3A_725 = arith.index_cast %add3A_724 : i32 to index
      %get3A_726 = arith.constant 0 : index
      %get3A_727 = tpu.vector_load %arg7[%get3A_725, %get3A_726] {strides = array<i32>} : memref<400x128xf32, #tpu.memory_space<vmem>>, vector<1x16xf32>,
      %get3A_728 = vector.shape_cast %get3A_727 : vector<1x16xf32> to vector<16xf32>
      %mul3A_729 = arith.constant 11.3137083 : f32
      %mul3A_730 = vector.broadcast %mul3A_729 : f32 to vector<16xf32>
      %mul3A_731 = arith.mulf %get3A_728, %mul3A_730 : vector<16xf32>
      %add3A_732 = arith.addf %mul3A_731, %get3A_59 : vector<16xf32>
      %swap3A_733 = arith.index_cast %add3A_724 : i32 to index
      %swap3A_734 = arith.constant 0 : index
      %swap3A_735 = tpu.vector_load %arg7[%swap3A_733, %swap3A_734] {strides = array<i32>} : memref<400x128xf32, #tpu.memory_space<vmem>>, vector<1x16xf32>,
      %swap3A_736 = vector.shape_cast %swap3A_735 : vector<1x16xf32> to vector<16xf32>
      %swap3A_737 = vector.shape_cast %add3A_732 : vector<16xf32> to vector<1x16xf32>
      tpu.vector_store %arg7[%swap3A_733, %swap3A_734], %swap3A_737 {strides = array<i32>} : memref<400x128xf32, #tpu.memory_space<vmem>>, vector<1x16xf32>,
      %get3A_738 = arith.index_cast %add3A_724 : i32 to index
      %get3A_739 = arith.constant 16 : index
      %get3A_740 = tpu.vector_load %arg7[%get3A_738, %get3A_739] {strides = array<i32>} : memref<400x128xf32, #tpu.memory_space<vmem>>, vector<1x16xf32>,
      %get3A_741 = vector.shape_cast %get3A_740 : vector<1x16xf32> to vector<16xf32>
      %mul3A_742 = arith.constant 11.3137083 : f32
      %mul3A_743 = vector.broadcast %mul3A_742 : f32 to vector<16xf32>
      %mul3A_744 = arith.mulf %get3A_741, %mul3A_743 : vector<16xf32>
      %add3A_745 = arith.addf %mul3A_744, %get3A_63 : vector<16xf32>
      %swap3A_746 = arith.index_cast %add3A_724 : i32 to index
      %swap3A_747 = arith.constant 16 : index
      %swap3A_748 = tpu.vector_load %arg7[%swap3A_746, %swap3A_747] {strides = array<i32>} : memref<400x128xf32, #tpu.memory_space<vmem>>, vector<1x16xf32>,
      %swap3A_749 = vector.shape_cast %swap3A_748 : vector<1x16xf32> to vector<16xf32>
      %swap3A_750 = vector.shape_cast %add3A_745 : vector<16xf32> to vector<1x16xf32>
      tpu.vector_store %arg7[%swap3A_746, %swap3A_747], %swap3A_750 {strides = array<i32>} : memref<400x128xf32, #tpu.memory_space<vmem>>, vector<1x16xf32>,
      %get3A_751 = arith.index_cast %add3A_724 : i32 to index
      %get3A_752 = arith.constant 32 : index
      %get3A_753 = tpu.vector_load %arg7[%get3A_751, %get3A_752] {strides = array<i32>} : memref<400x128xf32, #tpu.memory_space<vmem>>, vector<1x16xf32>,
      %get3A_754 = vector.shape_cast %get3A_753 : vector<1x16xf32> to vector<16xf32>
      %mul3A_755 = arith.constant 11.3137083 : f32
      %mul3A_756 = vector.broadcast %mul3A_755 : f32 to vector<16xf32>
      %mul3A_757 = arith.mulf %get3A_754, %mul3A_756 : vector<16xf32>
      %add3A_758 = arith.addf %mul3A_757, %get3A_67 : vector<16xf32>
      %swap3A_759 = arith.index_cast %add3A_724 : i32 to index
      %swap3A_760 = arith.constant 32 : index
      %swap3A_761 = tpu.vector_load %arg7[%swap3A_759, %swap3A_760] {strides = array<i32>} : memref<400x128xf32, #tpu.memory_space<vmem>>, vector<1x16xf32>,
      %swap3A_762 = vector.shape_cast %swap3A_761 : vector<1x16xf32> to vector<16xf32>
      %swap3A_763 = vector.shape_cast %add3A_758 : vector<16xf32> to vector<1x16xf32>
      tpu.vector_store %arg7[%swap3A_759, %swap3A_760], %swap3A_763 {strides = array<i32>} : memref<400x128xf32, #tpu.memory_space<vmem>>, vector<1x16xf32>,
      %get3A_764 = arith.index_cast %add3A_724 : i32 to index
      %get3A_765 = arith.constant 48 : index
      %get3A_766 = tpu.vector_load %arg7[%get3A_764, %get3A_765] {strides = array<i32>} : memref<400x128xf32, #tpu.memory_space<vmem>>, vector<1x16xf32>,
      %get3A_767 = vector.shape_cast %get3A_766 : vector<1x16xf32> to vector<16xf32>
      %mul3A_768 = arith.constant 11.3137083 : f32
      %mul3A_769 = vector.broadcast %mul3A_768 : f32 to vector<16xf32>
      %mul3A_770 = arith.mulf %get3A_767, %mul3A_769 : vector<16xf32>
      %add3A_771 = arith.addf %mul3A_770, %get3A_71 : vector<16xf32>
      %swap3A_772 = arith.index_cast %add3A_724 : i32 to index
      %swap3A_773 = arith.constant 48 : index
      %swap3A_774 = tpu.vector_load %arg7[%swap3A_772, %swap3A_773] {strides = array<i32>} : memref<400x128xf32, #tpu.memory_space<vmem>>, vector<1x16xf32>,
      %swap3A_775 = vector.shape_cast %swap3A_774 : vector<1x16xf32> to vector<16xf32>
      %swap3A_776 = vector.shape_cast %add3A_771 : vector<16xf32> to vector<1x16xf32>
      tpu.vector_store %arg7[%swap3A_772, %swap3A_773], %swap3A_776 {strides = array<i32>} : memref<400x128xf32, #tpu.memory_space<vmem>>, vector<1x16xf32>,
      %get3A_777 = arith.index_cast %add3A_724 : i32 to index
      %get3A_778 = arith.constant 64 : index
      %get3A_779 = tpu.vector_load %arg7[%get3A_777, %get3A_778] {strides = array<i32>} : memref<400x128xf32, #tpu.memory_space<vmem>>, vector<1x16xf32>,
      %get3A_780 = vector.shape_cast %get3A_779 : vector<1x16xf32> to vector<16xf32>
      %mul3A_781 = arith.constant 11.3137083 : f32
      %mul3A_782 = vector.broadcast %mul3A_781 : f32 to vector<16xf32>
      %mul3A_783 = arith.mulf %get3A_780, %mul3A_782 : vector<16xf32>
      %add3A_784 = arith.addf %mul3A_783, %get3A_75 : vector<16xf32>
      %swap3A_785 = arith.index_cast %add3A_724 : i32 to index
      %swap3A_786 = arith.constant 64 : index
      %swap3A_787 = tpu.vector_load %arg7[%swap3A_785, %swap3A_786] {strides = array<i32>} : memref<400x128xf32, #tpu.memory_space<vmem>>, vector<1x16xf32>,
      %swap3A_788 = vector.shape_cast %swap3A_787 : vector<1x16xf32> to vector<16xf32>
      %swap3A_789 = vector.shape_cast %add3A_784 : vector<16xf32> to vector<1x16xf32>
      tpu.vector_store %arg7[%swap3A_785, %swap3A_786], %swap3A_789 {strides = array<i32>} : memref<400x128xf32, #tpu.memory_space<vmem>>, vector<1x16xf32>,
      %get3A_790 = arith.index_cast %add3A_724 : i32 to index
      %get3A_791 = arith.constant 80 : index
      %get3A_792 = tpu.vector_load %arg7[%get3A_790, %get3A_791] {strides = array<i32>} : memref<400x128xf32, #tpu.memory_space<vmem>>, vector<1x16xf32>,
      %get3A_793 = vector.shape_cast %get3A_792 : vector<1x16xf32> to vector<16xf32>
      %mul3A_794 = arith.constant 11.3137083 : f32
      %mul3A_795 = vector.broadcast %mul3A_794 : f32 to vector<16xf32>
      %mul3A_796 = arith.mulf %get3A_793, %mul3A_795 : vector<16xf32>
      %add3A_797 = arith.addf %mul3A_796, %get3A_79 : vector<16xf32>
      %swap3A_798 = arith.index_cast %add3A_724 : i32 to index
      %swap3A_799 = arith.constant 80 : index
      %swap3A_800 = tpu.vector_load %arg7[%swap3A_798, %swap3A_799] {strides = array<i32>} : memref<400x128xf32, #tpu.memory_space<vmem>>, vector<1x16xf32>,
      %swap3A_801 = vector.shape_cast %swap3A_800 : vector<1x16xf32> to vector<16xf32>
      %swap3A_802 = vector.shape_cast %add3A_797 : vector<16xf32> to vector<1x16xf32>
      tpu.vector_store %arg7[%swap3A_798, %swap3A_799], %swap3A_802 {strides = array<i32>} : memref<400x128xf32, #tpu.memory_space<vmem>>, vector<1x16xf32>,
      %get3A_803 = arith.index_cast %add3A_724 : i32 to index
      %get3A_804 = arith.constant 96 : index
      %get3A_805 = tpu.vector_load %arg7[%get3A_803, %get3A_804] {strides = array<i32>} : memref<400x128xf32, #tpu.memory_space<vmem>>, vector<1x16xf32>,
      %get3A_806 = vector.shape_cast %get3A_805 : vector<1x16xf32> to vector<16xf32>
      %mul3A_807 = arith.constant 11.3137083 : f32
      %mul3A_808 = vector.broadcast %mul3A_807 : f32 to vector<16xf32>
      %mul3A_809 = arith.mulf %get3A_806, %mul3A_808 : vector<16xf32>
      %add3A_810 = arith.addf %mul3A_809, %get3A_83 : vector<16xf32>
      %swap3A_811 = arith.index_cast %add3A_724 : i32 to index
      %swap3A_812 = arith.constant 96 : index
      %swap3A_813 = tpu.vector_load %arg7[%swap3A_811, %swap3A_812] {strides = array<i32>} : memref<400x128xf32, #tpu.memory_space<vmem>>, vector<1x16xf32>,
      %swap3A_814 = vector.shape_cast %swap3A_813 : vector<1x16xf32> to vector<16xf32>
      %swap3A_815 = vector.shape_cast %add3A_810 : vector<16xf32> to vector<1x16xf32>
      tpu.vector_store %arg7[%swap3A_811, %swap3A_812], %swap3A_815 {strides = array<i32>} : memref<400x128xf32, #tpu.memory_space<vmem>>, vector<1x16xf32>,
      %get3A_816 = arith.index_cast %add3A_724 : i32 to index
      %get3A_817 = arith.constant 112 : index
      %get3A_818 = tpu.vector_load %arg7[%get3A_816, %get3A_817] {strides = array<i32>} : memref<400x128xf32, #tpu.memory_space<vmem>>, vector<1x16xf32>,
      %get3A_819 = vector.shape_cast %get3A_818 : vector<1x16xf32> to vector<16xf32>
      %mul3A_820 = arith.constant 11.3137083 : f32
      %mul3A_821 = vector.broadcast %mul3A_820 : f32 to vector<16xf32>
      %mul3A_822 = arith.mulf %get3A_819, %mul3A_821 : vector<16xf32>
      %add3A_823 = arith.addf %mul3A_822, %get3A_87 : vector<16xf32>
      %swap3A_824 = arith.index_cast %add3A_724 : i32 to index
      %swap3A_825 = arith.constant 112 : index
      %swap3A_826 = tpu.vector_load %arg7[%swap3A_824, %swap3A_825] {strides = array<i32>} : memref<400x128xf32, #tpu.memory_space<vmem>>, vector<1x16xf32>,
      %swap3A_827 = vector.shape_cast %swap3A_826 : vector<1x16xf32> to vector<16xf32>
      %swap3A_828 = vector.shape_cast %add3A_823 : vector<16xf32> to vector<1x16xf32>
      tpu.vector_store %arg7[%swap3A_824, %swap3A_825], %swap3A_828 {strides = array<i32>} : memref<400x128xf32, #tpu.memory_space<vmem>>, vector<1x16xf32>,
      %add3A_829 = arith.constant 350 : i32
      %add3A_830 = arith.addi %add3A_829, %scan3A_56 : i32
      %get3A_831 = arith.index_cast %add3A_830 : i32 to index
      %get3A_832 = arith.constant 0 : index
      %get3A_833 = tpu.vector_load %arg7[%get3A_831, %get3A_832] {strides = array<i32>} : memref<400x128xf32, #tpu.memory_space<vmem>>, vector<1x16xf32>,
      %get3A_834 = vector.shape_cast %get3A_833 : vector<1x16xf32> to vector<16xf32>
      %mul3A_835 = arith.constant 11.3137083 : f32
      %mul3A_836 = vector.broadcast %mul3A_835 : f32 to vector<16xf32>
      %mul3A_837 = arith.mulf %get3A_834, %mul3A_836 : vector<16xf32>
      %add3A_838 = arith.addf %mul3A_837, %get3A_59 : vector<16xf32>
      %swap3A_839 = arith.index_cast %add3A_830 : i32 to index
      %swap3A_840 = arith.constant 0 : index
      %swap3A_841 = tpu.vector_load %arg7[%swap3A_839, %swap3A_840] {strides = array<i32>} : memref<400x128xf32, #tpu.memory_space<vmem>>, vector<1x16xf32>,
      %swap3A_842 = vector.shape_cast %swap3A_841 : vector<1x16xf32> to vector<16xf32>
      %swap3A_843 = vector.shape_cast %add3A_838 : vector<16xf32> to vector<1x16xf32>
      tpu.vector_store %arg7[%swap3A_839, %swap3A_840], %swap3A_843 {strides = array<i32>} : memref<400x128xf32, #tpu.memory_space<vmem>>, vector<1x16xf32>,
      %get3A_844 = arith.index_cast %add3A_830 : i32 to index
      %get3A_845 = arith.constant 16 : index
      %get3A_846 = tpu.vector_load %arg7[%get3A_844, %get3A_845] {strides = array<i32>} : memref<400x128xf32, #tpu.memory_space<vmem>>, vector<1x16xf32>,
      %get3A_847 = vector.shape_cast %get3A_846 : vector<1x16xf32> to vector<16xf32>
      %mul3A_848 = arith.constant 11.3137083 : f32
      %mul3A_849 = vector.broadcast %mul3A_848 : f32 to vector<16xf32>
      %mul3A_850 = arith.mulf %get3A_847, %mul3A_849 : vector<16xf32>
      %add3A_851 = arith.addf %mul3A_850, %get3A_63 : vector<16xf32>
      %swap3A_852 = arith.index_cast %add3A_830 : i32 to index
      %swap3A_853 = arith.constant 16 : index
      %swap3A_854 = tpu.vector_load %arg7[%swap3A_852, %swap3A_853] {strides = array<i32>} : memref<400x128xf32, #tpu.memory_space<vmem>>, vector<1x16xf32>,
      %swap3A_855 = vector.shape_cast %swap3A_854 : vector<1x16xf32> to vector<16xf32>
      %swap3A_856 = vector.shape_cast %add3A_851 : vector<16xf32> to vector<1x16xf32>
      tpu.vector_store %arg7[%swap3A_852, %swap3A_853], %swap3A_856 {strides = array<i32>} : memref<400x128xf32, #tpu.memory_space<vmem>>, vector<1x16xf32>,
      %get3A_857 = arith.index_cast %add3A_830 : i32 to index
      %get3A_858 = arith.constant 32 : index
      %get3A_859 = tpu.vector_load %arg7[%get3A_857, %get3A_858] {strides = array<i32>} : memref<400x128xf32, #tpu.memory_space<vmem>>, vector<1x16xf32>,
      %get3A_860 = vector.shape_cast %get3A_859 : vector<1x16xf32> to vector<16xf32>
      %mul3A_861 = arith.constant 11.3137083 : f32
      %mul3A_862 = vector.broadcast %mul3A_861 : f32 to vector<16xf32>
      %mul3A_863 = arith.mulf %get3A_860, %mul3A_862 : vector<16xf32>
      %add3A_864 = arith.addf %mul3A_863, %get3A_67 : vector<16xf32>
      %swap3A_865 = arith.index_cast %add3A_830 : i32 to index
      %swap3A_866 = arith.constant 32 : index
      %swap3A_867 = tpu.vector_load %arg7[%swap3A_865, %swap3A_866] {strides = array<i32>} : memref<400x128xf32, #tpu.memory_space<vmem>>, vector<1x16xf32>,
      %swap3A_868 = vector.shape_cast %swap3A_867 : vector<1x16xf32> to vector<16xf32>
      %swap3A_869 = vector.shape_cast %add3A_864 : vector<16xf32> to vector<1x16xf32>
      tpu.vector_store %arg7[%swap3A_865, %swap3A_866], %swap3A_869 {strides = array<i32>} : memref<400x128xf32, #tpu.memory_space<vmem>>, vector<1x16xf32>,
      %get3A_870 = arith.index_cast %add3A_830 : i32 to index
      %get3A_871 = arith.constant 48 : index
      %get3A_872 = tpu.vector_load %arg7[%get3A_870, %get3A_871] {strides = array<i32>} : memref<400x128xf32, #tpu.memory_space<vmem>>, vector<1x16xf32>,
      %get3A_873 = vector.shape_cast %get3A_872 : vector<1x16xf32> to vector<16xf32>
      %mul3A_874 = arith.constant 11.3137083 : f32
      %mul3A_875 = vector.broadcast %mul3A_874 : f32 to vector<16xf32>
      %mul3A_876 = arith.mulf %get3A_873, %mul3A_875 : vector<16xf32>
      %add3A_877 = arith.addf %mul3A_876, %get3A_71 : vector<16xf32>
      %swap3A_878 = arith.index_cast %add3A_830 : i32 to index
      %swap3A_879 = arith.constant 48 : index
      %swap3A_880 = tpu.vector_load %arg7[%swap3A_878, %swap3A_879] {strides = array<i32>} : memref<400x128xf32, #tpu.memory_space<vmem>>, vector<1x16xf32>,
      %swap3A_881 = vector.shape_cast %swap3A_880 : vector<1x16xf32> to vector<16xf32>
      %swap3A_882 = vector.shape_cast %add3A_877 : vector<16xf32> to vector<1x16xf32>
      tpu.vector_store %arg7[%swap3A_878, %swap3A_879], %swap3A_882 {strides = array<i32>} : memref<400x128xf32, #tpu.memory_space<vmem>>, vector<1x16xf32>,
      %get3A_883 = arith.index_cast %add3A_830 : i32 to index
      %get3A_884 = arith.constant 64 : index
      %get3A_885 = tpu.vector_load %arg7[%get3A_883, %get3A_884] {strides = array<i32>} : memref<400x128xf32, #tpu.memory_space<vmem>>, vector<1x16xf32>,
      %get3A_886 = vector.shape_cast %get3A_885 : vector<1x16xf32> to vector<16xf32>
      %mul3A_887 = arith.constant 11.3137083 : f32
      %mul3A_888 = vector.broadcast %mul3A_887 : f32 to vector<16xf32>
      %mul3A_889 = arith.mulf %get3A_886, %mul3A_888 : vector<16xf32>
      %add3A_890 = arith.addf %mul3A_889, %get3A_75 : vector<16xf32>
      %swap3A_891 = arith.index_cast %add3A_830 : i32 to index
      %swap3A_892 = arith.constant 64 : index
      %swap3A_893 = tpu.vector_load %arg7[%swap3A_891, %swap3A_892] {strides = array<i32>} : memref<400x128xf32, #tpu.memory_space<vmem>>, vector<1x16xf32>,
      %swap3A_894 = vector.shape_cast %swap3A_893 : vector<1x16xf32> to vector<16xf32>
      %swap3A_895 = vector.shape_cast %add3A_890 : vector<16xf32> to vector<1x16xf32>
      tpu.vector_store %arg7[%swap3A_891, %swap3A_892], %swap3A_895 {strides = array<i32>} : memref<400x128xf32, #tpu.memory_space<vmem>>, vector<1x16xf32>,
      %get3A_896 = arith.index_cast %add3A_830 : i32 to index
      %get3A_897 = arith.constant 80 : index
      %get3A_898 = tpu.vector_load %arg7[%get3A_896, %get3A_897] {strides = array<i32>} : memref<400x128xf32, #tpu.memory_space<vmem>>, vector<1x16xf32>,
      %get3A_899 = vector.shape_cast %get3A_898 : vector<1x16xf32> to vector<16xf32>
      %mul3A_900 = arith.constant 11.3137083 : f32
      %mul3A_901 = vector.broadcast %mul3A_900 : f32 to vector<16xf32>
      %mul3A_902 = arith.mulf %get3A_899, %mul3A_901 : vector<16xf32>
      %add3A_903 = arith.addf %mul3A_902, %get3A_79 : vector<16xf32>
      %swap3A_904 = arith.index_cast %add3A_830 : i32 to index
      %swap3A_905 = arith.constant 80 : index
      %swap3A_906 = tpu.vector_load %arg7[%swap3A_904, %swap3A_905] {strides = array<i32>} : memref<400x128xf32, #tpu.memory_space<vmem>>, vector<1x16xf32>,
      %swap3A_907 = vector.shape_cast %swap3A_906 : vector<1x16xf32> to vector<16xf32>
      %swap3A_908 = vector.shape_cast %add3A_903 : vector<16xf32> to vector<1x16xf32>
      tpu.vector_store %arg7[%swap3A_904, %swap3A_905], %swap3A_908 {strides = array<i32>} : memref<400x128xf32, #tpu.memory_space<vmem>>, vector<1x16xf32>,
      %get3A_909 = arith.index_cast %add3A_830 : i32 to index
      %get3A_910 = arith.constant 96 : index
      %get3A_911 = tpu.vector_load %arg7[%get3A_909, %get3A_910] {strides = array<i32>} : memref<400x128xf32, #tpu.memory_space<vmem>>, vector<1x16xf32>,
      %get3A_912 = vector.shape_cast %get3A_911 : vector<1x16xf32> to vector<16xf32>
      %mul3A_913 = arith.constant 11.3137083 : f32
      %mul3A_914 = vector.broadcast %mul3A_913 : f32 to vector<16xf32>
      %mul3A_915 = arith.mulf %get3A_912, %mul3A_914 : vector<16xf32>
      %add3A_916 = arith.addf %mul3A_915, %get3A_83 : vector<16xf32>
      %swap3A_917 = arith.index_cast %add3A_830 : i32 to index
      %swap3A_918 = arith.constant 96 : index
      %swap3A_919 = tpu.vector_load %arg7[%swap3A_917, %swap3A_918] {strides = array<i32>} : memref<400x128xf32, #tpu.memory_space<vmem>>, vector<1x16xf32>,
      %swap3A_920 = vector.shape_cast %swap3A_919 : vector<1x16xf32> to vector<16xf32>
      %swap3A_921 = vector.shape_cast %add3A_916 : vector<16xf32> to vector<1x16xf32>
      tpu.vector_store %arg7[%swap3A_917, %swap3A_918], %swap3A_921 {strides = array<i32>} : memref<400x128xf32, #tpu.memory_space<vmem>>, vector<1x16xf32>,
      %get3A_922 = arith.index_cast %add3A_830 : i32 to index
      %get3A_923 = arith.constant 112 : index
      %get3A_924 = tpu.vector_load %arg7[%get3A_922, %get3A_923] {strides = array<i32>} : memref<400x128xf32, #tpu.memory_space<vmem>>, vector<1x16xf32>,
      %get3A_925 = vector.shape_cast %get3A_924 : vector<1x16xf32> to vector<16xf32>
      %mul3A_926 = arith.constant 11.3137083 : f32
      %mul3A_927 = vector.broadcast %mul3A_926 : f32 to vector<16xf32>
      %mul3A_928 = arith.mulf %get3A_925, %mul3A_927 : vector<16xf32>
      %add3A_929 = arith.addf %mul3A_928, %get3A_87 : vector<16xf32>
      %swap3A_930 = arith.index_cast %add3A_830 : i32 to index
      %swap3A_931 = arith.constant 112 : index
      %swap3A_932 = tpu.vector_load %arg7[%swap3A_930, %swap3A_931] {strides = array<i32>} : memref<400x128xf32, #tpu.memory_space<vmem>>, vector<1x16xf32>,
      %swap3A_933 = vector.shape_cast %swap3A_932 : vector<1x16xf32> to vector<16xf32>
      %swap3A_934 = vector.shape_cast %add3A_929 : vector<16xf32> to vector<1x16xf32>
      tpu.vector_store %arg7[%swap3A_930, %swap3A_931], %swap3A_934 {strides = array<i32>} : memref<400x128xf32, #tpu.memory_space<vmem>>, vector<1x16xf32>,
    }
    %scan3A_13 = arith.constant 50 : i32
    "tpu.region"() ({
      %run_scoped3A = tpu.sem_alloc : memref<!tpu.dma_semaphore, #tpu.memory_space<semaphore_mem>>
      %dma_start3A_56 = arith.constant 0 : i32
      %dma_start3A_57 = tpu.memref_slice %arg5[%add3A_4, %dma_start3A_56] : memref<51200x128xf32, #tpu.memory_space<hbm>> -> memref<400x128xf32, #tpu.memory_space<hbm>>
      %dma_start3A_58 = arith.constant 0 : i32
      %dma_start3A_59 = tpu.memref_slice %arg5[%add3A_4, %dma_start3A_58] : memref<51200x128xf32, #tpu.memory_space<hbm>> -> memref<400x128xf32, #tpu.memory_space<hbm>>
      tpu.enqueue_dma source(%arg7 : memref<400x128xf32, #tpu.memory_space<vmem>>) target(%dma_start3A_59 : memref<400x128xf32, #tpu.memory_space<hbm>>) target_semaphore(%run_scoped3A : memref<!tpu.dma_semaphore, #tpu.memory_space<semaphore_mem>>)
      %dma_wait3A_60 = arith.constant 0 : i32
      %dma_wait3A_61 = tpu.memref_slice %arg5[%add3A_4, %dma_wait3A_60] : memref<51200x128xf32, #tpu.memory_space<hbm>> -> memref<400x128xf32, #tpu.memory_space<hbm>>
      %dma_wait3A_62 = arith.constant 0 : i32
      %dma_wait3A_63 = tpu.memref_slice %arg5[%add3A_4, %dma_wait3A_62] : memref<51200x128xf32, #tpu.memory_space<hbm>> -> memref<400x128xf32, #tpu.memory_space<hbm>>
      tpu.wait_dma2 semaphore(%run_scoped3A : memref<!tpu.dma_semaphore, #tpu.memory_space<semaphore_mem>>) src(%arg7 : memref<400x128xf32, #tpu.memory_space<vmem>>) dst(%dma_wait3A_63 : memref<400x128xf32, #tpu.memory_space<hbm>>)
      tpu.yield
    }) : () -> ()
    %add3A_14 = arith.constant 400 : i32
    %add3A_15 = arith.addi %mul3A_2, %add3A_14 : i32
    "tpu.region"() ({
      %run_scoped3A = tpu.sem_alloc : memref<!tpu.dma_semaphore, #tpu.memory_space<semaphore_mem>>
      %dma_start3A_56 = tpu.memref_slice %arg2[%add3A_15] : memref<51200xi32, #tpu.memory_space<hbm>> -> memref<400xi32, #tpu.memory_space<hbm>>
      %dma_start3A_57 = tpu.memref_slice %arg2[%add3A_15] : memref<51200xi32, #tpu.memory_space<hbm>> -> memref<400xi32, #tpu.memory_space<hbm>>
      tpu.enqueue_dma source(%dma_start3A_57 : memref<400xi32, #tpu.memory_space<hbm>>) target(%arg6 : memref<400xi32, #tpu.memory_space<vmem>>) target_semaphore(%run_scoped3A : memref<!tpu.dma_semaphore, #tpu.memory_space<semaphore_mem>>)
      %dma_wait3A_58 = tpu.memref_slice %arg2[%add3A_15] : memref<51200xi32, #tpu.memory_space<hbm>> -> memref<400xi32, #tpu.memory_space<hbm>>
      %dma_wait3A_59 = tpu.memref_slice %arg2[%add3A_15] : memref<51200xi32, #tpu.memory_space<hbm>> -> memref<400xi32, #tpu.memory_space<hbm>>
      tpu.wait_dma2 semaphore(%run_scoped3A : memref<!tpu.dma_semaphore, #tpu.memory_space<semaphore_mem>>) src(%dma_wait3A_59 : memref<400xi32, #tpu.memory_space<hbm>>) dst(%arg6 : memref<400xi32, #tpu.memory_space<vmem>>)
      tpu.yield
    }) : () -> ()
    %dma_start3A_16 = arith.constant 0 : i32
    %dma_start3A_17 = arith.constant 0 : i32
    %dma_start3A_18 = tpu.memref_slice %arg3[%dma_start3A_16, %dma_start3A_17] : memref<100000x128xf32, #tpu.memory_space<hbm>> -> memref<100000x128xf32, #tpu.memory_space<hbm>>
    tpu.enqueue_indirect_dma source(%dma_start3A_18 : memref<100000x128xf32, #tpu.memory_space<hbm>>) target(%arg7 : memref<400x128xf32, #tpu.memory_space<vmem>>) offsets(%arg6 : memref<400xi32, #tpu.memory_space<vmem>>) semaphore(%arg9 : memref<!tpu.dma_semaphore, #tpu.memory_space<semaphore_mem>>)
    %dma_wait3A_19 = arith.constant 0 : i32
    %dma_wait3A_20 = arith.constant 0 : i32
    %dma_wait3A_21 = tpu.memref_slice %arg3[%dma_wait3A_19, %dma_wait3A_20] : memref<100000x128xf32, #tpu.memory_space<hbm>> -> memref<100000x128xf32, #tpu.memory_space<hbm>>
    tpu.wait_indirect_dma semaphore(%arg9 : memref<!tpu.dma_semaphore, #tpu.memory_space<semaphore_mem>>) src(%dma_wait3A_21 : memref<100000x128xf32, #tpu.memory_space<hbm>>) dst(%arg7 : memref<400x128xf32, #tpu.memory_space<vmem>>)
    %scan3A_22 = arith.constant 0 : i32
    %scan3A_23 = arith.constant 0 : i32
    %scan3A_24 = arith.constant 50 : i32
    %scan3A_25 = arith.addi %scan3A_23, %scan3A_24 : i32
    %scan3A_26 = arith.constant 1 : i32
    scf.for %scan3A_56 = %scan3A_23 to %scan3A_25 step %scan3A_26  : i32 {
      %get3A = arith.index_cast %scan3A_56 : i32 to index
      %get3A_57 = arith.constant 0 : index
      %get3A_58 = tpu.vector_load %arg8[%get3A, %get3A_57] {strides = array<i32>} : memref<50x128xf32, #tpu.memory_space<vmem>>, vector<1x16xf32>,
      %get3A_59 = vector.shape_cast %get3A_58 : vector<1x16xf32> to vector<16xf32>
      %get3A_60 = arith.index_cast %scan3A_56 : i32 to index
      %get3A_61 = arith.constant 16 : index
      %get3A_62 = tpu.vector_load %arg8[%get3A_60, %get3A_61] {strides = array<i32>} : memref<50x128xf32, #tpu.memory_space<vmem>>, vector<1x16xf32>,
      %get3A_63 = vector.shape_cast %get3A_62 : vector<1x16xf32> to vector<16xf32>
      %get3A_64 = arith.index_cast %scan3A_56 : i32 to index
      %get3A_65 = arith.constant 32 : index
      %get3A_66 = tpu.vector_load %arg8[%get3A_64, %get3A_65] {strides = array<i32>} : memref<50x128xf32, #tpu.memory_space<vmem>>, vector<1x16xf32>,
      %get3A_67 = vector.shape_cast %get3A_66 : vector<1x16xf32> to vector<16xf32>
      %get3A_68 = arith.index_cast %scan3A_56 : i32 to index
      %get3A_69 = arith.constant 48 : index
      %get3A_70 = tpu.vector_load %arg8[%get3A_68, %get3A_69] {strides = array<i32>} : memref<50x128xf32, #tpu.memory_space<vmem>>, vector<1x16xf32>,
      %get3A_71 = vector.shape_cast %get3A_70 : vector<1x16xf32> to vector<16xf32>
      %get3A_72 = arith.index_cast %scan3A_56 : i32 to index
      %get3A_73 = arith.constant 64 : index
      %get3A_74 = tpu.vector_load %arg8[%get3A_72, %get3A_73] {strides = array<i32>} : memref<50x128xf32, #tpu.memory_space<vmem>>, vector<1x16xf32>,
      %get3A_75 = vector.shape_cast %get3A_74 : vector<1x16xf32> to vector<16xf32>
      %get3A_76 = arith.index_cast %scan3A_56 : i32 to index
      %get3A_77 = arith.constant 80 : index
      %get3A_78 = tpu.vector_load %arg8[%get3A_76, %get3A_77] {strides = array<i32>} : memref<50x128xf32, #tpu.memory_space<vmem>>, vector<1x16xf32>,
      %get3A_79 = vector.shape_cast %get3A_78 : vector<1x16xf32> to vector<16xf32>
      %get3A_80 = arith.index_cast %scan3A_56 : i32 to index
      %get3A_81 = arith.constant 96 : index
      %get3A_82 = tpu.vector_load %arg8[%get3A_80, %get3A_81] {strides = array<i32>} : memref<50x128xf32, #tpu.memory_space<vmem>>, vector<1x16xf32>,
      %get3A_83 = vector.shape_cast %get3A_82 : vector<1x16xf32> to vector<16xf32>
      %get3A_84 = arith.index_cast %scan3A_56 : i32 to index
      %get3A_85 = arith.constant 112 : index
      %get3A_86 = tpu.vector_load %arg8[%get3A_84, %get3A_85] {strides = array<i32>} : memref<50x128xf32, #tpu.memory_space<vmem>>, vector<1x16xf32>,
      %get3A_87 = vector.shape_cast %get3A_86 : vector<1x16xf32> to vector<16xf32>
      %add3A_88 = arith.constant 0 : i32
      %add3A_89 = arith.addi %add3A_88, %scan3A_56 : i32
      %get3A_90 = arith.index_cast %add3A_89 : i32 to index
      %get3A_91 = arith.constant 0 : index
      %get3A_92 = tpu.vector_load %arg7[%get3A_90, %get3A_91] {strides = array<i32>} : memref<400x128xf32, #tpu.memory_space<vmem>>, vector<1x16xf32>,
      %get3A_93 = vector.shape_cast %get3A_92 : vector<1x16xf32> to vector<16xf32>
      %mul3A_94 = arith.constant 11.3137083 : f32
      %mul3A_95 = vector.broadcast %mul3A_94 : f32 to vector<16xf32>
      %mul3A_96 = arith.mulf %get3A_93, %mul3A_95 : vector<16xf32>
      %add3A_97 = arith.addf %mul3A_96, %get3A_59 : vector<16xf32>
      %swap3A = arith.index_cast %add3A_89 : i32 to index
      %swap3A_98 = arith.constant 0 : index
      %swap3A_99 = tpu.vector_load %arg7[%swap3A, %swap3A_98] {strides = array<i32>} : memref<400x128xf32, #tpu.memory_space<vmem>>, vector<1x16xf32>,
      %swap3A_100 = vector.shape_cast %swap3A_99 : vector<1x16xf32> to vector<16xf32>
      %swap3A_101 = vector.shape_cast %add3A_97 : vector<16xf32> to vector<1x16xf32>
      tpu.vector_store %arg7[%swap3A, %swap3A_98], %swap3A_101 {strides = array<i32>} : memref<400x128xf32, #tpu.memory_space<vmem>>, vector<1x16xf32>,
      %get3A_102 = arith.index_cast %add3A_89 : i32 to index
      %get3A_103 = arith.constant 16 : index
      %get3A_104 = tpu.vector_load %arg7[%get3A_102, %get3A_103] {strides = array<i32>} : memref<400x128xf32, #tpu.memory_space<vmem>>, vector<1x16xf32>,
      %get3A_105 = vector.shape_cast %get3A_104 : vector<1x16xf32> to vector<16xf32>
      %mul3A_106 = arith.constant 11.3137083 : f32
      %mul3A_107 = vector.broadcast %mul3A_106 : f32 to vector<16xf32>
      %mul3A_108 = arith.mulf %get3A_105, %mul3A_107 : vector<16xf32>
      %add3A_109 = arith.addf %mul3A_108, %get3A_63 : vector<16xf32>
      %swap3A_110 = arith.index_cast %add3A_89 : i32 to index
      %swap3A_111 = arith.constant 16 : index
      %swap3A_112 = tpu.vector_load %arg7[%swap3A_110, %swap3A_111] {strides = array<i32>} : memref<400x128xf32, #tpu.memory_space<vmem>>, vector<1x16xf32>,
      %swap3A_113 = vector.shape_cast %swap3A_112 : vector<1x16xf32> to vector<16xf32>
      %swap3A_114 = vector.shape_cast %add3A_109 : vector<16xf32> to vector<1x16xf32>
      tpu.vector_store %arg7[%swap3A_110, %swap3A_111], %swap3A_114 {strides = array<i32>} : memref<400x128xf32, #tpu.memory_space<vmem>>, vector<1x16xf32>,
      %get3A_115 = arith.index_cast %add3A_89 : i32 to index
      %get3A_116 = arith.constant 32 : index
      %get3A_117 = tpu.vector_load %arg7[%get3A_115, %get3A_116] {strides = array<i32>} : memref<400x128xf32, #tpu.memory_space<vmem>>, vector<1x16xf32>,
      %get3A_118 = vector.shape_cast %get3A_117 : vector<1x16xf32> to vector<16xf32>
      %mul3A_119 = arith.constant 11.3137083 : f32
      %mul3A_120 = vector.broadcast %mul3A_119 : f32 to vector<16xf32>
      %mul3A_121 = arith.mulf %get3A_118, %mul3A_120 : vector<16xf32>
      %add3A_122 = arith.addf %mul3A_121, %get3A_67 : vector<16xf32>
      %swap3A_123 = arith.index_cast %add3A_89 : i32 to index
      %swap3A_124 = arith.constant 32 : index
      %swap3A_125 = tpu.vector_load %arg7[%swap3A_123, %swap3A_124] {strides = array<i32>} : memref<400x128xf32, #tpu.memory_space<vmem>>, vector<1x16xf32>,
      %swap3A_126 = vector.shape_cast %swap3A_125 : vector<1x16xf32> to vector<16xf32>
      %swap3A_127 = vector.shape_cast %add3A_122 : vector<16xf32> to vector<1x16xf32>
      tpu.vector_store %arg7[%swap3A_123, %swap3A_124], %swap3A_127 {strides = array<i32>} : memref<400x128xf32, #tpu.memory_space<vmem>>, vector<1x16xf32>,
      %get3A_128 = arith.index_cast %add3A_89 : i32 to index
      %get3A_129 = arith.constant 48 : index
      %get3A_130 = tpu.vector_load %arg7[%get3A_128, %get3A_129] {strides = array<i32>} : memref<400x128xf32, #tpu.memory_space<vmem>>, vector<1x16xf32>,
      %get3A_131 = vector.shape_cast %get3A_130 : vector<1x16xf32> to vector<16xf32>
      %mul3A_132 = arith.constant 11.3137083 : f32
      %mul3A_133 = vector.broadcast %mul3A_132 : f32 to vector<16xf32>
      %mul3A_134 = arith.mulf %get3A_131, %mul3A_133 : vector<16xf32>
      %add3A_135 = arith.addf %mul3A_134, %get3A_71 : vector<16xf32>
      %swap3A_136 = arith.index_cast %add3A_89 : i32 to index
      %swap3A_137 = arith.constant 48 : index
      %swap3A_138 = tpu.vector_load %arg7[%swap3A_136, %swap3A_137] {strides = array<i32>} : memref<400x128xf32, #tpu.memory_space<vmem>>, vector<1x16xf32>,
      %swap3A_139 = vector.shape_cast %swap3A_138 : vector<1x16xf32> to vector<16xf32>
      %swap3A_140 = vector.shape_cast %add3A_135 : vector<16xf32> to vector<1x16xf32>
      tpu.vector_store %arg7[%swap3A_136, %swap3A_137], %swap3A_140 {strides = array<i32>} : memref<400x128xf32, #tpu.memory_space<vmem>>, vector<1x16xf32>,
      %get3A_141 = arith.index_cast %add3A_89 : i32 to index
      %get3A_142 = arith.constant 64 : index
      %get3A_143 = tpu.vector_load %arg7[%get3A_141, %get3A_142] {strides = array<i32>} : memref<400x128xf32, #tpu.memory_space<vmem>>, vector<1x16xf32>,
      %get3A_144 = vector.shape_cast %get3A_143 : vector<1x16xf32> to vector<16xf32>
      %mul3A_145 = arith.constant 11.3137083 : f32
      %mul3A_146 = vector.broadcast %mul3A_145 : f32 to vector<16xf32>
      %mul3A_147 = arith.mulf %get3A_144, %mul3A_146 : vector<16xf32>
      %add3A_148 = arith.addf %mul3A_147, %get3A_75 : vector<16xf32>
      %swap3A_149 = arith.index_cast %add3A_89 : i32 to index
      %swap3A_150 = arith.constant 64 : index
      %swap3A_151 = tpu.vector_load %arg7[%swap3A_149, %swap3A_150] {strides = array<i32>} : memref<400x128xf32, #tpu.memory_space<vmem>>, vector<1x16xf32>,
      %swap3A_152 = vector.shape_cast %swap3A_151 : vector<1x16xf32> to vector<16xf32>
      %swap3A_153 = vector.shape_cast %add3A_148 : vector<16xf32> to vector<1x16xf32>
      tpu.vector_store %arg7[%swap3A_149, %swap3A_150], %swap3A_153 {strides = array<i32>} : memref<400x128xf32, #tpu.memory_space<vmem>>, vector<1x16xf32>,
      %get3A_154 = arith.index_cast %add3A_89 : i32 to index
      %get3A_155 = arith.constant 80 : index
      %get3A_156 = tpu.vector_load %arg7[%get3A_154, %get3A_155] {strides = array<i32>} : memref<400x128xf32, #tpu.memory_space<vmem>>, vector<1x16xf32>,
      %get3A_157 = vector.shape_cast %get3A_156 : vector<1x16xf32> to vector<16xf32>
      %mul3A_158 = arith.constant 11.3137083 : f32
      %mul3A_159 = vector.broadcast %mul3A_158 : f32 to vector<16xf32>
      %mul3A_160 = arith.mulf %get3A_157, %mul3A_159 : vector<16xf32>
      %add3A_161 = arith.addf %mul3A_160, %get3A_79 : vector<16xf32>
      %swap3A_162 = arith.index_cast %add3A_89 : i32 to index
      %swap3A_163 = arith.constant 80 : index
      %swap3A_164 = tpu.vector_load %arg7[%swap3A_162, %swap3A_163] {strides = array<i32>} : memref<400x128xf32, #tpu.memory_space<vmem>>, vector<1x16xf32>,
      %swap3A_165 = vector.shape_cast %swap3A_164 : vector<1x16xf32> to vector<16xf32>
      %swap3A_166 = vector.shape_cast %add3A_161 : vector<16xf32> to vector<1x16xf32>
      tpu.vector_store %arg7[%swap3A_162, %swap3A_163], %swap3A_166 {strides = array<i32>} : memref<400x128xf32, #tpu.memory_space<vmem>>, vector<1x16xf32>,
      %get3A_167 = arith.index_cast %add3A_89 : i32 to index
      %get3A_168 = arith.constant 96 : index
      %get3A_169 = tpu.vector_load %arg7[%get3A_167, %get3A_168] {strides = array<i32>} : memref<400x128xf32, #tpu.memory_space<vmem>>, vector<1x16xf32>,
      %get3A_170 = vector.shape_cast %get3A_169 : vector<1x16xf32> to vector<16xf32>
      %mul3A_171 = arith.constant 11.3137083 : f32
      %mul3A_172 = vector.broadcast %mul3A_171 : f32 to vector<16xf32>
      %mul3A_173 = arith.mulf %get3A_170, %mul3A_172 : vector<16xf32>
      %add3A_174 = arith.addf %mul3A_173, %get3A_83 : vector<16xf32>
      %swap3A_175 = arith.index_cast %add3A_89 : i32 to index
      %swap3A_176 = arith.constant 96 : index
      %swap3A_177 = tpu.vector_load %arg7[%swap3A_175, %swap3A_176] {strides = array<i32>} : memref<400x128xf32, #tpu.memory_space<vmem>>, vector<1x16xf32>,
      %swap3A_178 = vector.shape_cast %swap3A_177 : vector<1x16xf32> to vector<16xf32>
      %swap3A_179 = vector.shape_cast %add3A_174 : vector<16xf32> to vector<1x16xf32>
      tpu.vector_store %arg7[%swap3A_175, %swap3A_176], %swap3A_179 {strides = array<i32>} : memref<400x128xf32, #tpu.memory_space<vmem>>, vector<1x16xf32>,
      %get3A_180 = arith.index_cast %add3A_89 : i32 to index
      %get3A_181 = arith.constant 112 : index
      %get3A_182 = tpu.vector_load %arg7[%get3A_180, %get3A_181] {strides = array<i32>} : memref<400x128xf32, #tpu.memory_space<vmem>>, vector<1x16xf32>,
      %get3A_183 = vector.shape_cast %get3A_182 : vector<1x16xf32> to vector<16xf32>
      %mul3A_184 = arith.constant 11.3137083 : f32
      %mul3A_185 = vector.broadcast %mul3A_184 : f32 to vector<16xf32>
      %mul3A_186 = arith.mulf %get3A_183, %mul3A_185 : vector<16xf32>
      %add3A_187 = arith.addf %mul3A_186, %get3A_87 : vector<16xf32>
      %swap3A_188 = arith.index_cast %add3A_89 : i32 to index
      %swap3A_189 = arith.constant 112 : index
      %swap3A_190 = tpu.vector_load %arg7[%swap3A_188, %swap3A_189] {strides = array<i32>} : memref<400x128xf32, #tpu.memory_space<vmem>>, vector<1x16xf32>,
      %swap3A_191 = vector.shape_cast %swap3A_190 : vector<1x16xf32> to vector<16xf32>
      %swap3A_192 = vector.shape_cast %add3A_187 : vector<16xf32> to vector<1x16xf32>
      tpu.vector_store %arg7[%swap3A_188, %swap3A_189], %swap3A_192 {strides = array<i32>} : memref<400x128xf32, #tpu.memory_space<vmem>>, vector<1x16xf32>,
      %add3A_193 = arith.constant 50 : i32
      %add3A_194 = arith.addi %add3A_193, %scan3A_56 : i32
      %get3A_195 = arith.index_cast %add3A_194 : i32 to index
      %get3A_196 = arith.constant 0 : index
      %get3A_197 = tpu.vector_load %arg7[%get3A_195, %get3A_196] {strides = array<i32>} : memref<400x128xf32, #tpu.memory_space<vmem>>, vector<1x16xf32>,
      %get3A_198 = vector.shape_cast %get3A_197 : vector<1x16xf32> to vector<16xf32>
      %mul3A_199 = arith.constant 11.3137083 : f32
      %mul3A_200 = vector.broadcast %mul3A_199 : f32 to vector<16xf32>
      %mul3A_201 = arith.mulf %get3A_198, %mul3A_200 : vector<16xf32>
      %add3A_202 = arith.addf %mul3A_201, %get3A_59 : vector<16xf32>
      %swap3A_203 = arith.index_cast %add3A_194 : i32 to index
      %swap3A_204 = arith.constant 0 : index
      %swap3A_205 = tpu.vector_load %arg7[%swap3A_203, %swap3A_204] {strides = array<i32>} : memref<400x128xf32, #tpu.memory_space<vmem>>, vector<1x16xf32>,
      %swap3A_206 = vector.shape_cast %swap3A_205 : vector<1x16xf32> to vector<16xf32>
      %swap3A_207 = vector.shape_cast %add3A_202 : vector<16xf32> to vector<1x16xf32>
      tpu.vector_store %arg7[%swap3A_203, %swap3A_204], %swap3A_207 {strides = array<i32>} : memref<400x128xf32, #tpu.memory_space<vmem>>, vector<1x16xf32>,
      %get3A_208 = arith.index_cast %add3A_194 : i32 to index
      %get3A_209 = arith.constant 16 : index
      %get3A_210 = tpu.vector_load %arg7[%get3A_208, %get3A_209] {strides = array<i32>} : memref<400x128xf32, #tpu.memory_space<vmem>>, vector<1x16xf32>,
      %get3A_211 = vector.shape_cast %get3A_210 : vector<1x16xf32> to vector<16xf32>
      %mul3A_212 = arith.constant 11.3137083 : f32
      %mul3A_213 = vector.broadcast %mul3A_212 : f32 to vector<16xf32>
      %mul3A_214 = arith.mulf %get3A_211, %mul3A_213 : vector<16xf32>
      %add3A_215 = arith.addf %mul3A_214, %get3A_63 : vector<16xf32>
      %swap3A_216 = arith.index_cast %add3A_194 : i32 to index
      %swap3A_217 = arith.constant 16 : index
      %swap3A_218 = tpu.vector_load %arg7[%swap3A_216, %swap3A_217] {strides = array<i32>} : memref<400x128xf32, #tpu.memory_space<vmem>>, vector<1x16xf32>,
      %swap3A_219 = vector.shape_cast %swap3A_218 : vector<1x16xf32> to vector<16xf32>
      %swap3A_220 = vector.shape_cast %add3A_215 : vector<16xf32> to vector<1x16xf32>
      tpu.vector_store %arg7[%swap3A_216, %swap3A_217], %swap3A_220 {strides = array<i32>} : memref<400x128xf32, #tpu.memory_space<vmem>>, vector<1x16xf32>,
      %get3A_221 = arith.index_cast %add3A_194 : i32 to index
      %get3A_222 = arith.constant 32 : index
      %get3A_223 = tpu.vector_load %arg7[%get3A_221, %get3A_222] {strides = array<i32>} : memref<400x128xf32, #tpu.memory_space<vmem>>, vector<1x16xf32>,
      %get3A_224 = vector.shape_cast %get3A_223 : vector<1x16xf32> to vector<16xf32>
      %mul3A_225 = arith.constant 11.3137083 : f32
      %mul3A_226 = vector.broadcast %mul3A_225 : f32 to vector<16xf32>
      %mul3A_227 = arith.mulf %get3A_224, %mul3A_226 : vector<16xf32>
      %add3A_228 = arith.addf %mul3A_227, %get3A_67 : vector<16xf32>
      %swap3A_229 = arith.index_cast %add3A_194 : i32 to index
      %swap3A_230 = arith.constant 32 : index
      %swap3A_231 = tpu.vector_load %arg7[%swap3A_229, %swap3A_230] {strides = array<i32>} : memref<400x128xf32, #tpu.memory_space<vmem>>, vector<1x16xf32>,
      %swap3A_232 = vector.shape_cast %swap3A_231 : vector<1x16xf32> to vector<16xf32>
      %swap3A_233 = vector.shape_cast %add3A_228 : vector<16xf32> to vector<1x16xf32>
      tpu.vector_store %arg7[%swap3A_229, %swap3A_230], %swap3A_233 {strides = array<i32>} : memref<400x128xf32, #tpu.memory_space<vmem>>, vector<1x16xf32>,
      %get3A_234 = arith.index_cast %add3A_194 : i32 to index
      %get3A_235 = arith.constant 48 : index
      %get3A_236 = tpu.vector_load %arg7[%get3A_234, %get3A_235] {strides = array<i32>} : memref<400x128xf32, #tpu.memory_space<vmem>>, vector<1x16xf32>,
      %get3A_237 = vector.shape_cast %get3A_236 : vector<1x16xf32> to vector<16xf32>
      %mul3A_238 = arith.constant 11.3137083 : f32
      %mul3A_239 = vector.broadcast %mul3A_238 : f32 to vector<16xf32>
      %mul3A_240 = arith.mulf %get3A_237, %mul3A_239 : vector<16xf32>
      %add3A_241 = arith.addf %mul3A_240, %get3A_71 : vector<16xf32>
      %swap3A_242 = arith.index_cast %add3A_194 : i32 to index
      %swap3A_243 = arith.constant 48 : index
      %swap3A_244 = tpu.vector_load %arg7[%swap3A_242, %swap3A_243] {strides = array<i32>} : memref<400x128xf32, #tpu.memory_space<vmem>>, vector<1x16xf32>,
      %swap3A_245 = vector.shape_cast %swap3A_244 : vector<1x16xf32> to vector<16xf32>
      %swap3A_246 = vector.shape_cast %add3A_241 : vector<16xf32> to vector<1x16xf32>
      tpu.vector_store %arg7[%swap3A_242, %swap3A_243], %swap3A_246 {strides = array<i32>} : memref<400x128xf32, #tpu.memory_space<vmem>>, vector<1x16xf32>,
      %get3A_247 = arith.index_cast %add3A_194 : i32 to index
      %get3A_248 = arith.constant 64 : index
      %get3A_249 = tpu.vector_load %arg7[%get3A_247, %get3A_248] {strides = array<i32>} : memref<400x128xf32, #tpu.memory_space<vmem>>, vector<1x16xf32>,
      %get3A_250 = vector.shape_cast %get3A_249 : vector<1x16xf32> to vector<16xf32>
      %mul3A_251 = arith.constant 11.3137083 : f32
      %mul3A_252 = vector.broadcast %mul3A_251 : f32 to vector<16xf32>
      %mul3A_253 = arith.mulf %get3A_250, %mul3A_252 : vector<16xf32>
      %add3A_254 = arith.addf %mul3A_253, %get3A_75 : vector<16xf32>
      %swap3A_255 = arith.index_cast %add3A_194 : i32 to index
      %swap3A_256 = arith.constant 64 : index
      %swap3A_257 = tpu.vector_load %arg7[%swap3A_255, %swap3A_256] {strides = array<i32>} : memref<400x128xf32, #tpu.memory_space<vmem>>, vector<1x16xf32>,
      %swap3A_258 = vector.shape_cast %swap3A_257 : vector<1x16xf32> to vector<16xf32>
      %swap3A_259 = vector.shape_cast %add3A_254 : vector<16xf32> to vector<1x16xf32>
      tpu.vector_store %arg7[%swap3A_255, %swap3A_256], %swap3A_259 {strides = array<i32>} : memref<400x128xf32, #tpu.memory_space<vmem>>, vector<1x16xf32>,
      %get3A_260 = arith.index_cast %add3A_194 : i32 to index
      %get3A_261 = arith.constant 80 : index
      %get3A_262 = tpu.vector_load %arg7[%get3A_260, %get3A_261] {strides = array<i32>} : memref<400x128xf32, #tpu.memory_space<vmem>>, vector<1x16xf32>,
      %get3A_263 = vector.shape_cast %get3A_262 : vector<1x16xf32> to vector<16xf32>
      %mul3A_264 = arith.constant 11.3137083 : f32
      %mul3A_265 = vector.broadcast %mul3A_264 : f32 to vector<16xf32>
      %mul3A_266 = arith.mulf %get3A_263, %mul3A_265 : vector<16xf32>
      %add3A_267 = arith.addf %mul3A_266, %get3A_79 : vector<16xf32>
      %swap3A_268 = arith.index_cast %add3A_194 : i32 to index
      %swap3A_269 = arith.constant 80 : index
      %swap3A_270 = tpu.vector_load %arg7[%swap3A_268, %swap3A_269] {strides = array<i32>} : memref<400x128xf32, #tpu.memory_space<vmem>>, vector<1x16xf32>,
      %swap3A_271 = vector.shape_cast %swap3A_270 : vector<1x16xf32> to vector<16xf32>
      %swap3A_272 = vector.shape_cast %add3A_267 : vector<16xf32> to vector<1x16xf32>
      tpu.vector_store %arg7[%swap3A_268, %swap3A_269], %swap3A_272 {strides = array<i32>} : memref<400x128xf32, #tpu.memory_space<vmem>>, vector<1x16xf32>,
      %get3A_273 = arith.index_cast %add3A_194 : i32 to index
      %get3A_274 = arith.constant 96 : index
      %get3A_275 = tpu.vector_load %arg7[%get3A_273, %get3A_274] {strides = array<i32>} : memref<400x128xf32, #tpu.memory_space<vmem>>, vector<1x16xf32>,
      %get3A_276 = vector.shape_cast %get3A_275 : vector<1x16xf32> to vector<16xf32>
      %mul3A_277 = arith.constant 11.3137083 : f32
      %mul3A_278 = vector.broadcast %mul3A_277 : f32 to vector<16xf32>
      %mul3A_279 = arith.mulf %get3A_276, %mul3A_278 : vector<16xf32>
      %add3A_280 = arith.addf %mul3A_279, %get3A_83 : vector<16xf32>
      %swap3A_281 = arith.index_cast %add3A_194 : i32 to index
      %swap3A_282 = arith.constant 96 : index
      %swap3A_283 = tpu.vector_load %arg7[%swap3A_281, %swap3A_282] {strides = array<i32>} : memref<400x128xf32, #tpu.memory_space<vmem>>, vector<1x16xf32>,
      %swap3A_284 = vector.shape_cast %swap3A_283 : vector<1x16xf32> to vector<16xf32>
      %swap3A_285 = vector.shape_cast %add3A_280 : vector<16xf32> to vector<1x16xf32>
      tpu.vector_store %arg7[%swap3A_281, %swap3A_282], %swap3A_285 {strides = array<i32>} : memref<400x128xf32, #tpu.memory_space<vmem>>, vector<1x16xf32>,
      %get3A_286 = arith.index_cast %add3A_194 : i32 to index
      %get3A_287 = arith.constant 112 : index
      %get3A_288 = tpu.vector_load %arg7[%get3A_286, %get3A_287] {strides = array<i32>} : memref<400x128xf32, #tpu.memory_space<vmem>>, vector<1x16xf32>,
      %get3A_289 = vector.shape_cast %get3A_288 : vector<1x16xf32> to vector<16xf32>
      %mul3A_290 = arith.constant 11.3137083 : f32
      %mul3A_291 = vector.broadcast %mul3A_290 : f32 to vector<16xf32>
      %mul3A_292 = arith.mulf %get3A_289, %mul3A_291 : vector<16xf32>
      %add3A_293 = arith.addf %mul3A_292, %get3A_87 : vector<16xf32>
      %swap3A_294 = arith.index_cast %add3A_194 : i32 to index
      %swap3A_295 = arith.constant 112 : index
      %swap3A_296 = tpu.vector_load %arg7[%swap3A_294, %swap3A_295] {strides = array<i32>} : memref<400x128xf32, #tpu.memory_space<vmem>>, vector<1x16xf32>,
      %swap3A_297 = vector.shape_cast %swap3A_296 : vector<1x16xf32> to vector<16xf32>
      %swap3A_298 = vector.shape_cast %add3A_293 : vector<16xf32> to vector<1x16xf32>
      tpu.vector_store %arg7[%swap3A_294, %swap3A_295], %swap3A_298 {strides = array<i32>} : memref<400x128xf32, #tpu.memory_space<vmem>>, vector<1x16xf32>,
      %add3A_299 = arith.constant 100 : i32
      %add3A_300 = arith.addi %add3A_299, %scan3A_56 : i32
      %get3A_301 = arith.index_cast %add3A_300 : i32 to index
      %get3A_302 = arith.constant 0 : index
      %get3A_303 = tpu.vector_load %arg7[%get3A_301, %get3A_302] {strides = array<i32>} : memref<400x128xf32, #tpu.memory_space<vmem>>, vector<1x16xf32>,
      %get3A_304 = vector.shape_cast %get3A_303 : vector<1x16xf32> to vector<16xf32>
      %mul3A_305 = arith.constant 11.3137083 : f32
      %mul3A_306 = vector.broadcast %mul3A_305 : f32 to vector<16xf32>
      %mul3A_307 = arith.mulf %get3A_304, %mul3A_306 : vector<16xf32>
      %add3A_308 = arith.addf %mul3A_307, %get3A_59 : vector<16xf32>
      %swap3A_309 = arith.index_cast %add3A_300 : i32 to index
      %swap3A_310 = arith.constant 0 : index
      %swap3A_311 = tpu.vector_load %arg7[%swap3A_309, %swap3A_310] {strides = array<i32>} : memref<400x128xf32, #tpu.memory_space<vmem>>, vector<1x16xf32>,
      %swap3A_312 = vector.shape_cast %swap3A_311 : vector<1x16xf32> to vector<16xf32>
      %swap3A_313 = vector.shape_cast %add3A_308 : vector<16xf32> to vector<1x16xf32>
      tpu.vector_store %arg7[%swap3A_309, %swap3A_310], %swap3A_313 {strides = array<i32>} : memref<400x128xf32, #tpu.memory_space<vmem>>, vector<1x16xf32>,
      %get3A_314 = arith.index_cast %add3A_300 : i32 to index
      %get3A_315 = arith.constant 16 : index
      %get3A_316 = tpu.vector_load %arg7[%get3A_314, %get3A_315] {strides = array<i32>} : memref<400x128xf32, #tpu.memory_space<vmem>>, vector<1x16xf32>,
      %get3A_317 = vector.shape_cast %get3A_316 : vector<1x16xf32> to vector<16xf32>
      %mul3A_318 = arith.constant 11.3137083 : f32
      %mul3A_319 = vector.broadcast %mul3A_318 : f32 to vector<16xf32>
      %mul3A_320 = arith.mulf %get3A_317, %mul3A_319 : vector<16xf32>
      %add3A_321 = arith.addf %mul3A_320, %get3A_63 : vector<16xf32>
      %swap3A_322 = arith.index_cast %add3A_300 : i32 to index
      %swap3A_323 = arith.constant 16 : index
      %swap3A_324 = tpu.vector_load %arg7[%swap3A_322, %swap3A_323] {strides = array<i32>} : memref<400x128xf32, #tpu.memory_space<vmem>>, vector<1x16xf32>,
      %swap3A_325 = vector.shape_cast %swap3A_324 : vector<1x16xf32> to vector<16xf32>
      %swap3A_326 = vector.shape_cast %add3A_321 : vector<16xf32> to vector<1x16xf32>
      tpu.vector_store %arg7[%swap3A_322, %swap3A_323], %swap3A_326 {strides = array<i32>} : memref<400x128xf32, #tpu.memory_space<vmem>>, vector<1x16xf32>,
      %get3A_327 = arith.index_cast %add3A_300 : i32 to index
      %get3A_328 = arith.constant 32 : index
      %get3A_329 = tpu.vector_load %arg7[%get3A_327, %get3A_328] {strides = array<i32>} : memref<400x128xf32, #tpu.memory_space<vmem>>, vector<1x16xf32>,
      %get3A_330 = vector.shape_cast %get3A_329 : vector<1x16xf32> to vector<16xf32>
      %mul3A_331 = arith.constant 11.3137083 : f32
      %mul3A_332 = vector.broadcast %mul3A_331 : f32 to vector<16xf32>
      %mul3A_333 = arith.mulf %get3A_330, %mul3A_332 : vector<16xf32>
      %add3A_334 = arith.addf %mul3A_333, %get3A_67 : vector<16xf32>
      %swap3A_335 = arith.index_cast %add3A_300 : i32 to index
      %swap3A_336 = arith.constant 32 : index
      %swap3A_337 = tpu.vector_load %arg7[%swap3A_335, %swap3A_336] {strides = array<i32>} : memref<400x128xf32, #tpu.memory_space<vmem>>, vector<1x16xf32>,
      %swap3A_338 = vector.shape_cast %swap3A_337 : vector<1x16xf32> to vector<16xf32>
      %swap3A_339 = vector.shape_cast %add3A_334 : vector<16xf32> to vector<1x16xf32>
      tpu.vector_store %arg7[%swap3A_335, %swap3A_336], %swap3A_339 {strides = array<i32>} : memref<400x128xf32, #tpu.memory_space<vmem>>, vector<1x16xf32>,
      %get3A_340 = arith.index_cast %add3A_300 : i32 to index
      %get3A_341 = arith.constant 48 : index
      %get3A_342 = tpu.vector_load %arg7[%get3A_340, %get3A_341] {strides = array<i32>} : memref<400x128xf32, #tpu.memory_space<vmem>>, vector<1x16xf32>,
      %get3A_343 = vector.shape_cast %get3A_342 : vector<1x16xf32> to vector<16xf32>
      %mul3A_344 = arith.constant 11.3137083 : f32
      %mul3A_345 = vector.broadcast %mul3A_344 : f32 to vector<16xf32>
      %mul3A_346 = arith.mulf %get3A_343, %mul3A_345 : vector<16xf32>
      %add3A_347 = arith.addf %mul3A_346, %get3A_71 : vector<16xf32>
      %swap3A_348 = arith.index_cast %add3A_300 : i32 to index
      %swap3A_349 = arith.constant 48 : index
      %swap3A_350 = tpu.vector_load %arg7[%swap3A_348, %swap3A_349] {strides = array<i32>} : memref<400x128xf32, #tpu.memory_space<vmem>>, vector<1x16xf32>,
      %swap3A_351 = vector.shape_cast %swap3A_350 : vector<1x16xf32> to vector<16xf32>
      %swap3A_352 = vector.shape_cast %add3A_347 : vector<16xf32> to vector<1x16xf32>
      tpu.vector_store %arg7[%swap3A_348, %swap3A_349], %swap3A_352 {strides = array<i32>} : memref<400x128xf32, #tpu.memory_space<vmem>>, vector<1x16xf32>,
      %get3A_353 = arith.index_cast %add3A_300 : i32 to index
      %get3A_354 = arith.constant 64 : index
      %get3A_355 = tpu.vector_load %arg7[%get3A_353, %get3A_354] {strides = array<i32>} : memref<400x128xf32, #tpu.memory_space<vmem>>, vector<1x16xf32>,
      %get3A_356 = vector.shape_cast %get3A_355 : vector<1x16xf32> to vector<16xf32>
      %mul3A_357 = arith.constant 11.3137083 : f32
      %mul3A_358 = vector.broadcast %mul3A_357 : f32 to vector<16xf32>
      %mul3A_359 = arith.mulf %get3A_356, %mul3A_358 : vector<16xf32>
      %add3A_360 = arith.addf %mul3A_359, %get3A_75 : vector<16xf32>
      %swap3A_361 = arith.index_cast %add3A_300 : i32 to index
      %swap3A_362 = arith.constant 64 : index
      %swap3A_363 = tpu.vector_load %arg7[%swap3A_361, %swap3A_362] {strides = array<i32>} : memref<400x128xf32, #tpu.memory_space<vmem>>, vector<1x16xf32>,
      %swap3A_364 = vector.shape_cast %swap3A_363 : vector<1x16xf32> to vector<16xf32>
      %swap3A_365 = vector.shape_cast %add3A_360 : vector<16xf32> to vector<1x16xf32>
      tpu.vector_store %arg7[%swap3A_361, %swap3A_362], %swap3A_365 {strides = array<i32>} : memref<400x128xf32, #tpu.memory_space<vmem>>, vector<1x16xf32>,
      %get3A_366 = arith.index_cast %add3A_300 : i32 to index
      %get3A_367 = arith.constant 80 : index
      %get3A_368 = tpu.vector_load %arg7[%get3A_366, %get3A_367] {strides = array<i32>} : memref<400x128xf32, #tpu.memory_space<vmem>>, vector<1x16xf32>,
      %get3A_369 = vector.shape_cast %get3A_368 : vector<1x16xf32> to vector<16xf32>
      %mul3A_370 = arith.constant 11.3137083 : f32
      %mul3A_371 = vector.broadcast %mul3A_370 : f32 to vector<16xf32>
      %mul3A_372 = arith.mulf %get3A_369, %mul3A_371 : vector<16xf32>
      %add3A_373 = arith.addf %mul3A_372, %get3A_79 : vector<16xf32>
      %swap3A_374 = arith.index_cast %add3A_300 : i32 to index
      %swap3A_375 = arith.constant 80 : index
      %swap3A_376 = tpu.vector_load %arg7[%swap3A_374, %swap3A_375] {strides = array<i32>} : memref<400x128xf32, #tpu.memory_space<vmem>>, vector<1x16xf32>,
      %swap3A_377 = vector.shape_cast %swap3A_376 : vector<1x16xf32> to vector<16xf32>
      %swap3A_378 = vector.shape_cast %add3A_373 : vector<16xf32> to vector<1x16xf32>
      tpu.vector_store %arg7[%swap3A_374, %swap3A_375], %swap3A_378 {strides = array<i32>} : memref<400x128xf32, #tpu.memory_space<vmem>>, vector<1x16xf32>,
      %get3A_379 = arith.index_cast %add3A_300 : i32 to index
      %get3A_380 = arith.constant 96 : index
      %get3A_381 = tpu.vector_load %arg7[%get3A_379, %get3A_380] {strides = array<i32>} : memref<400x128xf32, #tpu.memory_space<vmem>>, vector<1x16xf32>,
      %get3A_382 = vector.shape_cast %get3A_381 : vector<1x16xf32> to vector<16xf32>
      %mul3A_383 = arith.constant 11.3137083 : f32
      %mul3A_384 = vector.broadcast %mul3A_383 : f32 to vector<16xf32>
      %mul3A_385 = arith.mulf %get3A_382, %mul3A_384 : vector<16xf32>
      %add3A_386 = arith.addf %mul3A_385, %get3A_83 : vector<16xf32>
      %swap3A_387 = arith.index_cast %add3A_300 : i32 to index
      %swap3A_388 = arith.constant 96 : index
      %swap3A_389 = tpu.vector_load %arg7[%swap3A_387, %swap3A_388] {strides = array<i32>} : memref<400x128xf32, #tpu.memory_space<vmem>>, vector<1x16xf32>,
      %swap3A_390 = vector.shape_cast %swap3A_389 : vector<1x16xf32> to vector<16xf32>
      %swap3A_391 = vector.shape_cast %add3A_386 : vector<16xf32> to vector<1x16xf32>
      tpu.vector_store %arg7[%swap3A_387, %swap3A_388], %swap3A_391 {strides = array<i32>} : memref<400x128xf32, #tpu.memory_space<vmem>>, vector<1x16xf32>,
      %get3A_392 = arith.index_cast %add3A_300 : i32 to index
      %get3A_393 = arith.constant 112 : index
      %get3A_394 = tpu.vector_load %arg7[%get3A_392, %get3A_393] {strides = array<i32>} : memref<400x128xf32, #tpu.memory_space<vmem>>, vector<1x16xf32>,
      %get3A_395 = vector.shape_cast %get3A_394 : vector<1x16xf32> to vector<16xf32>
      %mul3A_396 = arith.constant 11.3137083 : f32
      %mul3A_397 = vector.broadcast %mul3A_396 : f32 to vector<16xf32>
      %mul3A_398 = arith.mulf %get3A_395, %mul3A_397 : vector<16xf32>
      %add3A_399 = arith.addf %mul3A_398, %get3A_87 : vector<16xf32>
      %swap3A_400 = arith.index_cast %add3A_300 : i32 to index
      %swap3A_401 = arith.constant 112 : index
      %swap3A_402 = tpu.vector_load %arg7[%swap3A_400, %swap3A_401] {strides = array<i32>} : memref<400x128xf32, #tpu.memory_space<vmem>>, vector<1x16xf32>,
      %swap3A_403 = vector.shape_cast %swap3A_402 : vector<1x16xf32> to vector<16xf32>
      %swap3A_404 = vector.shape_cast %add3A_399 : vector<16xf32> to vector<1x16xf32>
      tpu.vector_store %arg7[%swap3A_400, %swap3A_401], %swap3A_404 {strides = array<i32>} : memref<400x128xf32, #tpu.memory_space<vmem>>, vector<1x16xf32>,
      %add3A_405 = arith.constant 150 : i32
      %add3A_406 = arith.addi %add3A_405, %scan3A_56 : i32
      %get3A_407 = arith.index_cast %add3A_406 : i32 to index
      %get3A_408 = arith.constant 0 : index
      %get3A_409 = tpu.vector_load %arg7[%get3A_407, %get3A_408] {strides = array<i32>} : memref<400x128xf32, #tpu.memory_space<vmem>>, vector<1x16xf32>,
      %get3A_410 = vector.shape_cast %get3A_409 : vector<1x16xf32> to vector<16xf32>
      %mul3A_411 = arith.constant 11.3137083 : f32
      %mul3A_412 = vector.broadcast %mul3A_411 : f32 to vector<16xf32>
      %mul3A_413 = arith.mulf %get3A_410, %mul3A_412 : vector<16xf32>
      %add3A_414 = arith.addf %mul3A_413, %get3A_59 : vector<16xf32>
      %swap3A_415 = arith.index_cast %add3A_406 : i32 to index
      %swap3A_416 = arith.constant 0 : index
      %swap3A_417 = tpu.vector_load %arg7[%swap3A_415, %swap3A_416] {strides = array<i32>} : memref<400x128xf32, #tpu.memory_space<vmem>>, vector<1x16xf32>,
      %swap3A_418 = vector.shape_cast %swap3A_417 : vector<1x16xf32> to vector<16xf32>
      %swap3A_419 = vector.shape_cast %add3A_414 : vector<16xf32> to vector<1x16xf32>
      tpu.vector_store %arg7[%swap3A_415, %swap3A_416], %swap3A_419 {strides = array<i32>} : memref<400x128xf32, #tpu.memory_space<vmem>>, vector<1x16xf32>,
      %get3A_420 = arith.index_cast %add3A_406 : i32 to index
      %get3A_421 = arith.constant 16 : index
      %get3A_422 = tpu.vector_load %arg7[%get3A_420, %get3A_421] {strides = array<i32>} : memref<400x128xf32, #tpu.memory_space<vmem>>, vector<1x16xf32>,
      %get3A_423 = vector.shape_cast %get3A_422 : vector<1x16xf32> to vector<16xf32>
      %mul3A_424 = arith.constant 11.3137083 : f32
      %mul3A_425 = vector.broadcast %mul3A_424 : f32 to vector<16xf32>
      %mul3A_426 = arith.mulf %get3A_423, %mul3A_425 : vector<16xf32>
      %add3A_427 = arith.addf %mul3A_426, %get3A_63 : vector<16xf32>
      %swap3A_428 = arith.index_cast %add3A_406 : i32 to index
      %swap3A_429 = arith.constant 16 : index
      %swap3A_430 = tpu.vector_load %arg7[%swap3A_428, %swap3A_429] {strides = array<i32>} : memref<400x128xf32, #tpu.memory_space<vmem>>, vector<1x16xf32>,
      %swap3A_431 = vector.shape_cast %swap3A_430 : vector<1x16xf32> to vector<16xf32>
      %swap3A_432 = vector.shape_cast %add3A_427 : vector<16xf32> to vector<1x16xf32>
      tpu.vector_store %arg7[%swap3A_428, %swap3A_429], %swap3A_432 {strides = array<i32>} : memref<400x128xf32, #tpu.memory_space<vmem>>, vector<1x16xf32>,
      %get3A_433 = arith.index_cast %add3A_406 : i32 to index
      %get3A_434 = arith.constant 32 : index
      %get3A_435 = tpu.vector_load %arg7[%get3A_433, %get3A_434] {strides = array<i32>} : memref<400x128xf32, #tpu.memory_space<vmem>>, vector<1x16xf32>,
      %get3A_436 = vector.shape_cast %get3A_435 : vector<1x16xf32> to vector<16xf32>
      %mul3A_437 = arith.constant 11.3137083 : f32
      %mul3A_438 = vector.broadcast %mul3A_437 : f32 to vector<16xf32>
      %mul3A_439 = arith.mulf %get3A_436, %mul3A_438 : vector<16xf32>
      %add3A_440 = arith.addf %mul3A_439, %get3A_67 : vector<16xf32>
      %swap3A_441 = arith.index_cast %add3A_406 : i32 to index
      %swap3A_442 = arith.constant 32 : index
      %swap3A_443 = tpu.vector_load %arg7[%swap3A_441, %swap3A_442] {strides = array<i32>} : memref<400x128xf32, #tpu.memory_space<vmem>>, vector<1x16xf32>,
      %swap3A_444 = vector.shape_cast %swap3A_443 : vector<1x16xf32> to vector<16xf32>
      %swap3A_445 = vector.shape_cast %add3A_440 : vector<16xf32> to vector<1x16xf32>
      tpu.vector_store %arg7[%swap3A_441, %swap3A_442], %swap3A_445 {strides = array<i32>} : memref<400x128xf32, #tpu.memory_space<vmem>>, vector<1x16xf32>,
      %get3A_446 = arith.index_cast %add3A_406 : i32 to index
      %get3A_447 = arith.constant 48 : index
      %get3A_448 = tpu.vector_load %arg7[%get3A_446, %get3A_447] {strides = array<i32>} : memref<400x128xf32, #tpu.memory_space<vmem>>, vector<1x16xf32>,
      %get3A_449 = vector.shape_cast %get3A_448 : vector<1x16xf32> to vector<16xf32>
      %mul3A_450 = arith.constant 11.3137083 : f32
      %mul3A_451 = vector.broadcast %mul3A_450 : f32 to vector<16xf32>
      %mul3A_452 = arith.mulf %get3A_449, %mul3A_451 : vector<16xf32>
      %add3A_453 = arith.addf %mul3A_452, %get3A_71 : vector<16xf32>
      %swap3A_454 = arith.index_cast %add3A_406 : i32 to index
      %swap3A_455 = arith.constant 48 : index
      %swap3A_456 = tpu.vector_load %arg7[%swap3A_454, %swap3A_455] {strides = array<i32>} : memref<400x128xf32, #tpu.memory_space<vmem>>, vector<1x16xf32>,
      %swap3A_457 = vector.shape_cast %swap3A_456 : vector<1x16xf32> to vector<16xf32>
      %swap3A_458 = vector.shape_cast %add3A_453 : vector<16xf32> to vector<1x16xf32>
      tpu.vector_store %arg7[%swap3A_454, %swap3A_455], %swap3A_458 {strides = array<i32>} : memref<400x128xf32, #tpu.memory_space<vmem>>, vector<1x16xf32>,
      %get3A_459 = arith.index_cast %add3A_406 : i32 to index
      %get3A_460 = arith.constant 64 : index
      %get3A_461 = tpu.vector_load %arg7[%get3A_459, %get3A_460] {strides = array<i32>} : memref<400x128xf32, #tpu.memory_space<vmem>>, vector<1x16xf32>,
      %get3A_462 = vector.shape_cast %get3A_461 : vector<1x16xf32> to vector<16xf32>
      %mul3A_463 = arith.constant 11.3137083 : f32
      %mul3A_464 = vector.broadcast %mul3A_463 : f32 to vector<16xf32>
      %mul3A_465 = arith.mulf %get3A_462, %mul3A_464 : vector<16xf32>
      %add3A_466 = arith.addf %mul3A_465, %get3A_75 : vector<16xf32>
      %swap3A_467 = arith.index_cast %add3A_406 : i32 to index
      %swap3A_468 = arith.constant 64 : index
      %swap3A_469 = tpu.vector_load %arg7[%swap3A_467, %swap3A_468] {strides = array<i32>} : memref<400x128xf32, #tpu.memory_space<vmem>>, vector<1x16xf32>,
      %swap3A_470 = vector.shape_cast %swap3A_469 : vector<1x16xf32> to vector<16xf32>
      %swap3A_471 = vector.shape_cast %add3A_466 : vector<16xf32> to vector<1x16xf32>
      tpu.vector_store %arg7[%swap3A_467, %swap3A_468], %swap3A_471 {strides = array<i32>} : memref<400x128xf32, #tpu.memory_space<vmem>>, vector<1x16xf32>,
      %get3A_472 = arith.index_cast %add3A_406 : i32 to index
      %get3A_473 = arith.constant 80 : index
      %get3A_474 = tpu.vector_load %arg7[%get3A_472, %get3A_473] {strides = array<i32>} : memref<400x128xf32, #tpu.memory_space<vmem>>, vector<1x16xf32>,
      %get3A_475 = vector.shape_cast %get3A_474 : vector<1x16xf32> to vector<16xf32>
      %mul3A_476 = arith.constant 11.3137083 : f32
      %mul3A_477 = vector.broadcast %mul3A_476 : f32 to vector<16xf32>
      %mul3A_478 = arith.mulf %get3A_475, %mul3A_477 : vector<16xf32>
      %add3A_479 = arith.addf %mul3A_478, %get3A_79 : vector<16xf32>
      %swap3A_480 = arith.index_cast %add3A_406 : i32 to index
      %swap3A_481 = arith.constant 80 : index
      %swap3A_482 = tpu.vector_load %arg7[%swap3A_480, %swap3A_481] {strides = array<i32>} : memref<400x128xf32, #tpu.memory_space<vmem>>, vector<1x16xf32>,
      %swap3A_483 = vector.shape_cast %swap3A_482 : vector<1x16xf32> to vector<16xf32>
      %swap3A_484 = vector.shape_cast %add3A_479 : vector<16xf32> to vector<1x16xf32>
      tpu.vector_store %arg7[%swap3A_480, %swap3A_481], %swap3A_484 {strides = array<i32>} : memref<400x128xf32, #tpu.memory_space<vmem>>, vector<1x16xf32>,
      %get3A_485 = arith.index_cast %add3A_406 : i32 to index
      %get3A_486 = arith.constant 96 : index
      %get3A_487 = tpu.vector_load %arg7[%get3A_485, %get3A_486] {strides = array<i32>} : memref<400x128xf32, #tpu.memory_space<vmem>>, vector<1x16xf32>,
      %get3A_488 = vector.shape_cast %get3A_487 : vector<1x16xf32> to vector<16xf32>
      %mul3A_489 = arith.constant 11.3137083 : f32
      %mul3A_490 = vector.broadcast %mul3A_489 : f32 to vector<16xf32>
      %mul3A_491 = arith.mulf %get3A_488, %mul3A_490 : vector<16xf32>
      %add3A_492 = arith.addf %mul3A_491, %get3A_83 : vector<16xf32>
      %swap3A_493 = arith.index_cast %add3A_406 : i32 to index
      %swap3A_494 = arith.constant 96 : index
      %swap3A_495 = tpu.vector_load %arg7[%swap3A_493, %swap3A_494] {strides = array<i32>} : memref<400x128xf32, #tpu.memory_space<vmem>>, vector<1x16xf32>,
      %swap3A_496 = vector.shape_cast %swap3A_495 : vector<1x16xf32> to vector<16xf32>
      %swap3A_497 = vector.shape_cast %add3A_492 : vector<16xf32> to vector<1x16xf32>
      tpu.vector_store %arg7[%swap3A_493, %swap3A_494], %swap3A_497 {strides = array<i32>} : memref<400x128xf32, #tpu.memory_space<vmem>>, vector<1x16xf32>,
      %get3A_498 = arith.index_cast %add3A_406 : i32 to index
      %get3A_499 = arith.constant 112 : index
      %get3A_500 = tpu.vector_load %arg7[%get3A_498, %get3A_499] {strides = array<i32>} : memref<400x128xf32, #tpu.memory_space<vmem>>, vector<1x16xf32>,
      %get3A_501 = vector.shape_cast %get3A_500 : vector<1x16xf32> to vector<16xf32>
      %mul3A_502 = arith.constant 11.3137083 : f32
      %mul3A_503 = vector.broadcast %mul3A_502 : f32 to vector<16xf32>
      %mul3A_504 = arith.mulf %get3A_501, %mul3A_503 : vector<16xf32>
      %add3A_505 = arith.addf %mul3A_504, %get3A_87 : vector<16xf32>
      %swap3A_506 = arith.index_cast %add3A_406 : i32 to index
      %swap3A_507 = arith.constant 112 : index
      %swap3A_508 = tpu.vector_load %arg7[%swap3A_506, %swap3A_507] {strides = array<i32>} : memref<400x128xf32, #tpu.memory_space<vmem>>, vector<1x16xf32>,
      %swap3A_509 = vector.shape_cast %swap3A_508 : vector<1x16xf32> to vector<16xf32>
      %swap3A_510 = vector.shape_cast %add3A_505 : vector<16xf32> to vector<1x16xf32>
      tpu.vector_store %arg7[%swap3A_506, %swap3A_507], %swap3A_510 {strides = array<i32>} : memref<400x128xf32, #tpu.memory_space<vmem>>, vector<1x16xf32>,
      %add3A_511 = arith.constant 200 : i32
      %add3A_512 = arith.addi %add3A_511, %scan3A_56 : i32
      %get3A_513 = arith.index_cast %add3A_512 : i32 to index
      %get3A_514 = arith.constant 0 : index
      %get3A_515 = tpu.vector_load %arg7[%get3A_513, %get3A_514] {strides = array<i32>} : memref<400x128xf32, #tpu.memory_space<vmem>>, vector<1x16xf32>,
      %get3A_516 = vector.shape_cast %get3A_515 : vector<1x16xf32> to vector<16xf32>
      %mul3A_517 = arith.constant 11.3137083 : f32
      %mul3A_518 = vector.broadcast %mul3A_517 : f32 to vector<16xf32>
      %mul3A_519 = arith.mulf %get3A_516, %mul3A_518 : vector<16xf32>
      %add3A_520 = arith.addf %mul3A_519, %get3A_59 : vector<16xf32>
      %swap3A_521 = arith.index_cast %add3A_512 : i32 to index
      %swap3A_522 = arith.constant 0 : index
      %swap3A_523 = tpu.vector_load %arg7[%swap3A_521, %swap3A_522] {strides = array<i32>} : memref<400x128xf32, #tpu.memory_space<vmem>>, vector<1x16xf32>,
      %swap3A_524 = vector.shape_cast %swap3A_523 : vector<1x16xf32> to vector<16xf32>
      %swap3A_525 = vector.shape_cast %add3A_520 : vector<16xf32> to vector<1x16xf32>
      tpu.vector_store %arg7[%swap3A_521, %swap3A_522], %swap3A_525 {strides = array<i32>} : memref<400x128xf32, #tpu.memory_space<vmem>>, vector<1x16xf32>,
      %get3A_526 = arith.index_cast %add3A_512 : i32 to index
      %get3A_527 = arith.constant 16 : index
      %get3A_528 = tpu.vector_load %arg7[%get3A_526, %get3A_527] {strides = array<i32>} : memref<400x128xf32, #tpu.memory_space<vmem>>, vector<1x16xf32>,
      %get3A_529 = vector.shape_cast %get3A_528 : vector<1x16xf32> to vector<16xf32>
      %mul3A_530 = arith.constant 11.3137083 : f32
      %mul3A_531 = vector.broadcast %mul3A_530 : f32 to vector<16xf32>
      %mul3A_532 = arith.mulf %get3A_529, %mul3A_531 : vector<16xf32>
      %add3A_533 = arith.addf %mul3A_532, %get3A_63 : vector<16xf32>
      %swap3A_534 = arith.index_cast %add3A_512 : i32 to index
      %swap3A_535 = arith.constant 16 : index
      %swap3A_536 = tpu.vector_load %arg7[%swap3A_534, %swap3A_535] {strides = array<i32>} : memref<400x128xf32, #tpu.memory_space<vmem>>, vector<1x16xf32>,
      %swap3A_537 = vector.shape_cast %swap3A_536 : vector<1x16xf32> to vector<16xf32>
      %swap3A_538 = vector.shape_cast %add3A_533 : vector<16xf32> to vector<1x16xf32>
      tpu.vector_store %arg7[%swap3A_534, %swap3A_535], %swap3A_538 {strides = array<i32>} : memref<400x128xf32, #tpu.memory_space<vmem>>, vector<1x16xf32>,
      %get3A_539 = arith.index_cast %add3A_512 : i32 to index
      %get3A_540 = arith.constant 32 : index
      %get3A_541 = tpu.vector_load %arg7[%get3A_539, %get3A_540] {strides = array<i32>} : memref<400x128xf32, #tpu.memory_space<vmem>>, vector<1x16xf32>,
      %get3A_542 = vector.shape_cast %get3A_541 : vector<1x16xf32> to vector<16xf32>
      %mul3A_543 = arith.constant 11.3137083 : f32
      %mul3A_544 = vector.broadcast %mul3A_543 : f32 to vector<16xf32>
      %mul3A_545 = arith.mulf %get3A_542, %mul3A_544 : vector<16xf32>
      %add3A_546 = arith.addf %mul3A_545, %get3A_67 : vector<16xf32>
      %swap3A_547 = arith.index_cast %add3A_512 : i32 to index
      %swap3A_548 = arith.constant 32 : index
      %swap3A_549 = tpu.vector_load %arg7[%swap3A_547, %swap3A_548] {strides = array<i32>} : memref<400x128xf32, #tpu.memory_space<vmem>>, vector<1x16xf32>,
      %swap3A_550 = vector.shape_cast %swap3A_549 : vector<1x16xf32> to vector<16xf32>
      %swap3A_551 = vector.shape_cast %add3A_546 : vector<16xf32> to vector<1x16xf32>
      tpu.vector_store %arg7[%swap3A_547, %swap3A_548], %swap3A_551 {strides = array<i32>} : memref<400x128xf32, #tpu.memory_space<vmem>>, vector<1x16xf32>,
      %get3A_552 = arith.index_cast %add3A_512 : i32 to index
      %get3A_553 = arith.constant 48 : index
      %get3A_554 = tpu.vector_load %arg7[%get3A_552, %get3A_553] {strides = array<i32>} : memref<400x128xf32, #tpu.memory_space<vmem>>, vector<1x16xf32>,
      %get3A_555 = vector.shape_cast %get3A_554 : vector<1x16xf32> to vector<16xf32>
      %mul3A_556 = arith.constant 11.3137083 : f32
      %mul3A_557 = vector.broadcast %mul3A_556 : f32 to vector<16xf32>
      %mul3A_558 = arith.mulf %get3A_555, %mul3A_557 : vector<16xf32>
      %add3A_559 = arith.addf %mul3A_558, %get3A_71 : vector<16xf32>
      %swap3A_560 = arith.index_cast %add3A_512 : i32 to index
      %swap3A_561 = arith.constant 48 : index
      %swap3A_562 = tpu.vector_load %arg7[%swap3A_560, %swap3A_561] {strides = array<i32>} : memref<400x128xf32, #tpu.memory_space<vmem>>, vector<1x16xf32>,
      %swap3A_563 = vector.shape_cast %swap3A_562 : vector<1x16xf32> to vector<16xf32>
      %swap3A_564 = vector.shape_cast %add3A_559 : vector<16xf32> to vector<1x16xf32>
      tpu.vector_store %arg7[%swap3A_560, %swap3A_561], %swap3A_564 {strides = array<i32>} : memref<400x128xf32, #tpu.memory_space<vmem>>, vector<1x16xf32>,
      %get3A_565 = arith.index_cast %add3A_512 : i32 to index
      %get3A_566 = arith.constant 64 : index
      %get3A_567 = tpu.vector_load %arg7[%get3A_565, %get3A_566] {strides = array<i32>} : memref<400x128xf32, #tpu.memory_space<vmem>>, vector<1x16xf32>,
      %get3A_568 = vector.shape_cast %get3A_567 : vector<1x16xf32> to vector<16xf32>
      %mul3A_569 = arith.constant 11.3137083 : f32
      %mul3A_570 = vector.broadcast %mul3A_569 : f32 to vector<16xf32>
      %mul3A_571 = arith.mulf %get3A_568, %mul3A_570 : vector<16xf32>
      %add3A_572 = arith.addf %mul3A_571, %get3A_75 : vector<16xf32>
      %swap3A_573 = arith.index_cast %add3A_512 : i32 to index
      %swap3A_574 = arith.constant 64 : index
      %swap3A_575 = tpu.vector_load %arg7[%swap3A_573, %swap3A_574] {strides = array<i32>} : memref<400x128xf32, #tpu.memory_space<vmem>>, vector<1x16xf32>,
      %swap3A_576 = vector.shape_cast %swap3A_575 : vector<1x16xf32> to vector<16xf32>
      %swap3A_577 = vector.shape_cast %add3A_572 : vector<16xf32> to vector<1x16xf32>
      tpu.vector_store %arg7[%swap3A_573, %swap3A_574], %swap3A_577 {strides = array<i32>} : memref<400x128xf32, #tpu.memory_space<vmem>>, vector<1x16xf32>,
      %get3A_578 = arith.index_cast %add3A_512 : i32 to index
      %get3A_579 = arith.constant 80 : index
      %get3A_580 = tpu.vector_load %arg7[%get3A_578, %get3A_579] {strides = array<i32>} : memref<400x128xf32, #tpu.memory_space<vmem>>, vector<1x16xf32>,
      %get3A_581 = vector.shape_cast %get3A_580 : vector<1x16xf32> to vector<16xf32>
      %mul3A_582 = arith.constant 11.3137083 : f32
      %mul3A_583 = vector.broadcast %mul3A_582 : f32 to vector<16xf32>
      %mul3A_584 = arith.mulf %get3A_581, %mul3A_583 : vector<16xf32>
      %add3A_585 = arith.addf %mul3A_584, %get3A_79 : vector<16xf32>
      %swap3A_586 = arith.index_cast %add3A_512 : i32 to index
      %swap3A_587 = arith.constant 80 : index
      %swap3A_588 = tpu.vector_load %arg7[%swap3A_586, %swap3A_587] {strides = array<i32>} : memref<400x128xf32, #tpu.memory_space<vmem>>, vector<1x16xf32>,
      %swap3A_589 = vector.shape_cast %swap3A_588 : vector<1x16xf32> to vector<16xf32>
      %swap3A_590 = vector.shape_cast %add3A_585 : vector<16xf32> to vector<1x16xf32>
      tpu.vector_store %arg7[%swap3A_586, %swap3A_587], %swap3A_590 {strides = array<i32>} : memref<400x128xf32, #tpu.memory_space<vmem>>, vector<1x16xf32>,
      %get3A_591 = arith.index_cast %add3A_512 : i32 to index
      %get3A_592 = arith.constant 96 : index
      %get3A_593 = tpu.vector_load %arg7[%get3A_591, %get3A_592] {strides = array<i32>} : memref<400x128xf32, #tpu.memory_space<vmem>>, vector<1x16xf32>,
      %get3A_594 = vector.shape_cast %get3A_593 : vector<1x16xf32> to vector<16xf32>
      %mul3A_595 = arith.constant 11.3137083 : f32
      %mul3A_596 = vector.broadcast %mul3A_595 : f32 to vector<16xf32>
      %mul3A_597 = arith.mulf %get3A_594, %mul3A_596 : vector<16xf32>
      %add3A_598 = arith.addf %mul3A_597, %get3A_83 : vector<16xf32>
      %swap3A_599 = arith.index_cast %add3A_512 : i32 to index
      %swap3A_600 = arith.constant 96 : index
      %swap3A_601 = tpu.vector_load %arg7[%swap3A_599, %swap3A_600] {strides = array<i32>} : memref<400x128xf32, #tpu.memory_space<vmem>>, vector<1x16xf32>,
      %swap3A_602 = vector.shape_cast %swap3A_601 : vector<1x16xf32> to vector<16xf32>
      %swap3A_603 = vector.shape_cast %add3A_598 : vector<16xf32> to vector<1x16xf32>
      tpu.vector_store %arg7[%swap3A_599, %swap3A_600], %swap3A_603 {strides = array<i32>} : memref<400x128xf32, #tpu.memory_space<vmem>>, vector<1x16xf32>,
      %get3A_604 = arith.index_cast %add3A_512 : i32 to index
      %get3A_605 = arith.constant 112 : index
      %get3A_606 = tpu.vector_load %arg7[%get3A_604, %get3A_605] {strides = array<i32>} : memref<400x128xf32, #tpu.memory_space<vmem>>, vector<1x16xf32>,
      %get3A_607 = vector.shape_cast %get3A_606 : vector<1x16xf32> to vector<16xf32>
      %mul3A_608 = arith.constant 11.3137083 : f32
      %mul3A_609 = vector.broadcast %mul3A_608 : f32 to vector<16xf32>
      %mul3A_610 = arith.mulf %get3A_607, %mul3A_609 : vector<16xf32>
      %add3A_611 = arith.addf %mul3A_610, %get3A_87 : vector<16xf32>
      %swap3A_612 = arith.index_cast %add3A_512 : i32 to index
      %swap3A_613 = arith.constant 112 : index
      %swap3A_614 = tpu.vector_load %arg7[%swap3A_612, %swap3A_613] {strides = array<i32>} : memref<400x128xf32, #tpu.memory_space<vmem>>, vector<1x16xf32>,
      %swap3A_615 = vector.shape_cast %swap3A_614 : vector<1x16xf32> to vector<16xf32>
      %swap3A_616 = vector.shape_cast %add3A_611 : vector<16xf32> to vector<1x16xf32>
      tpu.vector_store %arg7[%swap3A_612, %swap3A_613], %swap3A_616 {strides = array<i32>} : memref<400x128xf32, #tpu.memory_space<vmem>>, vector<1x16xf32>,
      %add3A_617 = arith.constant 250 : i32
      %add3A_618 = arith.addi %add3A_617, %scan3A_56 : i32
      %get3A_619 = arith.index_cast %add3A_618 : i32 to index
      %get3A_620 = arith.constant 0 : index
      %get3A_621 = tpu.vector_load %arg7[%get3A_619, %get3A_620] {strides = array<i32>} : memref<400x128xf32, #tpu.memory_space<vmem>>, vector<1x16xf32>,
      %get3A_622 = vector.shape_cast %get3A_621 : vector<1x16xf32> to vector<16xf32>
      %mul3A_623 = arith.constant 11.3137083 : f32
      %mul3A_624 = vector.broadcast %mul3A_623 : f32 to vector<16xf32>
      %mul3A_625 = arith.mulf %get3A_622, %mul3A_624 : vector<16xf32>
      %add3A_626 = arith.addf %mul3A_625, %get3A_59 : vector<16xf32>
      %swap3A_627 = arith.index_cast %add3A_618 : i32 to index
      %swap3A_628 = arith.constant 0 : index
      %swap3A_629 = tpu.vector_load %arg7[%swap3A_627, %swap3A_628] {strides = array<i32>} : memref<400x128xf32, #tpu.memory_space<vmem>>, vector<1x16xf32>,
      %swap3A_630 = vector.shape_cast %swap3A_629 : vector<1x16xf32> to vector<16xf32>
      %swap3A_631 = vector.shape_cast %add3A_626 : vector<16xf32> to vector<1x16xf32>
      tpu.vector_store %arg7[%swap3A_627, %swap3A_628], %swap3A_631 {strides = array<i32>} : memref<400x128xf32, #tpu.memory_space<vmem>>, vector<1x16xf32>,
      %get3A_632 = arith.index_cast %add3A_618 : i32 to index
      %get3A_633 = arith.constant 16 : index
      %get3A_634 = tpu.vector_load %arg7[%get3A_632, %get3A_633] {strides = array<i32>} : memref<400x128xf32, #tpu.memory_space<vmem>>, vector<1x16xf32>,
      %get3A_635 = vector.shape_cast %get3A_634 : vector<1x16xf32> to vector<16xf32>
      %mul3A_636 = arith.constant 11.3137083 : f32
      %mul3A_637 = vector.broadcast %mul3A_636 : f32 to vector<16xf32>
      %mul3A_638 = arith.mulf %get3A_635, %mul3A_637 : vector<16xf32>
      %add3A_639 = arith.addf %mul3A_638, %get3A_63 : vector<16xf32>
      %swap3A_640 = arith.index_cast %add3A_618 : i32 to index
      %swap3A_641 = arith.constant 16 : index
      %swap3A_642 = tpu.vector_load %arg7[%swap3A_640, %swap3A_641] {strides = array<i32>} : memref<400x128xf32, #tpu.memory_space<vmem>>, vector<1x16xf32>,
      %swap3A_643 = vector.shape_cast %swap3A_642 : vector<1x16xf32> to vector<16xf32>
      %swap3A_644 = vector.shape_cast %add3A_639 : vector<16xf32> to vector<1x16xf32>
      tpu.vector_store %arg7[%swap3A_640, %swap3A_641], %swap3A_644 {strides = array<i32>} : memref<400x128xf32, #tpu.memory_space<vmem>>, vector<1x16xf32>,
      %get3A_645 = arith.index_cast %add3A_618 : i32 to index
      %get3A_646 = arith.constant 32 : index
      %get3A_647 = tpu.vector_load %arg7[%get3A_645, %get3A_646] {strides = array<i32>} : memref<400x128xf32, #tpu.memory_space<vmem>>, vector<1x16xf32>,
      %get3A_648 = vector.shape_cast %get3A_647 : vector<1x16xf32> to vector<16xf32>
      %mul3A_649 = arith.constant 11.3137083 : f32
      %mul3A_650 = vector.broadcast %mul3A_649 : f32 to vector<16xf32>
      %mul3A_651 = arith.mulf %get3A_648, %mul3A_650 : vector<16xf32>
      %add3A_652 = arith.addf %mul3A_651, %get3A_67 : vector<16xf32>
      %swap3A_653 = arith.index_cast %add3A_618 : i32 to index
      %swap3A_654 = arith.constant 32 : index
      %swap3A_655 = tpu.vector_load %arg7[%swap3A_653, %swap3A_654] {strides = array<i32>} : memref<400x128xf32, #tpu.memory_space<vmem>>, vector<1x16xf32>,
      %swap3A_656 = vector.shape_cast %swap3A_655 : vector<1x16xf32> to vector<16xf32>
      %swap3A_657 = vector.shape_cast %add3A_652 : vector<16xf32> to vector<1x16xf32>
      tpu.vector_store %arg7[%swap3A_653, %swap3A_654], %swap3A_657 {strides = array<i32>} : memref<400x128xf32, #tpu.memory_space<vmem>>, vector<1x16xf32>,
      %get3A_658 = arith.index_cast %add3A_618 : i32 to index
      %get3A_659 = arith.constant 48 : index
      %get3A_660 = tpu.vector_load %arg7[%get3A_658, %get3A_659] {strides = array<i32>} : memref<400x128xf32, #tpu.memory_space<vmem>>, vector<1x16xf32>,
      %get3A_661 = vector.shape_cast %get3A_660 : vector<1x16xf32> to vector<16xf32>
      %mul3A_662 = arith.constant 11.3137083 : f32
      %mul3A_663 = vector.broadcast %mul3A_662 : f32 to vector<16xf32>
      %mul3A_664 = arith.mulf %get3A_661, %mul3A_663 : vector<16xf32>
      %add3A_665 = arith.addf %mul3A_664, %get3A_71 : vector<16xf32>
      %swap3A_666 = arith.index_cast %add3A_618 : i32 to index
      %swap3A_667 = arith.constant 48 : index
      %swap3A_668 = tpu.vector_load %arg7[%swap3A_666, %swap3A_667] {strides = array<i32>} : memref<400x128xf32, #tpu.memory_space<vmem>>, vector<1x16xf32>,
      %swap3A_669 = vector.shape_cast %swap3A_668 : vector<1x16xf32> to vector<16xf32>
      %swap3A_670 = vector.shape_cast %add3A_665 : vector<16xf32> to vector<1x16xf32>
      tpu.vector_store %arg7[%swap3A_666, %swap3A_667], %swap3A_670 {strides = array<i32>} : memref<400x128xf32, #tpu.memory_space<vmem>>, vector<1x16xf32>,
      %get3A_671 = arith.index_cast %add3A_618 : i32 to index
      %get3A_672 = arith.constant 64 : index
      %get3A_673 = tpu.vector_load %arg7[%get3A_671, %get3A_672] {strides = array<i32>} : memref<400x128xf32, #tpu.memory_space<vmem>>, vector<1x16xf32>,
      %get3A_674 = vector.shape_cast %get3A_673 : vector<1x16xf32> to vector<16xf32>
      %mul3A_675 = arith.constant 11.3137083 : f32
      %mul3A_676 = vector.broadcast %mul3A_675 : f32 to vector<16xf32>
      %mul3A_677 = arith.mulf %get3A_674, %mul3A_676 : vector<16xf32>
      %add3A_678 = arith.addf %mul3A_677, %get3A_75 : vector<16xf32>
      %swap3A_679 = arith.index_cast %add3A_618 : i32 to index
      %swap3A_680 = arith.constant 64 : index
      %swap3A_681 = tpu.vector_load %arg7[%swap3A_679, %swap3A_680] {strides = array<i32>} : memref<400x128xf32, #tpu.memory_space<vmem>>, vector<1x16xf32>,
      %swap3A_682 = vector.shape_cast %swap3A_681 : vector<1x16xf32> to vector<16xf32>
      %swap3A_683 = vector.shape_cast %add3A_678 : vector<16xf32> to vector<1x16xf32>
      tpu.vector_store %arg7[%swap3A_679, %swap3A_680], %swap3A_683 {strides = array<i32>} : memref<400x128xf32, #tpu.memory_space<vmem>>, vector<1x16xf32>,
      %get3A_684 = arith.index_cast %add3A_618 : i32 to index
      %get3A_685 = arith.constant 80 : index
      %get3A_686 = tpu.vector_load %arg7[%get3A_684, %get3A_685] {strides = array<i32>} : memref<400x128xf32, #tpu.memory_space<vmem>>, vector<1x16xf32>,
      %get3A_687 = vector.shape_cast %get3A_686 : vector<1x16xf32> to vector<16xf32>
      %mul3A_688 = arith.constant 11.3137083 : f32
      %mul3A_689 = vector.broadcast %mul3A_688 : f32 to vector<16xf32>
      %mul3A_690 = arith.mulf %get3A_687, %mul3A_689 : vector<16xf32>
      %add3A_691 = arith.addf %mul3A_690, %get3A_79 : vector<16xf32>
      %swap3A_692 = arith.index_cast %add3A_618 : i32 to index
      %swap3A_693 = arith.constant 80 : index
      %swap3A_694 = tpu.vector_load %arg7[%swap3A_692, %swap3A_693] {strides = array<i32>} : memref<400x128xf32, #tpu.memory_space<vmem>>, vector<1x16xf32>,
      %swap3A_695 = vector.shape_cast %swap3A_694 : vector<1x16xf32> to vector<16xf32>
      %swap3A_696 = vector.shape_cast %add3A_691 : vector<16xf32> to vector<1x16xf32>
      tpu.vector_store %arg7[%swap3A_692, %swap3A_693], %swap3A_696 {strides = array<i32>} : memref<400x128xf32, #tpu.memory_space<vmem>>, vector<1x16xf32>,
      %get3A_697 = arith.index_cast %add3A_618 : i32 to index
      %get3A_698 = arith.constant 96 : index
      %get3A_699 = tpu.vector_load %arg7[%get3A_697, %get3A_698] {strides = array<i32>} : memref<400x128xf32, #tpu.memory_space<vmem>>, vector<1x16xf32>,
      %get3A_700 = vector.shape_cast %get3A_699 : vector<1x16xf32> to vector<16xf32>
      %mul3A_701 = arith.constant 11.3137083 : f32
      %mul3A_702 = vector.broadcast %mul3A_701 : f32 to vector<16xf32>
      %mul3A_703 = arith.mulf %get3A_700, %mul3A_702 : vector<16xf32>
      %add3A_704 = arith.addf %mul3A_703, %get3A_83 : vector<16xf32>
      %swap3A_705 = arith.index_cast %add3A_618 : i32 to index
      %swap3A_706 = arith.constant 96 : index
      %swap3A_707 = tpu.vector_load %arg7[%swap3A_705, %swap3A_706] {strides = array<i32>} : memref<400x128xf32, #tpu.memory_space<vmem>>, vector<1x16xf32>,
      %swap3A_708 = vector.shape_cast %swap3A_707 : vector<1x16xf32> to vector<16xf32>
      %swap3A_709 = vector.shape_cast %add3A_704 : vector<16xf32> to vector<1x16xf32>
      tpu.vector_store %arg7[%swap3A_705, %swap3A_706], %swap3A_709 {strides = array<i32>} : memref<400x128xf32, #tpu.memory_space<vmem>>, vector<1x16xf32>,
      %get3A_710 = arith.index_cast %add3A_618 : i32 to index
      %get3A_711 = arith.constant 112 : index
      %get3A_712 = tpu.vector_load %arg7[%get3A_710, %get3A_711] {strides = array<i32>} : memref<400x128xf32, #tpu.memory_space<vmem>>, vector<1x16xf32>,
      %get3A_713 = vector.shape_cast %get3A_712 : vector<1x16xf32> to vector<16xf32>
      %mul3A_714 = arith.constant 11.3137083 : f32
      %mul3A_715 = vector.broadcast %mul3A_714 : f32 to vector<16xf32>
      %mul3A_716 = arith.mulf %get3A_713, %mul3A_715 : vector<16xf32>
      %add3A_717 = arith.addf %mul3A_716, %get3A_87 : vector<16xf32>
      %swap3A_718 = arith.index_cast %add3A_618 : i32 to index
      %swap3A_719 = arith.constant 112 : index
      %swap3A_720 = tpu.vector_load %arg7[%swap3A_718, %swap3A_719] {strides = array<i32>} : memref<400x128xf32, #tpu.memory_space<vmem>>, vector<1x16xf32>,
      %swap3A_721 = vector.shape_cast %swap3A_720 : vector<1x16xf32> to vector<16xf32>
      %swap3A_722 = vector.shape_cast %add3A_717 : vector<16xf32> to vector<1x16xf32>
      tpu.vector_store %arg7[%swap3A_718, %swap3A_719], %swap3A_722 {strides = array<i32>} : memref<400x128xf32, #tpu.memory_space<vmem>>, vector<1x16xf32>,
      %add3A_723 = arith.constant 300 : i32
      %add3A_724 = arith.addi %add3A_723, %scan3A_56 : i32
      %get3A_725 = arith.index_cast %add3A_724 : i32 to index
      %get3A_726 = arith.constant 0 : index
      %get3A_727 = tpu.vector_load %arg7[%get3A_725, %get3A_726] {strides = array<i32>} : memref<400x128xf32, #tpu.memory_space<vmem>>, vector<1x16xf32>,
      %get3A_728 = vector.shape_cast %get3A_727 : vector<1x16xf32> to vector<16xf32>
      %mul3A_729 = arith.constant 11.3137083 : f32
      %mul3A_730 = vector.broadcast %mul3A_729 : f32 to vector<16xf32>
      %mul3A_731 = arith.mulf %get3A_728, %mul3A_730 : vector<16xf32>
      %add3A_732 = arith.addf %mul3A_731, %get3A_59 : vector<16xf32>
      %swap3A_733 = arith.index_cast %add3A_724 : i32 to index
      %swap3A_734 = arith.constant 0 : index
      %swap3A_735 = tpu.vector_load %arg7[%swap3A_733, %swap3A_734] {strides = array<i32>} : memref<400x128xf32, #tpu.memory_space<vmem>>, vector<1x16xf32>,
      %swap3A_736 = vector.shape_cast %swap3A_735 : vector<1x16xf32> to vector<16xf32>
      %swap3A_737 = vector.shape_cast %add3A_732 : vector<16xf32> to vector<1x16xf32>
      tpu.vector_store %arg7[%swap3A_733, %swap3A_734], %swap3A_737 {strides = array<i32>} : memref<400x128xf32, #tpu.memory_space<vmem>>, vector<1x16xf32>,
      %get3A_738 = arith.index_cast %add3A_724 : i32 to index
      %get3A_739 = arith.constant 16 : index
      %get3A_740 = tpu.vector_load %arg7[%get3A_738, %get3A_739] {strides = array<i32>} : memref<400x128xf32, #tpu.memory_space<vmem>>, vector<1x16xf32>,
      %get3A_741 = vector.shape_cast %get3A_740 : vector<1x16xf32> to vector<16xf32>
      %mul3A_742 = arith.constant 11.3137083 : f32
      %mul3A_743 = vector.broadcast %mul3A_742 : f32 to vector<16xf32>
      %mul3A_744 = arith.mulf %get3A_741, %mul3A_743 : vector<16xf32>
      %add3A_745 = arith.addf %mul3A_744, %get3A_63 : vector<16xf32>
      %swap3A_746 = arith.index_cast %add3A_724 : i32 to index
      %swap3A_747 = arith.constant 16 : index
      %swap3A_748 = tpu.vector_load %arg7[%swap3A_746, %swap3A_747] {strides = array<i32>} : memref<400x128xf32, #tpu.memory_space<vmem>>, vector<1x16xf32>,
      %swap3A_749 = vector.shape_cast %swap3A_748 : vector<1x16xf32> to vector<16xf32>
      %swap3A_750 = vector.shape_cast %add3A_745 : vector<16xf32> to vector<1x16xf32>
      tpu.vector_store %arg7[%swap3A_746, %swap3A_747], %swap3A_750 {strides = array<i32>} : memref<400x128xf32, #tpu.memory_space<vmem>>, vector<1x16xf32>,
      %get3A_751 = arith.index_cast %add3A_724 : i32 to index
      %get3A_752 = arith.constant 32 : index
      %get3A_753 = tpu.vector_load %arg7[%get3A_751, %get3A_752] {strides = array<i32>} : memref<400x128xf32, #tpu.memory_space<vmem>>, vector<1x16xf32>,
      %get3A_754 = vector.shape_cast %get3A_753 : vector<1x16xf32> to vector<16xf32>
      %mul3A_755 = arith.constant 11.3137083 : f32
      %mul3A_756 = vector.broadcast %mul3A_755 : f32 to vector<16xf32>
      %mul3A_757 = arith.mulf %get3A_754, %mul3A_756 : vector<16xf32>
      %add3A_758 = arith.addf %mul3A_757, %get3A_67 : vector<16xf32>
      %swap3A_759 = arith.index_cast %add3A_724 : i32 to index
      %swap3A_760 = arith.constant 32 : index
      %swap3A_761 = tpu.vector_load %arg7[%swap3A_759, %swap3A_760] {strides = array<i32>} : memref<400x128xf32, #tpu.memory_space<vmem>>, vector<1x16xf32>,
      %swap3A_762 = vector.shape_cast %swap3A_761 : vector<1x16xf32> to vector<16xf32>
      %swap3A_763 = vector.shape_cast %add3A_758 : vector<16xf32> to vector<1x16xf32>
      tpu.vector_store %arg7[%swap3A_759, %swap3A_760], %swap3A_763 {strides = array<i32>} : memref<400x128xf32, #tpu.memory_space<vmem>>, vector<1x16xf32>,
      %get3A_764 = arith.index_cast %add3A_724 : i32 to index
      %get3A_765 = arith.constant 48 : index
      %get3A_766 = tpu.vector_load %arg7[%get3A_764, %get3A_765] {strides = array<i32>} : memref<400x128xf32, #tpu.memory_space<vmem>>, vector<1x16xf32>,
      %get3A_767 = vector.shape_cast %get3A_766 : vector<1x16xf32> to vector<16xf32>
      %mul3A_768 = arith.constant 11.3137083 : f32
      %mul3A_769 = vector.broadcast %mul3A_768 : f32 to vector<16xf32>
      %mul3A_770 = arith.mulf %get3A_767, %mul3A_769 : vector<16xf32>
      %add3A_771 = arith.addf %mul3A_770, %get3A_71 : vector<16xf32>
      %swap3A_772 = arith.index_cast %add3A_724 : i32 to index
      %swap3A_773 = arith.constant 48 : index
      %swap3A_774 = tpu.vector_load %arg7[%swap3A_772, %swap3A_773] {strides = array<i32>} : memref<400x128xf32, #tpu.memory_space<vmem>>, vector<1x16xf32>,
      %swap3A_775 = vector.shape_cast %swap3A_774 : vector<1x16xf32> to vector<16xf32>
      %swap3A_776 = vector.shape_cast %add3A_771 : vector<16xf32> to vector<1x16xf32>
      tpu.vector_store %arg7[%swap3A_772, %swap3A_773], %swap3A_776 {strides = array<i32>} : memref<400x128xf32, #tpu.memory_space<vmem>>, vector<1x16xf32>,
      %get3A_777 = arith.index_cast %add3A_724 : i32 to index
      %get3A_778 = arith.constant 64 : index
      %get3A_779 = tpu.vector_load %arg7[%get3A_777, %get3A_778] {strides = array<i32>} : memref<400x128xf32, #tpu.memory_space<vmem>>, vector<1x16xf32>,
      %get3A_780 = vector.shape_cast %get3A_779 : vector<1x16xf32> to vector<16xf32>
      %mul3A_781 = arith.constant 11.3137083 : f32
      %mul3A_782 = vector.broadcast %mul3A_781 : f32 to vector<16xf32>
      %mul3A_783 = arith.mulf %get3A_780, %mul3A_782 : vector<16xf32>
      %add3A_784 = arith.addf %mul3A_783, %get3A_75 : vector<16xf32>
      %swap3A_785 = arith.index_cast %add3A_724 : i32 to index
      %swap3A_786 = arith.constant 64 : index
      %swap3A_787 = tpu.vector_load %arg7[%swap3A_785, %swap3A_786] {strides = array<i32>} : memref<400x128xf32, #tpu.memory_space<vmem>>, vector<1x16xf32>,
      %swap3A_788 = vector.shape_cast %swap3A_787 : vector<1x16xf32> to vector<16xf32>
      %swap3A_789 = vector.shape_cast %add3A_784 : vector<16xf32> to vector<1x16xf32>
      tpu.vector_store %arg7[%swap3A_785, %swap3A_786], %swap3A_789 {strides = array<i32>} : memref<400x128xf32, #tpu.memory_space<vmem>>, vector<1x16xf32>,
      %get3A_790 = arith.index_cast %add3A_724 : i32 to index
      %get3A_791 = arith.constant 80 : index
      %get3A_792 = tpu.vector_load %arg7[%get3A_790, %get3A_791] {strides = array<i32>} : memref<400x128xf32, #tpu.memory_space<vmem>>, vector<1x16xf32>,
      %get3A_793 = vector.shape_cast %get3A_792 : vector<1x16xf32> to vector<16xf32>
      %mul3A_794 = arith.constant 11.3137083 : f32
      %mul3A_795 = vector.broadcast %mul3A_794 : f32 to vector<16xf32>
      %mul3A_796 = arith.mulf %get3A_793, %mul3A_795 : vector<16xf32>
      %add3A_797 = arith.addf %mul3A_796, %get3A_79 : vector<16xf32>
      %swap3A_798 = arith.index_cast %add3A_724 : i32 to index
      %swap3A_799 = arith.constant 80 : index
      %swap3A_800 = tpu.vector_load %arg7[%swap3A_798, %swap3A_799] {strides = array<i32>} : memref<400x128xf32, #tpu.memory_space<vmem>>, vector<1x16xf32>,
      %swap3A_801 = vector.shape_cast %swap3A_800 : vector<1x16xf32> to vector<16xf32>
      %swap3A_802 = vector.shape_cast %add3A_797 : vector<16xf32> to vector<1x16xf32>
      tpu.vector_store %arg7[%swap3A_798, %swap3A_799], %swap3A_802 {strides = array<i32>} : memref<400x128xf32, #tpu.memory_space<vmem>>, vector<1x16xf32>,
      %get3A_803 = arith.index_cast %add3A_724 : i32 to index
      %get3A_804 = arith.constant 96 : index
      %get3A_805 = tpu.vector_load %arg7[%get3A_803, %get3A_804] {strides = array<i32>} : memref<400x128xf32, #tpu.memory_space<vmem>>, vector<1x16xf32>,
      %get3A_806 = vector.shape_cast %get3A_805 : vector<1x16xf32> to vector<16xf32>
      %mul3A_807 = arith.constant 11.3137083 : f32
      %mul3A_808 = vector.broadcast %mul3A_807 : f32 to vector<16xf32>
      %mul3A_809 = arith.mulf %get3A_806, %mul3A_808 : vector<16xf32>
      %add3A_810 = arith.addf %mul3A_809, %get3A_83 : vector<16xf32>
      %swap3A_811 = arith.index_cast %add3A_724 : i32 to index
      %swap3A_812 = arith.constant 96 : index
      %swap3A_813 = tpu.vector_load %arg7[%swap3A_811, %swap3A_812] {strides = array<i32>} : memref<400x128xf32, #tpu.memory_space<vmem>>, vector<1x16xf32>,
      %swap3A_814 = vector.shape_cast %swap3A_813 : vector<1x16xf32> to vector<16xf32>
      %swap3A_815 = vector.shape_cast %add3A_810 : vector<16xf32> to vector<1x16xf32>
      tpu.vector_store %arg7[%swap3A_811, %swap3A_812], %swap3A_815 {strides = array<i32>} : memref<400x128xf32, #tpu.memory_space<vmem>>, vector<1x16xf32>,
      %get3A_816 = arith.index_cast %add3A_724 : i32 to index
      %get3A_817 = arith.constant 112 : index
      %get3A_818 = tpu.vector_load %arg7[%get3A_816, %get3A_817] {strides = array<i32>} : memref<400x128xf32, #tpu.memory_space<vmem>>, vector<1x16xf32>,
      %get3A_819 = vector.shape_cast %get3A_818 : vector<1x16xf32> to vector<16xf32>
      %mul3A_820 = arith.constant 11.3137083 : f32
      %mul3A_821 = vector.broadcast %mul3A_820 : f32 to vector<16xf32>
      %mul3A_822 = arith.mulf %get3A_819, %mul3A_821 : vector<16xf32>
      %add3A_823 = arith.addf %mul3A_822, %get3A_87 : vector<16xf32>
      %swap3A_824 = arith.index_cast %add3A_724 : i32 to index
      %swap3A_825 = arith.constant 112 : index
      %swap3A_826 = tpu.vector_load %arg7[%swap3A_824, %swap3A_825] {strides = array<i32>} : memref<400x128xf32, #tpu.memory_space<vmem>>, vector<1x16xf32>,
      %swap3A_827 = vector.shape_cast %swap3A_826 : vector<1x16xf32> to vector<16xf32>
      %swap3A_828 = vector.shape_cast %add3A_823 : vector<16xf32> to vector<1x16xf32>
      tpu.vector_store %arg7[%swap3A_824, %swap3A_825], %swap3A_828 {strides = array<i32>} : memref<400x128xf32, #tpu.memory_space<vmem>>, vector<1x16xf32>,
      %add3A_829 = arith.constant 350 : i32
      %add3A_830 = arith.addi %add3A_829, %scan3A_56 : i32
      %get3A_831 = arith.index_cast %add3A_830 : i32 to index
      %get3A_832 = arith.constant 0 : index
      %get3A_833 = tpu.vector_load %arg7[%get3A_831, %get3A_832] {strides = array<i32>} : memref<400x128xf32, #tpu.memory_space<vmem>>, vector<1x16xf32>,
      %get3A_834 = vector.shape_cast %get3A_833 : vector<1x16xf32> to vector<16xf32>
      %mul3A_835 = arith.constant 11.3137083 : f32
      %mul3A_836 = vector.broadcast %mul3A_835 : f32 to vector<16xf32>
      %mul3A_837 = arith.mulf %get3A_834, %mul3A_836 : vector<16xf32>
      %add3A_838 = arith.addf %mul3A_837, %get3A_59 : vector<16xf32>
      %swap3A_839 = arith.index_cast %add3A_830 : i32 to index
      %swap3A_840 = arith.constant 0 : index
      %swap3A_841 = tpu.vector_load %arg7[%swap3A_839, %swap3A_840] {strides = array<i32>} : memref<400x128xf32, #tpu.memory_space<vmem>>, vector<1x16xf32>,
      %swap3A_842 = vector.shape_cast %swap3A_841 : vector<1x16xf32> to vector<16xf32>
      %swap3A_843 = vector.shape_cast %add3A_838 : vector<16xf32> to vector<1x16xf32>
      tpu.vector_store %arg7[%swap3A_839, %swap3A_840], %swap3A_843 {strides = array<i32>} : memref<400x128xf32, #tpu.memory_space<vmem>>, vector<1x16xf32>,
      %get3A_844 = arith.index_cast %add3A_830 : i32 to index
      %get3A_845 = arith.constant 16 : index
      %get3A_846 = tpu.vector_load %arg7[%get3A_844, %get3A_845] {strides = array<i32>} : memref<400x128xf32, #tpu.memory_space<vmem>>, vector<1x16xf32>,
      %get3A_847 = vector.shape_cast %get3A_846 : vector<1x16xf32> to vector<16xf32>
      %mul3A_848 = arith.constant 11.3137083 : f32
      %mul3A_849 = vector.broadcast %mul3A_848 : f32 to vector<16xf32>
      %mul3A_850 = arith.mulf %get3A_847, %mul3A_849 : vector<16xf32>
      %add3A_851 = arith.addf %mul3A_850, %get3A_63 : vector<16xf32>
      %swap3A_852 = arith.index_cast %add3A_830 : i32 to index
      %swap3A_853 = arith.constant 16 : index
      %swap3A_854 = tpu.vector_load %arg7[%swap3A_852, %swap3A_853] {strides = array<i32>} : memref<400x128xf32, #tpu.memory_space<vmem>>, vector<1x16xf32>,
      %swap3A_855 = vector.shape_cast %swap3A_854 : vector<1x16xf32> to vector<16xf32>
      %swap3A_856 = vector.shape_cast %add3A_851 : vector<16xf32> to vector<1x16xf32>
      tpu.vector_store %arg7[%swap3A_852, %swap3A_853], %swap3A_856 {strides = array<i32>} : memref<400x128xf32, #tpu.memory_space<vmem>>, vector<1x16xf32>,
      %get3A_857 = arith.index_cast %add3A_830 : i32 to index
      %get3A_858 = arith.constant 32 : index
      %get3A_859 = tpu.vector_load %arg7[%get3A_857, %get3A_858] {strides = array<i32>} : memref<400x128xf32, #tpu.memory_space<vmem>>, vector<1x16xf32>,
      %get3A_860 = vector.shape_cast %get3A_859 : vector<1x16xf32> to vector<16xf32>
      %mul3A_861 = arith.constant 11.3137083 : f32
      %mul3A_862 = vector.broadcast %mul3A_861 : f32 to vector<16xf32>
      %mul3A_863 = arith.mulf %get3A_860, %mul3A_862 : vector<16xf32>
      %add3A_864 = arith.addf %mul3A_863, %get3A_67 : vector<16xf32>
      %swap3A_865 = arith.index_cast %add3A_830 : i32 to index
      %swap3A_866 = arith.constant 32 : index
      %swap3A_867 = tpu.vector_load %arg7[%swap3A_865, %swap3A_866] {strides = array<i32>} : memref<400x128xf32, #tpu.memory_space<vmem>>, vector<1x16xf32>,
      %swap3A_868 = vector.shape_cast %swap3A_867 : vector<1x16xf32> to vector<16xf32>
      %swap3A_869 = vector.shape_cast %add3A_864 : vector<16xf32> to vector<1x16xf32>
      tpu.vector_store %arg7[%swap3A_865, %swap3A_866], %swap3A_869 {strides = array<i32>} : memref<400x128xf32, #tpu.memory_space<vmem>>, vector<1x16xf32>,
      %get3A_870 = arith.index_cast %add3A_830 : i32 to index
      %get3A_871 = arith.constant 48 : index
      %get3A_872 = tpu.vector_load %arg7[%get3A_870, %get3A_871] {strides = array<i32>} : memref<400x128xf32, #tpu.memory_space<vmem>>, vector<1x16xf32>,
      %get3A_873 = vector.shape_cast %get3A_872 : vector<1x16xf32> to vector<16xf32>
      %mul3A_874 = arith.constant 11.3137083 : f32
      %mul3A_875 = vector.broadcast %mul3A_874 : f32 to vector<16xf32>
      %mul3A_876 = arith.mulf %get3A_873, %mul3A_875 : vector<16xf32>
      %add3A_877 = arith.addf %mul3A_876, %get3A_71 : vector<16xf32>
      %swap3A_878 = arith.index_cast %add3A_830 : i32 to index
      %swap3A_879 = arith.constant 48 : index
      %swap3A_880 = tpu.vector_load %arg7[%swap3A_878, %swap3A_879] {strides = array<i32>} : memref<400x128xf32, #tpu.memory_space<vmem>>, vector<1x16xf32>,
      %swap3A_881 = vector.shape_cast %swap3A_880 : vector<1x16xf32> to vector<16xf32>
      %swap3A_882 = vector.shape_cast %add3A_877 : vector<16xf32> to vector<1x16xf32>
      tpu.vector_store %arg7[%swap3A_878, %swap3A_879], %swap3A_882 {strides = array<i32>} : memref<400x128xf32, #tpu.memory_space<vmem>>, vector<1x16xf32>,
      %get3A_883 = arith.index_cast %add3A_830 : i32 to index
      %get3A_884 = arith.constant 64 : index
      %get3A_885 = tpu.vector_load %arg7[%get3A_883, %get3A_884] {strides = array<i32>} : memref<400x128xf32, #tpu.memory_space<vmem>>, vector<1x16xf32>,
      %get3A_886 = vector.shape_cast %get3A_885 : vector<1x16xf32> to vector<16xf32>
      %mul3A_887 = arith.constant 11.3137083 : f32
      %mul3A_888 = vector.broadcast %mul3A_887 : f32 to vector<16xf32>
      %mul3A_889 = arith.mulf %get3A_886, %mul3A_888 : vector<16xf32>
      %add3A_890 = arith.addf %mul3A_889, %get3A_75 : vector<16xf32>
      %swap3A_891 = arith.index_cast %add3A_830 : i32 to index
      %swap3A_892 = arith.constant 64 : index
      %swap3A_893 = tpu.vector_load %arg7[%swap3A_891, %swap3A_892] {strides = array<i32>} : memref<400x128xf32, #tpu.memory_space<vmem>>, vector<1x16xf32>,
      %swap3A_894 = vector.shape_cast %swap3A_893 : vector<1x16xf32> to vector<16xf32>
      %swap3A_895 = vector.shape_cast %add3A_890 : vector<16xf32> to vector<1x16xf32>
      tpu.vector_store %arg7[%swap3A_891, %swap3A_892], %swap3A_895 {strides = array<i32>} : memref<400x128xf32, #tpu.memory_space<vmem>>, vector<1x16xf32>,
      %get3A_896 = arith.index_cast %add3A_830 : i32 to index
      %get3A_897 = arith.constant 80 : index
      %get3A_898 = tpu.vector_load %arg7[%get3A_896, %get3A_897] {strides = array<i32>} : memref<400x128xf32, #tpu.memory_space<vmem>>, vector<1x16xf32>,
      %get3A_899 = vector.shape_cast %get3A_898 : vector<1x16xf32> to vector<16xf32>
      %mul3A_900 = arith.constant 11.3137083 : f32
      %mul3A_901 = vector.broadcast %mul3A_900 : f32 to vector<16xf32>
      %mul3A_902 = arith.mulf %get3A_899, %mul3A_901 : vector<16xf32>
      %add3A_903 = arith.addf %mul3A_902, %get3A_79 : vector<16xf32>
      %swap3A_904 = arith.index_cast %add3A_830 : i32 to index
      %swap3A_905 = arith.constant 80 : index
      %swap3A_906 = tpu.vector_load %arg7[%swap3A_904, %swap3A_905] {strides = array<i32>} : memref<400x128xf32, #tpu.memory_space<vmem>>, vector<1x16xf32>,
      %swap3A_907 = vector.shape_cast %swap3A_906 : vector<1x16xf32> to vector<16xf32>
      %swap3A_908 = vector.shape_cast %add3A_903 : vector<16xf32> to vector<1x16xf32>
      tpu.vector_store %arg7[%swap3A_904, %swap3A_905], %swap3A_908 {strides = array<i32>} : memref<400x128xf32, #tpu.memory_space<vmem>>, vector<1x16xf32>,
      %get3A_909 = arith.index_cast %add3A_830 : i32 to index
      %get3A_910 = arith.constant 96 : index
      %get3A_911 = tpu.vector_load %arg7[%get3A_909, %get3A_910] {strides = array<i32>} : memref<400x128xf32, #tpu.memory_space<vmem>>, vector<1x16xf32>,
      %get3A_912 = vector.shape_cast %get3A_911 : vector<1x16xf32> to vector<16xf32>
      %mul3A_913 = arith.constant 11.3137083 : f32
      %mul3A_914 = vector.broadcast %mul3A_913 : f32 to vector<16xf32>
      %mul3A_915 = arith.mulf %get3A_912, %mul3A_914 : vector<16xf32>
      %add3A_916 = arith.addf %mul3A_915, %get3A_83 : vector<16xf32>
      %swap3A_917 = arith.index_cast %add3A_830 : i32 to index
      %swap3A_918 = arith.constant 96 : index
      %swap3A_919 = tpu.vector_load %arg7[%swap3A_917, %swap3A_918] {strides = array<i32>} : memref<400x128xf32, #tpu.memory_space<vmem>>, vector<1x16xf32>,
      %swap3A_920 = vector.shape_cast %swap3A_919 : vector<1x16xf32> to vector<16xf32>
      %swap3A_921 = vector.shape_cast %add3A_916 : vector<16xf32> to vector<1x16xf32>
      tpu.vector_store %arg7[%swap3A_917, %swap3A_918], %swap3A_921 {strides = array<i32>} : memref<400x128xf32, #tpu.memory_space<vmem>>, vector<1x16xf32>,
      %get3A_922 = arith.index_cast %add3A_830 : i32 to index
      %get3A_923 = arith.constant 112 : index
      %get3A_924 = tpu.vector_load %arg7[%get3A_922, %get3A_923] {strides = array<i32>} : memref<400x128xf32, #tpu.memory_space<vmem>>, vector<1x16xf32>,
      %get3A_925 = vector.shape_cast %get3A_924 : vector<1x16xf32> to vector<16xf32>
      %mul3A_926 = arith.constant 11.3137083 : f32
      %mul3A_927 = vector.broadcast %mul3A_926 : f32 to vector<16xf32>
      %mul3A_928 = arith.mulf %get3A_925, %mul3A_927 : vector<16xf32>
      %add3A_929 = arith.addf %mul3A_928, %get3A_87 : vector<16xf32>
      %swap3A_930 = arith.index_cast %add3A_830 : i32 to index
      %swap3A_931 = arith.constant 112 : index
      %swap3A_932 = tpu.vector_load %arg7[%swap3A_930, %swap3A_931] {strides = array<i32>} : memref<400x128xf32, #tpu.memory_space<vmem>>, vector<1x16xf32>,
      %swap3A_933 = vector.shape_cast %swap3A_932 : vector<1x16xf32> to vector<16xf32>
      %swap3A_934 = vector.shape_cast %add3A_929 : vector<16xf32> to vector<1x16xf32>
      tpu.vector_store %arg7[%swap3A_930, %swap3A_931], %swap3A_934 {strides = array<i32>} : memref<400x128xf32, #tpu.memory_space<vmem>>, vector<1x16xf32>,
    }
    %scan3A_27 = arith.constant 50 : i32
    "tpu.region"() ({
      %run_scoped3A = tpu.sem_alloc : memref<!tpu.dma_semaphore, #tpu.memory_space<semaphore_mem>>
      %dma_start3A_56 = arith.constant 0 : i32
      %dma_start3A_57 = tpu.memref_slice %arg5[%add3A_15, %dma_start3A_56] : memref<51200x128xf32, #tpu.memory_space<hbm>> -> memref<400x128xf32, #tpu.memory_space<hbm>>
      %dma_start3A_58 = arith.constant 0 : i32
      %dma_start3A_59 = tpu.memref_slice %arg5[%add3A_15, %dma_start3A_58] : memref<51200x128xf32, #tpu.memory_space<hbm>> -> memref<400x128xf32, #tpu.memory_space<hbm>>
      tpu.enqueue_dma source(%arg7 : memref<400x128xf32, #tpu.memory_space<vmem>>) target(%dma_start3A_59 : memref<400x128xf32, #tpu.memory_space<hbm>>) target_semaphore(%run_scoped3A : memref<!tpu.dma_semaphore, #tpu.memory_space<semaphore_mem>>)
      %dma_wait3A_60 = arith.constant 0 : i32
      %dma_wait3A_61 = tpu.memref_slice %arg5[%add3A_15, %dma_wait3A_60] : memref<51200x128xf32, #tpu.memory_space<hbm>> -> memref<400x128xf32, #tpu.memory_space<hbm>>
      %dma_wait3A_62 = arith.constant 0 : i32
      %dma_wait3A_63 = tpu.memref_slice %arg5[%add3A_15, %dma_wait3A_62] : memref<51200x128xf32, #tpu.memory_space<hbm>> -> memref<400x128xf32, #tpu.memory_space<hbm>>
      tpu.wait_dma2 semaphore(%run_scoped3A : memref<!tpu.dma_semaphore, #tpu.memory_space<semaphore_mem>>) src(%arg7 : memref<400x128xf32, #tpu.memory_space<vmem>>) dst(%dma_wait3A_63 : memref<400x128xf32, #tpu.memory_space<hbm>>)
      tpu.yield
    }) : () -> ()
    %add3A_28 = arith.constant 800 : i32
    %add3A_29 = arith.addi %mul3A_2, %add3A_28 : i32
    "tpu.region"() ({
      %run_scoped3A = tpu.sem_alloc : memref<!tpu.dma_semaphore, #tpu.memory_space<semaphore_mem>>
      %dma_start3A_56 = tpu.memref_slice %arg2[%add3A_29] : memref<51200xi32, #tpu.memory_space<hbm>> -> memref<400xi32, #tpu.memory_space<hbm>>
      %dma_start3A_57 = tpu.memref_slice %arg2[%add3A_29] : memref<51200xi32, #tpu.memory_space<hbm>> -> memref<400xi32, #tpu.memory_space<hbm>>
      tpu.enqueue_dma source(%dma_start3A_57 : memref<400xi32, #tpu.memory_space<hbm>>) target(%arg6 : memref<400xi32, #tpu.memory_space<vmem>>) target_semaphore(%run_scoped3A : memref<!tpu.dma_semaphore, #tpu.memory_space<semaphore_mem>>)
      %dma_wait3A_58 = tpu.memref_slice %arg2[%add3A_29] : memref<51200xi32, #tpu.memory_space<hbm>> -> memref<400xi32, #tpu.memory_space<hbm>>
      %dma_wait3A_59 = tpu.memref_slice %arg2[%add3A_29] : memref<51200xi32, #tpu.memory_space<hbm>> -> memref<400xi32, #tpu.memory_space<hbm>>
      tpu.wait_dma2 semaphore(%run_scoped3A : memref<!tpu.dma_semaphore, #tpu.memory_space<semaphore_mem>>) src(%dma_wait3A_59 : memref<400xi32, #tpu.memory_space<hbm>>) dst(%arg6 : memref<400xi32, #tpu.memory_space<vmem>>)
      tpu.yield
    }) : () -> ()
    %dma_start3A_30 = arith.constant 0 : i32
    %dma_start3A_31 = arith.constant 0 : i32
    %dma_start3A_32 = tpu.memref_slice %arg3[%dma_start3A_30, %dma_start3A_31] : memref<100000x128xf32, #tpu.memory_space<hbm>> -> memref<100000x128xf32, #tpu.memory_space<hbm>>
    tpu.enqueue_indirect_dma source(%dma_start3A_32 : memref<100000x128xf32, #tpu.memory_space<hbm>>) target(%arg7 : memref<400x128xf32, #tpu.memory_space<vmem>>) offsets(%arg6 : memref<400xi32, #tpu.memory_space<vmem>>) semaphore(%arg9 : memref<!tpu.dma_semaphore, #tpu.memory_space<semaphore_mem>>)
    %dma_wait3A_33 = arith.constant 0 : i32
    %dma_wait3A_34 = arith.constant 0 : i32
    %dma_wait3A_35 = tpu.memref_slice %arg3[%dma_wait3A_33, %dma_wait3A_34] : memref<100000x128xf32, #tpu.memory_space<hbm>> -> memref<100000x128xf32, #tpu.memory_space<hbm>>
    tpu.wait_indirect_dma semaphore(%arg9 : memref<!tpu.dma_semaphore, #tpu.memory_space<semaphore_mem>>) src(%dma_wait3A_35 : memref<100000x128xf32, #tpu.memory_space<hbm>>) dst(%arg7 : memref<400x128xf32, #tpu.memory_space<vmem>>)
    %scan3A_36 = arith.constant 0 : i32
    %scan3A_37 = arith.constant 0 : i32
    %scan3A_38 = arith.constant 50 : i32
    %scan3A_39 = arith.addi %scan3A_37, %scan3A_38 : i32
    %scan3A_40 = arith.constant 1 : i32
    scf.for %scan3A_56 = %scan3A_37 to %scan3A_39 step %scan3A_40  : i32 {
      %get3A = arith.index_cast %scan3A_56 : i32 to index
      %get3A_57 = arith.constant 0 : index
      %get3A_58 = tpu.vector_load %arg8[%get3A, %get3A_57] {strides = array<i32>} : memref<50x128xf32, #tpu.memory_space<vmem>>, vector<1x16xf32>,
      %get3A_59 = vector.shape_cast %get3A_58 : vector<1x16xf32> to vector<16xf32>
      %get3A_60 = arith.index_cast %scan3A_56 : i32 to index
      %get3A_61 = arith.constant 16 : index
      %get3A_62 = tpu.vector_load %arg8[%get3A_60, %get3A_61] {strides = array<i32>} : memref<50x128xf32, #tpu.memory_space<vmem>>, vector<1x16xf32>,
      %get3A_63 = vector.shape_cast %get3A_62 : vector<1x16xf32> to vector<16xf32>
      %get3A_64 = arith.index_cast %scan3A_56 : i32 to index
      %get3A_65 = arith.constant 32 : index
      %get3A_66 = tpu.vector_load %arg8[%get3A_64, %get3A_65] {strides = array<i32>} : memref<50x128xf32, #tpu.memory_space<vmem>>, vector<1x16xf32>,
      %get3A_67 = vector.shape_cast %get3A_66 : vector<1x16xf32> to vector<16xf32>
      %get3A_68 = arith.index_cast %scan3A_56 : i32 to index
      %get3A_69 = arith.constant 48 : index
      %get3A_70 = tpu.vector_load %arg8[%get3A_68, %get3A_69] {strides = array<i32>} : memref<50x128xf32, #tpu.memory_space<vmem>>, vector<1x16xf32>,
      %get3A_71 = vector.shape_cast %get3A_70 : vector<1x16xf32> to vector<16xf32>
      %get3A_72 = arith.index_cast %scan3A_56 : i32 to index
      %get3A_73 = arith.constant 64 : index
      %get3A_74 = tpu.vector_load %arg8[%get3A_72, %get3A_73] {strides = array<i32>} : memref<50x128xf32, #tpu.memory_space<vmem>>, vector<1x16xf32>,
      %get3A_75 = vector.shape_cast %get3A_74 : vector<1x16xf32> to vector<16xf32>
      %get3A_76 = arith.index_cast %scan3A_56 : i32 to index
      %get3A_77 = arith.constant 80 : index
      %get3A_78 = tpu.vector_load %arg8[%get3A_76, %get3A_77] {strides = array<i32>} : memref<50x128xf32, #tpu.memory_space<vmem>>, vector<1x16xf32>,
      %get3A_79 = vector.shape_cast %get3A_78 : vector<1x16xf32> to vector<16xf32>
      %get3A_80 = arith.index_cast %scan3A_56 : i32 to index
      %get3A_81 = arith.constant 96 : index
      %get3A_82 = tpu.vector_load %arg8[%get3A_80, %get3A_81] {strides = array<i32>} : memref<50x128xf32, #tpu.memory_space<vmem>>, vector<1x16xf32>,
      %get3A_83 = vector.shape_cast %get3A_82 : vector<1x16xf32> to vector<16xf32>
      %get3A_84 = arith.index_cast %scan3A_56 : i32 to index
      %get3A_85 = arith.constant 112 : index
      %get3A_86 = tpu.vector_load %arg8[%get3A_84, %get3A_85] {strides = array<i32>} : memref<50x128xf32, #tpu.memory_space<vmem>>, vector<1x16xf32>,
      %get3A_87 = vector.shape_cast %get3A_86 : vector<1x16xf32> to vector<16xf32>
      %add3A_88 = arith.constant 0 : i32
      %add3A_89 = arith.addi %add3A_88, %scan3A_56 : i32
      %get3A_90 = arith.index_cast %add3A_89 : i32 to index
      %get3A_91 = arith.constant 0 : index
      %get3A_92 = tpu.vector_load %arg7[%get3A_90, %get3A_91] {strides = array<i32>} : memref<400x128xf32, #tpu.memory_space<vmem>>, vector<1x16xf32>,
      %get3A_93 = vector.shape_cast %get3A_92 : vector<1x16xf32> to vector<16xf32>
      %mul3A_94 = arith.constant 11.3137083 : f32
      %mul3A_95 = vector.broadcast %mul3A_94 : f32 to vector<16xf32>
      %mul3A_96 = arith.mulf %get3A_93, %mul3A_95 : vector<16xf32>
      %add3A_97 = arith.addf %mul3A_96, %get3A_59 : vector<16xf32>
      %swap3A = arith.index_cast %add3A_89 : i32 to index
      %swap3A_98 = arith.constant 0 : index
      %swap3A_99 = tpu.vector_load %arg7[%swap3A, %swap3A_98] {strides = array<i32>} : memref<400x128xf32, #tpu.memory_space<vmem>>, vector<1x16xf32>,
      %swap3A_100 = vector.shape_cast %swap3A_99 : vector<1x16xf32> to vector<16xf32>
      %swap3A_101 = vector.shape_cast %add3A_97 : vector<16xf32> to vector<1x16xf32>
      tpu.vector_store %arg7[%swap3A, %swap3A_98], %swap3A_101 {strides = array<i32>} : memref<400x128xf32, #tpu.memory_space<vmem>>, vector<1x16xf32>,
      %get3A_102 = arith.index_cast %add3A_89 : i32 to index
      %get3A_103 = arith.constant 16 : index
      %get3A_104 = tpu.vector_load %arg7[%get3A_102, %get3A_103] {strides = array<i32>} : memref<400x128xf32, #tpu.memory_space<vmem>>, vector<1x16xf32>,
      %get3A_105 = vector.shape_cast %get3A_104 : vector<1x16xf32> to vector<16xf32>
      %mul3A_106 = arith.constant 11.3137083 : f32
      %mul3A_107 = vector.broadcast %mul3A_106 : f32 to vector<16xf32>
      %mul3A_108 = arith.mulf %get3A_105, %mul3A_107 : vector<16xf32>
      %add3A_109 = arith.addf %mul3A_108, %get3A_63 : vector<16xf32>
      %swap3A_110 = arith.index_cast %add3A_89 : i32 to index
      %swap3A_111 = arith.constant 16 : index
      %swap3A_112 = tpu.vector_load %arg7[%swap3A_110, %swap3A_111] {strides = array<i32>} : memref<400x128xf32, #tpu.memory_space<vmem>>, vector<1x16xf32>,
      %swap3A_113 = vector.shape_cast %swap3A_112 : vector<1x16xf32> to vector<16xf32>
      %swap3A_114 = vector.shape_cast %add3A_109 : vector<16xf32> to vector<1x16xf32>
      tpu.vector_store %arg7[%swap3A_110, %swap3A_111], %swap3A_114 {strides = array<i32>} : memref<400x128xf32, #tpu.memory_space<vmem>>, vector<1x16xf32>,
      %get3A_115 = arith.index_cast %add3A_89 : i32 to index
      %get3A_116 = arith.constant 32 : index
      %get3A_117 = tpu.vector_load %arg7[%get3A_115, %get3A_116] {strides = array<i32>} : memref<400x128xf32, #tpu.memory_space<vmem>>, vector<1x16xf32>,
      %get3A_118 = vector.shape_cast %get3A_117 : vector<1x16xf32> to vector<16xf32>
      %mul3A_119 = arith.constant 11.3137083 : f32
      %mul3A_120 = vector.broadcast %mul3A_119 : f32 to vector<16xf32>
      %mul3A_121 = arith.mulf %get3A_118, %mul3A_120 : vector<16xf32>
      %add3A_122 = arith.addf %mul3A_121, %get3A_67 : vector<16xf32>
      %swap3A_123 = arith.index_cast %add3A_89 : i32 to index
      %swap3A_124 = arith.constant 32 : index
      %swap3A_125 = tpu.vector_load %arg7[%swap3A_123, %swap3A_124] {strides = array<i32>} : memref<400x128xf32, #tpu.memory_space<vmem>>, vector<1x16xf32>,
      %swap3A_126 = vector.shape_cast %swap3A_125 : vector<1x16xf32> to vector<16xf32>
      %swap3A_127 = vector.shape_cast %add3A_122 : vector<16xf32> to vector<1x16xf32>
      tpu.vector_store %arg7[%swap3A_123, %swap3A_124], %swap3A_127 {strides = array<i32>} : memref<400x128xf32, #tpu.memory_space<vmem>>, vector<1x16xf32>,
      %get3A_128 = arith.index_cast %add3A_89 : i32 to index
      %get3A_129 = arith.constant 48 : index
      %get3A_130 = tpu.vector_load %arg7[%get3A_128, %get3A_129] {strides = array<i32>} : memref<400x128xf32, #tpu.memory_space<vmem>>, vector<1x16xf32>,
      %get3A_131 = vector.shape_cast %get3A_130 : vector<1x16xf32> to vector<16xf32>
      %mul3A_132 = arith.constant 11.3137083 : f32
      %mul3A_133 = vector.broadcast %mul3A_132 : f32 to vector<16xf32>
      %mul3A_134 = arith.mulf %get3A_131, %mul3A_133 : vector<16xf32>
      %add3A_135 = arith.addf %mul3A_134, %get3A_71 : vector<16xf32>
      %swap3A_136 = arith.index_cast %add3A_89 : i32 to index
      %swap3A_137 = arith.constant 48 : index
      %swap3A_138 = tpu.vector_load %arg7[%swap3A_136, %swap3A_137] {strides = array<i32>} : memref<400x128xf32, #tpu.memory_space<vmem>>, vector<1x16xf32>,
      %swap3A_139 = vector.shape_cast %swap3A_138 : vector<1x16xf32> to vector<16xf32>
      %swap3A_140 = vector.shape_cast %add3A_135 : vector<16xf32> to vector<1x16xf32>
      tpu.vector_store %arg7[%swap3A_136, %swap3A_137], %swap3A_140 {strides = array<i32>} : memref<400x128xf32, #tpu.memory_space<vmem>>, vector<1x16xf32>,
      %get3A_141 = arith.index_cast %add3A_89 : i32 to index
      %get3A_142 = arith.constant 64 : index
      %get3A_143 = tpu.vector_load %arg7[%get3A_141, %get3A_142] {strides = array<i32>} : memref<400x128xf32, #tpu.memory_space<vmem>>, vector<1x16xf32>,
      %get3A_144 = vector.shape_cast %get3A_143 : vector<1x16xf32> to vector<16xf32>
      %mul3A_145 = arith.constant 11.3137083 : f32
      %mul3A_146 = vector.broadcast %mul3A_145 : f32 to vector<16xf32>
      %mul3A_147 = arith.mulf %get3A_144, %mul3A_146 : vector<16xf32>
      %add3A_148 = arith.addf %mul3A_147, %get3A_75 : vector<16xf32>
      %swap3A_149 = arith.index_cast %add3A_89 : i32 to index
      %swap3A_150 = arith.constant 64 : index
      %swap3A_151 = tpu.vector_load %arg7[%swap3A_149, %swap3A_150] {strides = array<i32>} : memref<400x128xf32, #tpu.memory_space<vmem>>, vector<1x16xf32>,
      %swap3A_152 = vector.shape_cast %swap3A_151 : vector<1x16xf32> to vector<16xf32>
      %swap3A_153 = vector.shape_cast %add3A_148 : vector<16xf32> to vector<1x16xf32>
      tpu.vector_store %arg7[%swap3A_149, %swap3A_150], %swap3A_153 {strides = array<i32>} : memref<400x128xf32, #tpu.memory_space<vmem>>, vector<1x16xf32>,
      %get3A_154 = arith.index_cast %add3A_89 : i32 to index
      %get3A_155 = arith.constant 80 : index
      %get3A_156 = tpu.vector_load %arg7[%get3A_154, %get3A_155] {strides = array<i32>} : memref<400x128xf32, #tpu.memory_space<vmem>>, vector<1x16xf32>,
      %get3A_157 = vector.shape_cast %get3A_156 : vector<1x16xf32> to vector<16xf32>
      %mul3A_158 = arith.constant 11.3137083 : f32
      %mul3A_159 = vector.broadcast %mul3A_158 : f32 to vector<16xf32>
      %mul3A_160 = arith.mulf %get3A_157, %mul3A_159 : vector<16xf32>
      %add3A_161 = arith.addf %mul3A_160, %get3A_79 : vector<16xf32>
      %swap3A_162 = arith.index_cast %add3A_89 : i32 to index
      %swap3A_163 = arith.constant 80 : index
      %swap3A_164 = tpu.vector_load %arg7[%swap3A_162, %swap3A_163] {strides = array<i32>} : memref<400x128xf32, #tpu.memory_space<vmem>>, vector<1x16xf32>,
      %swap3A_165 = vector.shape_cast %swap3A_164 : vector<1x16xf32> to vector<16xf32>
      %swap3A_166 = vector.shape_cast %add3A_161 : vector<16xf32> to vector<1x16xf32>
      tpu.vector_store %arg7[%swap3A_162, %swap3A_163], %swap3A_166 {strides = array<i32>} : memref<400x128xf32, #tpu.memory_space<vmem>>, vector<1x16xf32>,
      %get3A_167 = arith.index_cast %add3A_89 : i32 to index
      %get3A_168 = arith.constant 96 : index
      %get3A_169 = tpu.vector_load %arg7[%get3A_167, %get3A_168] {strides = array<i32>} : memref<400x128xf32, #tpu.memory_space<vmem>>, vector<1x16xf32>,
      %get3A_170 = vector.shape_cast %get3A_169 : vector<1x16xf32> to vector<16xf32>
      %mul3A_171 = arith.constant 11.3137083 : f32
      %mul3A_172 = vector.broadcast %mul3A_171 : f32 to vector<16xf32>
      %mul3A_173 = arith.mulf %get3A_170, %mul3A_172 : vector<16xf32>
      %add3A_174 = arith.addf %mul3A_173, %get3A_83 : vector<16xf32>
      %swap3A_175 = arith.index_cast %add3A_89 : i32 to index
      %swap3A_176 = arith.constant 96 : index
      %swap3A_177 = tpu.vector_load %arg7[%swap3A_175, %swap3A_176] {strides = array<i32>} : memref<400x128xf32, #tpu.memory_space<vmem>>, vector<1x16xf32>,
      %swap3A_178 = vector.shape_cast %swap3A_177 : vector<1x16xf32> to vector<16xf32>
      %swap3A_179 = vector.shape_cast %add3A_174 : vector<16xf32> to vector<1x16xf32>
      tpu.vector_store %arg7[%swap3A_175, %swap3A_176], %swap3A_179 {strides = array<i32>} : memref<400x128xf32, #tpu.memory_space<vmem>>, vector<1x16xf32>,
      %get3A_180 = arith.index_cast %add3A_89 : i32 to index
      %get3A_181 = arith.constant 112 : index
      %get3A_182 = tpu.vector_load %arg7[%get3A_180, %get3A_181] {strides = array<i32>} : memref<400x128xf32, #tpu.memory_space<vmem>>, vector<1x16xf32>,
      %get3A_183 = vector.shape_cast %get3A_182 : vector<1x16xf32> to vector<16xf32>
      %mul3A_184 = arith.constant 11.3137083 : f32
      %mul3A_185 = vector.broadcast %mul3A_184 : f32 to vector<16xf32>
      %mul3A_186 = arith.mulf %get3A_183, %mul3A_185 : vector<16xf32>
      %add3A_187 = arith.addf %mul3A_186, %get3A_87 : vector<16xf32>
      %swap3A_188 = arith.index_cast %add3A_89 : i32 to index
      %swap3A_189 = arith.constant 112 : index
      %swap3A_190 = tpu.vector_load %arg7[%swap3A_188, %swap3A_189] {strides = array<i32>} : memref<400x128xf32, #tpu.memory_space<vmem>>, vector<1x16xf32>,
      %swap3A_191 = vector.shape_cast %swap3A_190 : vector<1x16xf32> to vector<16xf32>
      %swap3A_192 = vector.shape_cast %add3A_187 : vector<16xf32> to vector<1x16xf32>
      tpu.vector_store %arg7[%swap3A_188, %swap3A_189], %swap3A_192 {strides = array<i32>} : memref<400x128xf32, #tpu.memory_space<vmem>>, vector<1x16xf32>,
      %add3A_193 = arith.constant 50 : i32
      %add3A_194 = arith.addi %add3A_193, %scan3A_56 : i32
      %get3A_195 = arith.index_cast %add3A_194 : i32 to index
      %get3A_196 = arith.constant 0 : index
      %get3A_197 = tpu.vector_load %arg7[%get3A_195, %get3A_196] {strides = array<i32>} : memref<400x128xf32, #tpu.memory_space<vmem>>, vector<1x16xf32>,
      %get3A_198 = vector.shape_cast %get3A_197 : vector<1x16xf32> to vector<16xf32>
      %mul3A_199 = arith.constant 11.3137083 : f32
      %mul3A_200 = vector.broadcast %mul3A_199 : f32 to vector<16xf32>
      %mul3A_201 = arith.mulf %get3A_198, %mul3A_200 : vector<16xf32>
      %add3A_202 = arith.addf %mul3A_201, %get3A_59 : vector<16xf32>
      %swap3A_203 = arith.index_cast %add3A_194 : i32 to index
      %swap3A_204 = arith.constant 0 : index
      %swap3A_205 = tpu.vector_load %arg7[%swap3A_203, %swap3A_204] {strides = array<i32>} : memref<400x128xf32, #tpu.memory_space<vmem>>, vector<1x16xf32>,
      %swap3A_206 = vector.shape_cast %swap3A_205 : vector<1x16xf32> to vector<16xf32>
      %swap3A_207 = vector.shape_cast %add3A_202 : vector<16xf32> to vector<1x16xf32>
      tpu.vector_store %arg7[%swap3A_203, %swap3A_204], %swap3A_207 {strides = array<i32>} : memref<400x128xf32, #tpu.memory_space<vmem>>, vector<1x16xf32>,
      %get3A_208 = arith.index_cast %add3A_194 : i32 to index
      %get3A_209 = arith.constant 16 : index
      %get3A_210 = tpu.vector_load %arg7[%get3A_208, %get3A_209] {strides = array<i32>} : memref<400x128xf32, #tpu.memory_space<vmem>>, vector<1x16xf32>,
      %get3A_211 = vector.shape_cast %get3A_210 : vector<1x16xf32> to vector<16xf32>
      %mul3A_212 = arith.constant 11.3137083 : f32
      %mul3A_213 = vector.broadcast %mul3A_212 : f32 to vector<16xf32>
      %mul3A_214 = arith.mulf %get3A_211, %mul3A_213 : vector<16xf32>
      %add3A_215 = arith.addf %mul3A_214, %get3A_63 : vector<16xf32>
      %swap3A_216 = arith.index_cast %add3A_194 : i32 to index
      %swap3A_217 = arith.constant 16 : index
      %swap3A_218 = tpu.vector_load %arg7[%swap3A_216, %swap3A_217] {strides = array<i32>} : memref<400x128xf32, #tpu.memory_space<vmem>>, vector<1x16xf32>,
      %swap3A_219 = vector.shape_cast %swap3A_218 : vector<1x16xf32> to vector<16xf32>
      %swap3A_220 = vector.shape_cast %add3A_215 : vector<16xf32> to vector<1x16xf32>
      tpu.vector_store %arg7[%swap3A_216, %swap3A_217], %swap3A_220 {strides = array<i32>} : memref<400x128xf32, #tpu.memory_space<vmem>>, vector<1x16xf32>,
      %get3A_221 = arith.index_cast %add3A_194 : i32 to index
      %get3A_222 = arith.constant 32 : index
      %get3A_223 = tpu.vector_load %arg7[%get3A_221, %get3A_222] {strides = array<i32>} : memref<400x128xf32, #tpu.memory_space<vmem>>, vector<1x16xf32>,
      %get3A_224 = vector.shape_cast %get3A_223 : vector<1x16xf32> to vector<16xf32>
      %mul3A_225 = arith.constant 11.3137083 : f32
      %mul3A_226 = vector.broadcast %mul3A_225 : f32 to vector<16xf32>
      %mul3A_227 = arith.mulf %get3A_224, %mul3A_226 : vector<16xf32>
      %add3A_228 = arith.addf %mul3A_227, %get3A_67 : vector<16xf32>
      %swap3A_229 = arith.index_cast %add3A_194 : i32 to index
      %swap3A_230 = arith.constant 32 : index
      %swap3A_231 = tpu.vector_load %arg7[%swap3A_229, %swap3A_230] {strides = array<i32>} : memref<400x128xf32, #tpu.memory_space<vmem>>, vector<1x16xf32>,
      %swap3A_232 = vector.shape_cast %swap3A_231 : vector<1x16xf32> to vector<16xf32>
      %swap3A_233 = vector.shape_cast %add3A_228 : vector<16xf32> to vector<1x16xf32>
      tpu.vector_store %arg7[%swap3A_229, %swap3A_230], %swap3A_233 {strides = array<i32>} : memref<400x128xf32, #tpu.memory_space<vmem>>, vector<1x16xf32>,
      %get3A_234 = arith.index_cast %add3A_194 : i32 to index
      %get3A_235 = arith.constant 48 : index
      %get3A_236 = tpu.vector_load %arg7[%get3A_234, %get3A_235] {strides = array<i32>} : memref<400x128xf32, #tpu.memory_space<vmem>>, vector<1x16xf32>,
      %get3A_237 = vector.shape_cast %get3A_236 : vector<1x16xf32> to vector<16xf32>
      %mul3A_238 = arith.constant 11.3137083 : f32
      %mul3A_239 = vector.broadcast %mul3A_238 : f32 to vector<16xf32>
      %mul3A_240 = arith.mulf %get3A_237, %mul3A_239 : vector<16xf32>
      %add3A_241 = arith.addf %mul3A_240, %get3A_71 : vector<16xf32>
      %swap3A_242 = arith.index_cast %add3A_194 : i32 to index
      %swap3A_243 = arith.constant 48 : index
      %swap3A_244 = tpu.vector_load %arg7[%swap3A_242, %swap3A_243] {strides = array<i32>} : memref<400x128xf32, #tpu.memory_space<vmem>>, vector<1x16xf32>,
      %swap3A_245 = vector.shape_cast %swap3A_244 : vector<1x16xf32> to vector<16xf32>
      %swap3A_246 = vector.shape_cast %add3A_241 : vector<16xf32> to vector<1x16xf32>
      tpu.vector_store %arg7[%swap3A_242, %swap3A_243], %swap3A_246 {strides = array<i32>} : memref<400x128xf32, #tpu.memory_space<vmem>>, vector<1x16xf32>,
      %get3A_247 = arith.index_cast %add3A_194 : i32 to index
      %get3A_248 = arith.constant 64 : index
      %get3A_249 = tpu.vector_load %arg7[%get3A_247, %get3A_248] {strides = array<i32>} : memref<400x128xf32, #tpu.memory_space<vmem>>, vector<1x16xf32>,
      %get3A_250 = vector.shape_cast %get3A_249 : vector<1x16xf32> to vector<16xf32>
      %mul3A_251 = arith.constant 11.3137083 : f32
      %mul3A_252 = vector.broadcast %mul3A_251 : f32 to vector<16xf32>
      %mul3A_253 = arith.mulf %get3A_250, %mul3A_252 : vector<16xf32>
      %add3A_254 = arith.addf %mul3A_253, %get3A_75 : vector<16xf32>
      %swap3A_255 = arith.index_cast %add3A_194 : i32 to index
      %swap3A_256 = arith.constant 64 : index
      %swap3A_257 = tpu.vector_load %arg7[%swap3A_255, %swap3A_256] {strides = array<i32>} : memref<400x128xf32, #tpu.memory_space<vmem>>, vector<1x16xf32>,
      %swap3A_258 = vector.shape_cast %swap3A_257 : vector<1x16xf32> to vector<16xf32>
      %swap3A_259 = vector.shape_cast %add3A_254 : vector<16xf32> to vector<1x16xf32>
      tpu.vector_store %arg7[%swap3A_255, %swap3A_256], %swap3A_259 {strides = array<i32>} : memref<400x128xf32, #tpu.memory_space<vmem>>, vector<1x16xf32>,
      %get3A_260 = arith.index_cast %add3A_194 : i32 to index
      %get3A_261 = arith.constant 80 : index
      %get3A_262 = tpu.vector_load %arg7[%get3A_260, %get3A_261] {strides = array<i32>} : memref<400x128xf32, #tpu.memory_space<vmem>>, vector<1x16xf32>,
      %get3A_263 = vector.shape_cast %get3A_262 : vector<1x16xf32> to vector<16xf32>
      %mul3A_264 = arith.constant 11.3137083 : f32
      %mul3A_265 = vector.broadcast %mul3A_264 : f32 to vector<16xf32>
      %mul3A_266 = arith.mulf %get3A_263, %mul3A_265 : vector<16xf32>
      %add3A_267 = arith.addf %mul3A_266, %get3A_79 : vector<16xf32>
      %swap3A_268 = arith.index_cast %add3A_194 : i32 to index
      %swap3A_269 = arith.constant 80 : index
      %swap3A_270 = tpu.vector_load %arg7[%swap3A_268, %swap3A_269] {strides = array<i32>} : memref<400x128xf32, #tpu.memory_space<vmem>>, vector<1x16xf32>,
      %swap3A_271 = vector.shape_cast %swap3A_270 : vector<1x16xf32> to vector<16xf32>
      %swap3A_272 = vector.shape_cast %add3A_267 : vector<16xf32> to vector<1x16xf32>
      tpu.vector_store %arg7[%swap3A_268, %swap3A_269], %swap3A_272 {strides = array<i32>} : memref<400x128xf32, #tpu.memory_space<vmem>>, vector<1x16xf32>,
      %get3A_273 = arith.index_cast %add3A_194 : i32 to index
      %get3A_274 = arith.constant 96 : index
      %get3A_275 = tpu.vector_load %arg7[%get3A_273, %get3A_274] {strides = array<i32>} : memref<400x128xf32, #tpu.memory_space<vmem>>, vector<1x16xf32>,
      %get3A_276 = vector.shape_cast %get3A_275 : vector<1x16xf32> to vector<16xf32>
      %mul3A_277 = arith.constant 11.3137083 : f32
      %mul3A_278 = vector.broadcast %mul3A_277 : f32 to vector<16xf32>
      %mul3A_279 = arith.mulf %get3A_276, %mul3A_278 : vector<16xf32>
      %add3A_280 = arith.addf %mul3A_279, %get3A_83 : vector<16xf32>
      %swap3A_281 = arith.index_cast %add3A_194 : i32 to index
      %swap3A_282 = arith.constant 96 : index
      %swap3A_283 = tpu.vector_load %arg7[%swap3A_281, %swap3A_282] {strides = array<i32>} : memref<400x128xf32, #tpu.memory_space<vmem>>, vector<1x16xf32>,
      %swap3A_284 = vector.shape_cast %swap3A_283 : vector<1x16xf32> to vector<16xf32>
      %swap3A_285 = vector.shape_cast %add3A_280 : vector<16xf32> to vector<1x16xf32>
      tpu.vector_store %arg7[%swap3A_281, %swap3A_282], %swap3A_285 {strides = array<i32>} : memref<400x128xf32, #tpu.memory_space<vmem>>, vector<1x16xf32>,
      %get3A_286 = arith.index_cast %add3A_194 : i32 to index
      %get3A_287 = arith.constant 112 : index
      %get3A_288 = tpu.vector_load %arg7[%get3A_286, %get3A_287] {strides = array<i32>} : memref<400x128xf32, #tpu.memory_space<vmem>>, vector<1x16xf32>,
      %get3A_289 = vector.shape_cast %get3A_288 : vector<1x16xf32> to vector<16xf32>
      %mul3A_290 = arith.constant 11.3137083 : f32
      %mul3A_291 = vector.broadcast %mul3A_290 : f32 to vector<16xf32>
      %mul3A_292 = arith.mulf %get3A_289, %mul3A_291 : vector<16xf32>
      %add3A_293 = arith.addf %mul3A_292, %get3A_87 : vector<16xf32>
      %swap3A_294 = arith.index_cast %add3A_194 : i32 to index
      %swap3A_295 = arith.constant 112 : index
      %swap3A_296 = tpu.vector_load %arg7[%swap3A_294, %swap3A_295] {strides = array<i32>} : memref<400x128xf32, #tpu.memory_space<vmem>>, vector<1x16xf32>,
      %swap3A_297 = vector.shape_cast %swap3A_296 : vector<1x16xf32> to vector<16xf32>
      %swap3A_298 = vector.shape_cast %add3A_293 : vector<16xf32> to vector<1x16xf32>
      tpu.vector_store %arg7[%swap3A_294, %swap3A_295], %swap3A_298 {strides = array<i32>} : memref<400x128xf32, #tpu.memory_space<vmem>>, vector<1x16xf32>,
      %add3A_299 = arith.constant 100 : i32
      %add3A_300 = arith.addi %add3A_299, %scan3A_56 : i32
      %get3A_301 = arith.index_cast %add3A_300 : i32 to index
      %get3A_302 = arith.constant 0 : index
      %get3A_303 = tpu.vector_load %arg7[%get3A_301, %get3A_302] {strides = array<i32>} : memref<400x128xf32, #tpu.memory_space<vmem>>, vector<1x16xf32>,
      %get3A_304 = vector.shape_cast %get3A_303 : vector<1x16xf32> to vector<16xf32>
      %mul3A_305 = arith.constant 11.3137083 : f32
      %mul3A_306 = vector.broadcast %mul3A_305 : f32 to vector<16xf32>
      %mul3A_307 = arith.mulf %get3A_304, %mul3A_306 : vector<16xf32>
      %add3A_308 = arith.addf %mul3A_307, %get3A_59 : vector<16xf32>
      %swap3A_309 = arith.index_cast %add3A_300 : i32 to index
      %swap3A_310 = arith.constant 0 : index
      %swap3A_311 = tpu.vector_load %arg7[%swap3A_309, %swap3A_310] {strides = array<i32>} : memref<400x128xf32, #tpu.memory_space<vmem>>, vector<1x16xf32>,
      %swap3A_312 = vector.shape_cast %swap3A_311 : vector<1x16xf32> to vector<16xf32>
      %swap3A_313 = vector.shape_cast %add3A_308 : vector<16xf32> to vector<1x16xf32>
      tpu.vector_store %arg7[%swap3A_309, %swap3A_310], %swap3A_313 {strides = array<i32>} : memref<400x128xf32, #tpu.memory_space<vmem>>, vector<1x16xf32>,
      %get3A_314 = arith.index_cast %add3A_300 : i32 to index
      %get3A_315 = arith.constant 16 : index
      %get3A_316 = tpu.vector_load %arg7[%get3A_314, %get3A_315] {strides = array<i32>} : memref<400x128xf32, #tpu.memory_space<vmem>>, vector<1x16xf32>,
      %get3A_317 = vector.shape_cast %get3A_316 : vector<1x16xf32> to vector<16xf32>
      %mul3A_318 = arith.constant 11.3137083 : f32
      %mul3A_319 = vector.broadcast %mul3A_318 : f32 to vector<16xf32>
      %mul3A_320 = arith.mulf %get3A_317, %mul3A_319 : vector<16xf32>
      %add3A_321 = arith.addf %mul3A_320, %get3A_63 : vector<16xf32>
      %swap3A_322 = arith.index_cast %add3A_300 : i32 to index
      %swap3A_323 = arith.constant 16 : index
      %swap3A_324 = tpu.vector_load %arg7[%swap3A_322, %swap3A_323] {strides = array<i32>} : memref<400x128xf32, #tpu.memory_space<vmem>>, vector<1x16xf32>,
      %swap3A_325 = vector.shape_cast %swap3A_324 : vector<1x16xf32> to vector<16xf32>
      %swap3A_326 = vector.shape_cast %add3A_321 : vector<16xf32> to vector<1x16xf32>
      tpu.vector_store %arg7[%swap3A_322, %swap3A_323], %swap3A_326 {strides = array<i32>} : memref<400x128xf32, #tpu.memory_space<vmem>>, vector<1x16xf32>,
      %get3A_327 = arith.index_cast %add3A_300 : i32 to index
      %get3A_328 = arith.constant 32 : index
      %get3A_329 = tpu.vector_load %arg7[%get3A_327, %get3A_328] {strides = array<i32>} : memref<400x128xf32, #tpu.memory_space<vmem>>, vector<1x16xf32>,
      %get3A_330 = vector.shape_cast %get3A_329 : vector<1x16xf32> to vector<16xf32>
      %mul3A_331 = arith.constant 11.3137083 : f32
      %mul3A_332 = vector.broadcast %mul3A_331 : f32 to vector<16xf32>
      %mul3A_333 = arith.mulf %get3A_330, %mul3A_332 : vector<16xf32>
      %add3A_334 = arith.addf %mul3A_333, %get3A_67 : vector<16xf32>
      %swap3A_335 = arith.index_cast %add3A_300 : i32 to index
      %swap3A_336 = arith.constant 32 : index
      %swap3A_337 = tpu.vector_load %arg7[%swap3A_335, %swap3A_336] {strides = array<i32>} : memref<400x128xf32, #tpu.memory_space<vmem>>, vector<1x16xf32>,
      %swap3A_338 = vector.shape_cast %swap3A_337 : vector<1x16xf32> to vector<16xf32>
      %swap3A_339 = vector.shape_cast %add3A_334 : vector<16xf32> to vector<1x16xf32>
      tpu.vector_store %arg7[%swap3A_335, %swap3A_336], %swap3A_339 {strides = array<i32>} : memref<400x128xf32, #tpu.memory_space<vmem>>, vector<1x16xf32>,
      %get3A_340 = arith.index_cast %add3A_300 : i32 to index
      %get3A_341 = arith.constant 48 : index
      %get3A_342 = tpu.vector_load %arg7[%get3A_340, %get3A_341] {strides = array<i32>} : memref<400x128xf32, #tpu.memory_space<vmem>>, vector<1x16xf32>,
      %get3A_343 = vector.shape_cast %get3A_342 : vector<1x16xf32> to vector<16xf32>
      %mul3A_344 = arith.constant 11.3137083 : f32
      %mul3A_345 = vector.broadcast %mul3A_344 : f32 to vector<16xf32>
      %mul3A_346 = arith.mulf %get3A_343, %mul3A_345 : vector<16xf32>
      %add3A_347 = arith.addf %mul3A_346, %get3A_71 : vector<16xf32>
      %swap3A_348 = arith.index_cast %add3A_300 : i32 to index
      %swap3A_349 = arith.constant 48 : index
      %swap3A_350 = tpu.vector_load %arg7[%swap3A_348, %swap3A_349] {strides = array<i32>} : memref<400x128xf32, #tpu.memory_space<vmem>>, vector<1x16xf32>,
      %swap3A_351 = vector.shape_cast %swap3A_350 : vector<1x16xf32> to vector<16xf32>
      %swap3A_352 = vector.shape_cast %add3A_347 : vector<16xf32> to vector<1x16xf32>
      tpu.vector_store %arg7[%swap3A_348, %swap3A_349], %swap3A_352 {strides = array<i32>} : memref<400x128xf32, #tpu.memory_space<vmem>>, vector<1x16xf32>,
      %get3A_353 = arith.index_cast %add3A_300 : i32 to index
      %get3A_354 = arith.constant 64 : index
      %get3A_355 = tpu.vector_load %arg7[%get3A_353, %get3A_354] {strides = array<i32>} : memref<400x128xf32, #tpu.memory_space<vmem>>, vector<1x16xf32>,
      %get3A_356 = vector.shape_cast %get3A_355 : vector<1x16xf32> to vector<16xf32>
      %mul3A_357 = arith.constant 11.3137083 : f32
      %mul3A_358 = vector.broadcast %mul3A_357 : f32 to vector<16xf32>
      %mul3A_359 = arith.mulf %get3A_356, %mul3A_358 : vector<16xf32>
      %add3A_360 = arith.addf %mul3A_359, %get3A_75 : vector<16xf32>
      %swap3A_361 = arith.index_cast %add3A_300 : i32 to index
      %swap3A_362 = arith.constant 64 : index
      %swap3A_363 = tpu.vector_load %arg7[%swap3A_361, %swap3A_362] {strides = array<i32>} : memref<400x128xf32, #tpu.memory_space<vmem>>, vector<1x16xf32>,
      %swap3A_364 = vector.shape_cast %swap3A_363 : vector<1x16xf32> to vector<16xf32>
      %swap3A_365 = vector.shape_cast %add3A_360 : vector<16xf32> to vector<1x16xf32>
      tpu.vector_store %arg7[%swap3A_361, %swap3A_362], %swap3A_365 {strides = array<i32>} : memref<400x128xf32, #tpu.memory_space<vmem>>, vector<1x16xf32>,
      %get3A_366 = arith.index_cast %add3A_300 : i32 to index
      %get3A_367 = arith.constant 80 : index
      %get3A_368 = tpu.vector_load %arg7[%get3A_366, %get3A_367] {strides = array<i32>} : memref<400x128xf32, #tpu.memory_space<vmem>>, vector<1x16xf32>,
      %get3A_369 = vector.shape_cast %get3A_368 : vector<1x16xf32> to vector<16xf32>
      %mul3A_370 = arith.constant 11.3137083 : f32
      %mul3A_371 = vector.broadcast %mul3A_370 : f32 to vector<16xf32>
      %mul3A_372 = arith.mulf %get3A_369, %mul3A_371 : vector<16xf32>
      %add3A_373 = arith.addf %mul3A_372, %get3A_79 : vector<16xf32>
      %swap3A_374 = arith.index_cast %add3A_300 : i32 to index
      %swap3A_375 = arith.constant 80 : index
      %swap3A_376 = tpu.vector_load %arg7[%swap3A_374, %swap3A_375] {strides = array<i32>} : memref<400x128xf32, #tpu.memory_space<vmem>>, vector<1x16xf32>,
      %swap3A_377 = vector.shape_cast %swap3A_376 : vector<1x16xf32> to vector<16xf32>
      %swap3A_378 = vector.shape_cast %add3A_373 : vector<16xf32> to vector<1x16xf32>
      tpu.vector_store %arg7[%swap3A_374, %swap3A_375], %swap3A_378 {strides = array<i32>} : memref<400x128xf32, #tpu.memory_space<vmem>>, vector<1x16xf32>,
      %get3A_379 = arith.index_cast %add3A_300 : i32 to index
      %get3A_380 = arith.constant 96 : index
      %get3A_381 = tpu.vector_load %arg7[%get3A_379, %get3A_380] {strides = array<i32>} : memref<400x128xf32, #tpu.memory_space<vmem>>, vector<1x16xf32>,
      %get3A_382 = vector.shape_cast %get3A_381 : vector<1x16xf32> to vector<16xf32>
      %mul3A_383 = arith.constant 11.3137083 : f32
      %mul3A_384 = vector.broadcast %mul3A_383 : f32 to vector<16xf32>
      %mul3A_385 = arith.mulf %get3A_382, %mul3A_384 : vector<16xf32>
      %add3A_386 = arith.addf %mul3A_385, %get3A_83 : vector<16xf32>
      %swap3A_387 = arith.index_cast %add3A_300 : i32 to index
      %swap3A_388 = arith.constant 96 : index
      %swap3A_389 = tpu.vector_load %arg7[%swap3A_387, %swap3A_388] {strides = array<i32>} : memref<400x128xf32, #tpu.memory_space<vmem>>, vector<1x16xf32>,
      %swap3A_390 = vector.shape_cast %swap3A_389 : vector<1x16xf32> to vector<16xf32>
      %swap3A_391 = vector.shape_cast %add3A_386 : vector<16xf32> to vector<1x16xf32>
      tpu.vector_store %arg7[%swap3A_387, %swap3A_388], %swap3A_391 {strides = array<i32>} : memref<400x128xf32, #tpu.memory_space<vmem>>, vector<1x16xf32>,
      %get3A_392 = arith.index_cast %add3A_300 : i32 to index
      %get3A_393 = arith.constant 112 : index
      %get3A_394 = tpu.vector_load %arg7[%get3A_392, %get3A_393] {strides = array<i32>} : memref<400x128xf32, #tpu.memory_space<vmem>>, vector<1x16xf32>,
      %get3A_395 = vector.shape_cast %get3A_394 : vector<1x16xf32> to vector<16xf32>
      %mul3A_396 = arith.constant 11.3137083 : f32
      %mul3A_397 = vector.broadcast %mul3A_396 : f32 to vector<16xf32>
      %mul3A_398 = arith.mulf %get3A_395, %mul3A_397 : vector<16xf32>
      %add3A_399 = arith.addf %mul3A_398, %get3A_87 : vector<16xf32>
      %swap3A_400 = arith.index_cast %add3A_300 : i32 to index
      %swap3A_401 = arith.constant 112 : index
      %swap3A_402 = tpu.vector_load %arg7[%swap3A_400, %swap3A_401] {strides = array<i32>} : memref<400x128xf32, #tpu.memory_space<vmem>>, vector<1x16xf32>,
      %swap3A_403 = vector.shape_cast %swap3A_402 : vector<1x16xf32> to vector<16xf32>
      %swap3A_404 = vector.shape_cast %add3A_399 : vector<16xf32> to vector<1x16xf32>
      tpu.vector_store %arg7[%swap3A_400, %swap3A_401], %swap3A_404 {strides = array<i32>} : memref<400x128xf32, #tpu.memory_space<vmem>>, vector<1x16xf32>,
      %add3A_405 = arith.constant 150 : i32
      %add3A_406 = arith.addi %add3A_405, %scan3A_56 : i32
      %get3A_407 = arith.index_cast %add3A_406 : i32 to index
      %get3A_408 = arith.constant 0 : index
      %get3A_409 = tpu.vector_load %arg7[%get3A_407, %get3A_408] {strides = array<i32>} : memref<400x128xf32, #tpu.memory_space<vmem>>, vector<1x16xf32>,
      %get3A_410 = vector.shape_cast %get3A_409 : vector<1x16xf32> to vector<16xf32>
      %mul3A_411 = arith.constant 11.3137083 : f32
      %mul3A_412 = vector.broadcast %mul3A_411 : f32 to vector<16xf32>
      %mul3A_413 = arith.mulf %get3A_410, %mul3A_412 : vector<16xf32>
      %add3A_414 = arith.addf %mul3A_413, %get3A_59 : vector<16xf32>
      %swap3A_415 = arith.index_cast %add3A_406 : i32 to index
      %swap3A_416 = arith.constant 0 : index
      %swap3A_417 = tpu.vector_load %arg7[%swap3A_415, %swap3A_416] {strides = array<i32>} : memref<400x128xf32, #tpu.memory_space<vmem>>, vector<1x16xf32>,
      %swap3A_418 = vector.shape_cast %swap3A_417 : vector<1x16xf32> to vector<16xf32>
      %swap3A_419 = vector.shape_cast %add3A_414 : vector<16xf32> to vector<1x16xf32>
      tpu.vector_store %arg7[%swap3A_415, %swap3A_416], %swap3A_419 {strides = array<i32>} : memref<400x128xf32, #tpu.memory_space<vmem>>, vector<1x16xf32>,
      %get3A_420 = arith.index_cast %add3A_406 : i32 to index
      %get3A_421 = arith.constant 16 : index
      %get3A_422 = tpu.vector_load %arg7[%get3A_420, %get3A_421] {strides = array<i32>} : memref<400x128xf32, #tpu.memory_space<vmem>>, vector<1x16xf32>,
      %get3A_423 = vector.shape_cast %get3A_422 : vector<1x16xf32> to vector<16xf32>
      %mul3A_424 = arith.constant 11.3137083 : f32
      %mul3A_425 = vector.broadcast %mul3A_424 : f32 to vector<16xf32>
      %mul3A_426 = arith.mulf %get3A_423, %mul3A_425 : vector<16xf32>
      %add3A_427 = arith.addf %mul3A_426, %get3A_63 : vector<16xf32>
      %swap3A_428 = arith.index_cast %add3A_406 : i32 to index
      %swap3A_429 = arith.constant 16 : index
      %swap3A_430 = tpu.vector_load %arg7[%swap3A_428, %swap3A_429] {strides = array<i32>} : memref<400x128xf32, #tpu.memory_space<vmem>>, vector<1x16xf32>,
      %swap3A_431 = vector.shape_cast %swap3A_430 : vector<1x16xf32> to vector<16xf32>
      %swap3A_432 = vector.shape_cast %add3A_427 : vector<16xf32> to vector<1x16xf32>
      tpu.vector_store %arg7[%swap3A_428, %swap3A_429], %swap3A_432 {strides = array<i32>} : memref<400x128xf32, #tpu.memory_space<vmem>>, vector<1x16xf32>,
      %get3A_433 = arith.index_cast %add3A_406 : i32 to index
      %get3A_434 = arith.constant 32 : index
      %get3A_435 = tpu.vector_load %arg7[%get3A_433, %get3A_434] {strides = array<i32>} : memref<400x128xf32, #tpu.memory_space<vmem>>, vector<1x16xf32>,
      %get3A_436 = vector.shape_cast %get3A_435 : vector<1x16xf32> to vector<16xf32>
      %mul3A_437 = arith.constant 11.3137083 : f32
      %mul3A_438 = vector.broadcast %mul3A_437 : f32 to vector<16xf32>
      %mul3A_439 = arith.mulf %get3A_436, %mul3A_438 : vector<16xf32>
      %add3A_440 = arith.addf %mul3A_439, %get3A_67 : vector<16xf32>
      %swap3A_441 = arith.index_cast %add3A_406 : i32 to index
      %swap3A_442 = arith.constant 32 : index
      %swap3A_443 = tpu.vector_load %arg7[%swap3A_441, %swap3A_442] {strides = array<i32>} : memref<400x128xf32, #tpu.memory_space<vmem>>, vector<1x16xf32>,
      %swap3A_444 = vector.shape_cast %swap3A_443 : vector<1x16xf32> to vector<16xf32>
      %swap3A_445 = vector.shape_cast %add3A_440 : vector<16xf32> to vector<1x16xf32>
      tpu.vector_store %arg7[%swap3A_441, %swap3A_442], %swap3A_445 {strides = array<i32>} : memref<400x128xf32, #tpu.memory_space<vmem>>, vector<1x16xf32>,
      %get3A_446 = arith.index_cast %add3A_406 : i32 to index
      %get3A_447 = arith.constant 48 : index
      %get3A_448 = tpu.vector_load %arg7[%get3A_446, %get3A_447] {strides = array<i32>} : memref<400x128xf32, #tpu.memory_space<vmem>>, vector<1x16xf32>,
      %get3A_449 = vector.shape_cast %get3A_448 : vector<1x16xf32> to vector<16xf32>
      %mul3A_450 = arith.constant 11.3137083 : f32
      %mul3A_451 = vector.broadcast %mul3A_450 : f32 to vector<16xf32>
      %mul3A_452 = arith.mulf %get3A_449, %mul3A_451 : vector<16xf32>
      %add3A_453 = arith.addf %mul3A_452, %get3A_71 : vector<16xf32>
      %swap3A_454 = arith.index_cast %add3A_406 : i32 to index
      %swap3A_455 = arith.constant 48 : index
      %swap3A_456 = tpu.vector_load %arg7[%swap3A_454, %swap3A_455] {strides = array<i32>} : memref<400x128xf32, #tpu.memory_space<vmem>>, vector<1x16xf32>,
      %swap3A_457 = vector.shape_cast %swap3A_456 : vector<1x16xf32> to vector<16xf32>
      %swap3A_458 = vector.shape_cast %add3A_453 : vector<16xf32> to vector<1x16xf32>
      tpu.vector_store %arg7[%swap3A_454, %swap3A_455], %swap3A_458 {strides = array<i32>} : memref<400x128xf32, #tpu.memory_space<vmem>>, vector<1x16xf32>,
      %get3A_459 = arith.index_cast %add3A_406 : i32 to index
      %get3A_460 = arith.constant 64 : index
      %get3A_461 = tpu.vector_load %arg7[%get3A_459, %get3A_460] {strides = array<i32>} : memref<400x128xf32, #tpu.memory_space<vmem>>, vector<1x16xf32>,
      %get3A_462 = vector.shape_cast %get3A_461 : vector<1x16xf32> to vector<16xf32>
      %mul3A_463 = arith.constant 11.3137083 : f32
      %mul3A_464 = vector.broadcast %mul3A_463 : f32 to vector<16xf32>
      %mul3A_465 = arith.mulf %get3A_462, %mul3A_464 : vector<16xf32>
      %add3A_466 = arith.addf %mul3A_465, %get3A_75 : vector<16xf32>
      %swap3A_467 = arith.index_cast %add3A_406 : i32 to index
      %swap3A_468 = arith.constant 64 : index
      %swap3A_469 = tpu.vector_load %arg7[%swap3A_467, %swap3A_468] {strides = array<i32>} : memref<400x128xf32, #tpu.memory_space<vmem>>, vector<1x16xf32>,
      %swap3A_470 = vector.shape_cast %swap3A_469 : vector<1x16xf32> to vector<16xf32>
      %swap3A_471 = vector.shape_cast %add3A_466 : vector<16xf32> to vector<1x16xf32>
      tpu.vector_store %arg7[%swap3A_467, %swap3A_468], %swap3A_471 {strides = array<i32>} : memref<400x128xf32, #tpu.memory_space<vmem>>, vector<1x16xf32>,
      %get3A_472 = arith.index_cast %add3A_406 : i32 to index
      %get3A_473 = arith.constant 80 : index
      %get3A_474 = tpu.vector_load %arg7[%get3A_472, %get3A_473] {strides = array<i32>} : memref<400x128xf32, #tpu.memory_space<vmem>>, vector<1x16xf32>,
      %get3A_475 = vector.shape_cast %get3A_474 : vector<1x16xf32> to vector<16xf32>
      %mul3A_476 = arith.constant 11.3137083 : f32
      %mul3A_477 = vector.broadcast %mul3A_476 : f32 to vector<16xf32>
      %mul3A_478 = arith.mulf %get3A_475, %mul3A_477 : vector<16xf32>
      %add3A_479 = arith.addf %mul3A_478, %get3A_79 : vector<16xf32>
      %swap3A_480 = arith.index_cast %add3A_406 : i32 to index
      %swap3A_481 = arith.constant 80 : index
      %swap3A_482 = tpu.vector_load %arg7[%swap3A_480, %swap3A_481] {strides = array<i32>} : memref<400x128xf32, #tpu.memory_space<vmem>>, vector<1x16xf32>,
      %swap3A_483 = vector.shape_cast %swap3A_482 : vector<1x16xf32> to vector<16xf32>
      %swap3A_484 = vector.shape_cast %add3A_479 : vector<16xf32> to vector<1x16xf32>
      tpu.vector_store %arg7[%swap3A_480, %swap3A_481], %swap3A_484 {strides = array<i32>} : memref<400x128xf32, #tpu.memory_space<vmem>>, vector<1x16xf32>,
      %get3A_485 = arith.index_cast %add3A_406 : i32 to index
      %get3A_486 = arith.constant 96 : index
      %get3A_487 = tpu.vector_load %arg7[%get3A_485, %get3A_486] {strides = array<i32>} : memref<400x128xf32, #tpu.memory_space<vmem>>, vector<1x16xf32>,
      %get3A_488 = vector.shape_cast %get3A_487 : vector<1x16xf32> to vector<16xf32>
      %mul3A_489 = arith.constant 11.3137083 : f32
      %mul3A_490 = vector.broadcast %mul3A_489 : f32 to vector<16xf32>
      %mul3A_491 = arith.mulf %get3A_488, %mul3A_490 : vector<16xf32>
      %add3A_492 = arith.addf %mul3A_491, %get3A_83 : vector<16xf32>
      %swap3A_493 = arith.index_cast %add3A_406 : i32 to index
      %swap3A_494 = arith.constant 96 : index
      %swap3A_495 = tpu.vector_load %arg7[%swap3A_493, %swap3A_494] {strides = array<i32>} : memref<400x128xf32, #tpu.memory_space<vmem>>, vector<1x16xf32>,
      %swap3A_496 = vector.shape_cast %swap3A_495 : vector<1x16xf32> to vector<16xf32>
      %swap3A_497 = vector.shape_cast %add3A_492 : vector<16xf32> to vector<1x16xf32>
      tpu.vector_store %arg7[%swap3A_493, %swap3A_494], %swap3A_497 {strides = array<i32>} : memref<400x128xf32, #tpu.memory_space<vmem>>, vector<1x16xf32>,
      %get3A_498 = arith.index_cast %add3A_406 : i32 to index
      %get3A_499 = arith.constant 112 : index
      %get3A_500 = tpu.vector_load %arg7[%get3A_498, %get3A_499] {strides = array<i32>} : memref<400x128xf32, #tpu.memory_space<vmem>>, vector<1x16xf32>,
      %get3A_501 = vector.shape_cast %get3A_500 : vector<1x16xf32> to vector<16xf32>
      %mul3A_502 = arith.constant 11.3137083 : f32
      %mul3A_503 = vector.broadcast %mul3A_502 : f32 to vector<16xf32>
      %mul3A_504 = arith.mulf %get3A_501, %mul3A_503 : vector<16xf32>
      %add3A_505 = arith.addf %mul3A_504, %get3A_87 : vector<16xf32>
      %swap3A_506 = arith.index_cast %add3A_406 : i32 to index
      %swap3A_507 = arith.constant 112 : index
      %swap3A_508 = tpu.vector_load %arg7[%swap3A_506, %swap3A_507] {strides = array<i32>} : memref<400x128xf32, #tpu.memory_space<vmem>>, vector<1x16xf32>,
      %swap3A_509 = vector.shape_cast %swap3A_508 : vector<1x16xf32> to vector<16xf32>
      %swap3A_510 = vector.shape_cast %add3A_505 : vector<16xf32> to vector<1x16xf32>
      tpu.vector_store %arg7[%swap3A_506, %swap3A_507], %swap3A_510 {strides = array<i32>} : memref<400x128xf32, #tpu.memory_space<vmem>>, vector<1x16xf32>,
      %add3A_511 = arith.constant 200 : i32
      %add3A_512 = arith.addi %add3A_511, %scan3A_56 : i32
      %get3A_513 = arith.index_cast %add3A_512 : i32 to index
      %get3A_514 = arith.constant 0 : index
      %get3A_515 = tpu.vector_load %arg7[%get3A_513, %get3A_514] {strides = array<i32>} : memref<400x128xf32, #tpu.memory_space<vmem>>, vector<1x16xf32>,
      %get3A_516 = vector.shape_cast %get3A_515 : vector<1x16xf32> to vector<16xf32>
      %mul3A_517 = arith.constant 11.3137083 : f32
      %mul3A_518 = vector.broadcast %mul3A_517 : f32 to vector<16xf32>
      %mul3A_519 = arith.mulf %get3A_516, %mul3A_518 : vector<16xf32>
      %add3A_520 = arith.addf %mul3A_519, %get3A_59 : vector<16xf32>
      %swap3A_521 = arith.index_cast %add3A_512 : i32 to index
      %swap3A_522 = arith.constant 0 : index
      %swap3A_523 = tpu.vector_load %arg7[%swap3A_521, %swap3A_522] {strides = array<i32>} : memref<400x128xf32, #tpu.memory_space<vmem>>, vector<1x16xf32>,
      %swap3A_524 = vector.shape_cast %swap3A_523 : vector<1x16xf32> to vector<16xf32>
      %swap3A_525 = vector.shape_cast %add3A_520 : vector<16xf32> to vector<1x16xf32>
      tpu.vector_store %arg7[%swap3A_521, %swap3A_522], %swap3A_525 {strides = array<i32>} : memref<400x128xf32, #tpu.memory_space<vmem>>, vector<1x16xf32>,
      %get3A_526 = arith.index_cast %add3A_512 : i32 to index
      %get3A_527 = arith.constant 16 : index
      %get3A_528 = tpu.vector_load %arg7[%get3A_526, %get3A_527] {strides = array<i32>} : memref<400x128xf32, #tpu.memory_space<vmem>>, vector<1x16xf32>,
      %get3A_529 = vector.shape_cast %get3A_528 : vector<1x16xf32> to vector<16xf32>
      %mul3A_530 = arith.constant 11.3137083 : f32
      %mul3A_531 = vector.broadcast %mul3A_530 : f32 to vector<16xf32>
      %mul3A_532 = arith.mulf %get3A_529, %mul3A_531 : vector<16xf32>
      %add3A_533 = arith.addf %mul3A_532, %get3A_63 : vector<16xf32>
      %swap3A_534 = arith.index_cast %add3A_512 : i32 to index
      %swap3A_535 = arith.constant 16 : index
      %swap3A_536 = tpu.vector_load %arg7[%swap3A_534, %swap3A_535] {strides = array<i32>} : memref<400x128xf32, #tpu.memory_space<vmem>>, vector<1x16xf32>,
      %swap3A_537 = vector.shape_cast %swap3A_536 : vector<1x16xf32> to vector<16xf32>
      %swap3A_538 = vector.shape_cast %add3A_533 : vector<16xf32> to vector<1x16xf32>
      tpu.vector_store %arg7[%swap3A_534, %swap3A_535], %swap3A_538 {strides = array<i32>} : memref<400x128xf32, #tpu.memory_space<vmem>>, vector<1x16xf32>,
      %get3A_539 = arith.index_cast %add3A_512 : i32 to index
      %get3A_540 = arith.constant 32 : index
      %get3A_541 = tpu.vector_load %arg7[%get3A_539, %get3A_540] {strides = array<i32>} : memref<400x128xf32, #tpu.memory_space<vmem>>, vector<1x16xf32>,
      %get3A_542 = vector.shape_cast %get3A_541 : vector<1x16xf32> to vector<16xf32>
      %mul3A_543 = arith.constant 11.3137083 : f32
      %mul3A_544 = vector.broadcast %mul3A_543 : f32 to vector<16xf32>
      %mul3A_545 = arith.mulf %get3A_542, %mul3A_544 : vector<16xf32>
      %add3A_546 = arith.addf %mul3A_545, %get3A_67 : vector<16xf32>
      %swap3A_547 = arith.index_cast %add3A_512 : i32 to index
      %swap3A_548 = arith.constant 32 : index
      %swap3A_549 = tpu.vector_load %arg7[%swap3A_547, %swap3A_548] {strides = array<i32>} : memref<400x128xf32, #tpu.memory_space<vmem>>, vector<1x16xf32>,
      %swap3A_550 = vector.shape_cast %swap3A_549 : vector<1x16xf32> to vector<16xf32>
      %swap3A_551 = vector.shape_cast %add3A_546 : vector<16xf32> to vector<1x16xf32>
      tpu.vector_store %arg7[%swap3A_547, %swap3A_548], %swap3A_551 {strides = array<i32>} : memref<400x128xf32, #tpu.memory_space<vmem>>, vector<1x16xf32>,
      %get3A_552 = arith.index_cast %add3A_512 : i32 to index
      %get3A_553 = arith.constant 48 : index
      %get3A_554 = tpu.vector_load %arg7[%get3A_552, %get3A_553] {strides = array<i32>} : memref<400x128xf32, #tpu.memory_space<vmem>>, vector<1x16xf32>,
      %get3A_555 = vector.shape_cast %get3A_554 : vector<1x16xf32> to vector<16xf32>
      %mul3A_556 = arith.constant 11.3137083 : f32
      %mul3A_557 = vector.broadcast %mul3A_556 : f32 to vector<16xf32>
      %mul3A_558 = arith.mulf %get3A_555, %mul3A_557 : vector<16xf32>
      %add3A_559 = arith.addf %mul3A_558, %get3A_71 : vector<16xf32>
      %swap3A_560 = arith.index_cast %add3A_512 : i32 to index
      %swap3A_561 = arith.constant 48 : index
      %swap3A_562 = tpu.vector_load %arg7[%swap3A_560, %swap3A_561] {strides = array<i32>} : memref<400x128xf32, #tpu.memory_space<vmem>>, vector<1x16xf32>,
      %swap3A_563 = vector.shape_cast %swap3A_562 : vector<1x16xf32> to vector<16xf32>
      %swap3A_564 = vector.shape_cast %add3A_559 : vector<16xf32> to vector<1x16xf32>
      tpu.vector_store %arg7[%swap3A_560, %swap3A_561], %swap3A_564 {strides = array<i32>} : memref<400x128xf32, #tpu.memory_space<vmem>>, vector<1x16xf32>,
      %get3A_565 = arith.index_cast %add3A_512 : i32 to index
      %get3A_566 = arith.constant 64 : index
      %get3A_567 = tpu.vector_load %arg7[%get3A_565, %get3A_566] {strides = array<i32>} : memref<400x128xf32, #tpu.memory_space<vmem>>, vector<1x16xf32>,
      %get3A_568 = vector.shape_cast %get3A_567 : vector<1x16xf32> to vector<16xf32>
      %mul3A_569 = arith.constant 11.3137083 : f32
      %mul3A_570 = vector.broadcast %mul3A_569 : f32 to vector<16xf32>
      %mul3A_571 = arith.mulf %get3A_568, %mul3A_570 : vector<16xf32>
      %add3A_572 = arith.addf %mul3A_571, %get3A_75 : vector<16xf32>
      %swap3A_573 = arith.index_cast %add3A_512 : i32 to index
      %swap3A_574 = arith.constant 64 : index
      %swap3A_575 = tpu.vector_load %arg7[%swap3A_573, %swap3A_574] {strides = array<i32>} : memref<400x128xf32, #tpu.memory_space<vmem>>, vector<1x16xf32>,
      %swap3A_576 = vector.shape_cast %swap3A_575 : vector<1x16xf32> to vector<16xf32>
      %swap3A_577 = vector.shape_cast %add3A_572 : vector<16xf32> to vector<1x16xf32>
      tpu.vector_store %arg7[%swap3A_573, %swap3A_574], %swap3A_577 {strides = array<i32>} : memref<400x128xf32, #tpu.memory_space<vmem>>, vector<1x16xf32>,
      %get3A_578 = arith.index_cast %add3A_512 : i32 to index
      %get3A_579 = arith.constant 80 : index
      %get3A_580 = tpu.vector_load %arg7[%get3A_578, %get3A_579] {strides = array<i32>} : memref<400x128xf32, #tpu.memory_space<vmem>>, vector<1x16xf32>,
      %get3A_581 = vector.shape_cast %get3A_580 : vector<1x16xf32> to vector<16xf32>
      %mul3A_582 = arith.constant 11.3137083 : f32
      %mul3A_583 = vector.broadcast %mul3A_582 : f32 to vector<16xf32>
      %mul3A_584 = arith.mulf %get3A_581, %mul3A_583 : vector<16xf32>
      %add3A_585 = arith.addf %mul3A_584, %get3A_79 : vector<16xf32>
      %swap3A_586 = arith.index_cast %add3A_512 : i32 to index
      %swap3A_587 = arith.constant 80 : index
      %swap3A_588 = tpu.vector_load %arg7[%swap3A_586, %swap3A_587] {strides = array<i32>} : memref<400x128xf32, #tpu.memory_space<vmem>>, vector<1x16xf32>,
      %swap3A_589 = vector.shape_cast %swap3A_588 : vector<1x16xf32> to vector<16xf32>
      %swap3A_590 = vector.shape_cast %add3A_585 : vector<16xf32> to vector<1x16xf32>
      tpu.vector_store %arg7[%swap3A_586, %swap3A_587], %swap3A_590 {strides = array<i32>} : memref<400x128xf32, #tpu.memory_space<vmem>>, vector<1x16xf32>,
      %get3A_591 = arith.index_cast %add3A_512 : i32 to index
      %get3A_592 = arith.constant 96 : index
      %get3A_593 = tpu.vector_load %arg7[%get3A_591, %get3A_592] {strides = array<i32>} : memref<400x128xf32, #tpu.memory_space<vmem>>, vector<1x16xf32>,
      %get3A_594 = vector.shape_cast %get3A_593 : vector<1x16xf32> to vector<16xf32>
      %mul3A_595 = arith.constant 11.3137083 : f32
      %mul3A_596 = vector.broadcast %mul3A_595 : f32 to vector<16xf32>
      %mul3A_597 = arith.mulf %get3A_594, %mul3A_596 : vector<16xf32>
      %add3A_598 = arith.addf %mul3A_597, %get3A_83 : vector<16xf32>
      %swap3A_599 = arith.index_cast %add3A_512 : i32 to index
      %swap3A_600 = arith.constant 96 : index
      %swap3A_601 = tpu.vector_load %arg7[%swap3A_599, %swap3A_600] {strides = array<i32>} : memref<400x128xf32, #tpu.memory_space<vmem>>, vector<1x16xf32>,
      %swap3A_602 = vector.shape_cast %swap3A_601 : vector<1x16xf32> to vector<16xf32>
      %swap3A_603 = vector.shape_cast %add3A_598 : vector<16xf32> to vector<1x16xf32>
      tpu.vector_store %arg7[%swap3A_599, %swap3A_600], %swap3A_603 {strides = array<i32>} : memref<400x128xf32, #tpu.memory_space<vmem>>, vector<1x16xf32>,
      %get3A_604 = arith.index_cast %add3A_512 : i32 to index
      %get3A_605 = arith.constant 112 : index
      %get3A_606 = tpu.vector_load %arg7[%get3A_604, %get3A_605] {strides = array<i32>} : memref<400x128xf32, #tpu.memory_space<vmem>>, vector<1x16xf32>,
      %get3A_607 = vector.shape_cast %get3A_606 : vector<1x16xf32> to vector<16xf32>
      %mul3A_608 = arith.constant 11.3137083 : f32
      %mul3A_609 = vector.broadcast %mul3A_608 : f32 to vector<16xf32>
      %mul3A_610 = arith.mulf %get3A_607, %mul3A_609 : vector<16xf32>
      %add3A_611 = arith.addf %mul3A_610, %get3A_87 : vector<16xf32>
      %swap3A_612 = arith.index_cast %add3A_512 : i32 to index
      %swap3A_613 = arith.constant 112 : index
      %swap3A_614 = tpu.vector_load %arg7[%swap3A_612, %swap3A_613] {strides = array<i32>} : memref<400x128xf32, #tpu.memory_space<vmem>>, vector<1x16xf32>,
      %swap3A_615 = vector.shape_cast %swap3A_614 : vector<1x16xf32> to vector<16xf32>
      %swap3A_616 = vector.shape_cast %add3A_611 : vector<16xf32> to vector<1x16xf32>
      tpu.vector_store %arg7[%swap3A_612, %swap3A_613], %swap3A_616 {strides = array<i32>} : memref<400x128xf32, #tpu.memory_space<vmem>>, vector<1x16xf32>,
      %add3A_617 = arith.constant 250 : i32
      %add3A_618 = arith.addi %add3A_617, %scan3A_56 : i32
      %get3A_619 = arith.index_cast %add3A_618 : i32 to index
      %get3A_620 = arith.constant 0 : index
      %get3A_621 = tpu.vector_load %arg7[%get3A_619, %get3A_620] {strides = array<i32>} : memref<400x128xf32, #tpu.memory_space<vmem>>, vector<1x16xf32>,
      %get3A_622 = vector.shape_cast %get3A_621 : vector<1x16xf32> to vector<16xf32>
      %mul3A_623 = arith.constant 11.3137083 : f32
      %mul3A_624 = vector.broadcast %mul3A_623 : f32 to vector<16xf32>
      %mul3A_625 = arith.mulf %get3A_622, %mul3A_624 : vector<16xf32>
      %add3A_626 = arith.addf %mul3A_625, %get3A_59 : vector<16xf32>
      %swap3A_627 = arith.index_cast %add3A_618 : i32 to index
      %swap3A_628 = arith.constant 0 : index
      %swap3A_629 = tpu.vector_load %arg7[%swap3A_627, %swap3A_628] {strides = array<i32>} : memref<400x128xf32, #tpu.memory_space<vmem>>, vector<1x16xf32>,
      %swap3A_630 = vector.shape_cast %swap3A_629 : vector<1x16xf32> to vector<16xf32>
      %swap3A_631 = vector.shape_cast %add3A_626 : vector<16xf32> to vector<1x16xf32>
      tpu.vector_store %arg7[%swap3A_627, %swap3A_628], %swap3A_631 {strides = array<i32>} : memref<400x128xf32, #tpu.memory_space<vmem>>, vector<1x16xf32>,
      %get3A_632 = arith.index_cast %add3A_618 : i32 to index
      %get3A_633 = arith.constant 16 : index
      %get3A_634 = tpu.vector_load %arg7[%get3A_632, %get3A_633] {strides = array<i32>} : memref<400x128xf32, #tpu.memory_space<vmem>>, vector<1x16xf32>,
      %get3A_635 = vector.shape_cast %get3A_634 : vector<1x16xf32> to vector<16xf32>
      %mul3A_636 = arith.constant 11.3137083 : f32
      %mul3A_637 = vector.broadcast %mul3A_636 : f32 to vector<16xf32>
      %mul3A_638 = arith.mulf %get3A_635, %mul3A_637 : vector<16xf32>
      %add3A_639 = arith.addf %mul3A_638, %get3A_63 : vector<16xf32>
      %swap3A_640 = arith.index_cast %add3A_618 : i32 to index
      %swap3A_641 = arith.constant 16 : index
      %swap3A_642 = tpu.vector_load %arg7[%swap3A_640, %swap3A_641] {strides = array<i32>} : memref<400x128xf32, #tpu.memory_space<vmem>>, vector<1x16xf32>,
      %swap3A_643 = vector.shape_cast %swap3A_642 : vector<1x16xf32> to vector<16xf32>
      %swap3A_644 = vector.shape_cast %add3A_639 : vector<16xf32> to vector<1x16xf32>
      tpu.vector_store %arg7[%swap3A_640, %swap3A_641], %swap3A_644 {strides = array<i32>} : memref<400x128xf32, #tpu.memory_space<vmem>>, vector<1x16xf32>,
      %get3A_645 = arith.index_cast %add3A_618 : i32 to index
      %get3A_646 = arith.constant 32 : index
      %get3A_647 = tpu.vector_load %arg7[%get3A_645, %get3A_646] {strides = array<i32>} : memref<400x128xf32, #tpu.memory_space<vmem>>, vector<1x16xf32>,
      %get3A_648 = vector.shape_cast %get3A_647 : vector<1x16xf32> to vector<16xf32>
      %mul3A_649 = arith.constant 11.3137083 : f32
      %mul3A_650 = vector.broadcast %mul3A_649 : f32 to vector<16xf32>
      %mul3A_651 = arith.mulf %get3A_648, %mul3A_650 : vector<16xf32>
      %add3A_652 = arith.addf %mul3A_651, %get3A_67 : vector<16xf32>
      %swap3A_653 = arith.index_cast %add3A_618 : i32 to index
      %swap3A_654 = arith.constant 32 : index
      %swap3A_655 = tpu.vector_load %arg7[%swap3A_653, %swap3A_654] {strides = array<i32>} : memref<400x128xf32, #tpu.memory_space<vmem>>, vector<1x16xf32>,
      %swap3A_656 = vector.shape_cast %swap3A_655 : vector<1x16xf32> to vector<16xf32>
      %swap3A_657 = vector.shape_cast %add3A_652 : vector<16xf32> to vector<1x16xf32>
      tpu.vector_store %arg7[%swap3A_653, %swap3A_654], %swap3A_657 {strides = array<i32>} : memref<400x128xf32, #tpu.memory_space<vmem>>, vector<1x16xf32>,
      %get3A_658 = arith.index_cast %add3A_618 : i32 to index
      %get3A_659 = arith.constant 48 : index
      %get3A_660 = tpu.vector_load %arg7[%get3A_658, %get3A_659] {strides = array<i32>} : memref<400x128xf32, #tpu.memory_space<vmem>>, vector<1x16xf32>,
      %get3A_661 = vector.shape_cast %get3A_660 : vector<1x16xf32> to vector<16xf32>
      %mul3A_662 = arith.constant 11.3137083 : f32
      %mul3A_663 = vector.broadcast %mul3A_662 : f32 to vector<16xf32>
      %mul3A_664 = arith.mulf %get3A_661, %mul3A_663 : vector<16xf32>
      %add3A_665 = arith.addf %mul3A_664, %get3A_71 : vector<16xf32>
      %swap3A_666 = arith.index_cast %add3A_618 : i32 to index
      %swap3A_667 = arith.constant 48 : index
      %swap3A_668 = tpu.vector_load %arg7[%swap3A_666, %swap3A_667] {strides = array<i32>} : memref<400x128xf32, #tpu.memory_space<vmem>>, vector<1x16xf32>,
      %swap3A_669 = vector.shape_cast %swap3A_668 : vector<1x16xf32> to vector<16xf32>
      %swap3A_670 = vector.shape_cast %add3A_665 : vector<16xf32> to vector<1x16xf32>
      tpu.vector_store %arg7[%swap3A_666, %swap3A_667], %swap3A_670 {strides = array<i32>} : memref<400x128xf32, #tpu.memory_space<vmem>>, vector<1x16xf32>,
      %get3A_671 = arith.index_cast %add3A_618 : i32 to index
      %get3A_672 = arith.constant 64 : index
      %get3A_673 = tpu.vector_load %arg7[%get3A_671, %get3A_672] {strides = array<i32>} : memref<400x128xf32, #tpu.memory_space<vmem>>, vector<1x16xf32>,
      %get3A_674 = vector.shape_cast %get3A_673 : vector<1x16xf32> to vector<16xf32>
      %mul3A_675 = arith.constant 11.3137083 : f32
      %mul3A_676 = vector.broadcast %mul3A_675 : f32 to vector<16xf32>
      %mul3A_677 = arith.mulf %get3A_674, %mul3A_676 : vector<16xf32>
      %add3A_678 = arith.addf %mul3A_677, %get3A_75 : vector<16xf32>
      %swap3A_679 = arith.index_cast %add3A_618 : i32 to index
      %swap3A_680 = arith.constant 64 : index
      %swap3A_681 = tpu.vector_load %arg7[%swap3A_679, %swap3A_680] {strides = array<i32>} : memref<400x128xf32, #tpu.memory_space<vmem>>, vector<1x16xf32>,
      %swap3A_682 = vector.shape_cast %swap3A_681 : vector<1x16xf32> to vector<16xf32>
      %swap3A_683 = vector.shape_cast %add3A_678 : vector<16xf32> to vector<1x16xf32>
      tpu.vector_store %arg7[%swap3A_679, %swap3A_680], %swap3A_683 {strides = array<i32>} : memref<400x128xf32, #tpu.memory_space<vmem>>, vector<1x16xf32>,
      %get3A_684 = arith.index_cast %add3A_618 : i32 to index
      %get3A_685 = arith.constant 80 : index
      %get3A_686 = tpu.vector_load %arg7[%get3A_684, %get3A_685] {strides = array<i32>} : memref<400x128xf32, #tpu.memory_space<vmem>>, vector<1x16xf32>,
      %get3A_687 = vector.shape_cast %get3A_686 : vector<1x16xf32> to vector<16xf32>
      %mul3A_688 = arith.constant 11.3137083 : f32
      %mul3A_689 = vector.broadcast %mul3A_688 : f32 to vector<16xf32>
      %mul3A_690 = arith.mulf %get3A_687, %mul3A_689 : vector<16xf32>
      %add3A_691 = arith.addf %mul3A_690, %get3A_79 : vector<16xf32>
      %swap3A_692 = arith.index_cast %add3A_618 : i32 to index
      %swap3A_693 = arith.constant 80 : index
      %swap3A_694 = tpu.vector_load %arg7[%swap3A_692, %swap3A_693] {strides = array<i32>} : memref<400x128xf32, #tpu.memory_space<vmem>>, vector<1x16xf32>,
      %swap3A_695 = vector.shape_cast %swap3A_694 : vector<1x16xf32> to vector<16xf32>
      %swap3A_696 = vector.shape_cast %add3A_691 : vector<16xf32> to vector<1x16xf32>
      tpu.vector_store %arg7[%swap3A_692, %swap3A_693], %swap3A_696 {strides = array<i32>} : memref<400x128xf32, #tpu.memory_space<vmem>>, vector<1x16xf32>,
      %get3A_697 = arith.index_cast %add3A_618 : i32 to index
      %get3A_698 = arith.constant 96 : index
      %get3A_699 = tpu.vector_load %arg7[%get3A_697, %get3A_698] {strides = array<i32>} : memref<400x128xf32, #tpu.memory_space<vmem>>, vector<1x16xf32>,
      %get3A_700 = vector.shape_cast %get3A_699 : vector<1x16xf32> to vector<16xf32>
      %mul3A_701 = arith.constant 11.3137083 : f32
      %mul3A_702 = vector.broadcast %mul3A_701 : f32 to vector<16xf32>
      %mul3A_703 = arith.mulf %get3A_700, %mul3A_702 : vector<16xf32>
      %add3A_704 = arith.addf %mul3A_703, %get3A_83 : vector<16xf32>
      %swap3A_705 = arith.index_cast %add3A_618 : i32 to index
      %swap3A_706 = arith.constant 96 : index
      %swap3A_707 = tpu.vector_load %arg7[%swap3A_705, %swap3A_706] {strides = array<i32>} : memref<400x128xf32, #tpu.memory_space<vmem>>, vector<1x16xf32>,
      %swap3A_708 = vector.shape_cast %swap3A_707 : vector<1x16xf32> to vector<16xf32>
      %swap3A_709 = vector.shape_cast %add3A_704 : vector<16xf32> to vector<1x16xf32>
      tpu.vector_store %arg7[%swap3A_705, %swap3A_706], %swap3A_709 {strides = array<i32>} : memref<400x128xf32, #tpu.memory_space<vmem>>, vector<1x16xf32>,
      %get3A_710 = arith.index_cast %add3A_618 : i32 to index
      %get3A_711 = arith.constant 112 : index
      %get3A_712 = tpu.vector_load %arg7[%get3A_710, %get3A_711] {strides = array<i32>} : memref<400x128xf32, #tpu.memory_space<vmem>>, vector<1x16xf32>,
      %get3A_713 = vector.shape_cast %get3A_712 : vector<1x16xf32> to vector<16xf32>
      %mul3A_714 = arith.constant 11.3137083 : f32
      %mul3A_715 = vector.broadcast %mul3A_714 : f32 to vector<16xf32>
      %mul3A_716 = arith.mulf %get3A_713, %mul3A_715 : vector<16xf32>
      %add3A_717 = arith.addf %mul3A_716, %get3A_87 : vector<16xf32>
      %swap3A_718 = arith.index_cast %add3A_618 : i32 to index
      %swap3A_719 = arith.constant 112 : index
      %swap3A_720 = tpu.vector_load %arg7[%swap3A_718, %swap3A_719] {strides = array<i32>} : memref<400x128xf32, #tpu.memory_space<vmem>>, vector<1x16xf32>,
      %swap3A_721 = vector.shape_cast %swap3A_720 : vector<1x16xf32> to vector<16xf32>
      %swap3A_722 = vector.shape_cast %add3A_717 : vector<16xf32> to vector<1x16xf32>
      tpu.vector_store %arg7[%swap3A_718, %swap3A_719], %swap3A_722 {strides = array<i32>} : memref<400x128xf32, #tpu.memory_space<vmem>>, vector<1x16xf32>,
      %add3A_723 = arith.constant 300 : i32
      %add3A_724 = arith.addi %add3A_723, %scan3A_56 : i32
      %get3A_725 = arith.index_cast %add3A_724 : i32 to index
      %get3A_726 = arith.constant 0 : index
      %get3A_727 = tpu.vector_load %arg7[%get3A_725, %get3A_726] {strides = array<i32>} : memref<400x128xf32, #tpu.memory_space<vmem>>, vector<1x16xf32>,
      %get3A_728 = vector.shape_cast %get3A_727 : vector<1x16xf32> to vector<16xf32>
      %mul3A_729 = arith.constant 11.3137083 : f32
      %mul3A_730 = vector.broadcast %mul3A_729 : f32 to vector<16xf32>
      %mul3A_731 = arith.mulf %get3A_728, %mul3A_730 : vector<16xf32>
      %add3A_732 = arith.addf %mul3A_731, %get3A_59 : vector<16xf32>
      %swap3A_733 = arith.index_cast %add3A_724 : i32 to index
      %swap3A_734 = arith.constant 0 : index
      %swap3A_735 = tpu.vector_load %arg7[%swap3A_733, %swap3A_734] {strides = array<i32>} : memref<400x128xf32, #tpu.memory_space<vmem>>, vector<1x16xf32>,
      %swap3A_736 = vector.shape_cast %swap3A_735 : vector<1x16xf32> to vector<16xf32>
      %swap3A_737 = vector.shape_cast %add3A_732 : vector<16xf32> to vector<1x16xf32>
      tpu.vector_store %arg7[%swap3A_733, %swap3A_734], %swap3A_737 {strides = array<i32>} : memref<400x128xf32, #tpu.memory_space<vmem>>, vector<1x16xf32>,
      %get3A_738 = arith.index_cast %add3A_724 : i32 to index
      %get3A_739 = arith.constant 16 : index
      %get3A_740 = tpu.vector_load %arg7[%get3A_738, %get3A_739] {strides = array<i32>} : memref<400x128xf32, #tpu.memory_space<vmem>>, vector<1x16xf32>,
      %get3A_741 = vector.shape_cast %get3A_740 : vector<1x16xf32> to vector<16xf32>
      %mul3A_742 = arith.constant 11.3137083 : f32
      %mul3A_743 = vector.broadcast %mul3A_742 : f32 to vector<16xf32>
      %mul3A_744 = arith.mulf %get3A_741, %mul3A_743 : vector<16xf32>
      %add3A_745 = arith.addf %mul3A_744, %get3A_63 : vector<16xf32>
      %swap3A_746 = arith.index_cast %add3A_724 : i32 to index
      %swap3A_747 = arith.constant 16 : index
      %swap3A_748 = tpu.vector_load %arg7[%swap3A_746, %swap3A_747] {strides = array<i32>} : memref<400x128xf32, #tpu.memory_space<vmem>>, vector<1x16xf32>,
      %swap3A_749 = vector.shape_cast %swap3A_748 : vector<1x16xf32> to vector<16xf32>
      %swap3A_750 = vector.shape_cast %add3A_745 : vector<16xf32> to vector<1x16xf32>
      tpu.vector_store %arg7[%swap3A_746, %swap3A_747], %swap3A_750 {strides = array<i32>} : memref<400x128xf32, #tpu.memory_space<vmem>>, vector<1x16xf32>,
      %get3A_751 = arith.index_cast %add3A_724 : i32 to index
      %get3A_752 = arith.constant 32 : index
      %get3A_753 = tpu.vector_load %arg7[%get3A_751, %get3A_752] {strides = array<i32>} : memref<400x128xf32, #tpu.memory_space<vmem>>, vector<1x16xf32>,
      %get3A_754 = vector.shape_cast %get3A_753 : vector<1x16xf32> to vector<16xf32>
      %mul3A_755 = arith.constant 11.3137083 : f32
      %mul3A_756 = vector.broadcast %mul3A_755 : f32 to vector<16xf32>
      %mul3A_757 = arith.mulf %get3A_754, %mul3A_756 : vector<16xf32>
      %add3A_758 = arith.addf %mul3A_757, %get3A_67 : vector<16xf32>
      %swap3A_759 = arith.index_cast %add3A_724 : i32 to index
      %swap3A_760 = arith.constant 32 : index
      %swap3A_761 = tpu.vector_load %arg7[%swap3A_759, %swap3A_760] {strides = array<i32>} : memref<400x128xf32, #tpu.memory_space<vmem>>, vector<1x16xf32>,
      %swap3A_762 = vector.shape_cast %swap3A_761 : vector<1x16xf32> to vector<16xf32>
      %swap3A_763 = vector.shape_cast %add3A_758 : vector<16xf32> to vector<1x16xf32>
      tpu.vector_store %arg7[%swap3A_759, %swap3A_760], %swap3A_763 {strides = array<i32>} : memref<400x128xf32, #tpu.memory_space<vmem>>, vector<1x16xf32>,
      %get3A_764 = arith.index_cast %add3A_724 : i32 to index
      %get3A_765 = arith.constant 48 : index
      %get3A_766 = tpu.vector_load %arg7[%get3A_764, %get3A_765] {strides = array<i32>} : memref<400x128xf32, #tpu.memory_space<vmem>>, vector<1x16xf32>,
      %get3A_767 = vector.shape_cast %get3A_766 : vector<1x16xf32> to vector<16xf32>
      %mul3A_768 = arith.constant 11.3137083 : f32
      %mul3A_769 = vector.broadcast %mul3A_768 : f32 to vector<16xf32>
      %mul3A_770 = arith.mulf %get3A_767, %mul3A_769 : vector<16xf32>
      %add3A_771 = arith.addf %mul3A_770, %get3A_71 : vector<16xf32>
      %swap3A_772 = arith.index_cast %add3A_724 : i32 to index
      %swap3A_773 = arith.constant 48 : index
      %swap3A_774 = tpu.vector_load %arg7[%swap3A_772, %swap3A_773] {strides = array<i32>} : memref<400x128xf32, #tpu.memory_space<vmem>>, vector<1x16xf32>,
      %swap3A_775 = vector.shape_cast %swap3A_774 : vector<1x16xf32> to vector<16xf32>
      %swap3A_776 = vector.shape_cast %add3A_771 : vector<16xf32> to vector<1x16xf32>
      tpu.vector_store %arg7[%swap3A_772, %swap3A_773], %swap3A_776 {strides = array<i32>} : memref<400x128xf32, #tpu.memory_space<vmem>>, vector<1x16xf32>,
      %get3A_777 = arith.index_cast %add3A_724 : i32 to index
      %get3A_778 = arith.constant 64 : index
      %get3A_779 = tpu.vector_load %arg7[%get3A_777, %get3A_778] {strides = array<i32>} : memref<400x128xf32, #tpu.memory_space<vmem>>, vector<1x16xf32>,
      %get3A_780 = vector.shape_cast %get3A_779 : vector<1x16xf32> to vector<16xf32>
      %mul3A_781 = arith.constant 11.3137083 : f32
      %mul3A_782 = vector.broadcast %mul3A_781 : f32 to vector<16xf32>
      %mul3A_783 = arith.mulf %get3A_780, %mul3A_782 : vector<16xf32>
      %add3A_784 = arith.addf %mul3A_783, %get3A_75 : vector<16xf32>
      %swap3A_785 = arith.index_cast %add3A_724 : i32 to index
      %swap3A_786 = arith.constant 64 : index
      %swap3A_787 = tpu.vector_load %arg7[%swap3A_785, %swap3A_786] {strides = array<i32>} : memref<400x128xf32, #tpu.memory_space<vmem>>, vector<1x16xf32>,
      %swap3A_788 = vector.shape_cast %swap3A_787 : vector<1x16xf32> to vector<16xf32>
      %swap3A_789 = vector.shape_cast %add3A_784 : vector<16xf32> to vector<1x16xf32>
      tpu.vector_store %arg7[%swap3A_785, %swap3A_786], %swap3A_789 {strides = array<i32>} : memref<400x128xf32, #tpu.memory_space<vmem>>, vector<1x16xf32>,
      %get3A_790 = arith.index_cast %add3A_724 : i32 to index
      %get3A_791 = arith.constant 80 : index
      %get3A_792 = tpu.vector_load %arg7[%get3A_790, %get3A_791] {strides = array<i32>} : memref<400x128xf32, #tpu.memory_space<vmem>>, vector<1x16xf32>,
      %get3A_793 = vector.shape_cast %get3A_792 : vector<1x16xf32> to vector<16xf32>
      %mul3A_794 = arith.constant 11.3137083 : f32
      %mul3A_795 = vector.broadcast %mul3A_794 : f32 to vector<16xf32>
      %mul3A_796 = arith.mulf %get3A_793, %mul3A_795 : vector<16xf32>
      %add3A_797 = arith.addf %mul3A_796, %get3A_79 : vector<16xf32>
      %swap3A_798 = arith.index_cast %add3A_724 : i32 to index
      %swap3A_799 = arith.constant 80 : index
      %swap3A_800 = tpu.vector_load %arg7[%swap3A_798, %swap3A_799] {strides = array<i32>} : memref<400x128xf32, #tpu.memory_space<vmem>>, vector<1x16xf32>,
      %swap3A_801 = vector.shape_cast %swap3A_800 : vector<1x16xf32> to vector<16xf32>
      %swap3A_802 = vector.shape_cast %add3A_797 : vector<16xf32> to vector<1x16xf32>
      tpu.vector_store %arg7[%swap3A_798, %swap3A_799], %swap3A_802 {strides = array<i32>} : memref<400x128xf32, #tpu.memory_space<vmem>>, vector<1x16xf32>,
      %get3A_803 = arith.index_cast %add3A_724 : i32 to index
      %get3A_804 = arith.constant 96 : index
      %get3A_805 = tpu.vector_load %arg7[%get3A_803, %get3A_804] {strides = array<i32>} : memref<400x128xf32, #tpu.memory_space<vmem>>, vector<1x16xf32>,
      %get3A_806 = vector.shape_cast %get3A_805 : vector<1x16xf32> to vector<16xf32>
      %mul3A_807 = arith.constant 11.3137083 : f32
      %mul3A_808 = vector.broadcast %mul3A_807 : f32 to vector<16xf32>
      %mul3A_809 = arith.mulf %get3A_806, %mul3A_808 : vector<16xf32>
      %add3A_810 = arith.addf %mul3A_809, %get3A_83 : vector<16xf32>
      %swap3A_811 = arith.index_cast %add3A_724 : i32 to index
      %swap3A_812 = arith.constant 96 : index
      %swap3A_813 = tpu.vector_load %arg7[%swap3A_811, %swap3A_812] {strides = array<i32>} : memref<400x128xf32, #tpu.memory_space<vmem>>, vector<1x16xf32>,
      %swap3A_814 = vector.shape_cast %swap3A_813 : vector<1x16xf32> to vector<16xf32>
      %swap3A_815 = vector.shape_cast %add3A_810 : vector<16xf32> to vector<1x16xf32>
      tpu.vector_store %arg7[%swap3A_811, %swap3A_812], %swap3A_815 {strides = array<i32>} : memref<400x128xf32, #tpu.memory_space<vmem>>, vector<1x16xf32>,
      %get3A_816 = arith.index_cast %add3A_724 : i32 to index
      %get3A_817 = arith.constant 112 : index
      %get3A_818 = tpu.vector_load %arg7[%get3A_816, %get3A_817] {strides = array<i32>} : memref<400x128xf32, #tpu.memory_space<vmem>>, vector<1x16xf32>,
      %get3A_819 = vector.shape_cast %get3A_818 : vector<1x16xf32> to vector<16xf32>
      %mul3A_820 = arith.constant 11.3137083 : f32
      %mul3A_821 = vector.broadcast %mul3A_820 : f32 to vector<16xf32>
      %mul3A_822 = arith.mulf %get3A_819, %mul3A_821 : vector<16xf32>
      %add3A_823 = arith.addf %mul3A_822, %get3A_87 : vector<16xf32>
      %swap3A_824 = arith.index_cast %add3A_724 : i32 to index
      %swap3A_825 = arith.constant 112 : index
      %swap3A_826 = tpu.vector_load %arg7[%swap3A_824, %swap3A_825] {strides = array<i32>} : memref<400x128xf32, #tpu.memory_space<vmem>>, vector<1x16xf32>,
      %swap3A_827 = vector.shape_cast %swap3A_826 : vector<1x16xf32> to vector<16xf32>
      %swap3A_828 = vector.shape_cast %add3A_823 : vector<16xf32> to vector<1x16xf32>
      tpu.vector_store %arg7[%swap3A_824, %swap3A_825], %swap3A_828 {strides = array<i32>} : memref<400x128xf32, #tpu.memory_space<vmem>>, vector<1x16xf32>,
      %add3A_829 = arith.constant 350 : i32
      %add3A_830 = arith.addi %add3A_829, %scan3A_56 : i32
      %get3A_831 = arith.index_cast %add3A_830 : i32 to index
      %get3A_832 = arith.constant 0 : index
      %get3A_833 = tpu.vector_load %arg7[%get3A_831, %get3A_832] {strides = array<i32>} : memref<400x128xf32, #tpu.memory_space<vmem>>, vector<1x16xf32>,
      %get3A_834 = vector.shape_cast %get3A_833 : vector<1x16xf32> to vector<16xf32>
      %mul3A_835 = arith.constant 11.3137083 : f32
      %mul3A_836 = vector.broadcast %mul3A_835 : f32 to vector<16xf32>
      %mul3A_837 = arith.mulf %get3A_834, %mul3A_836 : vector<16xf32>
      %add3A_838 = arith.addf %mul3A_837, %get3A_59 : vector<16xf32>
      %swap3A_839 = arith.index_cast %add3A_830 : i32 to index
      %swap3A_840 = arith.constant 0 : index
      %swap3A_841 = tpu.vector_load %arg7[%swap3A_839, %swap3A_840] {strides = array<i32>} : memref<400x128xf32, #tpu.memory_space<vmem>>, vector<1x16xf32>,
      %swap3A_842 = vector.shape_cast %swap3A_841 : vector<1x16xf32> to vector<16xf32>
      %swap3A_843 = vector.shape_cast %add3A_838 : vector<16xf32> to vector<1x16xf32>
      tpu.vector_store %arg7[%swap3A_839, %swap3A_840], %swap3A_843 {strides = array<i32>} : memref<400x128xf32, #tpu.memory_space<vmem>>, vector<1x16xf32>,
      %get3A_844 = arith.index_cast %add3A_830 : i32 to index
      %get3A_845 = arith.constant 16 : index
      %get3A_846 = tpu.vector_load %arg7[%get3A_844, %get3A_845] {strides = array<i32>} : memref<400x128xf32, #tpu.memory_space<vmem>>, vector<1x16xf32>,
      %get3A_847 = vector.shape_cast %get3A_846 : vector<1x16xf32> to vector<16xf32>
      %mul3A_848 = arith.constant 11.3137083 : f32
      %mul3A_849 = vector.broadcast %mul3A_848 : f32 to vector<16xf32>
      %mul3A_850 = arith.mulf %get3A_847, %mul3A_849 : vector<16xf32>
      %add3A_851 = arith.addf %mul3A_850, %get3A_63 : vector<16xf32>
      %swap3A_852 = arith.index_cast %add3A_830 : i32 to index
      %swap3A_853 = arith.constant 16 : index
      %swap3A_854 = tpu.vector_load %arg7[%swap3A_852, %swap3A_853] {strides = array<i32>} : memref<400x128xf32, #tpu.memory_space<vmem>>, vector<1x16xf32>,
      %swap3A_855 = vector.shape_cast %swap3A_854 : vector<1x16xf32> to vector<16xf32>
      %swap3A_856 = vector.shape_cast %add3A_851 : vector<16xf32> to vector<1x16xf32>
      tpu.vector_store %arg7[%swap3A_852, %swap3A_853], %swap3A_856 {strides = array<i32>} : memref<400x128xf32, #tpu.memory_space<vmem>>, vector<1x16xf32>,
      %get3A_857 = arith.index_cast %add3A_830 : i32 to index
      %get3A_858 = arith.constant 32 : index
      %get3A_859 = tpu.vector_load %arg7[%get3A_857, %get3A_858] {strides = array<i32>} : memref<400x128xf32, #tpu.memory_space<vmem>>, vector<1x16xf32>,
      %get3A_860 = vector.shape_cast %get3A_859 : vector<1x16xf32> to vector<16xf32>
      %mul3A_861 = arith.constant 11.3137083 : f32
      %mul3A_862 = vector.broadcast %mul3A_861 : f32 to vector<16xf32>
      %mul3A_863 = arith.mulf %get3A_860, %mul3A_862 : vector<16xf32>
      %add3A_864 = arith.addf %mul3A_863, %get3A_67 : vector<16xf32>
      %swap3A_865 = arith.index_cast %add3A_830 : i32 to index
      %swap3A_866 = arith.constant 32 : index
      %swap3A_867 = tpu.vector_load %arg7[%swap3A_865, %swap3A_866] {strides = array<i32>} : memref<400x128xf32, #tpu.memory_space<vmem>>, vector<1x16xf32>,
      %swap3A_868 = vector.shape_cast %swap3A_867 : vector<1x16xf32> to vector<16xf32>
      %swap3A_869 = vector.shape_cast %add3A_864 : vector<16xf32> to vector<1x16xf32>
      tpu.vector_store %arg7[%swap3A_865, %swap3A_866], %swap3A_869 {strides = array<i32>} : memref<400x128xf32, #tpu.memory_space<vmem>>, vector<1x16xf32>,
      %get3A_870 = arith.index_cast %add3A_830 : i32 to index
      %get3A_871 = arith.constant 48 : index
      %get3A_872 = tpu.vector_load %arg7[%get3A_870, %get3A_871] {strides = array<i32>} : memref<400x128xf32, #tpu.memory_space<vmem>>, vector<1x16xf32>,
      %get3A_873 = vector.shape_cast %get3A_872 : vector<1x16xf32> to vector<16xf32>
      %mul3A_874 = arith.constant 11.3137083 : f32
      %mul3A_875 = vector.broadcast %mul3A_874 : f32 to vector<16xf32>
      %mul3A_876 = arith.mulf %get3A_873, %mul3A_875 : vector<16xf32>
      %add3A_877 = arith.addf %mul3A_876, %get3A_71 : vector<16xf32>
      %swap3A_878 = arith.index_cast %add3A_830 : i32 to index
      %swap3A_879 = arith.constant 48 : index
      %swap3A_880 = tpu.vector_load %arg7[%swap3A_878, %swap3A_879] {strides = array<i32>} : memref<400x128xf32, #tpu.memory_space<vmem>>, vector<1x16xf32>,
      %swap3A_881 = vector.shape_cast %swap3A_880 : vector<1x16xf32> to vector<16xf32>
      %swap3A_882 = vector.shape_cast %add3A_877 : vector<16xf32> to vector<1x16xf32>
      tpu.vector_store %arg7[%swap3A_878, %swap3A_879], %swap3A_882 {strides = array<i32>} : memref<400x128xf32, #tpu.memory_space<vmem>>, vector<1x16xf32>,
      %get3A_883 = arith.index_cast %add3A_830 : i32 to index
      %get3A_884 = arith.constant 64 : index
      %get3A_885 = tpu.vector_load %arg7[%get3A_883, %get3A_884] {strides = array<i32>} : memref<400x128xf32, #tpu.memory_space<vmem>>, vector<1x16xf32>,
      %get3A_886 = vector.shape_cast %get3A_885 : vector<1x16xf32> to vector<16xf32>
      %mul3A_887 = arith.constant 11.3137083 : f32
      %mul3A_888 = vector.broadcast %mul3A_887 : f32 to vector<16xf32>
      %mul3A_889 = arith.mulf %get3A_886, %mul3A_888 : vector<16xf32>
      %add3A_890 = arith.addf %mul3A_889, %get3A_75 : vector<16xf32>
      %swap3A_891 = arith.index_cast %add3A_830 : i32 to index
      %swap3A_892 = arith.constant 64 : index
      %swap3A_893 = tpu.vector_load %arg7[%swap3A_891, %swap3A_892] {strides = array<i32>} : memref<400x128xf32, #tpu.memory_space<vmem>>, vector<1x16xf32>,
      %swap3A_894 = vector.shape_cast %swap3A_893 : vector<1x16xf32> to vector<16xf32>
      %swap3A_895 = vector.shape_cast %add3A_890 : vector<16xf32> to vector<1x16xf32>
      tpu.vector_store %arg7[%swap3A_891, %swap3A_892], %swap3A_895 {strides = array<i32>} : memref<400x128xf32, #tpu.memory_space<vmem>>, vector<1x16xf32>,
      %get3A_896 = arith.index_cast %add3A_830 : i32 to index
      %get3A_897 = arith.constant 80 : index
      %get3A_898 = tpu.vector_load %arg7[%get3A_896, %get3A_897] {strides = array<i32>} : memref<400x128xf32, #tpu.memory_space<vmem>>, vector<1x16xf32>,
      %get3A_899 = vector.shape_cast %get3A_898 : vector<1x16xf32> to vector<16xf32>
      %mul3A_900 = arith.constant 11.3137083 : f32
      %mul3A_901 = vector.broadcast %mul3A_900 : f32 to vector<16xf32>
      %mul3A_902 = arith.mulf %get3A_899, %mul3A_901 : vector<16xf32>
      %add3A_903 = arith.addf %mul3A_902, %get3A_79 : vector<16xf32>
      %swap3A_904 = arith.index_cast %add3A_830 : i32 to index
      %swap3A_905 = arith.constant 80 : index
      %swap3A_906 = tpu.vector_load %arg7[%swap3A_904, %swap3A_905] {strides = array<i32>} : memref<400x128xf32, #tpu.memory_space<vmem>>, vector<1x16xf32>,
      %swap3A_907 = vector.shape_cast %swap3A_906 : vector<1x16xf32> to vector<16xf32>
      %swap3A_908 = vector.shape_cast %add3A_903 : vector<16xf32> to vector<1x16xf32>
      tpu.vector_store %arg7[%swap3A_904, %swap3A_905], %swap3A_908 {strides = array<i32>} : memref<400x128xf32, #tpu.memory_space<vmem>>, vector<1x16xf32>,
      %get3A_909 = arith.index_cast %add3A_830 : i32 to index
      %get3A_910 = arith.constant 96 : index
      %get3A_911 = tpu.vector_load %arg7[%get3A_909, %get3A_910] {strides = array<i32>} : memref<400x128xf32, #tpu.memory_space<vmem>>, vector<1x16xf32>,
      %get3A_912 = vector.shape_cast %get3A_911 : vector<1x16xf32> to vector<16xf32>
      %mul3A_913 = arith.constant 11.3137083 : f32
      %mul3A_914 = vector.broadcast %mul3A_913 : f32 to vector<16xf32>
      %mul3A_915 = arith.mulf %get3A_912, %mul3A_914 : vector<16xf32>
      %add3A_916 = arith.addf %mul3A_915, %get3A_83 : vector<16xf32>
      %swap3A_917 = arith.index_cast %add3A_830 : i32 to index
      %swap3A_918 = arith.constant 96 : index
      %swap3A_919 = tpu.vector_load %arg7[%swap3A_917, %swap3A_918] {strides = array<i32>} : memref<400x128xf32, #tpu.memory_space<vmem>>, vector<1x16xf32>,
      %swap3A_920 = vector.shape_cast %swap3A_919 : vector<1x16xf32> to vector<16xf32>
      %swap3A_921 = vector.shape_cast %add3A_916 : vector<16xf32> to vector<1x16xf32>
      tpu.vector_store %arg7[%swap3A_917, %swap3A_918], %swap3A_921 {strides = array<i32>} : memref<400x128xf32, #tpu.memory_space<vmem>>, vector<1x16xf32>,
      %get3A_922 = arith.index_cast %add3A_830 : i32 to index
      %get3A_923 = arith.constant 112 : index
      %get3A_924 = tpu.vector_load %arg7[%get3A_922, %get3A_923] {strides = array<i32>} : memref<400x128xf32, #tpu.memory_space<vmem>>, vector<1x16xf32>,
      %get3A_925 = vector.shape_cast %get3A_924 : vector<1x16xf32> to vector<16xf32>
      %mul3A_926 = arith.constant 11.3137083 : f32
      %mul3A_927 = vector.broadcast %mul3A_926 : f32 to vector<16xf32>
      %mul3A_928 = arith.mulf %get3A_925, %mul3A_927 : vector<16xf32>
      %add3A_929 = arith.addf %mul3A_928, %get3A_87 : vector<16xf32>
      %swap3A_930 = arith.index_cast %add3A_830 : i32 to index
      %swap3A_931 = arith.constant 112 : index
      %swap3A_932 = tpu.vector_load %arg7[%swap3A_930, %swap3A_931] {strides = array<i32>} : memref<400x128xf32, #tpu.memory_space<vmem>>, vector<1x16xf32>,
      %swap3A_933 = vector.shape_cast %swap3A_932 : vector<1x16xf32> to vector<16xf32>
      %swap3A_934 = vector.shape_cast %add3A_929 : vector<16xf32> to vector<1x16xf32>
      tpu.vector_store %arg7[%swap3A_930, %swap3A_931], %swap3A_934 {strides = array<i32>} : memref<400x128xf32, #tpu.memory_space<vmem>>, vector<1x16xf32>,
    }
    %scan3A_41 = arith.constant 50 : i32
    "tpu.region"() ({
      %run_scoped3A = tpu.sem_alloc : memref<!tpu.dma_semaphore, #tpu.memory_space<semaphore_mem>>
      %dma_start3A_56 = arith.constant 0 : i32
      %dma_start3A_57 = tpu.memref_slice %arg5[%add3A_29, %dma_start3A_56] : memref<51200x128xf32, #tpu.memory_space<hbm>> -> memref<400x128xf32, #tpu.memory_space<hbm>>
      %dma_start3A_58 = arith.constant 0 : i32
      %dma_start3A_59 = tpu.memref_slice %arg5[%add3A_29, %dma_start3A_58] : memref<51200x128xf32, #tpu.memory_space<hbm>> -> memref<400x128xf32, #tpu.memory_space<hbm>>
      tpu.enqueue_dma source(%arg7 : memref<400x128xf32, #tpu.memory_space<vmem>>) target(%dma_start3A_59 : memref<400x128xf32, #tpu.memory_space<hbm>>) target_semaphore(%run_scoped3A : memref<!tpu.dma_semaphore, #tpu.memory_space<semaphore_mem>>)
      %dma_wait3A_60 = arith.constant 0 : i32
      %dma_wait3A_61 = tpu.memref_slice %arg5[%add3A_29, %dma_wait3A_60] : memref<51200x128xf32, #tpu.memory_space<hbm>> -> memref<400x128xf32, #tpu.memory_space<hbm>>
      %dma_wait3A_62 = arith.constant 0 : i32
      %dma_wait3A_63 = tpu.memref_slice %arg5[%add3A_29, %dma_wait3A_62] : memref<51200x128xf32, #tpu.memory_space<hbm>> -> memref<400x128xf32, #tpu.memory_space<hbm>>
      tpu.wait_dma2 semaphore(%run_scoped3A : memref<!tpu.dma_semaphore, #tpu.memory_space<semaphore_mem>>) src(%arg7 : memref<400x128xf32, #tpu.memory_space<vmem>>) dst(%dma_wait3A_63 : memref<400x128xf32, #tpu.memory_space<hbm>>)
      tpu.yield
    }) : () -> ()
    %add3A_42 = arith.constant 1200 : i32
    %add3A_43 = arith.addi %mul3A_2, %add3A_42 : i32
    "tpu.region"() ({
      %run_scoped3A = tpu.sem_alloc : memref<!tpu.dma_semaphore, #tpu.memory_space<semaphore_mem>>
      %dma_start3A_56 = tpu.memref_slice %arg2[%add3A_43] : memref<51200xi32, #tpu.memory_space<hbm>> -> memref<400xi32, #tpu.memory_space<hbm>>
      %dma_start3A_57 = tpu.memref_slice %arg2[%add3A_43] : memref<51200xi32, #tpu.memory_space<hbm>> -> memref<400xi32, #tpu.memory_space<hbm>>
      tpu.enqueue_dma source(%dma_start3A_57 : memref<400xi32, #tpu.memory_space<hbm>>) target(%arg6 : memref<400xi32, #tpu.memory_space<vmem>>) target_semaphore(%run_scoped3A : memref<!tpu.dma_semaphore, #tpu.memory_space<semaphore_mem>>)
      %dma_wait3A_58 = tpu.memref_slice %arg2[%add3A_43] : memref<51200xi32, #tpu.memory_space<hbm>> -> memref<400xi32, #tpu.memory_space<hbm>>
      %dma_wait3A_59 = tpu.memref_slice %arg2[%add3A_43] : memref<51200xi32, #tpu.memory_space<hbm>> -> memref<400xi32, #tpu.memory_space<hbm>>
      tpu.wait_dma2 semaphore(%run_scoped3A : memref<!tpu.dma_semaphore, #tpu.memory_space<semaphore_mem>>) src(%dma_wait3A_59 : memref<400xi32, #tpu.memory_space<hbm>>) dst(%arg6 : memref<400xi32, #tpu.memory_space<vmem>>)
      tpu.yield
    }) : () -> ()
    %dma_start3A_44 = arith.constant 0 : i32
    %dma_start3A_45 = arith.constant 0 : i32
    %dma_start3A_46 = tpu.memref_slice %arg3[%dma_start3A_44, %dma_start3A_45] : memref<100000x128xf32, #tpu.memory_space<hbm>> -> memref<100000x128xf32, #tpu.memory_space<hbm>>
    tpu.enqueue_indirect_dma source(%dma_start3A_46 : memref<100000x128xf32, #tpu.memory_space<hbm>>) target(%arg7 : memref<400x128xf32, #tpu.memory_space<vmem>>) offsets(%arg6 : memref<400xi32, #tpu.memory_space<vmem>>) semaphore(%arg9 : memref<!tpu.dma_semaphore, #tpu.memory_space<semaphore_mem>>)
    %dma_wait3A_47 = arith.constant 0 : i32
    %dma_wait3A_48 = arith.constant 0 : i32
    %dma_wait3A_49 = tpu.memref_slice %arg3[%dma_wait3A_47, %dma_wait3A_48] : memref<100000x128xf32, #tpu.memory_space<hbm>> -> memref<100000x128xf32, #tpu.memory_space<hbm>>
    tpu.wait_indirect_dma semaphore(%arg9 : memref<!tpu.dma_semaphore, #tpu.memory_space<semaphore_mem>>) src(%dma_wait3A_49 : memref<100000x128xf32, #tpu.memory_space<hbm>>) dst(%arg7 : memref<400x128xf32, #tpu.memory_space<vmem>>)
    %scan3A_50 = arith.constant 0 : i32
    %scan3A_51 = arith.constant 0 : i32
    %scan3A_52 = arith.constant 50 : i32
    %scan3A_53 = arith.addi %scan3A_51, %scan3A_52 : i32
    %scan3A_54 = arith.constant 1 : i32
    scf.for %scan3A_56 = %scan3A_51 to %scan3A_53 step %scan3A_54  : i32 {
      %get3A = arith.index_cast %scan3A_56 : i32 to index
      %get3A_57 = arith.constant 0 : index
      %get3A_58 = tpu.vector_load %arg8[%get3A, %get3A_57] {strides = array<i32>} : memref<50x128xf32, #tpu.memory_space<vmem>>, vector<1x16xf32>,
      %get3A_59 = vector.shape_cast %get3A_58 : vector<1x16xf32> to vector<16xf32>
      %get3A_60 = arith.index_cast %scan3A_56 : i32 to index
      %get3A_61 = arith.constant 16 : index
      %get3A_62 = tpu.vector_load %arg8[%get3A_60, %get3A_61] {strides = array<i32>} : memref<50x128xf32, #tpu.memory_space<vmem>>, vector<1x16xf32>,
      %get3A_63 = vector.shape_cast %get3A_62 : vector<1x16xf32> to vector<16xf32>
      %get3A_64 = arith.index_cast %scan3A_56 : i32 to index
      %get3A_65 = arith.constant 32 : index
      %get3A_66 = tpu.vector_load %arg8[%get3A_64, %get3A_65] {strides = array<i32>} : memref<50x128xf32, #tpu.memory_space<vmem>>, vector<1x16xf32>,
      %get3A_67 = vector.shape_cast %get3A_66 : vector<1x16xf32> to vector<16xf32>
      %get3A_68 = arith.index_cast %scan3A_56 : i32 to index
      %get3A_69 = arith.constant 48 : index
      %get3A_70 = tpu.vector_load %arg8[%get3A_68, %get3A_69] {strides = array<i32>} : memref<50x128xf32, #tpu.memory_space<vmem>>, vector<1x16xf32>,
      %get3A_71 = vector.shape_cast %get3A_70 : vector<1x16xf32> to vector<16xf32>
      %get3A_72 = arith.index_cast %scan3A_56 : i32 to index
      %get3A_73 = arith.constant 64 : index
      %get3A_74 = tpu.vector_load %arg8[%get3A_72, %get3A_73] {strides = array<i32>} : memref<50x128xf32, #tpu.memory_space<vmem>>, vector<1x16xf32>,
      %get3A_75 = vector.shape_cast %get3A_74 : vector<1x16xf32> to vector<16xf32>
      %get3A_76 = arith.index_cast %scan3A_56 : i32 to index
      %get3A_77 = arith.constant 80 : index
      %get3A_78 = tpu.vector_load %arg8[%get3A_76, %get3A_77] {strides = array<i32>} : memref<50x128xf32, #tpu.memory_space<vmem>>, vector<1x16xf32>,
      %get3A_79 = vector.shape_cast %get3A_78 : vector<1x16xf32> to vector<16xf32>
      %get3A_80 = arith.index_cast %scan3A_56 : i32 to index
      %get3A_81 = arith.constant 96 : index
      %get3A_82 = tpu.vector_load %arg8[%get3A_80, %get3A_81] {strides = array<i32>} : memref<50x128xf32, #tpu.memory_space<vmem>>, vector<1x16xf32>,
      %get3A_83 = vector.shape_cast %get3A_82 : vector<1x16xf32> to vector<16xf32>
      %get3A_84 = arith.index_cast %scan3A_56 : i32 to index
      %get3A_85 = arith.constant 112 : index
      %get3A_86 = tpu.vector_load %arg8[%get3A_84, %get3A_85] {strides = array<i32>} : memref<50x128xf32, #tpu.memory_space<vmem>>, vector<1x16xf32>,
      %get3A_87 = vector.shape_cast %get3A_86 : vector<1x16xf32> to vector<16xf32>
      %add3A_88 = arith.constant 0 : i32
      %add3A_89 = arith.addi %add3A_88, %scan3A_56 : i32
      %get3A_90 = arith.index_cast %add3A_89 : i32 to index
      %get3A_91 = arith.constant 0 : index
      %get3A_92 = tpu.vector_load %arg7[%get3A_90, %get3A_91] {strides = array<i32>} : memref<400x128xf32, #tpu.memory_space<vmem>>, vector<1x16xf32>,
      %get3A_93 = vector.shape_cast %get3A_92 : vector<1x16xf32> to vector<16xf32>
      %mul3A_94 = arith.constant 11.3137083 : f32
      %mul3A_95 = vector.broadcast %mul3A_94 : f32 to vector<16xf32>
      %mul3A_96 = arith.mulf %get3A_93, %mul3A_95 : vector<16xf32>
      %add3A_97 = arith.addf %mul3A_96, %get3A_59 : vector<16xf32>
      %swap3A = arith.index_cast %add3A_89 : i32 to index
      %swap3A_98 = arith.constant 0 : index
      %swap3A_99 = tpu.vector_load %arg7[%swap3A, %swap3A_98] {strides = array<i32>} : memref<400x128xf32, #tpu.memory_space<vmem>>, vector<1x16xf32>,
      %swap3A_100 = vector.shape_cast %swap3A_99 : vector<1x16xf32> to vector<16xf32>
      %swap3A_101 = vector.shape_cast %add3A_97 : vector<16xf32> to vector<1x16xf32>
      tpu.vector_store %arg7[%swap3A, %swap3A_98], %swap3A_101 {strides = array<i32>} : memref<400x128xf32, #tpu.memory_space<vmem>>, vector<1x16xf32>,
      %get3A_102 = arith.index_cast %add3A_89 : i32 to index
      %get3A_103 = arith.constant 16 : index
      %get3A_104 = tpu.vector_load %arg7[%get3A_102, %get3A_103] {strides = array<i32>} : memref<400x128xf32, #tpu.memory_space<vmem>>, vector<1x16xf32>,
      %get3A_105 = vector.shape_cast %get3A_104 : vector<1x16xf32> to vector<16xf32>
      %mul3A_106 = arith.constant 11.3137083 : f32
      %mul3A_107 = vector.broadcast %mul3A_106 : f32 to vector<16xf32>
      %mul3A_108 = arith.mulf %get3A_105, %mul3A_107 : vector<16xf32>
      %add3A_109 = arith.addf %mul3A_108, %get3A_63 : vector<16xf32>
      %swap3A_110 = arith.index_cast %add3A_89 : i32 to index
      %swap3A_111 = arith.constant 16 : index
      %swap3A_112 = tpu.vector_load %arg7[%swap3A_110, %swap3A_111] {strides = array<i32>} : memref<400x128xf32, #tpu.memory_space<vmem>>, vector<1x16xf32>,
      %swap3A_113 = vector.shape_cast %swap3A_112 : vector<1x16xf32> to vector<16xf32>
      %swap3A_114 = vector.shape_cast %add3A_109 : vector<16xf32> to vector<1x16xf32>
      tpu.vector_store %arg7[%swap3A_110, %swap3A_111], %swap3A_114 {strides = array<i32>} : memref<400x128xf32, #tpu.memory_space<vmem>>, vector<1x16xf32>,
      %get3A_115 = arith.index_cast %add3A_89 : i32 to index
      %get3A_116 = arith.constant 32 : index
      %get3A_117 = tpu.vector_load %arg7[%get3A_115, %get3A_116] {strides = array<i32>} : memref<400x128xf32, #tpu.memory_space<vmem>>, vector<1x16xf32>,
      %get3A_118 = vector.shape_cast %get3A_117 : vector<1x16xf32> to vector<16xf32>
      %mul3A_119 = arith.constant 11.3137083 : f32
      %mul3A_120 = vector.broadcast %mul3A_119 : f32 to vector<16xf32>
      %mul3A_121 = arith.mulf %get3A_118, %mul3A_120 : vector<16xf32>
      %add3A_122 = arith.addf %mul3A_121, %get3A_67 : vector<16xf32>
      %swap3A_123 = arith.index_cast %add3A_89 : i32 to index
      %swap3A_124 = arith.constant 32 : index
      %swap3A_125 = tpu.vector_load %arg7[%swap3A_123, %swap3A_124] {strides = array<i32>} : memref<400x128xf32, #tpu.memory_space<vmem>>, vector<1x16xf32>,
      %swap3A_126 = vector.shape_cast %swap3A_125 : vector<1x16xf32> to vector<16xf32>
      %swap3A_127 = vector.shape_cast %add3A_122 : vector<16xf32> to vector<1x16xf32>
      tpu.vector_store %arg7[%swap3A_123, %swap3A_124], %swap3A_127 {strides = array<i32>} : memref<400x128xf32, #tpu.memory_space<vmem>>, vector<1x16xf32>,
      %get3A_128 = arith.index_cast %add3A_89 : i32 to index
      %get3A_129 = arith.constant 48 : index
      %get3A_130 = tpu.vector_load %arg7[%get3A_128, %get3A_129] {strides = array<i32>} : memref<400x128xf32, #tpu.memory_space<vmem>>, vector<1x16xf32>,
      %get3A_131 = vector.shape_cast %get3A_130 : vector<1x16xf32> to vector<16xf32>
      %mul3A_132 = arith.constant 11.3137083 : f32
      %mul3A_133 = vector.broadcast %mul3A_132 : f32 to vector<16xf32>
      %mul3A_134 = arith.mulf %get3A_131, %mul3A_133 : vector<16xf32>
      %add3A_135 = arith.addf %mul3A_134, %get3A_71 : vector<16xf32>
      %swap3A_136 = arith.index_cast %add3A_89 : i32 to index
      %swap3A_137 = arith.constant 48 : index
      %swap3A_138 = tpu.vector_load %arg7[%swap3A_136, %swap3A_137] {strides = array<i32>} : memref<400x128xf32, #tpu.memory_space<vmem>>, vector<1x16xf32>,
      %swap3A_139 = vector.shape_cast %swap3A_138 : vector<1x16xf32> to vector<16xf32>
      %swap3A_140 = vector.shape_cast %add3A_135 : vector<16xf32> to vector<1x16xf32>
      tpu.vector_store %arg7[%swap3A_136, %swap3A_137], %swap3A_140 {strides = array<i32>} : memref<400x128xf32, #tpu.memory_space<vmem>>, vector<1x16xf32>,
      %get3A_141 = arith.index_cast %add3A_89 : i32 to index
      %get3A_142 = arith.constant 64 : index
      %get3A_143 = tpu.vector_load %arg7[%get3A_141, %get3A_142] {strides = array<i32>} : memref<400x128xf32, #tpu.memory_space<vmem>>, vector<1x16xf32>,
      %get3A_144 = vector.shape_cast %get3A_143 : vector<1x16xf32> to vector<16xf32>
      %mul3A_145 = arith.constant 11.3137083 : f32
      %mul3A_146 = vector.broadcast %mul3A_145 : f32 to vector<16xf32>
      %mul3A_147 = arith.mulf %get3A_144, %mul3A_146 : vector<16xf32>
      %add3A_148 = arith.addf %mul3A_147, %get3A_75 : vector<16xf32>
      %swap3A_149 = arith.index_cast %add3A_89 : i32 to index
      %swap3A_150 = arith.constant 64 : index
      %swap3A_151 = tpu.vector_load %arg7[%swap3A_149, %swap3A_150] {strides = array<i32>} : memref<400x128xf32, #tpu.memory_space<vmem>>, vector<1x16xf32>,
      %swap3A_152 = vector.shape_cast %swap3A_151 : vector<1x16xf32> to vector<16xf32>
      %swap3A_153 = vector.shape_cast %add3A_148 : vector<16xf32> to vector<1x16xf32>
      tpu.vector_store %arg7[%swap3A_149, %swap3A_150], %swap3A_153 {strides = array<i32>} : memref<400x128xf32, #tpu.memory_space<vmem>>, vector<1x16xf32>,
      %get3A_154 = arith.index_cast %add3A_89 : i32 to index
      %get3A_155 = arith.constant 80 : index
      %get3A_156 = tpu.vector_load %arg7[%get3A_154, %get3A_155] {strides = array<i32>} : memref<400x128xf32, #tpu.memory_space<vmem>>, vector<1x16xf32>,
      %get3A_157 = vector.shape_cast %get3A_156 : vector<1x16xf32> to vector<16xf32>
      %mul3A_158 = arith.constant 11.3137083 : f32
      %mul3A_159 = vector.broadcast %mul3A_158 : f32 to vector<16xf32>
      %mul3A_160 = arith.mulf %get3A_157, %mul3A_159 : vector<16xf32>
      %add3A_161 = arith.addf %mul3A_160, %get3A_79 : vector<16xf32>
      %swap3A_162 = arith.index_cast %add3A_89 : i32 to index
      %swap3A_163 = arith.constant 80 : index
      %swap3A_164 = tpu.vector_load %arg7[%swap3A_162, %swap3A_163] {strides = array<i32>} : memref<400x128xf32, #tpu.memory_space<vmem>>, vector<1x16xf32>,
      %swap3A_165 = vector.shape_cast %swap3A_164 : vector<1x16xf32> to vector<16xf32>
      %swap3A_166 = vector.shape_cast %add3A_161 : vector<16xf32> to vector<1x16xf32>
      tpu.vector_store %arg7[%swap3A_162, %swap3A_163], %swap3A_166 {strides = array<i32>} : memref<400x128xf32, #tpu.memory_space<vmem>>, vector<1x16xf32>,
      %get3A_167 = arith.index_cast %add3A_89 : i32 to index
      %get3A_168 = arith.constant 96 : index
      %get3A_169 = tpu.vector_load %arg7[%get3A_167, %get3A_168] {strides = array<i32>} : memref<400x128xf32, #tpu.memory_space<vmem>>, vector<1x16xf32>,
      %get3A_170 = vector.shape_cast %get3A_169 : vector<1x16xf32> to vector<16xf32>
      %mul3A_171 = arith.constant 11.3137083 : f32
      %mul3A_172 = vector.broadcast %mul3A_171 : f32 to vector<16xf32>
      %mul3A_173 = arith.mulf %get3A_170, %mul3A_172 : vector<16xf32>
      %add3A_174 = arith.addf %mul3A_173, %get3A_83 : vector<16xf32>
      %swap3A_175 = arith.index_cast %add3A_89 : i32 to index
      %swap3A_176 = arith.constant 96 : index
      %swap3A_177 = tpu.vector_load %arg7[%swap3A_175, %swap3A_176] {strides = array<i32>} : memref<400x128xf32, #tpu.memory_space<vmem>>, vector<1x16xf32>,
      %swap3A_178 = vector.shape_cast %swap3A_177 : vector<1x16xf32> to vector<16xf32>
      %swap3A_179 = vector.shape_cast %add3A_174 : vector<16xf32> to vector<1x16xf32>
      tpu.vector_store %arg7[%swap3A_175, %swap3A_176], %swap3A_179 {strides = array<i32>} : memref<400x128xf32, #tpu.memory_space<vmem>>, vector<1x16xf32>,
      %get3A_180 = arith.index_cast %add3A_89 : i32 to index
      %get3A_181 = arith.constant 112 : index
      %get3A_182 = tpu.vector_load %arg7[%get3A_180, %get3A_181] {strides = array<i32>} : memref<400x128xf32, #tpu.memory_space<vmem>>, vector<1x16xf32>,
      %get3A_183 = vector.shape_cast %get3A_182 : vector<1x16xf32> to vector<16xf32>
      %mul3A_184 = arith.constant 11.3137083 : f32
      %mul3A_185 = vector.broadcast %mul3A_184 : f32 to vector<16xf32>
      %mul3A_186 = arith.mulf %get3A_183, %mul3A_185 : vector<16xf32>
      %add3A_187 = arith.addf %mul3A_186, %get3A_87 : vector<16xf32>
      %swap3A_188 = arith.index_cast %add3A_89 : i32 to index
      %swap3A_189 = arith.constant 112 : index
      %swap3A_190 = tpu.vector_load %arg7[%swap3A_188, %swap3A_189] {strides = array<i32>} : memref<400x128xf32, #tpu.memory_space<vmem>>, vector<1x16xf32>,
      %swap3A_191 = vector.shape_cast %swap3A_190 : vector<1x16xf32> to vector<16xf32>
      %swap3A_192 = vector.shape_cast %add3A_187 : vector<16xf32> to vector<1x16xf32>
      tpu.vector_store %arg7[%swap3A_188, %swap3A_189], %swap3A_192 {strides = array<i32>} : memref<400x128xf32, #tpu.memory_space<vmem>>, vector<1x16xf32>,
      %add3A_193 = arith.constant 50 : i32
      %add3A_194 = arith.addi %add3A_193, %scan3A_56 : i32
      %get3A_195 = arith.index_cast %add3A_194 : i32 to index
      %get3A_196 = arith.constant 0 : index
      %get3A_197 = tpu.vector_load %arg7[%get3A_195, %get3A_196] {strides = array<i32>} : memref<400x128xf32, #tpu.memory_space<vmem>>, vector<1x16xf32>,
      %get3A_198 = vector.shape_cast %get3A_197 : vector<1x16xf32> to vector<16xf32>
      %mul3A_199 = arith.constant 11.3137083 : f32
      %mul3A_200 = vector.broadcast %mul3A_199 : f32 to vector<16xf32>
      %mul3A_201 = arith.mulf %get3A_198, %mul3A_200 : vector<16xf32>
      %add3A_202 = arith.addf %mul3A_201, %get3A_59 : vector<16xf32>
      %swap3A_203 = arith.index_cast %add3A_194 : i32 to index
      %swap3A_204 = arith.constant 0 : index
      %swap3A_205 = tpu.vector_load %arg7[%swap3A_203, %swap3A_204] {strides = array<i32>} : memref<400x128xf32, #tpu.memory_space<vmem>>, vector<1x16xf32>,
      %swap3A_206 = vector.shape_cast %swap3A_205 : vector<1x16xf32> to vector<16xf32>
      %swap3A_207 = vector.shape_cast %add3A_202 : vector<16xf32> to vector<1x16xf32>
      tpu.vector_store %arg7[%swap3A_203, %swap3A_204], %swap3A_207 {strides = array<i32>} : memref<400x128xf32, #tpu.memory_space<vmem>>, vector<1x16xf32>,
      %get3A_208 = arith.index_cast %add3A_194 : i32 to index
      %get3A_209 = arith.constant 16 : index
      %get3A_210 = tpu.vector_load %arg7[%get3A_208, %get3A_209] {strides = array<i32>} : memref<400x128xf32, #tpu.memory_space<vmem>>, vector<1x16xf32>,
      %get3A_211 = vector.shape_cast %get3A_210 : vector<1x16xf32> to vector<16xf32>
      %mul3A_212 = arith.constant 11.3137083 : f32
      %mul3A_213 = vector.broadcast %mul3A_212 : f32 to vector<16xf32>
      %mul3A_214 = arith.mulf %get3A_211, %mul3A_213 : vector<16xf32>
      %add3A_215 = arith.addf %mul3A_214, %get3A_63 : vector<16xf32>
      %swap3A_216 = arith.index_cast %add3A_194 : i32 to index
      %swap3A_217 = arith.constant 16 : index
      %swap3A_218 = tpu.vector_load %arg7[%swap3A_216, %swap3A_217] {strides = array<i32>} : memref<400x128xf32, #tpu.memory_space<vmem>>, vector<1x16xf32>,
      %swap3A_219 = vector.shape_cast %swap3A_218 : vector<1x16xf32> to vector<16xf32>
      %swap3A_220 = vector.shape_cast %add3A_215 : vector<16xf32> to vector<1x16xf32>
      tpu.vector_store %arg7[%swap3A_216, %swap3A_217], %swap3A_220 {strides = array<i32>} : memref<400x128xf32, #tpu.memory_space<vmem>>, vector<1x16xf32>,
      %get3A_221 = arith.index_cast %add3A_194 : i32 to index
      %get3A_222 = arith.constant 32 : index
      %get3A_223 = tpu.vector_load %arg7[%get3A_221, %get3A_222] {strides = array<i32>} : memref<400x128xf32, #tpu.memory_space<vmem>>, vector<1x16xf32>,
      %get3A_224 = vector.shape_cast %get3A_223 : vector<1x16xf32> to vector<16xf32>
      %mul3A_225 = arith.constant 11.3137083 : f32
      %mul3A_226 = vector.broadcast %mul3A_225 : f32 to vector<16xf32>
      %mul3A_227 = arith.mulf %get3A_224, %mul3A_226 : vector<16xf32>
      %add3A_228 = arith.addf %mul3A_227, %get3A_67 : vector<16xf32>
      %swap3A_229 = arith.index_cast %add3A_194 : i32 to index
      %swap3A_230 = arith.constant 32 : index
      %swap3A_231 = tpu.vector_load %arg7[%swap3A_229, %swap3A_230] {strides = array<i32>} : memref<400x128xf32, #tpu.memory_space<vmem>>, vector<1x16xf32>,
      %swap3A_232 = vector.shape_cast %swap3A_231 : vector<1x16xf32> to vector<16xf32>
      %swap3A_233 = vector.shape_cast %add3A_228 : vector<16xf32> to vector<1x16xf32>
      tpu.vector_store %arg7[%swap3A_229, %swap3A_230], %swap3A_233 {strides = array<i32>} : memref<400x128xf32, #tpu.memory_space<vmem>>, vector<1x16xf32>,
      %get3A_234 = arith.index_cast %add3A_194 : i32 to index
      %get3A_235 = arith.constant 48 : index
      %get3A_236 = tpu.vector_load %arg7[%get3A_234, %get3A_235] {strides = array<i32>} : memref<400x128xf32, #tpu.memory_space<vmem>>, vector<1x16xf32>,
      %get3A_237 = vector.shape_cast %get3A_236 : vector<1x16xf32> to vector<16xf32>
      %mul3A_238 = arith.constant 11.3137083 : f32
      %mul3A_239 = vector.broadcast %mul3A_238 : f32 to vector<16xf32>
      %mul3A_240 = arith.mulf %get3A_237, %mul3A_239 : vector<16xf32>
      %add3A_241 = arith.addf %mul3A_240, %get3A_71 : vector<16xf32>
      %swap3A_242 = arith.index_cast %add3A_194 : i32 to index
      %swap3A_243 = arith.constant 48 : index
      %swap3A_244 = tpu.vector_load %arg7[%swap3A_242, %swap3A_243] {strides = array<i32>} : memref<400x128xf32, #tpu.memory_space<vmem>>, vector<1x16xf32>,
      %swap3A_245 = vector.shape_cast %swap3A_244 : vector<1x16xf32> to vector<16xf32>
      %swap3A_246 = vector.shape_cast %add3A_241 : vector<16xf32> to vector<1x16xf32>
      tpu.vector_store %arg7[%swap3A_242, %swap3A_243], %swap3A_246 {strides = array<i32>} : memref<400x128xf32, #tpu.memory_space<vmem>>, vector<1x16xf32>,
      %get3A_247 = arith.index_cast %add3A_194 : i32 to index
      %get3A_248 = arith.constant 64 : index
      %get3A_249 = tpu.vector_load %arg7[%get3A_247, %get3A_248] {strides = array<i32>} : memref<400x128xf32, #tpu.memory_space<vmem>>, vector<1x16xf32>,
      %get3A_250 = vector.shape_cast %get3A_249 : vector<1x16xf32> to vector<16xf32>
      %mul3A_251 = arith.constant 11.3137083 : f32
      %mul3A_252 = vector.broadcast %mul3A_251 : f32 to vector<16xf32>
      %mul3A_253 = arith.mulf %get3A_250, %mul3A_252 : vector<16xf32>
      %add3A_254 = arith.addf %mul3A_253, %get3A_75 : vector<16xf32>
      %swap3A_255 = arith.index_cast %add3A_194 : i32 to index
      %swap3A_256 = arith.constant 64 : index
      %swap3A_257 = tpu.vector_load %arg7[%swap3A_255, %swap3A_256] {strides = array<i32>} : memref<400x128xf32, #tpu.memory_space<vmem>>, vector<1x16xf32>,
      %swap3A_258 = vector.shape_cast %swap3A_257 : vector<1x16xf32> to vector<16xf32>
      %swap3A_259 = vector.shape_cast %add3A_254 : vector<16xf32> to vector<1x16xf32>
      tpu.vector_store %arg7[%swap3A_255, %swap3A_256], %swap3A_259 {strides = array<i32>} : memref<400x128xf32, #tpu.memory_space<vmem>>, vector<1x16xf32>,
      %get3A_260 = arith.index_cast %add3A_194 : i32 to index
      %get3A_261 = arith.constant 80 : index
      %get3A_262 = tpu.vector_load %arg7[%get3A_260, %get3A_261] {strides = array<i32>} : memref<400x128xf32, #tpu.memory_space<vmem>>, vector<1x16xf32>,
      %get3A_263 = vector.shape_cast %get3A_262 : vector<1x16xf32> to vector<16xf32>
      %mul3A_264 = arith.constant 11.3137083 : f32
      %mul3A_265 = vector.broadcast %mul3A_264 : f32 to vector<16xf32>
      %mul3A_266 = arith.mulf %get3A_263, %mul3A_265 : vector<16xf32>
      %add3A_267 = arith.addf %mul3A_266, %get3A_79 : vector<16xf32>
      %swap3A_268 = arith.index_cast %add3A_194 : i32 to index
      %swap3A_269 = arith.constant 80 : index
      %swap3A_270 = tpu.vector_load %arg7[%swap3A_268, %swap3A_269] {strides = array<i32>} : memref<400x128xf32, #tpu.memory_space<vmem>>, vector<1x16xf32>,
      %swap3A_271 = vector.shape_cast %swap3A_270 : vector<1x16xf32> to vector<16xf32>
      %swap3A_272 = vector.shape_cast %add3A_267 : vector<16xf32> to vector<1x16xf32>
      tpu.vector_store %arg7[%swap3A_268, %swap3A_269], %swap3A_272 {strides = array<i32>} : memref<400x128xf32, #tpu.memory_space<vmem>>, vector<1x16xf32>,
      %get3A_273 = arith.index_cast %add3A_194 : i32 to index
      %get3A_274 = arith.constant 96 : index
      %get3A_275 = tpu.vector_load %arg7[%get3A_273, %get3A_274] {strides = array<i32>} : memref<400x128xf32, #tpu.memory_space<vmem>>, vector<1x16xf32>,
      %get3A_276 = vector.shape_cast %get3A_275 : vector<1x16xf32> to vector<16xf32>
      %mul3A_277 = arith.constant 11.3137083 : f32
      %mul3A_278 = vector.broadcast %mul3A_277 : f32 to vector<16xf32>
      %mul3A_279 = arith.mulf %get3A_276, %mul3A_278 : vector<16xf32>
      %add3A_280 = arith.addf %mul3A_279, %get3A_83 : vector<16xf32>
      %swap3A_281 = arith.index_cast %add3A_194 : i32 to index
      %swap3A_282 = arith.constant 96 : index
      %swap3A_283 = tpu.vector_load %arg7[%swap3A_281, %swap3A_282] {strides = array<i32>} : memref<400x128xf32, #tpu.memory_space<vmem>>, vector<1x16xf32>,
      %swap3A_284 = vector.shape_cast %swap3A_283 : vector<1x16xf32> to vector<16xf32>
      %swap3A_285 = vector.shape_cast %add3A_280 : vector<16xf32> to vector<1x16xf32>
      tpu.vector_store %arg7[%swap3A_281, %swap3A_282], %swap3A_285 {strides = array<i32>} : memref<400x128xf32, #tpu.memory_space<vmem>>, vector<1x16xf32>,
      %get3A_286 = arith.index_cast %add3A_194 : i32 to index
      %get3A_287 = arith.constant 112 : index
      %get3A_288 = tpu.vector_load %arg7[%get3A_286, %get3A_287] {strides = array<i32>} : memref<400x128xf32, #tpu.memory_space<vmem>>, vector<1x16xf32>,
      %get3A_289 = vector.shape_cast %get3A_288 : vector<1x16xf32> to vector<16xf32>
      %mul3A_290 = arith.constant 11.3137083 : f32
      %mul3A_291 = vector.broadcast %mul3A_290 : f32 to vector<16xf32>
      %mul3A_292 = arith.mulf %get3A_289, %mul3A_291 : vector<16xf32>
      %add3A_293 = arith.addf %mul3A_292, %get3A_87 : vector<16xf32>
      %swap3A_294 = arith.index_cast %add3A_194 : i32 to index
      %swap3A_295 = arith.constant 112 : index
      %swap3A_296 = tpu.vector_load %arg7[%swap3A_294, %swap3A_295] {strides = array<i32>} : memref<400x128xf32, #tpu.memory_space<vmem>>, vector<1x16xf32>,
      %swap3A_297 = vector.shape_cast %swap3A_296 : vector<1x16xf32> to vector<16xf32>
      %swap3A_298 = vector.shape_cast %add3A_293 : vector<16xf32> to vector<1x16xf32>
      tpu.vector_store %arg7[%swap3A_294, %swap3A_295], %swap3A_298 {strides = array<i32>} : memref<400x128xf32, #tpu.memory_space<vmem>>, vector<1x16xf32>,
      %add3A_299 = arith.constant 100 : i32
      %add3A_300 = arith.addi %add3A_299, %scan3A_56 : i32
      %get3A_301 = arith.index_cast %add3A_300 : i32 to index
      %get3A_302 = arith.constant 0 : index
      %get3A_303 = tpu.vector_load %arg7[%get3A_301, %get3A_302] {strides = array<i32>} : memref<400x128xf32, #tpu.memory_space<vmem>>, vector<1x16xf32>,
      %get3A_304 = vector.shape_cast %get3A_303 : vector<1x16xf32> to vector<16xf32>
      %mul3A_305 = arith.constant 11.3137083 : f32
      %mul3A_306 = vector.broadcast %mul3A_305 : f32 to vector<16xf32>
      %mul3A_307 = arith.mulf %get3A_304, %mul3A_306 : vector<16xf32>
      %add3A_308 = arith.addf %mul3A_307, %get3A_59 : vector<16xf32>
      %swap3A_309 = arith.index_cast %add3A_300 : i32 to index
      %swap3A_310 = arith.constant 0 : index
      %swap3A_311 = tpu.vector_load %arg7[%swap3A_309, %swap3A_310] {strides = array<i32>} : memref<400x128xf32, #tpu.memory_space<vmem>>, vector<1x16xf32>,
      %swap3A_312 = vector.shape_cast %swap3A_311 : vector<1x16xf32> to vector<16xf32>
      %swap3A_313 = vector.shape_cast %add3A_308 : vector<16xf32> to vector<1x16xf32>
      tpu.vector_store %arg7[%swap3A_309, %swap3A_310], %swap3A_313 {strides = array<i32>} : memref<400x128xf32, #tpu.memory_space<vmem>>, vector<1x16xf32>,
      %get3A_314 = arith.index_cast %add3A_300 : i32 to index
      %get3A_315 = arith.constant 16 : index
      %get3A_316 = tpu.vector_load %arg7[%get3A_314, %get3A_315] {strides = array<i32>} : memref<400x128xf32, #tpu.memory_space<vmem>>, vector<1x16xf32>,
      %get3A_317 = vector.shape_cast %get3A_316 : vector<1x16xf32> to vector<16xf32>
      %mul3A_318 = arith.constant 11.3137083 : f32
      %mul3A_319 = vector.broadcast %mul3A_318 : f32 to vector<16xf32>
      %mul3A_320 = arith.mulf %get3A_317, %mul3A_319 : vector<16xf32>
      %add3A_321 = arith.addf %mul3A_320, %get3A_63 : vector<16xf32>
      %swap3A_322 = arith.index_cast %add3A_300 : i32 to index
      %swap3A_323 = arith.constant 16 : index
      %swap3A_324 = tpu.vector_load %arg7[%swap3A_322, %swap3A_323] {strides = array<i32>} : memref<400x128xf32, #tpu.memory_space<vmem>>, vector<1x16xf32>,
      %swap3A_325 = vector.shape_cast %swap3A_324 : vector<1x16xf32> to vector<16xf32>
      %swap3A_326 = vector.shape_cast %add3A_321 : vector<16xf32> to vector<1x16xf32>
      tpu.vector_store %arg7[%swap3A_322, %swap3A_323], %swap3A_326 {strides = array<i32>} : memref<400x128xf32, #tpu.memory_space<vmem>>, vector<1x16xf32>,
      %get3A_327 = arith.index_cast %add3A_300 : i32 to index
      %get3A_328 = arith.constant 32 : index
      %get3A_329 = tpu.vector_load %arg7[%get3A_327, %get3A_328] {strides = array<i32>} : memref<400x128xf32, #tpu.memory_space<vmem>>, vector<1x16xf32>,
      %get3A_330 = vector.shape_cast %get3A_329 : vector<1x16xf32> to vector<16xf32>
      %mul3A_331 = arith.constant 11.3137083 : f32
      %mul3A_332 = vector.broadcast %mul3A_331 : f32 to vector<16xf32>
      %mul3A_333 = arith.mulf %get3A_330, %mul3A_332 : vector<16xf32>
      %add3A_334 = arith.addf %mul3A_333, %get3A_67 : vector<16xf32>
      %swap3A_335 = arith.index_cast %add3A_300 : i32 to index
      %swap3A_336 = arith.constant 32 : index
      %swap3A_337 = tpu.vector_load %arg7[%swap3A_335, %swap3A_336] {strides = array<i32>} : memref<400x128xf32, #tpu.memory_space<vmem>>, vector<1x16xf32>,
      %swap3A_338 = vector.shape_cast %swap3A_337 : vector<1x16xf32> to vector<16xf32>
      %swap3A_339 = vector.shape_cast %add3A_334 : vector<16xf32> to vector<1x16xf32>
      tpu.vector_store %arg7[%swap3A_335, %swap3A_336], %swap3A_339 {strides = array<i32>} : memref<400x128xf32, #tpu.memory_space<vmem>>, vector<1x16xf32>,
      %get3A_340 = arith.index_cast %add3A_300 : i32 to index
      %get3A_341 = arith.constant 48 : index
      %get3A_342 = tpu.vector_load %arg7[%get3A_340, %get3A_341] {strides = array<i32>} : memref<400x128xf32, #tpu.memory_space<vmem>>, vector<1x16xf32>,
      %get3A_343 = vector.shape_cast %get3A_342 : vector<1x16xf32> to vector<16xf32>
      %mul3A_344 = arith.constant 11.3137083 : f32
      %mul3A_345 = vector.broadcast %mul3A_344 : f32 to vector<16xf32>
      %mul3A_346 = arith.mulf %get3A_343, %mul3A_345 : vector<16xf32>
      %add3A_347 = arith.addf %mul3A_346, %get3A_71 : vector<16xf32>
      %swap3A_348 = arith.index_cast %add3A_300 : i32 to index
      %swap3A_349 = arith.constant 48 : index
      %swap3A_350 = tpu.vector_load %arg7[%swap3A_348, %swap3A_349] {strides = array<i32>} : memref<400x128xf32, #tpu.memory_space<vmem>>, vector<1x16xf32>,
      %swap3A_351 = vector.shape_cast %swap3A_350 : vector<1x16xf32> to vector<16xf32>
      %swap3A_352 = vector.shape_cast %add3A_347 : vector<16xf32> to vector<1x16xf32>
      tpu.vector_store %arg7[%swap3A_348, %swap3A_349], %swap3A_352 {strides = array<i32>} : memref<400x128xf32, #tpu.memory_space<vmem>>, vector<1x16xf32>,
      %get3A_353 = arith.index_cast %add3A_300 : i32 to index
      %get3A_354 = arith.constant 64 : index
      %get3A_355 = tpu.vector_load %arg7[%get3A_353, %get3A_354] {strides = array<i32>} : memref<400x128xf32, #tpu.memory_space<vmem>>, vector<1x16xf32>,
      %get3A_356 = vector.shape_cast %get3A_355 : vector<1x16xf32> to vector<16xf32>
      %mul3A_357 = arith.constant 11.3137083 : f32
      %mul3A_358 = vector.broadcast %mul3A_357 : f32 to vector<16xf32>
      %mul3A_359 = arith.mulf %get3A_356, %mul3A_358 : vector<16xf32>
      %add3A_360 = arith.addf %mul3A_359, %get3A_75 : vector<16xf32>
      %swap3A_361 = arith.index_cast %add3A_300 : i32 to index
      %swap3A_362 = arith.constant 64 : index
      %swap3A_363 = tpu.vector_load %arg7[%swap3A_361, %swap3A_362] {strides = array<i32>} : memref<400x128xf32, #tpu.memory_space<vmem>>, vector<1x16xf32>,
      %swap3A_364 = vector.shape_cast %swap3A_363 : vector<1x16xf32> to vector<16xf32>
      %swap3A_365 = vector.shape_cast %add3A_360 : vector<16xf32> to vector<1x16xf32>
      tpu.vector_store %arg7[%swap3A_361, %swap3A_362], %swap3A_365 {strides = array<i32>} : memref<400x128xf32, #tpu.memory_space<vmem>>, vector<1x16xf32>,
      %get3A_366 = arith.index_cast %add3A_300 : i32 to index
      %get3A_367 = arith.constant 80 : index
      %get3A_368 = tpu.vector_load %arg7[%get3A_366, %get3A_367] {strides = array<i32>} : memref<400x128xf32, #tpu.memory_space<vmem>>, vector<1x16xf32>,
      %get3A_369 = vector.shape_cast %get3A_368 : vector<1x16xf32> to vector<16xf32>
      %mul3A_370 = arith.constant 11.3137083 : f32
      %mul3A_371 = vector.broadcast %mul3A_370 : f32 to vector<16xf32>
      %mul3A_372 = arith.mulf %get3A_369, %mul3A_371 : vector<16xf32>
      %add3A_373 = arith.addf %mul3A_372, %get3A_79 : vector<16xf32>
      %swap3A_374 = arith.index_cast %add3A_300 : i32 to index
      %swap3A_375 = arith.constant 80 : index
      %swap3A_376 = tpu.vector_load %arg7[%swap3A_374, %swap3A_375] {strides = array<i32>} : memref<400x128xf32, #tpu.memory_space<vmem>>, vector<1x16xf32>,
      %swap3A_377 = vector.shape_cast %swap3A_376 : vector<1x16xf32> to vector<16xf32>
      %swap3A_378 = vector.shape_cast %add3A_373 : vector<16xf32> to vector<1x16xf32>
      tpu.vector_store %arg7[%swap3A_374, %swap3A_375], %swap3A_378 {strides = array<i32>} : memref<400x128xf32, #tpu.memory_space<vmem>>, vector<1x16xf32>,
      %get3A_379 = arith.index_cast %add3A_300 : i32 to index
      %get3A_380 = arith.constant 96 : index
      %get3A_381 = tpu.vector_load %arg7[%get3A_379, %get3A_380] {strides = array<i32>} : memref<400x128xf32, #tpu.memory_space<vmem>>, vector<1x16xf32>,
      %get3A_382 = vector.shape_cast %get3A_381 : vector<1x16xf32> to vector<16xf32>
      %mul3A_383 = arith.constant 11.3137083 : f32
      %mul3A_384 = vector.broadcast %mul3A_383 : f32 to vector<16xf32>
      %mul3A_385 = arith.mulf %get3A_382, %mul3A_384 : vector<16xf32>
      %add3A_386 = arith.addf %mul3A_385, %get3A_83 : vector<16xf32>
      %swap3A_387 = arith.index_cast %add3A_300 : i32 to index
      %swap3A_388 = arith.constant 96 : index
      %swap3A_389 = tpu.vector_load %arg7[%swap3A_387, %swap3A_388] {strides = array<i32>} : memref<400x128xf32, #tpu.memory_space<vmem>>, vector<1x16xf32>,
      %swap3A_390 = vector.shape_cast %swap3A_389 : vector<1x16xf32> to vector<16xf32>
      %swap3A_391 = vector.shape_cast %add3A_386 : vector<16xf32> to vector<1x16xf32>
      tpu.vector_store %arg7[%swap3A_387, %swap3A_388], %swap3A_391 {strides = array<i32>} : memref<400x128xf32, #tpu.memory_space<vmem>>, vector<1x16xf32>,
      %get3A_392 = arith.index_cast %add3A_300 : i32 to index
      %get3A_393 = arith.constant 112 : index
      %get3A_394 = tpu.vector_load %arg7[%get3A_392, %get3A_393] {strides = array<i32>} : memref<400x128xf32, #tpu.memory_space<vmem>>, vector<1x16xf32>,
      %get3A_395 = vector.shape_cast %get3A_394 : vector<1x16xf32> to vector<16xf32>
      %mul3A_396 = arith.constant 11.3137083 : f32
      %mul3A_397 = vector.broadcast %mul3A_396 : f32 to vector<16xf32>
      %mul3A_398 = arith.mulf %get3A_395, %mul3A_397 : vector<16xf32>
      %add3A_399 = arith.addf %mul3A_398, %get3A_87 : vector<16xf32>
      %swap3A_400 = arith.index_cast %add3A_300 : i32 to index
      %swap3A_401 = arith.constant 112 : index
      %swap3A_402 = tpu.vector_load %arg7[%swap3A_400, %swap3A_401] {strides = array<i32>} : memref<400x128xf32, #tpu.memory_space<vmem>>, vector<1x16xf32>,
      %swap3A_403 = vector.shape_cast %swap3A_402 : vector<1x16xf32> to vector<16xf32>
      %swap3A_404 = vector.shape_cast %add3A_399 : vector<16xf32> to vector<1x16xf32>
      tpu.vector_store %arg7[%swap3A_400, %swap3A_401], %swap3A_404 {strides = array<i32>} : memref<400x128xf32, #tpu.memory_space<vmem>>, vector<1x16xf32>,
      %add3A_405 = arith.constant 150 : i32
      %add3A_406 = arith.addi %add3A_405, %scan3A_56 : i32
      %get3A_407 = arith.index_cast %add3A_406 : i32 to index
      %get3A_408 = arith.constant 0 : index
      %get3A_409 = tpu.vector_load %arg7[%get3A_407, %get3A_408] {strides = array<i32>} : memref<400x128xf32, #tpu.memory_space<vmem>>, vector<1x16xf32>,
      %get3A_410 = vector.shape_cast %get3A_409 : vector<1x16xf32> to vector<16xf32>
      %mul3A_411 = arith.constant 11.3137083 : f32
      %mul3A_412 = vector.broadcast %mul3A_411 : f32 to vector<16xf32>
      %mul3A_413 = arith.mulf %get3A_410, %mul3A_412 : vector<16xf32>
      %add3A_414 = arith.addf %mul3A_413, %get3A_59 : vector<16xf32>
      %swap3A_415 = arith.index_cast %add3A_406 : i32 to index
      %swap3A_416 = arith.constant 0 : index
      %swap3A_417 = tpu.vector_load %arg7[%swap3A_415, %swap3A_416] {strides = array<i32>} : memref<400x128xf32, #tpu.memory_space<vmem>>, vector<1x16xf32>,
      %swap3A_418 = vector.shape_cast %swap3A_417 : vector<1x16xf32> to vector<16xf32>
      %swap3A_419 = vector.shape_cast %add3A_414 : vector<16xf32> to vector<1x16xf32>
      tpu.vector_store %arg7[%swap3A_415, %swap3A_416], %swap3A_419 {strides = array<i32>} : memref<400x128xf32, #tpu.memory_space<vmem>>, vector<1x16xf32>,
      %get3A_420 = arith.index_cast %add3A_406 : i32 to index
      %get3A_421 = arith.constant 16 : index
      %get3A_422 = tpu.vector_load %arg7[%get3A_420, %get3A_421] {strides = array<i32>} : memref<400x128xf32, #tpu.memory_space<vmem>>, vector<1x16xf32>,
      %get3A_423 = vector.shape_cast %get3A_422 : vector<1x16xf32> to vector<16xf32>
      %mul3A_424 = arith.constant 11.3137083 : f32
      %mul3A_425 = vector.broadcast %mul3A_424 : f32 to vector<16xf32>
      %mul3A_426 = arith.mulf %get3A_423, %mul3A_425 : vector<16xf32>
      %add3A_427 = arith.addf %mul3A_426, %get3A_63 : vector<16xf32>
      %swap3A_428 = arith.index_cast %add3A_406 : i32 to index
      %swap3A_429 = arith.constant 16 : index
      %swap3A_430 = tpu.vector_load %arg7[%swap3A_428, %swap3A_429] {strides = array<i32>} : memref<400x128xf32, #tpu.memory_space<vmem>>, vector<1x16xf32>,
      %swap3A_431 = vector.shape_cast %swap3A_430 : vector<1x16xf32> to vector<16xf32>
      %swap3A_432 = vector.shape_cast %add3A_427 : vector<16xf32> to vector<1x16xf32>
      tpu.vector_store %arg7[%swap3A_428, %swap3A_429], %swap3A_432 {strides = array<i32>} : memref<400x128xf32, #tpu.memory_space<vmem>>, vector<1x16xf32>,
      %get3A_433 = arith.index_cast %add3A_406 : i32 to index
      %get3A_434 = arith.constant 32 : index
      %get3A_435 = tpu.vector_load %arg7[%get3A_433, %get3A_434] {strides = array<i32>} : memref<400x128xf32, #tpu.memory_space<vmem>>, vector<1x16xf32>,
      %get3A_436 = vector.shape_cast %get3A_435 : vector<1x16xf32> to vector<16xf32>
      %mul3A_437 = arith.constant 11.3137083 : f32
      %mul3A_438 = vector.broadcast %mul3A_437 : f32 to vector<16xf32>
      %mul3A_439 = arith.mulf %get3A_436, %mul3A_438 : vector<16xf32>
      %add3A_440 = arith.addf %mul3A_439, %get3A_67 : vector<16xf32>
      %swap3A_441 = arith.index_cast %add3A_406 : i32 to index
      %swap3A_442 = arith.constant 32 : index
      %swap3A_443 = tpu.vector_load %arg7[%swap3A_441, %swap3A_442] {strides = array<i32>} : memref<400x128xf32, #tpu.memory_space<vmem>>, vector<1x16xf32>,
      %swap3A_444 = vector.shape_cast %swap3A_443 : vector<1x16xf32> to vector<16xf32>
      %swap3A_445 = vector.shape_cast %add3A_440 : vector<16xf32> to vector<1x16xf32>
      tpu.vector_store %arg7[%swap3A_441, %swap3A_442], %swap3A_445 {strides = array<i32>} : memref<400x128xf32, #tpu.memory_space<vmem>>, vector<1x16xf32>,
      %get3A_446 = arith.index_cast %add3A_406 : i32 to index
      %get3A_447 = arith.constant 48 : index
      %get3A_448 = tpu.vector_load %arg7[%get3A_446, %get3A_447] {strides = array<i32>} : memref<400x128xf32, #tpu.memory_space<vmem>>, vector<1x16xf32>,
      %get3A_449 = vector.shape_cast %get3A_448 : vector<1x16xf32> to vector<16xf32>
      %mul3A_450 = arith.constant 11.3137083 : f32
      %mul3A_451 = vector.broadcast %mul3A_450 : f32 to vector<16xf32>
      %mul3A_452 = arith.mulf %get3A_449, %mul3A_451 : vector<16xf32>
      %add3A_453 = arith.addf %mul3A_452, %get3A_71 : vector<16xf32>
      %swap3A_454 = arith.index_cast %add3A_406 : i32 to index
      %swap3A_455 = arith.constant 48 : index
      %swap3A_456 = tpu.vector_load %arg7[%swap3A_454, %swap3A_455] {strides = array<i32>} : memref<400x128xf32, #tpu.memory_space<vmem>>, vector<1x16xf32>,
      %swap3A_457 = vector.shape_cast %swap3A_456 : vector<1x16xf32> to vector<16xf32>
      %swap3A_458 = vector.shape_cast %add3A_453 : vector<16xf32> to vector<1x16xf32>
      tpu.vector_store %arg7[%swap3A_454, %swap3A_455], %swap3A_458 {strides = array<i32>} : memref<400x128xf32, #tpu.memory_space<vmem>>, vector<1x16xf32>,
      %get3A_459 = arith.index_cast %add3A_406 : i32 to index
      %get3A_460 = arith.constant 64 : index
      %get3A_461 = tpu.vector_load %arg7[%get3A_459, %get3A_460] {strides = array<i32>} : memref<400x128xf32, #tpu.memory_space<vmem>>, vector<1x16xf32>,
      %get3A_462 = vector.shape_cast %get3A_461 : vector<1x16xf32> to vector<16xf32>
      %mul3A_463 = arith.constant 11.3137083 : f32
      %mul3A_464 = vector.broadcast %mul3A_463 : f32 to vector<16xf32>
      %mul3A_465 = arith.mulf %get3A_462, %mul3A_464 : vector<16xf32>
      %add3A_466 = arith.addf %mul3A_465, %get3A_75 : vector<16xf32>
      %swap3A_467 = arith.index_cast %add3A_406 : i32 to index
      %swap3A_468 = arith.constant 64 : index
      %swap3A_469 = tpu.vector_load %arg7[%swap3A_467, %swap3A_468] {strides = array<i32>} : memref<400x128xf32, #tpu.memory_space<vmem>>, vector<1x16xf32>,
      %swap3A_470 = vector.shape_cast %swap3A_469 : vector<1x16xf32> to vector<16xf32>
      %swap3A_471 = vector.shape_cast %add3A_466 : vector<16xf32> to vector<1x16xf32>
      tpu.vector_store %arg7[%swap3A_467, %swap3A_468], %swap3A_471 {strides = array<i32>} : memref<400x128xf32, #tpu.memory_space<vmem>>, vector<1x16xf32>,
      %get3A_472 = arith.index_cast %add3A_406 : i32 to index
      %get3A_473 = arith.constant 80 : index
      %get3A_474 = tpu.vector_load %arg7[%get3A_472, %get3A_473] {strides = array<i32>} : memref<400x128xf32, #tpu.memory_space<vmem>>, vector<1x16xf32>,
      %get3A_475 = vector.shape_cast %get3A_474 : vector<1x16xf32> to vector<16xf32>
      %mul3A_476 = arith.constant 11.3137083 : f32
      %mul3A_477 = vector.broadcast %mul3A_476 : f32 to vector<16xf32>
      %mul3A_478 = arith.mulf %get3A_475, %mul3A_477 : vector<16xf32>
      %add3A_479 = arith.addf %mul3A_478, %get3A_79 : vector<16xf32>
      %swap3A_480 = arith.index_cast %add3A_406 : i32 to index
      %swap3A_481 = arith.constant 80 : index
      %swap3A_482 = tpu.vector_load %arg7[%swap3A_480, %swap3A_481] {strides = array<i32>} : memref<400x128xf32, #tpu.memory_space<vmem>>, vector<1x16xf32>,
      %swap3A_483 = vector.shape_cast %swap3A_482 : vector<1x16xf32> to vector<16xf32>
      %swap3A_484 = vector.shape_cast %add3A_479 : vector<16xf32> to vector<1x16xf32>
      tpu.vector_store %arg7[%swap3A_480, %swap3A_481], %swap3A_484 {strides = array<i32>} : memref<400x128xf32, #tpu.memory_space<vmem>>, vector<1x16xf32>,
      %get3A_485 = arith.index_cast %add3A_406 : i32 to index
      %get3A_486 = arith.constant 96 : index
      %get3A_487 = tpu.vector_load %arg7[%get3A_485, %get3A_486] {strides = array<i32>} : memref<400x128xf32, #tpu.memory_space<vmem>>, vector<1x16xf32>,
      %get3A_488 = vector.shape_cast %get3A_487 : vector<1x16xf32> to vector<16xf32>
      %mul3A_489 = arith.constant 11.3137083 : f32
      %mul3A_490 = vector.broadcast %mul3A_489 : f32 to vector<16xf32>
      %mul3A_491 = arith.mulf %get3A_488, %mul3A_490 : vector<16xf32>
      %add3A_492 = arith.addf %mul3A_491, %get3A_83 : vector<16xf32>
      %swap3A_493 = arith.index_cast %add3A_406 : i32 to index
      %swap3A_494 = arith.constant 96 : index
      %swap3A_495 = tpu.vector_load %arg7[%swap3A_493, %swap3A_494] {strides = array<i32>} : memref<400x128xf32, #tpu.memory_space<vmem>>, vector<1x16xf32>,
      %swap3A_496 = vector.shape_cast %swap3A_495 : vector<1x16xf32> to vector<16xf32>
      %swap3A_497 = vector.shape_cast %add3A_492 : vector<16xf32> to vector<1x16xf32>
      tpu.vector_store %arg7[%swap3A_493, %swap3A_494], %swap3A_497 {strides = array<i32>} : memref<400x128xf32, #tpu.memory_space<vmem>>, vector<1x16xf32>,
      %get3A_498 = arith.index_cast %add3A_406 : i32 to index
      %get3A_499 = arith.constant 112 : index
      %get3A_500 = tpu.vector_load %arg7[%get3A_498, %get3A_499] {strides = array<i32>} : memref<400x128xf32, #tpu.memory_space<vmem>>, vector<1x16xf32>,
      %get3A_501 = vector.shape_cast %get3A_500 : vector<1x16xf32> to vector<16xf32>
      %mul3A_502 = arith.constant 11.3137083 : f32
      %mul3A_503 = vector.broadcast %mul3A_502 : f32 to vector<16xf32>
      %mul3A_504 = arith.mulf %get3A_501, %mul3A_503 : vector<16xf32>
      %add3A_505 = arith.addf %mul3A_504, %get3A_87 : vector<16xf32>
      %swap3A_506 = arith.index_cast %add3A_406 : i32 to index
      %swap3A_507 = arith.constant 112 : index
      %swap3A_508 = tpu.vector_load %arg7[%swap3A_506, %swap3A_507] {strides = array<i32>} : memref<400x128xf32, #tpu.memory_space<vmem>>, vector<1x16xf32>,
      %swap3A_509 = vector.shape_cast %swap3A_508 : vector<1x16xf32> to vector<16xf32>
      %swap3A_510 = vector.shape_cast %add3A_505 : vector<16xf32> to vector<1x16xf32>
      tpu.vector_store %arg7[%swap3A_506, %swap3A_507], %swap3A_510 {strides = array<i32>} : memref<400x128xf32, #tpu.memory_space<vmem>>, vector<1x16xf32>,
      %add3A_511 = arith.constant 200 : i32
      %add3A_512 = arith.addi %add3A_511, %scan3A_56 : i32
      %get3A_513 = arith.index_cast %add3A_512 : i32 to index
      %get3A_514 = arith.constant 0 : index
      %get3A_515 = tpu.vector_load %arg7[%get3A_513, %get3A_514] {strides = array<i32>} : memref<400x128xf32, #tpu.memory_space<vmem>>, vector<1x16xf32>,
      %get3A_516 = vector.shape_cast %get3A_515 : vector<1x16xf32> to vector<16xf32>
      %mul3A_517 = arith.constant 11.3137083 : f32
      %mul3A_518 = vector.broadcast %mul3A_517 : f32 to vector<16xf32>
      %mul3A_519 = arith.mulf %get3A_516, %mul3A_518 : vector<16xf32>
      %add3A_520 = arith.addf %mul3A_519, %get3A_59 : vector<16xf32>
      %swap3A_521 = arith.index_cast %add3A_512 : i32 to index
      %swap3A_522 = arith.constant 0 : index
      %swap3A_523 = tpu.vector_load %arg7[%swap3A_521, %swap3A_522] {strides = array<i32>} : memref<400x128xf32, #tpu.memory_space<vmem>>, vector<1x16xf32>,
      %swap3A_524 = vector.shape_cast %swap3A_523 : vector<1x16xf32> to vector<16xf32>
      %swap3A_525 = vector.shape_cast %add3A_520 : vector<16xf32> to vector<1x16xf32>
      tpu.vector_store %arg7[%swap3A_521, %swap3A_522], %swap3A_525 {strides = array<i32>} : memref<400x128xf32, #tpu.memory_space<vmem>>, vector<1x16xf32>,
      %get3A_526 = arith.index_cast %add3A_512 : i32 to index
      %get3A_527 = arith.constant 16 : index
      %get3A_528 = tpu.vector_load %arg7[%get3A_526, %get3A_527] {strides = array<i32>} : memref<400x128xf32, #tpu.memory_space<vmem>>, vector<1x16xf32>,
      %get3A_529 = vector.shape_cast %get3A_528 : vector<1x16xf32> to vector<16xf32>
      %mul3A_530 = arith.constant 11.3137083 : f32
      %mul3A_531 = vector.broadcast %mul3A_530 : f32 to vector<16xf32>
      %mul3A_532 = arith.mulf %get3A_529, %mul3A_531 : vector<16xf32>
      %add3A_533 = arith.addf %mul3A_532, %get3A_63 : vector<16xf32>
      %swap3A_534 = arith.index_cast %add3A_512 : i32 to index
      %swap3A_535 = arith.constant 16 : index
      %swap3A_536 = tpu.vector_load %arg7[%swap3A_534, %swap3A_535] {strides = array<i32>} : memref<400x128xf32, #tpu.memory_space<vmem>>, vector<1x16xf32>,
      %swap3A_537 = vector.shape_cast %swap3A_536 : vector<1x16xf32> to vector<16xf32>
      %swap3A_538 = vector.shape_cast %add3A_533 : vector<16xf32> to vector<1x16xf32>
      tpu.vector_store %arg7[%swap3A_534, %swap3A_535], %swap3A_538 {strides = array<i32>} : memref<400x128xf32, #tpu.memory_space<vmem>>, vector<1x16xf32>,
      %get3A_539 = arith.index_cast %add3A_512 : i32 to index
      %get3A_540 = arith.constant 32 : index
      %get3A_541 = tpu.vector_load %arg7[%get3A_539, %get3A_540] {strides = array<i32>} : memref<400x128xf32, #tpu.memory_space<vmem>>, vector<1x16xf32>,
      %get3A_542 = vector.shape_cast %get3A_541 : vector<1x16xf32> to vector<16xf32>
      %mul3A_543 = arith.constant 11.3137083 : f32
      %mul3A_544 = vector.broadcast %mul3A_543 : f32 to vector<16xf32>
      %mul3A_545 = arith.mulf %get3A_542, %mul3A_544 : vector<16xf32>
      %add3A_546 = arith.addf %mul3A_545, %get3A_67 : vector<16xf32>
      %swap3A_547 = arith.index_cast %add3A_512 : i32 to index
      %swap3A_548 = arith.constant 32 : index
      %swap3A_549 = tpu.vector_load %arg7[%swap3A_547, %swap3A_548] {strides = array<i32>} : memref<400x128xf32, #tpu.memory_space<vmem>>, vector<1x16xf32>,
      %swap3A_550 = vector.shape_cast %swap3A_549 : vector<1x16xf32> to vector<16xf32>
      %swap3A_551 = vector.shape_cast %add3A_546 : vector<16xf32> to vector<1x16xf32>
      tpu.vector_store %arg7[%swap3A_547, %swap3A_548], %swap3A_551 {strides = array<i32>} : memref<400x128xf32, #tpu.memory_space<vmem>>, vector<1x16xf32>,
      %get3A_552 = arith.index_cast %add3A_512 : i32 to index
      %get3A_553 = arith.constant 48 : index
      %get3A_554 = tpu.vector_load %arg7[%get3A_552, %get3A_553] {strides = array<i32>} : memref<400x128xf32, #tpu.memory_space<vmem>>, vector<1x16xf32>,
      %get3A_555 = vector.shape_cast %get3A_554 : vector<1x16xf32> to vector<16xf32>
      %mul3A_556 = arith.constant 11.3137083 : f32
      %mul3A_557 = vector.broadcast %mul3A_556 : f32 to vector<16xf32>
      %mul3A_558 = arith.mulf %get3A_555, %mul3A_557 : vector<16xf32>
      %add3A_559 = arith.addf %mul3A_558, %get3A_71 : vector<16xf32>
      %swap3A_560 = arith.index_cast %add3A_512 : i32 to index
      %swap3A_561 = arith.constant 48 : index
      %swap3A_562 = tpu.vector_load %arg7[%swap3A_560, %swap3A_561] {strides = array<i32>} : memref<400x128xf32, #tpu.memory_space<vmem>>, vector<1x16xf32>,
      %swap3A_563 = vector.shape_cast %swap3A_562 : vector<1x16xf32> to vector<16xf32>
      %swap3A_564 = vector.shape_cast %add3A_559 : vector<16xf32> to vector<1x16xf32>
      tpu.vector_store %arg7[%swap3A_560, %swap3A_561], %swap3A_564 {strides = array<i32>} : memref<400x128xf32, #tpu.memory_space<vmem>>, vector<1x16xf32>,
      %get3A_565 = arith.index_cast %add3A_512 : i32 to index
      %get3A_566 = arith.constant 64 : index
      %get3A_567 = tpu.vector_load %arg7[%get3A_565, %get3A_566] {strides = array<i32>} : memref<400x128xf32, #tpu.memory_space<vmem>>, vector<1x16xf32>,
      %get3A_568 = vector.shape_cast %get3A_567 : vector<1x16xf32> to vector<16xf32>
      %mul3A_569 = arith.constant 11.3137083 : f32
      %mul3A_570 = vector.broadcast %mul3A_569 : f32 to vector<16xf32>
      %mul3A_571 = arith.mulf %get3A_568, %mul3A_570 : vector<16xf32>
      %add3A_572 = arith.addf %mul3A_571, %get3A_75 : vector<16xf32>
      %swap3A_573 = arith.index_cast %add3A_512 : i32 to index
      %swap3A_574 = arith.constant 64 : index
      %swap3A_575 = tpu.vector_load %arg7[%swap3A_573, %swap3A_574] {strides = array<i32>} : memref<400x128xf32, #tpu.memory_space<vmem>>, vector<1x16xf32>,
      %swap3A_576 = vector.shape_cast %swap3A_575 : vector<1x16xf32> to vector<16xf32>
      %swap3A_577 = vector.shape_cast %add3A_572 : vector<16xf32> to vector<1x16xf32>
      tpu.vector_store %arg7[%swap3A_573, %swap3A_574], %swap3A_577 {strides = array<i32>} : memref<400x128xf32, #tpu.memory_space<vmem>>, vector<1x16xf32>,
      %get3A_578 = arith.index_cast %add3A_512 : i32 to index
      %get3A_579 = arith.constant 80 : index
      %get3A_580 = tpu.vector_load %arg7[%get3A_578, %get3A_579] {strides = array<i32>} : memref<400x128xf32, #tpu.memory_space<vmem>>, vector<1x16xf32>,
      %get3A_581 = vector.shape_cast %get3A_580 : vector<1x16xf32> to vector<16xf32>
      %mul3A_582 = arith.constant 11.3137083 : f32
      %mul3A_583 = vector.broadcast %mul3A_582 : f32 to vector<16xf32>
      %mul3A_584 = arith.mulf %get3A_581, %mul3A_583 : vector<16xf32>
      %add3A_585 = arith.addf %mul3A_584, %get3A_79 : vector<16xf32>
      %swap3A_586 = arith.index_cast %add3A_512 : i32 to index
      %swap3A_587 = arith.constant 80 : index
      %swap3A_588 = tpu.vector_load %arg7[%swap3A_586, %swap3A_587] {strides = array<i32>} : memref<400x128xf32, #tpu.memory_space<vmem>>, vector<1x16xf32>,
      %swap3A_589 = vector.shape_cast %swap3A_588 : vector<1x16xf32> to vector<16xf32>
      %swap3A_590 = vector.shape_cast %add3A_585 : vector<16xf32> to vector<1x16xf32>
      tpu.vector_store %arg7[%swap3A_586, %swap3A_587], %swap3A_590 {strides = array<i32>} : memref<400x128xf32, #tpu.memory_space<vmem>>, vector<1x16xf32>,
      %get3A_591 = arith.index_cast %add3A_512 : i32 to index
      %get3A_592 = arith.constant 96 : index
      %get3A_593 = tpu.vector_load %arg7[%get3A_591, %get3A_592] {strides = array<i32>} : memref<400x128xf32, #tpu.memory_space<vmem>>, vector<1x16xf32>,
      %get3A_594 = vector.shape_cast %get3A_593 : vector<1x16xf32> to vector<16xf32>
      %mul3A_595 = arith.constant 11.3137083 : f32
      %mul3A_596 = vector.broadcast %mul3A_595 : f32 to vector<16xf32>
      %mul3A_597 = arith.mulf %get3A_594, %mul3A_596 : vector<16xf32>
      %add3A_598 = arith.addf %mul3A_597, %get3A_83 : vector<16xf32>
      %swap3A_599 = arith.index_cast %add3A_512 : i32 to index
      %swap3A_600 = arith.constant 96 : index
      %swap3A_601 = tpu.vector_load %arg7[%swap3A_599, %swap3A_600] {strides = array<i32>} : memref<400x128xf32, #tpu.memory_space<vmem>>, vector<1x16xf32>,
      %swap3A_602 = vector.shape_cast %swap3A_601 : vector<1x16xf32> to vector<16xf32>
      %swap3A_603 = vector.shape_cast %add3A_598 : vector<16xf32> to vector<1x16xf32>
      tpu.vector_store %arg7[%swap3A_599, %swap3A_600], %swap3A_603 {strides = array<i32>} : memref<400x128xf32, #tpu.memory_space<vmem>>, vector<1x16xf32>,
      %get3A_604 = arith.index_cast %add3A_512 : i32 to index
      %get3A_605 = arith.constant 112 : index
      %get3A_606 = tpu.vector_load %arg7[%get3A_604, %get3A_605] {strides = array<i32>} : memref<400x128xf32, #tpu.memory_space<vmem>>, vector<1x16xf32>,
      %get3A_607 = vector.shape_cast %get3A_606 : vector<1x16xf32> to vector<16xf32>
      %mul3A_608 = arith.constant 11.3137083 : f32
      %mul3A_609 = vector.broadcast %mul3A_608 : f32 to vector<16xf32>
      %mul3A_610 = arith.mulf %get3A_607, %mul3A_609 : vector<16xf32>
      %add3A_611 = arith.addf %mul3A_610, %get3A_87 : vector<16xf32>
      %swap3A_612 = arith.index_cast %add3A_512 : i32 to index
      %swap3A_613 = arith.constant 112 : index
      %swap3A_614 = tpu.vector_load %arg7[%swap3A_612, %swap3A_613] {strides = array<i32>} : memref<400x128xf32, #tpu.memory_space<vmem>>, vector<1x16xf32>,
      %swap3A_615 = vector.shape_cast %swap3A_614 : vector<1x16xf32> to vector<16xf32>
      %swap3A_616 = vector.shape_cast %add3A_611 : vector<16xf32> to vector<1x16xf32>
      tpu.vector_store %arg7[%swap3A_612, %swap3A_613], %swap3A_616 {strides = array<i32>} : memref<400x128xf32, #tpu.memory_space<vmem>>, vector<1x16xf32>,
      %add3A_617 = arith.constant 250 : i32
      %add3A_618 = arith.addi %add3A_617, %scan3A_56 : i32
      %get3A_619 = arith.index_cast %add3A_618 : i32 to index
      %get3A_620 = arith.constant 0 : index
      %get3A_621 = tpu.vector_load %arg7[%get3A_619, %get3A_620] {strides = array<i32>} : memref<400x128xf32, #tpu.memory_space<vmem>>, vector<1x16xf32>,
      %get3A_622 = vector.shape_cast %get3A_621 : vector<1x16xf32> to vector<16xf32>
      %mul3A_623 = arith.constant 11.3137083 : f32
      %mul3A_624 = vector.broadcast %mul3A_623 : f32 to vector<16xf32>
      %mul3A_625 = arith.mulf %get3A_622, %mul3A_624 : vector<16xf32>
      %add3A_626 = arith.addf %mul3A_625, %get3A_59 : vector<16xf32>
      %swap3A_627 = arith.index_cast %add3A_618 : i32 to index
      %swap3A_628 = arith.constant 0 : index
      %swap3A_629 = tpu.vector_load %arg7[%swap3A_627, %swap3A_628] {strides = array<i32>} : memref<400x128xf32, #tpu.memory_space<vmem>>, vector<1x16xf32>,
      %swap3A_630 = vector.shape_cast %swap3A_629 : vector<1x16xf32> to vector<16xf32>
      %swap3A_631 = vector.shape_cast %add3A_626 : vector<16xf32> to vector<1x16xf32>
      tpu.vector_store %arg7[%swap3A_627, %swap3A_628], %swap3A_631 {strides = array<i32>} : memref<400x128xf32, #tpu.memory_space<vmem>>, vector<1x16xf32>,
      %get3A_632 = arith.index_cast %add3A_618 : i32 to index
      %get3A_633 = arith.constant 16 : index
      %get3A_634 = tpu.vector_load %arg7[%get3A_632, %get3A_633] {strides = array<i32>} : memref<400x128xf32, #tpu.memory_space<vmem>>, vector<1x16xf32>,
      %get3A_635 = vector.shape_cast %get3A_634 : vector<1x16xf32> to vector<16xf32>
      %mul3A_636 = arith.constant 11.3137083 : f32
      %mul3A_637 = vector.broadcast %mul3A_636 : f32 to vector<16xf32>
      %mul3A_638 = arith.mulf %get3A_635, %mul3A_637 : vector<16xf32>
      %add3A_639 = arith.addf %mul3A_638, %get3A_63 : vector<16xf32>
      %swap3A_640 = arith.index_cast %add3A_618 : i32 to index
      %swap3A_641 = arith.constant 16 : index
      %swap3A_642 = tpu.vector_load %arg7[%swap3A_640, %swap3A_641] {strides = array<i32>} : memref<400x128xf32, #tpu.memory_space<vmem>>, vector<1x16xf32>,
      %swap3A_643 = vector.shape_cast %swap3A_642 : vector<1x16xf32> to vector<16xf32>
      %swap3A_644 = vector.shape_cast %add3A_639 : vector<16xf32> to vector<1x16xf32>
      tpu.vector_store %arg7[%swap3A_640, %swap3A_641], %swap3A_644 {strides = array<i32>} : memref<400x128xf32, #tpu.memory_space<vmem>>, vector<1x16xf32>,
      %get3A_645 = arith.index_cast %add3A_618 : i32 to index
      %get3A_646 = arith.constant 32 : index
      %get3A_647 = tpu.vector_load %arg7[%get3A_645, %get3A_646] {strides = array<i32>} : memref<400x128xf32, #tpu.memory_space<vmem>>, vector<1x16xf32>,
      %get3A_648 = vector.shape_cast %get3A_647 : vector<1x16xf32> to vector<16xf32>
      %mul3A_649 = arith.constant 11.3137083 : f32
      %mul3A_650 = vector.broadcast %mul3A_649 : f32 to vector<16xf32>
      %mul3A_651 = arith.mulf %get3A_648, %mul3A_650 : vector<16xf32>
      %add3A_652 = arith.addf %mul3A_651, %get3A_67 : vector<16xf32>
      %swap3A_653 = arith.index_cast %add3A_618 : i32 to index
      %swap3A_654 = arith.constant 32 : index
      %swap3A_655 = tpu.vector_load %arg7[%swap3A_653, %swap3A_654] {strides = array<i32>} : memref<400x128xf32, #tpu.memory_space<vmem>>, vector<1x16xf32>,
      %swap3A_656 = vector.shape_cast %swap3A_655 : vector<1x16xf32> to vector<16xf32>
      %swap3A_657 = vector.shape_cast %add3A_652 : vector<16xf32> to vector<1x16xf32>
      tpu.vector_store %arg7[%swap3A_653, %swap3A_654], %swap3A_657 {strides = array<i32>} : memref<400x128xf32, #tpu.memory_space<vmem>>, vector<1x16xf32>,
      %get3A_658 = arith.index_cast %add3A_618 : i32 to index
      %get3A_659 = arith.constant 48 : index
      %get3A_660 = tpu.vector_load %arg7[%get3A_658, %get3A_659] {strides = array<i32>} : memref<400x128xf32, #tpu.memory_space<vmem>>, vector<1x16xf32>,
      %get3A_661 = vector.shape_cast %get3A_660 : vector<1x16xf32> to vector<16xf32>
      %mul3A_662 = arith.constant 11.3137083 : f32
      %mul3A_663 = vector.broadcast %mul3A_662 : f32 to vector<16xf32>
      %mul3A_664 = arith.mulf %get3A_661, %mul3A_663 : vector<16xf32>
      %add3A_665 = arith.addf %mul3A_664, %get3A_71 : vector<16xf32>
      %swap3A_666 = arith.index_cast %add3A_618 : i32 to index
      %swap3A_667 = arith.constant 48 : index
      %swap3A_668 = tpu.vector_load %arg7[%swap3A_666, %swap3A_667] {strides = array<i32>} : memref<400x128xf32, #tpu.memory_space<vmem>>, vector<1x16xf32>,
      %swap3A_669 = vector.shape_cast %swap3A_668 : vector<1x16xf32> to vector<16xf32>
      %swap3A_670 = vector.shape_cast %add3A_665 : vector<16xf32> to vector<1x16xf32>
      tpu.vector_store %arg7[%swap3A_666, %swap3A_667], %swap3A_670 {strides = array<i32>} : memref<400x128xf32, #tpu.memory_space<vmem>>, vector<1x16xf32>,
      %get3A_671 = arith.index_cast %add3A_618 : i32 to index
      %get3A_672 = arith.constant 64 : index
      %get3A_673 = tpu.vector_load %arg7[%get3A_671, %get3A_672] {strides = array<i32>} : memref<400x128xf32, #tpu.memory_space<vmem>>, vector<1x16xf32>,
      %get3A_674 = vector.shape_cast %get3A_673 : vector<1x16xf32> to vector<16xf32>
      %mul3A_675 = arith.constant 11.3137083 : f32
      %mul3A_676 = vector.broadcast %mul3A_675 : f32 to vector<16xf32>
      %mul3A_677 = arith.mulf %get3A_674, %mul3A_676 : vector<16xf32>
      %add3A_678 = arith.addf %mul3A_677, %get3A_75 : vector<16xf32>
      %swap3A_679 = arith.index_cast %add3A_618 : i32 to index
      %swap3A_680 = arith.constant 64 : index
      %swap3A_681 = tpu.vector_load %arg7[%swap3A_679, %swap3A_680] {strides = array<i32>} : memref<400x128xf32, #tpu.memory_space<vmem>>, vector<1x16xf32>,
      %swap3A_682 = vector.shape_cast %swap3A_681 : vector<1x16xf32> to vector<16xf32>
      %swap3A_683 = vector.shape_cast %add3A_678 : vector<16xf32> to vector<1x16xf32>
      tpu.vector_store %arg7[%swap3A_679, %swap3A_680], %swap3A_683 {strides = array<i32>} : memref<400x128xf32, #tpu.memory_space<vmem>>, vector<1x16xf32>,
      %get3A_684 = arith.index_cast %add3A_618 : i32 to index
      %get3A_685 = arith.constant 80 : index
      %get3A_686 = tpu.vector_load %arg7[%get3A_684, %get3A_685] {strides = array<i32>} : memref<400x128xf32, #tpu.memory_space<vmem>>, vector<1x16xf32>,
      %get3A_687 = vector.shape_cast %get3A_686 : vector<1x16xf32> to vector<16xf32>
      %mul3A_688 = arith.constant 11.3137083 : f32
      %mul3A_689 = vector.broadcast %mul3A_688 : f32 to vector<16xf32>
      %mul3A_690 = arith.mulf %get3A_687, %mul3A_689 : vector<16xf32>
      %add3A_691 = arith.addf %mul3A_690, %get3A_79 : vector<16xf32>
      %swap3A_692 = arith.index_cast %add3A_618 : i32 to index
      %swap3A_693 = arith.constant 80 : index
      %swap3A_694 = tpu.vector_load %arg7[%swap3A_692, %swap3A_693] {strides = array<i32>} : memref<400x128xf32, #tpu.memory_space<vmem>>, vector<1x16xf32>,
      %swap3A_695 = vector.shape_cast %swap3A_694 : vector<1x16xf32> to vector<16xf32>
      %swap3A_696 = vector.shape_cast %add3A_691 : vector<16xf32> to vector<1x16xf32>
      tpu.vector_store %arg7[%swap3A_692, %swap3A_693], %swap3A_696 {strides = array<i32>} : memref<400x128xf32, #tpu.memory_space<vmem>>, vector<1x16xf32>,
      %get3A_697 = arith.index_cast %add3A_618 : i32 to index
      %get3A_698 = arith.constant 96 : index
      %get3A_699 = tpu.vector_load %arg7[%get3A_697, %get3A_698] {strides = array<i32>} : memref<400x128xf32, #tpu.memory_space<vmem>>, vector<1x16xf32>,
      %get3A_700 = vector.shape_cast %get3A_699 : vector<1x16xf32> to vector<16xf32>
      %mul3A_701 = arith.constant 11.3137083 : f32
      %mul3A_702 = vector.broadcast %mul3A_701 : f32 to vector<16xf32>
      %mul3A_703 = arith.mulf %get3A_700, %mul3A_702 : vector<16xf32>
      %add3A_704 = arith.addf %mul3A_703, %get3A_83 : vector<16xf32>
      %swap3A_705 = arith.index_cast %add3A_618 : i32 to index
      %swap3A_706 = arith.constant 96 : index
      %swap3A_707 = tpu.vector_load %arg7[%swap3A_705, %swap3A_706] {strides = array<i32>} : memref<400x128xf32, #tpu.memory_space<vmem>>, vector<1x16xf32>,
      %swap3A_708 = vector.shape_cast %swap3A_707 : vector<1x16xf32> to vector<16xf32>
      %swap3A_709 = vector.shape_cast %add3A_704 : vector<16xf32> to vector<1x16xf32>
      tpu.vector_store %arg7[%swap3A_705, %swap3A_706], %swap3A_709 {strides = array<i32>} : memref<400x128xf32, #tpu.memory_space<vmem>>, vector<1x16xf32>,
      %get3A_710 = arith.index_cast %add3A_618 : i32 to index
      %get3A_711 = arith.constant 112 : index
      %get3A_712 = tpu.vector_load %arg7[%get3A_710, %get3A_711] {strides = array<i32>} : memref<400x128xf32, #tpu.memory_space<vmem>>, vector<1x16xf32>,
      %get3A_713 = vector.shape_cast %get3A_712 : vector<1x16xf32> to vector<16xf32>
      %mul3A_714 = arith.constant 11.3137083 : f32
      %mul3A_715 = vector.broadcast %mul3A_714 : f32 to vector<16xf32>
      %mul3A_716 = arith.mulf %get3A_713, %mul3A_715 : vector<16xf32>
      %add3A_717 = arith.addf %mul3A_716, %get3A_87 : vector<16xf32>
      %swap3A_718 = arith.index_cast %add3A_618 : i32 to index
      %swap3A_719 = arith.constant 112 : index
      %swap3A_720 = tpu.vector_load %arg7[%swap3A_718, %swap3A_719] {strides = array<i32>} : memref<400x128xf32, #tpu.memory_space<vmem>>, vector<1x16xf32>,
      %swap3A_721 = vector.shape_cast %swap3A_720 : vector<1x16xf32> to vector<16xf32>
      %swap3A_722 = vector.shape_cast %add3A_717 : vector<16xf32> to vector<1x16xf32>
      tpu.vector_store %arg7[%swap3A_718, %swap3A_719], %swap3A_722 {strides = array<i32>} : memref<400x128xf32, #tpu.memory_space<vmem>>, vector<1x16xf32>,
      %add3A_723 = arith.constant 300 : i32
      %add3A_724 = arith.addi %add3A_723, %scan3A_56 : i32
      %get3A_725 = arith.index_cast %add3A_724 : i32 to index
      %get3A_726 = arith.constant 0 : index
      %get3A_727 = tpu.vector_load %arg7[%get3A_725, %get3A_726] {strides = array<i32>} : memref<400x128xf32, #tpu.memory_space<vmem>>, vector<1x16xf32>,
      %get3A_728 = vector.shape_cast %get3A_727 : vector<1x16xf32> to vector<16xf32>
      %mul3A_729 = arith.constant 11.3137083 : f32
      %mul3A_730 = vector.broadcast %mul3A_729 : f32 to vector<16xf32>
      %mul3A_731 = arith.mulf %get3A_728, %mul3A_730 : vector<16xf32>
      %add3A_732 = arith.addf %mul3A_731, %get3A_59 : vector<16xf32>
      %swap3A_733 = arith.index_cast %add3A_724 : i32 to index
      %swap3A_734 = arith.constant 0 : index
      %swap3A_735 = tpu.vector_load %arg7[%swap3A_733, %swap3A_734] {strides = array<i32>} : memref<400x128xf32, #tpu.memory_space<vmem>>, vector<1x16xf32>,
      %swap3A_736 = vector.shape_cast %swap3A_735 : vector<1x16xf32> to vector<16xf32>
      %swap3A_737 = vector.shape_cast %add3A_732 : vector<16xf32> to vector<1x16xf32>
      tpu.vector_store %arg7[%swap3A_733, %swap3A_734], %swap3A_737 {strides = array<i32>} : memref<400x128xf32, #tpu.memory_space<vmem>>, vector<1x16xf32>,
      %get3A_738 = arith.index_cast %add3A_724 : i32 to index
      %get3A_739 = arith.constant 16 : index
      %get3A_740 = tpu.vector_load %arg7[%get3A_738, %get3A_739] {strides = array<i32>} : memref<400x128xf32, #tpu.memory_space<vmem>>, vector<1x16xf32>,
      %get3A_741 = vector.shape_cast %get3A_740 : vector<1x16xf32> to vector<16xf32>
      %mul3A_742 = arith.constant 11.3137083 : f32
      %mul3A_743 = vector.broadcast %mul3A_742 : f32 to vector<16xf32>
      %mul3A_744 = arith.mulf %get3A_741, %mul3A_743 : vector<16xf32>
      %add3A_745 = arith.addf %mul3A_744, %get3A_63 : vector<16xf32>
      %swap3A_746 = arith.index_cast %add3A_724 : i32 to index
      %swap3A_747 = arith.constant 16 : index
      %swap3A_748 = tpu.vector_load %arg7[%swap3A_746, %swap3A_747] {strides = array<i32>} : memref<400x128xf32, #tpu.memory_space<vmem>>, vector<1x16xf32>,
      %swap3A_749 = vector.shape_cast %swap3A_748 : vector<1x16xf32> to vector<16xf32>
      %swap3A_750 = vector.shape_cast %add3A_745 : vector<16xf32> to vector<1x16xf32>
      tpu.vector_store %arg7[%swap3A_746, %swap3A_747], %swap3A_750 {strides = array<i32>} : memref<400x128xf32, #tpu.memory_space<vmem>>, vector<1x16xf32>,
      %get3A_751 = arith.index_cast %add3A_724 : i32 to index
      %get3A_752 = arith.constant 32 : index
      %get3A_753 = tpu.vector_load %arg7[%get3A_751, %get3A_752] {strides = array<i32>} : memref<400x128xf32, #tpu.memory_space<vmem>>, vector<1x16xf32>,
      %get3A_754 = vector.shape_cast %get3A_753 : vector<1x16xf32> to vector<16xf32>
      %mul3A_755 = arith.constant 11.3137083 : f32
      %mul3A_756 = vector.broadcast %mul3A_755 : f32 to vector<16xf32>
      %mul3A_757 = arith.mulf %get3A_754, %mul3A_756 : vector<16xf32>
      %add3A_758 = arith.addf %mul3A_757, %get3A_67 : vector<16xf32>
      %swap3A_759 = arith.index_cast %add3A_724 : i32 to index
      %swap3A_760 = arith.constant 32 : index
      %swap3A_761 = tpu.vector_load %arg7[%swap3A_759, %swap3A_760] {strides = array<i32>} : memref<400x128xf32, #tpu.memory_space<vmem>>, vector<1x16xf32>,
      %swap3A_762 = vector.shape_cast %swap3A_761 : vector<1x16xf32> to vector<16xf32>
      %swap3A_763 = vector.shape_cast %add3A_758 : vector<16xf32> to vector<1x16xf32>
      tpu.vector_store %arg7[%swap3A_759, %swap3A_760], %swap3A_763 {strides = array<i32>} : memref<400x128xf32, #tpu.memory_space<vmem>>, vector<1x16xf32>,
      %get3A_764 = arith.index_cast %add3A_724 : i32 to index
      %get3A_765 = arith.constant 48 : index
      %get3A_766 = tpu.vector_load %arg7[%get3A_764, %get3A_765] {strides = array<i32>} : memref<400x128xf32, #tpu.memory_space<vmem>>, vector<1x16xf32>,
      %get3A_767 = vector.shape_cast %get3A_766 : vector<1x16xf32> to vector<16xf32>
      %mul3A_768 = arith.constant 11.3137083 : f32
      %mul3A_769 = vector.broadcast %mul3A_768 : f32 to vector<16xf32>
      %mul3A_770 = arith.mulf %get3A_767, %mul3A_769 : vector<16xf32>
      %add3A_771 = arith.addf %mul3A_770, %get3A_71 : vector<16xf32>
      %swap3A_772 = arith.index_cast %add3A_724 : i32 to index
      %swap3A_773 = arith.constant 48 : index
      %swap3A_774 = tpu.vector_load %arg7[%swap3A_772, %swap3A_773] {strides = array<i32>} : memref<400x128xf32, #tpu.memory_space<vmem>>, vector<1x16xf32>,
      %swap3A_775 = vector.shape_cast %swap3A_774 : vector<1x16xf32> to vector<16xf32>
      %swap3A_776 = vector.shape_cast %add3A_771 : vector<16xf32> to vector<1x16xf32>
      tpu.vector_store %arg7[%swap3A_772, %swap3A_773], %swap3A_776 {strides = array<i32>} : memref<400x128xf32, #tpu.memory_space<vmem>>, vector<1x16xf32>,
      %get3A_777 = arith.index_cast %add3A_724 : i32 to index
      %get3A_778 = arith.constant 64 : index
      %get3A_779 = tpu.vector_load %arg7[%get3A_777, %get3A_778] {strides = array<i32>} : memref<400x128xf32, #tpu.memory_space<vmem>>, vector<1x16xf32>,
      %get3A_780 = vector.shape_cast %get3A_779 : vector<1x16xf32> to vector<16xf32>
      %mul3A_781 = arith.constant 11.3137083 : f32
      %mul3A_782 = vector.broadcast %mul3A_781 : f32 to vector<16xf32>
      %mul3A_783 = arith.mulf %get3A_780, %mul3A_782 : vector<16xf32>
      %add3A_784 = arith.addf %mul3A_783, %get3A_75 : vector<16xf32>
      %swap3A_785 = arith.index_cast %add3A_724 : i32 to index
      %swap3A_786 = arith.constant 64 : index
      %swap3A_787 = tpu.vector_load %arg7[%swap3A_785, %swap3A_786] {strides = array<i32>} : memref<400x128xf32, #tpu.memory_space<vmem>>, vector<1x16xf32>,
      %swap3A_788 = vector.shape_cast %swap3A_787 : vector<1x16xf32> to vector<16xf32>
      %swap3A_789 = vector.shape_cast %add3A_784 : vector<16xf32> to vector<1x16xf32>
      tpu.vector_store %arg7[%swap3A_785, %swap3A_786], %swap3A_789 {strides = array<i32>} : memref<400x128xf32, #tpu.memory_space<vmem>>, vector<1x16xf32>,
      %get3A_790 = arith.index_cast %add3A_724 : i32 to index
      %get3A_791 = arith.constant 80 : index
      %get3A_792 = tpu.vector_load %arg7[%get3A_790, %get3A_791] {strides = array<i32>} : memref<400x128xf32, #tpu.memory_space<vmem>>, vector<1x16xf32>,
      %get3A_793 = vector.shape_cast %get3A_792 : vector<1x16xf32> to vector<16xf32>
      %mul3A_794 = arith.constant 11.3137083 : f32
      %mul3A_795 = vector.broadcast %mul3A_794 : f32 to vector<16xf32>
      %mul3A_796 = arith.mulf %get3A_793, %mul3A_795 : vector<16xf32>
      %add3A_797 = arith.addf %mul3A_796, %get3A_79 : vector<16xf32>
      %swap3A_798 = arith.index_cast %add3A_724 : i32 to index
      %swap3A_799 = arith.constant 80 : index
      %swap3A_800 = tpu.vector_load %arg7[%swap3A_798, %swap3A_799] {strides = array<i32>} : memref<400x128xf32, #tpu.memory_space<vmem>>, vector<1x16xf32>,
      %swap3A_801 = vector.shape_cast %swap3A_800 : vector<1x16xf32> to vector<16xf32>
      %swap3A_802 = vector.shape_cast %add3A_797 : vector<16xf32> to vector<1x16xf32>
      tpu.vector_store %arg7[%swap3A_798, %swap3A_799], %swap3A_802 {strides = array<i32>} : memref<400x128xf32, #tpu.memory_space<vmem>>, vector<1x16xf32>,
      %get3A_803 = arith.index_cast %add3A_724 : i32 to index
      %get3A_804 = arith.constant 96 : index
      %get3A_805 = tpu.vector_load %arg7[%get3A_803, %get3A_804] {strides = array<i32>} : memref<400x128xf32, #tpu.memory_space<vmem>>, vector<1x16xf32>,
      %get3A_806 = vector.shape_cast %get3A_805 : vector<1x16xf32> to vector<16xf32>
      %mul3A_807 = arith.constant 11.3137083 : f32
      %mul3A_808 = vector.broadcast %mul3A_807 : f32 to vector<16xf32>
      %mul3A_809 = arith.mulf %get3A_806, %mul3A_808 : vector<16xf32>
      %add3A_810 = arith.addf %mul3A_809, %get3A_83 : vector<16xf32>
      %swap3A_811 = arith.index_cast %add3A_724 : i32 to index
      %swap3A_812 = arith.constant 96 : index
      %swap3A_813 = tpu.vector_load %arg7[%swap3A_811, %swap3A_812] {strides = array<i32>} : memref<400x128xf32, #tpu.memory_space<vmem>>, vector<1x16xf32>,
      %swap3A_814 = vector.shape_cast %swap3A_813 : vector<1x16xf32> to vector<16xf32>
      %swap3A_815 = vector.shape_cast %add3A_810 : vector<16xf32> to vector<1x16xf32>
      tpu.vector_store %arg7[%swap3A_811, %swap3A_812], %swap3A_815 {strides = array<i32>} : memref<400x128xf32, #tpu.memory_space<vmem>>, vector<1x16xf32>,
      %get3A_816 = arith.index_cast %add3A_724 : i32 to index
      %get3A_817 = arith.constant 112 : index
      %get3A_818 = tpu.vector_load %arg7[%get3A_816, %get3A_817] {strides = array<i32>} : memref<400x128xf32, #tpu.memory_space<vmem>>, vector<1x16xf32>,
      %get3A_819 = vector.shape_cast %get3A_818 : vector<1x16xf32> to vector<16xf32>
      %mul3A_820 = arith.constant 11.3137083 : f32
      %mul3A_821 = vector.broadcast %mul3A_820 : f32 to vector<16xf32>
      %mul3A_822 = arith.mulf %get3A_819, %mul3A_821 : vector<16xf32>
      %add3A_823 = arith.addf %mul3A_822, %get3A_87 : vector<16xf32>
      %swap3A_824 = arith.index_cast %add3A_724 : i32 to index
      %swap3A_825 = arith.constant 112 : index
      %swap3A_826 = tpu.vector_load %arg7[%swap3A_824, %swap3A_825] {strides = array<i32>} : memref<400x128xf32, #tpu.memory_space<vmem>>, vector<1x16xf32>,
      %swap3A_827 = vector.shape_cast %swap3A_826 : vector<1x16xf32> to vector<16xf32>
      %swap3A_828 = vector.shape_cast %add3A_823 : vector<16xf32> to vector<1x16xf32>
      tpu.vector_store %arg7[%swap3A_824, %swap3A_825], %swap3A_828 {strides = array<i32>} : memref<400x128xf32, #tpu.memory_space<vmem>>, vector<1x16xf32>,
      %add3A_829 = arith.constant 350 : i32
      %add3A_830 = arith.addi %add3A_829, %scan3A_56 : i32
      %get3A_831 = arith.index_cast %add3A_830 : i32 to index
      %get3A_832 = arith.constant 0 : index
      %get3A_833 = tpu.vector_load %arg7[%get3A_831, %get3A_832] {strides = array<i32>} : memref<400x128xf32, #tpu.memory_space<vmem>>, vector<1x16xf32>,
      %get3A_834 = vector.shape_cast %get3A_833 : vector<1x16xf32> to vector<16xf32>
      %mul3A_835 = arith.constant 11.3137083 : f32
      %mul3A_836 = vector.broadcast %mul3A_835 : f32 to vector<16xf32>
      %mul3A_837 = arith.mulf %get3A_834, %mul3A_836 : vector<16xf32>
      %add3A_838 = arith.addf %mul3A_837, %get3A_59 : vector<16xf32>
      %swap3A_839 = arith.index_cast %add3A_830 : i32 to index
      %swap3A_840 = arith.constant 0 : index
      %swap3A_841 = tpu.vector_load %arg7[%swap3A_839, %swap3A_840] {strides = array<i32>} : memref<400x128xf32, #tpu.memory_space<vmem>>, vector<1x16xf32>,
      %swap3A_842 = vector.shape_cast %swap3A_841 : vector<1x16xf32> to vector<16xf32>
      %swap3A_843 = vector.shape_cast %add3A_838 : vector<16xf32> to vector<1x16xf32>
      tpu.vector_store %arg7[%swap3A_839, %swap3A_840], %swap3A_843 {strides = array<i32>} : memref<400x128xf32, #tpu.memory_space<vmem>>, vector<1x16xf32>,
      %get3A_844 = arith.index_cast %add3A_830 : i32 to index
      %get3A_845 = arith.constant 16 : index
      %get3A_846 = tpu.vector_load %arg7[%get3A_844, %get3A_845] {strides = array<i32>} : memref<400x128xf32, #tpu.memory_space<vmem>>, vector<1x16xf32>,
      %get3A_847 = vector.shape_cast %get3A_846 : vector<1x16xf32> to vector<16xf32>
      %mul3A_848 = arith.constant 11.3137083 : f32
      %mul3A_849 = vector.broadcast %mul3A_848 : f32 to vector<16xf32>
      %mul3A_850 = arith.mulf %get3A_847, %mul3A_849 : vector<16xf32>
      %add3A_851 = arith.addf %mul3A_850, %get3A_63 : vector<16xf32>
      %swap3A_852 = arith.index_cast %add3A_830 : i32 to index
      %swap3A_853 = arith.constant 16 : index
      %swap3A_854 = tpu.vector_load %arg7[%swap3A_852, %swap3A_853] {strides = array<i32>} : memref<400x128xf32, #tpu.memory_space<vmem>>, vector<1x16xf32>,
      %swap3A_855 = vector.shape_cast %swap3A_854 : vector<1x16xf32> to vector<16xf32>
      %swap3A_856 = vector.shape_cast %add3A_851 : vector<16xf32> to vector<1x16xf32>
      tpu.vector_store %arg7[%swap3A_852, %swap3A_853], %swap3A_856 {strides = array<i32>} : memref<400x128xf32, #tpu.memory_space<vmem>>, vector<1x16xf32>,
      %get3A_857 = arith.index_cast %add3A_830 : i32 to index
      %get3A_858 = arith.constant 32 : index
      %get3A_859 = tpu.vector_load %arg7[%get3A_857, %get3A_858] {strides = array<i32>} : memref<400x128xf32, #tpu.memory_space<vmem>>, vector<1x16xf32>,
      %get3A_860 = vector.shape_cast %get3A_859 : vector<1x16xf32> to vector<16xf32>
      %mul3A_861 = arith.constant 11.3137083 : f32
      %mul3A_862 = vector.broadcast %mul3A_861 : f32 to vector<16xf32>
      %mul3A_863 = arith.mulf %get3A_860, %mul3A_862 : vector<16xf32>
      %add3A_864 = arith.addf %mul3A_863, %get3A_67 : vector<16xf32>
      %swap3A_865 = arith.index_cast %add3A_830 : i32 to index
      %swap3A_866 = arith.constant 32 : index
      %swap3A_867 = tpu.vector_load %arg7[%swap3A_865, %swap3A_866] {strides = array<i32>} : memref<400x128xf32, #tpu.memory_space<vmem>>, vector<1x16xf32>,
      %swap3A_868 = vector.shape_cast %swap3A_867 : vector<1x16xf32> to vector<16xf32>
      %swap3A_869 = vector.shape_cast %add3A_864 : vector<16xf32> to vector<1x16xf32>
      tpu.vector_store %arg7[%swap3A_865, %swap3A_866], %swap3A_869 {strides = array<i32>} : memref<400x128xf32, #tpu.memory_space<vmem>>, vector<1x16xf32>,
      %get3A_870 = arith.index_cast %add3A_830 : i32 to index
      %get3A_871 = arith.constant 48 : index
      %get3A_872 = tpu.vector_load %arg7[%get3A_870, %get3A_871] {strides = array<i32>} : memref<400x128xf32, #tpu.memory_space<vmem>>, vector<1x16xf32>,
      %get3A_873 = vector.shape_cast %get3A_872 : vector<1x16xf32> to vector<16xf32>
      %mul3A_874 = arith.constant 11.3137083 : f32
      %mul3A_875 = vector.broadcast %mul3A_874 : f32 to vector<16xf32>
      %mul3A_876 = arith.mulf %get3A_873, %mul3A_875 : vector<16xf32>
      %add3A_877 = arith.addf %mul3A_876, %get3A_71 : vector<16xf32>
      %swap3A_878 = arith.index_cast %add3A_830 : i32 to index
      %swap3A_879 = arith.constant 48 : index
      %swap3A_880 = tpu.vector_load %arg7[%swap3A_878, %swap3A_879] {strides = array<i32>} : memref<400x128xf32, #tpu.memory_space<vmem>>, vector<1x16xf32>,
      %swap3A_881 = vector.shape_cast %swap3A_880 : vector<1x16xf32> to vector<16xf32>
      %swap3A_882 = vector.shape_cast %add3A_877 : vector<16xf32> to vector<1x16xf32>
      tpu.vector_store %arg7[%swap3A_878, %swap3A_879], %swap3A_882 {strides = array<i32>} : memref<400x128xf32, #tpu.memory_space<vmem>>, vector<1x16xf32>,
      %get3A_883 = arith.index_cast %add3A_830 : i32 to index
      %get3A_884 = arith.constant 64 : index
      %get3A_885 = tpu.vector_load %arg7[%get3A_883, %get3A_884] {strides = array<i32>} : memref<400x128xf32, #tpu.memory_space<vmem>>, vector<1x16xf32>,
      %get3A_886 = vector.shape_cast %get3A_885 : vector<1x16xf32> to vector<16xf32>
      %mul3A_887 = arith.constant 11.3137083 : f32
      %mul3A_888 = vector.broadcast %mul3A_887 : f32 to vector<16xf32>
      %mul3A_889 = arith.mulf %get3A_886, %mul3A_888 : vector<16xf32>
      %add3A_890 = arith.addf %mul3A_889, %get3A_75 : vector<16xf32>
      %swap3A_891 = arith.index_cast %add3A_830 : i32 to index
      %swap3A_892 = arith.constant 64 : index
      %swap3A_893 = tpu.vector_load %arg7[%swap3A_891, %swap3A_892] {strides = array<i32>} : memref<400x128xf32, #tpu.memory_space<vmem>>, vector<1x16xf32>,
      %swap3A_894 = vector.shape_cast %swap3A_893 : vector<1x16xf32> to vector<16xf32>
      %swap3A_895 = vector.shape_cast %add3A_890 : vector<16xf32> to vector<1x16xf32>
      tpu.vector_store %arg7[%swap3A_891, %swap3A_892], %swap3A_895 {strides = array<i32>} : memref<400x128xf32, #tpu.memory_space<vmem>>, vector<1x16xf32>,
      %get3A_896 = arith.index_cast %add3A_830 : i32 to index
      %get3A_897 = arith.constant 80 : index
      %get3A_898 = tpu.vector_load %arg7[%get3A_896, %get3A_897] {strides = array<i32>} : memref<400x128xf32, #tpu.memory_space<vmem>>, vector<1x16xf32>,
      %get3A_899 = vector.shape_cast %get3A_898 : vector<1x16xf32> to vector<16xf32>
      %mul3A_900 = arith.constant 11.3137083 : f32
      %mul3A_901 = vector.broadcast %mul3A_900 : f32 to vector<16xf32>
      %mul3A_902 = arith.mulf %get3A_899, %mul3A_901 : vector<16xf32>
      %add3A_903 = arith.addf %mul3A_902, %get3A_79 : vector<16xf32>
      %swap3A_904 = arith.index_cast %add3A_830 : i32 to index
      %swap3A_905 = arith.constant 80 : index
      %swap3A_906 = tpu.vector_load %arg7[%swap3A_904, %swap3A_905] {strides = array<i32>} : memref<400x128xf32, #tpu.memory_space<vmem>>, vector<1x16xf32>,
      %swap3A_907 = vector.shape_cast %swap3A_906 : vector<1x16xf32> to vector<16xf32>
      %swap3A_908 = vector.shape_cast %add3A_903 : vector<16xf32> to vector<1x16xf32>
      tpu.vector_store %arg7[%swap3A_904, %swap3A_905], %swap3A_908 {strides = array<i32>} : memref<400x128xf32, #tpu.memory_space<vmem>>, vector<1x16xf32>,
      %get3A_909 = arith.index_cast %add3A_830 : i32 to index
      %get3A_910 = arith.constant 96 : index
      %get3A_911 = tpu.vector_load %arg7[%get3A_909, %get3A_910] {strides = array<i32>} : memref<400x128xf32, #tpu.memory_space<vmem>>, vector<1x16xf32>,
      %get3A_912 = vector.shape_cast %get3A_911 : vector<1x16xf32> to vector<16xf32>
      %mul3A_913 = arith.constant 11.3137083 : f32
      %mul3A_914 = vector.broadcast %mul3A_913 : f32 to vector<16xf32>
      %mul3A_915 = arith.mulf %get3A_912, %mul3A_914 : vector<16xf32>
      %add3A_916 = arith.addf %mul3A_915, %get3A_83 : vector<16xf32>
      %swap3A_917 = arith.index_cast %add3A_830 : i32 to index
      %swap3A_918 = arith.constant 96 : index
      %swap3A_919 = tpu.vector_load %arg7[%swap3A_917, %swap3A_918] {strides = array<i32>} : memref<400x128xf32, #tpu.memory_space<vmem>>, vector<1x16xf32>,
      %swap3A_920 = vector.shape_cast %swap3A_919 : vector<1x16xf32> to vector<16xf32>
      %swap3A_921 = vector.shape_cast %add3A_916 : vector<16xf32> to vector<1x16xf32>
      tpu.vector_store %arg7[%swap3A_917, %swap3A_918], %swap3A_921 {strides = array<i32>} : memref<400x128xf32, #tpu.memory_space<vmem>>, vector<1x16xf32>,
      %get3A_922 = arith.index_cast %add3A_830 : i32 to index
      %get3A_923 = arith.constant 112 : index
      %get3A_924 = tpu.vector_load %arg7[%get3A_922, %get3A_923] {strides = array<i32>} : memref<400x128xf32, #tpu.memory_space<vmem>>, vector<1x16xf32>,
      %get3A_925 = vector.shape_cast %get3A_924 : vector<1x16xf32> to vector<16xf32>
      %mul3A_926 = arith.constant 11.3137083 : f32
      %mul3A_927 = vector.broadcast %mul3A_926 : f32 to vector<16xf32>
      %mul3A_928 = arith.mulf %get3A_925, %mul3A_927 : vector<16xf32>
      %add3A_929 = arith.addf %mul3A_928, %get3A_87 : vector<16xf32>
      %swap3A_930 = arith.index_cast %add3A_830 : i32 to index
      %swap3A_931 = arith.constant 112 : index
      %swap3A_932 = tpu.vector_load %arg7[%swap3A_930, %swap3A_931] {strides = array<i32>} : memref<400x128xf32, #tpu.memory_space<vmem>>, vector<1x16xf32>,
      %swap3A_933 = vector.shape_cast %swap3A_932 : vector<1x16xf32> to vector<16xf32>
      %swap3A_934 = vector.shape_cast %add3A_929 : vector<16xf32> to vector<1x16xf32>
      tpu.vector_store %arg7[%swap3A_930, %swap3A_931], %swap3A_934 {strides = array<i32>} : memref<400x128xf32, #tpu.memory_space<vmem>>, vector<1x16xf32>,
    }
    %scan3A_55 = arith.constant 50 : i32
    "tpu.region"() ({
      %run_scoped3A = tpu.sem_alloc : memref<!tpu.dma_semaphore, #tpu.memory_space<semaphore_mem>>
      %dma_start3A_56 = arith.constant 0 : i32
      %dma_start3A_57 = tpu.memref_slice %arg5[%add3A_43, %dma_start3A_56] : memref<51200x128xf32, #tpu.memory_space<hbm>> -> memref<400x128xf32, #tpu.memory_space<hbm>>
      %dma_start3A_58 = arith.constant 0 : i32
      %dma_start3A_59 = tpu.memref_slice %arg5[%add3A_43, %dma_start3A_58] : memref<51200x128xf32, #tpu.memory_space<hbm>> -> memref<400x128xf32, #tpu.memory_space<hbm>>
      tpu.enqueue_dma source(%arg7 : memref<400x128xf32, #tpu.memory_space<vmem>>) target(%dma_start3A_59 : memref<400x128xf32, #tpu.memory_space<hbm>>) target_semaphore(%run_scoped3A : memref<!tpu.dma_semaphore, #tpu.memory_space<semaphore_mem>>)
      %dma_wait3A_60 = arith.constant 0 : i32
      %dma_wait3A_61 = tpu.memref_slice %arg5[%add3A_43, %dma_wait3A_60] : memref<51200x128xf32, #tpu.memory_space<hbm>> -> memref<400x128xf32, #tpu.memory_space<hbm>>
      %dma_wait3A_62 = arith.constant 0 : i32
      %dma_wait3A_63 = tpu.memref_slice %arg5[%add3A_43, %dma_wait3A_62] : memref<51200x128xf32, #tpu.memory_space<hbm>> -> memref<400x128xf32, #tpu.memory_space<hbm>>
      tpu.wait_dma2 semaphore(%run_scoped3A : memref<!tpu.dma_semaphore, #tpu.memory_space<semaphore_mem>>) src(%arg7 : memref<400x128xf32, #tpu.memory_space<vmem>>) dst(%dma_wait3A_63 : memref<400x128xf32, #tpu.memory_space<hbm>>)
      tpu.yield
    }) : () -> ()
    return
  }
}

</mosaic_0001>

<sc_bundles>
// kernel: kernel.3.cloned.1.call-start
scs
__scs_entry_jumppad:
0x0: {  	(pc) =	sbr.rel $0x88, $3  }
0x1: {  	(tag) =	ssettag $0x0;
	lr =	simm.s32 $0x1  }
0x2: {  	[smem:$0x3F9F] =	sst lr;
	_ =	strace $0xD0000000  }
0x3: {  	_ = 	snop  }
0x4: {  	_ = 	snop  }
0x5: {  	_ = 	snop  }
0x6: {  	_ = 	snop  }
0x7: {  	_ = 	snop  }
__scs_overlays_trampoline_lowered:
0x8: {  	[smem:$0x3FAE] =	sst s0  }
0x9: {  	[smem:$0x3FAF] =	sst s1  }
0xa: {  	[smem:$0x3FB0] =	sst s2  }
0xb: {  	[smem:$0x3FB1] =	sst s3  }
0xc: {  	[smem:$0x3FB2] =	sst s4  }
0xd: {  	[smem:$0x3FB3] =	sst s5  }
0xe: {  	[smem:$0x3FB4] =	sst s6  }
0xf: {  	[smem:$0x3FB5] =	sst s7  }
0x10: {  	[smem:$0x3FB6] =	sst s8  }
0x11: {  	[smem:$0x3FB7] =	sst s9;
	s0 =	simm.s32 @!p0 $0x0  }
0x12: {  	s1 =	sld [smem:$0x3F9D];
	s0 =	simm.s32 @p0 $0x1  }
0x13: {  	[smem:$0x3FB8] =	sst s0;
	s0 =	simm.s32 @!p1 $0x0  }
0x14: {  	s2 =	sld [smem:$0x3F9C];
	s0 =	simm.s32 @p1 $0x1  }
0x15: {  	[smem:$0x3FB9] =	sst s0;
	s0 =	simm.s32 @!p2 $0x0  }
0x16: {  	s3 =	sld [smem:$0x3FDB];
	s0 =	simm.s32 @p2 $0x1  }
0x17: {  	s4 =	simm.s32 $0x1BF5;
	[smem:$0x3FBB] =	sst s0  }
0x18: {  	s0 =	sld [smem:$0x3F9E];
	_ =	swait.ge [sflag:s4], $0x0  }
0x19: {  	s7 =	sld [smem:$0x3F9F]  }
0x1a: {  	s8 =	sadd.s32 $0xFFFFE003, lr  }
0x1b: {  	s9 =	sadd.s32 $0xFFFFFEF7, lr;
	s5 =	simm.s32 $0xFFFFFFFF;
	p2 =	slt.u32 s8, $0xFFFFF086  }
0x1c: {  	p1 =	slt.u32 s9, $0xF7A;
	s5 =	simm.s32 @!p2 $0x0  }
0x1d: {  	s5 =	simm.s32 @p1 $0x1;
	p0 =	seq.s32 s7, s2  }
0x1e: {  	s7 =	smul.u32 @!p0 $0xF7A, s2;
	p2 =	seq.s32 @!p0 s5, $0x0  }
0x1f: {  	s9 =	smul.u32 $0xF7A, s1;
	s8 =	simm.s32 @!p0 $0x1BF5;
	p2 =	por !p2, p0  }
0x20: {  	[sflag:s8] =	ssyncset.s32 @!p0 $0xFFFFF086;
	s6 =	sadd.s32 @!p0 s3, s7;
	s7 =	simm.s32 @!p0 $0x108  }
0x21: {  	s3 =	sadd.s32 s3, s9;
	s6 =	sadd.s32 @!p0 $0x88, s6;
	s7 =	simm.s32 @p2 $0x1082  }
0x22: {  	[simem:s7], [sflag:s8] =	dma.local @!p0 [hbm:s6], $0xF7A  }
0x23: {  	s9 =	sor.u32 $0xD0000000, s2;
	s6 =	simm.s32 $0x108;
	_ =	swait.ge @!p0 [sflag:s8], $0x0  }
0x24: {  	s3 =	sadd.s32 $0x88, s3;
	s6 =	simm.s32 @!p1 $0x1082;
	[sflag:s4] =	ssyncset.s32 $0xFFFFF086  }
0x25: {  	[simem:s6], [sflag:s4] =	dma.local [hbm:s3], $0xF7A  }
0x26: {  	[smem:$0x3F9F] =	sst s1;
	(tag) =	ssettag s2;
	_ =	strace s9  }
0x27: {  	s1 =	sld [smem:$0x3FAF]  }
0x28: {  	s2 =	sld [smem:$0x3FB0]  }
0x29: {  	s4 =	sld [smem:$0x3FB2]  }
0x2a: {  	p0 =	seq.s32 s5, $0x0;
	s5 =	sld [smem:$0x3FB3]  }
0x2b: {  	s6 =	sld [smem:$0x3FB4]  }
0x2c: {  	s7 =	sld [smem:$0x3FB5]  }
0x2d: {  	s3 =	simm.s32 $0x108;
	s8 =	sld [smem:$0x3FB6]  }
0x2e: {  	s3 =	simm.s32 @!p0 $0x1082;
	s9 =	sld [smem:$0x3FB7]  }
0x2f: {  	lr =	sadd.s32 s0, s3;
	s0 =	sld [smem:$0x3FAE]  }
0x30: {  	s3 =	sld [smem:$0x3FB1]  }
0x31: {  	[smem:$0x3FBA] =	sst s10  }
0x32: {  	s10 =	sld [smem:$0x3FB8];
	_ =	sdelay $0x3  }
0x33: {  	p0 =	seq.s32 s10, $0x1;
	s10 =	sld [smem:$0x3FBA];
	_ =	sdelay $0x3  }
0x34: {  	[smem:$0x3FBA] =	sst s10  }
0x35: {  	s10 =	sld [smem:$0x3FB9];
	_ =	sdelay $0x3  }
0x36: {  	p1 =	seq.s32 s10, $0x1;
	s10 =	sld [smem:$0x3FBA];
	_ =	sdelay $0x3  }
0x37: {  	[smem:$0x3FBA] =	sst s10  }
0x38: {  	s10 =	sld [smem:$0x3FBB]  }
0x39: {  	_ = 	snop;
	(pc) =	sbr.ind lr, $3  }
0x3a: {  	_ = 	snop  }
0x3b: {  	_ = 	snop  }
0x3c: {  	p2 =	seq.s32 s10, $0x1;
	s10 =	sld [smem:$0x3FBA]  }
0x3d: {  	_ =	shalt  }
0x3e: {  	_ =	shalt  }
0x3f: {  	_ =	shalt  }
0x40: {  	_ =	shalt  }
0x41: {  	_ =	shalt  }
0x42: {  	_ =	shalt  }
0x43: {  	_ =	shalt  }
0x44: {  	_ =	shalt  }
0x45: {  	_ =	shalt  }
0x46: {  	_ =	shalt  }
0x47: {  	_ =	shalt  }
0x48: {  	_ =	shalt  }
0x49: {  	_ =	shalt  }
0x4a: {  	_ =	shalt  }
0x4b: {  	_ =	shalt  }
0x4c: {  	_ =	shalt  }
0x4d: {  	_ =	shalt  }
0x4e: {  	_ =	shalt  }
0x4f: {  	_ =	shalt  }
0x50: {  	_ =	shalt  }
0x51: {  	_ =	shalt  }
0x52: {  	_ =	shalt  }
0x53: {  	_ =	shalt  }
0x54: {  	_ =	shalt  }
0x55: {  	_ =	shalt  }
0x56: {  	_ =	shalt  }
0x57: {  	_ =	shalt  }
0x58: {  	_ =	shalt  }
0x59: {  	_ =	shalt  }
0x5a: {  	_ =	shalt  }
0x5b: {  	_ =	shalt  }
0x5c: {  	_ =	shalt  }
0x5d: {  	_ =	shalt  }
0x5e: {  	_ =	shalt  }
0x5f: {  	_ =	shalt  }
0x60: {  	_ =	shalt  }
0x61: {  	_ =	shalt  }
0x62: {  	_ =	shalt  }
0x63: {  	_ =	shalt  }
0x64: {  	_ =	shalt  }
0x65: {  	_ =	shalt  }
0x66: {  	_ =	shalt  }
0x67: {  	_ =	shalt  }
0x68: {  	_ =	shalt  }
0x69: {  	_ =	shalt  }
0x6a: {  	_ =	shalt  }
0x6b: {  	_ =	shalt  }
0x6c: {  	_ =	shalt  }
0x6d: {  	_ =	shalt  }
0x6e: {  	_ =	shalt  }
0x6f: {  	_ =	shalt  }
0x70: {  	_ =	shalt  }
0x71: {  	_ =	shalt  }
0x72: {  	_ =	shalt  }
0x73: {  	_ =	shalt  }
0x74: {  	_ =	shalt  }
0x75: {  	_ =	shalt  }
0x76: {  	_ =	shalt  }
0x77: {  	_ =	shalt  }
0x78: {  	_ =	shalt  }
0x79: {  	_ =	shalt  }
0x7a: {  	_ =	shalt  }
0x7b: {  	_ =	shalt  }
0x7c: {  	_ =	shalt  }
0x7d: {  	_ =	shalt  }
0x7e: {  	_ =	shalt  }
0x7f: {  	_ =	shalt  }
0x80: {  	_ =	shalt  }
0x81: {  	_ =	shalt  }
0x82: {  	_ =	shalt  }
0x83: {  	_ =	shalt  }
0x84: {  	_ =	shalt  }
0x85: {  	_ =	shalt  }
0x86: {  	_ =	shalt  }
0x87: {  	_ =	shalt  }
.Lfunc_end0:
.L_simem_size_0:
called_computation_lowered:
.L_overlay_start_0:
0x88: {  	s2 =	sld [smem:$0x3FD9]  }
0x89: {  	s3 =	sld [smem:$0x3FFE];
	_ =	sdelay $0x1  }
0x8a: {  	s1 =	srdreg.scid  }
0x8b: {  	s0 =	sand.u32 $0x1, s1  }
0x8c: {  	s17 =	sshll.u32 s0, $0xA;
	s2 =	sadd.s32 s3, s2  }
0x8d: {  	s2 =	sadd.s32 s2, s17  }
0x8e: {  	[smem:$0x3FC6] =	sst s2  }
0x8f: {  	_ = 	snop  }
0x90: {  	s2 =	sld [smem:$0x3FC8]  }
0x91: {  	s18 =	sld [smem:$0x3FD0];
	(tm) =	ssettm $0x1  }
0x92: {  	s4 =	sld [smem:$0x3FFB];
	_ =	sdelay $0x3  }
0x93: {  	_ =	strace s4  }
0x94: {  	s4 =	sld [smem:$0x3FFC];
	_ =	sdelay $0x3  }
0x95: {  	_ =	strace s4  }
0x96: {  	s4 =	sld [smem:$0x3FFD];
	_ =	sdelay $0x3  }
0x97: {  	_ =	strace s4  }
0x98: {  	_ =	strace $0x8FFFFFFF  }
0x99: {  	s19 =	sld [smem:$0x3FDB];
	_ =	sdelay $0x1  }
0x9a: {  	s5 =	simm.s32 $_scs_section_size  }
0x9b: {  	s6 =	simm.s32 $_size__tile_overlayer_lowered;
	s7 =	simm.s32 $_tile_overlayer_lowered  }
0x9c: {  	s22 =	simm.s32 $0x1BFF;
	s21 =	sshll.u32 s7, $0x1;
	s4 =	sadd.s32 s5, s19  }
0x9d: {  	s8 =	simm.s32 $0x0;
	s20 =	sshll.u32 s6, $0x1;
	s6 =	sadd.s32 s21, s4  }
0x9e: {  	[timem:s8], [sflag:s22] =	dma.local [hbm:s6], s20  }
0x9f: {  	_ =	swait.ge [sflag:s22], s20  }
0xa0: {  	s5 =	ssub.s32 $0x0, s20;
	[sflag:s22] =	ssyncset.done $0x0  }
0xa1: {  	[sflag:s22] =	ssyncadd.s32 s5;
	_ =	sdelay $0x1  }
0xa2: {  	s23 =	simm.s32 $0x1B8B  }
0xa3: {  	_ =	swait.ge [sflag:s23], $0x1  }
0xa4: {  	[sflag:s23] =	ssyncset.done $0x0  }
0xa5: {  	s25 =	simm.s32 $0x1B8E;
	s24 =	sld [smem:$0x3FFE];
	[sflag:s23] =	ssyncadd.s32 $0xFFFFFFFF  }
0xa6: {  	s26 =	simm.s32 $execute0_lowered;
	[smem:$0x3FD2] =	sst s25  }
0xa7: {  	s6 =	sshll.u32 s26, $0x1;
	_ =	strace $0x80000046;
	[dreg:$0x1] =	wrdreg $0xFFFFFFFF  }
0xa8: {  	s28 =	simm.s32 $_size_execute0_lowered;
	s4 =	sadd.s32 s4, s6;
	[dreg:$0x0] =	wrdreg $0x0  }
0xa9: {  	s6 =	sshll.u32 s28, $0x1;
	[dreg:$0x2] =	wrdreg s4  }
0xaa: {  	[dreg:$0x3] =	wrdreg s6  }
0xab: {  	[dreg:$0x4] =	wrdreg $0xC0  }
0xac: {  	_ =	task [dreg:s8], $0x5FFFF  }
0xad: {  	[dreg:$0x1] =	wrdreg $0xFFFFFFFF  }
0xae: {  	[dreg:$0x0] =	wrdreg $0x60  }
0xaf: {  	[dreg:$0x2] =	wrdreg s24  }
0xb0: {  	[dreg:$0x3] =	wrdreg s2  }
0xb1: {  	[dreg:$0x4] =	wrdreg s18  }
0xb2: {  	[dreg:$0x5] =	wrdreg $0x9  }
0xb3: {  	_ =	task.clear_ibuf [dreg:s8], $0x6FFFF;
	_ =	strace $0x90000046  }
0xb4: {  	s29 =	simm.s32 $0x9;
	_ =	strace $0x80000048  }
0xb5: {  	_ =	swait.ge [sflag:s29], $0x1  }
0xb6: {  	[sflag:s29] =	ssyncadd.s32 $0xFFFFFFFF  }
0xb7: {  	_ =	strace $0x90000048  }
0xb8: {  	_ =	sfence  }
0xb9: {  	s30 =	sld [smem:$0x0];
	_ =	sdelay $0x2  }
0xba: {  	s31 =	sshll.u32 s1, $0xD;
	s1 =	sshrl.u32 s1, $0x2  }
0xbb: {  	s3 =	sand.u32 $0x4000, s31;
	s1 =	sadd.s32 s1, s30  }
0xbc: {  	s0 =	sor.u32 s3, s0;
	s1 =	sshll.u32 s1, $0x11  }
0xbd: {  	s0 =	sor.u32 s1, s0  }
0xbe: {  	s0 =	sadd.s32 $0x8F2B, s0  }
0xbf: {  	[sflag:s0] =	ssyncadd.remote.s32 $0x1  }
0xc0: {  	_ =	sfence.sel $0xFFFF  }
0xc1: {  	[dreg:$0x0] =	wrdreg $0xFFFFFFFF;
	(pc) =	sbr.abs _section_cstart, $3  }
0xc2: {  	[dreg:$0x1] =	wrdreg $0xFFFFFFFF  }
0xc3: {  	_ =	task.clear_ibuf [dreg:s8], $0x2FFFF;
	_ =	strace $0x9FFFFFFF  }
0xc4: {  	(tm) =	ssettm $0x7FFFFFFF  }
0xc5: {  	_ =	shalt  }
tec
execute0_lowered:
.L_overlay_start_1:
0x0: {  	(tag) =	ssettag $0x1  }
0x1: {  	s4 =	rddreg [dreg:$0x0]  }
0x2: {  	s2 =	rddreg [dreg:$0x1]  }
0x3: {  	s12 =	rddreg [dreg:$0x2]  }
0x4: {  	s0 =	rddreg [dreg:$0x3];
	s5 =	srdreg.scid  }
0x5: {  	s1 =	stileid.u32;
	s3 =	simm.s32 $0x0;
	s16 =	simm.s32 $0x190  }
0x6: {  	s17 =	simm.s32 $0x200;
	s5 =	sand.u32 $0x1, s5;
	s6 =	sshll.u32 s1, $0x1  }
0x7: {  	s18 =	simm.s32 $0x1;
	s19 =	simm.s32 $0x0;
	s6 =	sor.u32 s5, s6  }
0x8: {  	[smem:$0x7FF] =	sst s3;
	s5 =	ssub.s32 $0x2, s5;
	s10 =	smul.u32 $0x640, s6  }
0x9: {  	s11 =	sadd.s32 $0x400, s4;
	s7 =	sshrl.u32 s5, $0x1;
	s6 =	smul.u32 $0x6400, s6  }
0xa: {  	s4 =	sadd.s32 $0x1E00, s4;
	_ =	strace $0x80000047;
	s13 =	ssub.s32 s5, s7  }
0xb: {  	s28 =	sshrl.u32 s10, $0x3;
	s6 =	sadd.s32 s12, s6;
	s29 =	sadd.s32 $0x190, s10  }
0xc: {  	s14 =	sadd.s32 $0x320, s10;
	s15 =	sadd.s32 $0x4B0, s10;
	s13 =	smax.u32 s13, $0x1  }
0xd: {  	s5 =	sadd.s32 s11, s28;
	s8 =	sshrl.u32 s29, $0x3;
	s9 =	sshll.u32 s29, $0x4  }
0xe: {  	s30 =	sshrl.u32 s14, $0x3;
	s14 =	sshll.u32 s14, $0x4;
	s31 =	sshrl.u32 s15, $0x3  }
0xf: {  	s15 =	sshll.u32 s15, $0x4;
	s7 =	sadd.s32 s11, s8;
	s8 =	sadd.s32 s12, s9  }
0x10: {  	s9 =	sadd.s32 s11, s30;
	s10 =	sadd.s32 s12, s14;
	s11 =	sadd.s32 s11, s31  }
0x11: {  	s12 =	sadd.s32 s12, s15;
	s14 =	simm.s32 $0xCA00;
	s15 =	simm.s32 $0x2  }
.LBB2_1:
0x12: {  	[tilespmem:s14], [sflag:$0x2] =	stream.linear.gather [hbm4b:s4+s3], $0x1900, $0x38;
	[tilespmem:$0xE600] =	vst v63  }
0x13: {  	_ =	swait.ge [sflag:s15], $0x1900  }
0x14: {  	[sflag:s15] =	ssyncset.done $0x0  }
0x15: {  	[sflag:s15] =	ssyncadd.s32 $0xFFFFE700  }
0x16: {  	[tilespmem:s3], [sflag:$0x2] =	stream.linear.gather [hbm4b:s5+s3], $0x190, $0x38;
	[tilespmem:$0xE600] =	vst v63  }
0x17: {  	_ =	swait.ge [sflag:s15], $0x190  }
0x18: {  	[sflag:s15] =	ssyncset.done $0x0  }
0x19: {  	[sflag:s15] =	ssyncadd.s32 $0xFFFFFE70  }
0x1a: {  	[tilespmem:s17], [sflag:$0x1] =	stream.indirect.gather [hbm4b:s2+s16], $0x80, s3, s16, $0xb8;
	[tilespmem:$0xE600] =	vst v63  }
0x1b: {  	_ =	swait.ge [sflag:s18], $0xC800  }
0x1c: {  	[sflag:s18] =	ssyncset.done $0x0  }
0x1d: {  	s20 =	simm.s32 $0x0;
	[sflag:s18] =	ssyncadd.s32 $0xFFFF3800  }
0x1e: {  	v7 =	vld [tilespmem:s20+$0xCA00]  }
0x1f: {  	v6 =	vld [tilespmem:s20+$0xCA10]  }
0x20: {  	v5 =	vld [tilespmem:s20+$0xCA20]  }
0x21: {  	v4 =	vld [tilespmem:s20+$0xCA30]  }
0x22: {  	v3 =	vld [tilespmem:s20+$0xCA40]  }
0x23: {  	v2 =	vld [tilespmem:s20+$0xCA50]  }
0x24: {  	v1 =	vld [tilespmem:s20+$0xCA60]  }
0x25: {  	v8 =	vld [tilespmem:s20+$0x200]  }
0x26: {  	v0 =	vld [tilespmem:s20+$0xCA70]  }
0x27: {  	v9 =	vld [tilespmem:s20+$0x210]  }
0x28: {  	v10 =	vld [tilespmem:s20+$0x220]  }
0x29: {  	v11 =	vld [tilespmem:s20+$0x230]  }
0x2a: {  	v12 =	vld [tilespmem:s20+$0x240];
	v8 =	vmul.f32 $1.131370830e+01, v8  }
0x2b: {  	v13 =	vld [tilespmem:s20+$0x250]  }
0x2c: {  	v14 =	vld [tilespmem:s20+$0x260];
	v9 =	vmul.f32 $1.131370830e+01, v9;
	v8 =	vadd.f32 v8, v7  }
0x2d: {  	v15 =	vld [tilespmem:s20+$0x270];
	v10 =	vmul.f32 $1.131370830e+01, v10  }
0x2e: {  	v11 =	vmul.f32 $1.131370830e+01, v11;
	v9 =	vadd.f32 v9, v6;
	[tilespmem:s20+$0x200] =	vst v8;
	v8 =	vld [tilespmem:s20+$0x1B10]  }
0x2f: {  	v16 =	vld [tilespmem:s20+$0x1B00];
	v12 =	vmul.f32 $1.131370830e+01, v12;
	v10 =	vadd.f32 v10, v5  }
0x30: {  	v13 =	vmul.f32 $1.131370830e+01, v13;
	v11 =	vadd.f32 v11, v4;
	[tilespmem:s20+$0x210] =	vst v9;
	v9 =	vld [tilespmem:s20+$0x1B20]  }
0x31: {  	v14 =	vmul.f32 $1.131370830e+01, v14;
	v12 =	vadd.f32 v12, v3;
	[tilespmem:s20+$0x220] =	vst v10;
	v10 =	vld [tilespmem:s20+$0x1B30]  }
0x32: {  	v15 =	vmul.f32 $1.131370830e+01, v15;
	v13 =	vadd.f32 v13, v2;
	[tilespmem:s20+$0x230] =	vst v11;
	v11 =	vld [tilespmem:s20+$0x1B40]  }
0x33: {  	v14 =	vadd.f32 v14, v1;
	[tilespmem:s20+$0x240] =	vst v12;
	v12 =	vld [tilespmem:s20+$0x1B50];
	v8 =	vmul.f32 $1.131370830e+01, v8  }
0x34: {  	v16 =	vmul.f32 $1.131370830e+01, v16;
	v15 =	vadd.f32 v15, v0;
	[tilespmem:s20+$0x250] =	vst v13;
	v13 =	vld [tilespmem:s20+$0x1B60]  }
0x35: {  	[tilespmem:s20+$0x260] =	vst v14;
	v14 =	vld [tilespmem:s20+$0x1B70];
	v9 =	vmul.f32 $1.131370830e+01, v9;
	v8 =	vadd.f32 v8, v6  }
0x36: {  	v16 =	vadd.f32 v16, v7;
	[tilespmem:s20+$0x270] =	vst v15;
	v15 =	vld [tilespmem:s20+$0x3400];
	v10 =	vmul.f32 $1.131370830e+01, v10  }
0x37: {  	v11 =	vmul.f32 $1.131370830e+01, v11;
	v9 =	vadd.f32 v9, v5;
	[tilespmem:s20+$0x1B10] =	vst v8;
	v8 =	vld [tilespmem:s20+$0x3420]  }
0x38: {  	[tilespmem:s20+$0x1B00] =	vst v16;
	v16 =	vld [tilespmem:s20+$0x3410];
	v12 =	vmul.f32 $1.131370830e+01, v12;
	v10 =	vadd.f32 v10, v4  }
0x39: {  	v13 =	vmul.f32 $1.131370830e+01, v13;
	v11 =	vadd.f32 v11, v3;
	[tilespmem:s20+$0x1B20] =	vst v9;
	v9 =	vld [tilespmem:s20+$0x3430]  }
0x3a: {  	v14 =	vmul.f32 $1.131370830e+01, v14;
	v12 =	vadd.f32 v12, v2;
	[tilespmem:s20+$0x1B30] =	vst v10;
	v10 =	vld [tilespmem:s20+$0x3440]  }
0x3b: {  	v15 =	vmul.f32 $1.131370830e+01, v15;
	v13 =	vadd.f32 v13, v1;
	[tilespmem:s20+$0x1B40] =	vst v11;
	v11 =	vld [tilespmem:s20+$0x3450]  }
0x3c: {  	v14 =	vadd.f32 v14, v0;
	[tilespmem:s20+$0x1B50] =	vst v12;
	v12 =	vld [tilespmem:s20+$0x3460];
	v8 =	vmul.f32 $1.131370830e+01, v8  }
0x3d: {  	v16 =	vmul.f32 $1.131370830e+01, v16;
	v15 =	vadd.f32 v15, v7;
	[tilespmem:s20+$0x1B60] =	vst v13;
	v13 =	vld [tilespmem:s20+$0x3470]  }
0x3e: {  	[tilespmem:s20+$0x1B70] =	vst v14;
	v14 =	vld [tilespmem:s20+$0x4D00];
	v9 =	vmul.f32 $1.131370830e+01, v9;
	v8 =	vadd.f32 v8, v5  }
0x3f: {  	v16 =	vadd.f32 v16, v6;
	[tilespmem:s20+$0x3400] =	vst v15;
	v15 =	vld [tilespmem:s20+$0x4D10];
	v10 =	vmul.f32 $1.131370830e+01, v10  }
0x40: {  	v11 =	vmul.f32 $1.131370830e+01, v11;
	v9 =	vadd.f32 v9, v4;
	[tilespmem:s20+$0x3420] =	vst v8;
	v8 =	vld [tilespmem:s20+$0x4D30]  }
0x41: {  	[tilespmem:s20+$0x3410] =	vst v16;
	v16 =	vld [tilespmem:s20+$0x4D20];
	v12 =	vmul.f32 $1.131370830e+01, v12;
	v10 =	vadd.f32 v10, v3  }
0x42: {  	v13 =	vmul.f32 $1.131370830e+01, v13;
	v11 =	vadd.f32 v11, v2;
	[tilespmem:s20+$0x3430] =	vst v9;
	v9 =	vld [tilespmem:s20+$0x4D40]  }
0x43: {  	v14 =	vmul.f32 $1.131370830e+01, v14;
	v12 =	vadd.f32 v12, v1;
	[tilespmem:s20+$0x3440] =	vst v10;
	v10 =	vld [tilespmem:s20+$0x4D50]  }
0x44: {  	v15 =	vmul.f32 $1.131370830e+01, v15;
	v13 =	vadd.f32 v13, v0;
	[tilespmem:s20+$0x3450] =	vst v11;
	v11 =	vld [tilespmem:s20+$0x4D60]  }
0x45: {  	v14 =	vadd.f32 v14, v7;
	[tilespmem:s20+$0x3460] =	vst v12;
	v12 =	vld [tilespmem:s20+$0x4D70];
	v8 =	vmul.f32 $1.131370830e+01, v8  }
0x46: {  	v16 =	vmul.f32 $1.131370830e+01, v16;
	v15 =	vadd.f32 v15, v6;
	[tilespmem:s20+$0x3470] =	vst v13;
	v13 =	vld [tilespmem:s20+$0x6600]  }
0x47: {  	[tilespmem:s20+$0x4D00] =	vst v14;
	v14 =	vld [tilespmem:s20+$0x6610];
	v9 =	vmul.f32 $1.131370830e+01, v9;
	v8 =	vadd.f32 v8, v4  }
0x48: {  	v16 =	vadd.f32 v16, v5;
	[tilespmem:s20+$0x4D10] =	vst v15;
	v15 =	vld [tilespmem:s20+$0x6620];
	v10 =	vmul.f32 $1.131370830e+01, v10  }
0x49: {  	v11 =	vmul.f32 $1.131370830e+01, v11;
	v9 =	vadd.f32 v9, v3;
	[tilespmem:s20+$0x4D30] =	vst v8;
	v8 =	vld [tilespmem:s20+$0x6640]  }
0x4a: {  	[tilespmem:s20+$0x4D20] =	vst v16;
	v16 =	vld [tilespmem:s20+$0x6630];
	v12 =	vmul.f32 $1.131370830e+01, v12;
	v10 =	vadd.f32 v10, v2  }
0x4b: {  	v13 =	vmul.f32 $1.131370830e+01, v13;
	v11 =	vadd.f32 v11, v1;
	[tilespmem:s20+$0x4D40] =	vst v9;
	v9 =	vld [tilespmem:s20+$0x6650]  }
0x4c: {  	v14 =	vmul.f32 $1.131370830e+01, v14;
	v12 =	vadd.f32 v12, v0;
	[tilespmem:s20+$0x4D50] =	vst v10;
	v10 =	vld [tilespmem:s20+$0x6660]  }
0x4d: {  	v15 =	vmul.f32 $1.131370830e+01, v15;
	v13 =	vadd.f32 v13, v7;
	[tilespmem:s20+$0x4D60] =	vst v11;
	v11 =	vld [tilespmem:s20+$0x6670]  }
0x4e: {  	v14 =	vadd.f32 v14, v6;
	[tilespmem:s20+$0x4D70] =	vst v12;
	v12 =	vld [tilespmem:s20+$0x7F00];
	v8 =	vmul.f32 $1.131370830e+01, v8  }
0x4f: {  	v16 =	vmul.f32 $1.131370830e+01, v16;
	v15 =	vadd.f32 v15, v5;
	[tilespmem:s20+$0x6600] =	vst v13;
	v13 =	vld [tilespmem:s20+$0x7F10]  }
0x50: {  	[tilespmem:s20+$0x6610] =	vst v14;
	v14 =	vld [tilespmem:s20+$0x7F20];
	v9 =	vmul.f32 $1.131370830e+01, v9;
	v8 =	vadd.f32 v8, v3  }
0x51: {  	v16 =	vadd.f32 v16, v4;
	[tilespmem:s20+$0x6620] =	vst v15;
	v15 =	vld [tilespmem:s20+$0x7F30];
	v10 =	vmul.f32 $1.131370830e+01, v10  }
0x52: {  	v11 =	vmul.f32 $1.131370830e+01, v11;
	v9 =	vadd.f32 v9, v2;
	[tilespmem:s20+$0x6640] =	vst v8;
	v8 =	vld [tilespmem:s20+$0x7F50]  }
0x53: {  	[tilespmem:s20+$0x6630] =	vst v16;
	v16 =	vld [tilespmem:s20+$0x7F40];
	v12 =	vmul.f32 $1.131370830e+01, v12;
	v10 =	vadd.f32 v10, v1  }
0x54: {  	v13 =	vmul.f32 $1.131370830e+01, v13;
	v11 =	vadd.f32 v11, v0;
	[tilespmem:s20+$0x6650] =	vst v9;
	v9 =	vld [tilespmem:s20+$0x7F60]  }
0x55: {  	v14 =	vmul.f32 $1.131370830e+01, v14;
	v12 =	vadd.f32 v12, v7;
	[tilespmem:s20+$0x6660] =	vst v10;
	v10 =	vld [tilespmem:s20+$0x7F70]  }
0x56: {  	v15 =	vmul.f32 $1.131370830e+01, v15;
	v13 =	vadd.f32 v13, v6;
	[tilespmem:s20+$0x6670] =	vst v11;
	v11 =	vld [tilespmem:s20+$0x9800]  }
0x57: {  	v14 =	vadd.f32 v14, v5;
	[tilespmem:s20+$0x7F00] =	vst v12;
	v8 =	vmul.f32 $1.131370830e+01, v8  }
0x58: {  	v16 =	vmul.f32 $1.131370830e+01, v16;
	v15 =	vadd.f32 v15, v4;
	v12 =	vld [tilespmem:s20+$0x9810];
	[tilespmem:s20+$0x7F10] =	vst v13  }
0x59: {  	v13 =	vld [tilespmem:s20+$0x9820];
	[tilespmem:s20+$0x7F20] =	vst v14;
	v9 =	vmul.f32 $1.131370830e+01, v9;
	v8 =	vadd.f32 v8, v2  }
0x5a: {  	v16 =	vadd.f32 v16, v3;
	v14 =	vld [tilespmem:s20+$0x9830];
	[tilespmem:s20+$0x7F30] =	vst v15;
	v10 =	vmul.f32 $1.131370830e+01, v10  }
0x5b: {  	v15 =	vld [tilespmem:s20+$0x9840];
	v9 =	vadd.f32 v9, v1;
	[tilespmem:s20+$0x7F50] =	vst v8;
	v8 =	vmul.f32 $1.131370830e+01, v11  }
0x5c: {  	[tilespmem:s20+$0x7F40] =	vst v16;
	v16 =	vld [tilespmem:s20+$0x9850];
	v10 =	vadd.f32 v10, v0  }
0x5d: {  	[tilespmem:s20+$0x7F60] =	vst v9;
	v9 =	vmul.f32 $1.131370830e+01, v12;
	v8 =	vadd.f32 v8, v7  }
0x5e: {  	v17 =	vld [tilespmem:s20+$0x9860];
	[tilespmem:s20+$0x7F70] =	vst v10;
	v10 =	vmul.f32 $1.131370830e+01, v13  }
0x5f: {  	v11 =	vld [tilespmem:s20+$0x9870];
	v9 =	vadd.f32 v9, v6;
	[tilespmem:s20+$0x9800] =	vst v8;
	v8 =	vmul.f32 $1.131370830e+01, v14  }
0x60: {  	v12 =	vld [tilespmem:s20+$0xB100];
	v13 =	vmul.f32 $1.131370830e+01, v15;
	v10 =	vadd.f32 v10, v5  }
0x61: {  	v18 =	vld [tilespmem:s20+$0xB110];
	v15 =	vmul.f32 $1.131370830e+01, v16;
	[tilespmem:s20+$0x9810] =	vst v9;
	v14 =	vadd.f32 v8, v4  }
0x62: {  	v13 =	vadd.f32 v13, v3;
	v9 =	vld [tilespmem:s20+$0xB120];
	[tilespmem:s20+$0x9820] =	vst v10  }
0x63: {  	v16 =	vadd.f32 v15, v2;
	v8 =	vld [tilespmem:s20+$0xB130];
	[tilespmem:s20+$0x9830] =	vst v14;
	v14 =	vmul.f32 $1.131370830e+01, v17  }
0x64: {  	v10 =	vld [tilespmem:s20+$0xB140];
	[tilespmem:s20+$0x9840] =	vst v13;
	v13 =	vmul.f32 $1.131370830e+01, v11  }
0x65: {  	[tilespmem:s20+$0x9850] =	vst v16;
	v11 =	vld [tilespmem:s20+$0xB150];
	v16 =	vmul.f32 $1.131370830e+01, v12;
	v15 =	vadd.f32 v14, v1  }
0x66: {  	s21 =	simm.s32 $0x200;
	v12 =	vld [tilespmem:s20+$0xB160];
	v13 =	vadd.f32 v13, v0;
	v14 =	vmul.f32 $1.131370830e+01, v18  }
.LBB2_2:
0x67: {  	s22 =	sshra.s32 s21, $0x2;
	p0 =	sne.s32 s21, $0x6200;
	[tilespmem:s20+$0x9860] =	vst v15;
	v15 =	vadd.f32 v16, v7;
	v9 =	vmul.f32 $1.131370830e+01, v9;
	v16 =	vld [tilespmem:s20+$0xB170]  }
0x68: {  	v7 =	vld [tilespmem:s22+$0xCA00];
	[tilespmem:s20+$0x9870] =	vst v13;
	v13 =	vadd.f32 v14, v6;
	v8 =	vmul.f32 $1.131370830e+01, v8  }
0x69: {  	v6 =	vld [tilespmem:s22+$0xCA10];
	[tilespmem:s20+$0xB100] =	vst v15;
	v9 =	vadd.f32 v9, v5;
	v10 =	vmul.f32 $1.131370830e+01, v10  }
0x6a: {  	v5 =	vld [tilespmem:s22+$0xCA20];
	[tilespmem:s20+$0xB110] =	vst v13;
	v8 =	vadd.f32 v8, v4;
	v11 =	vmul.f32 $1.131370830e+01, v11  }
0x6b: {  	v4 =	vld [tilespmem:s22+$0xCA30];
	[tilespmem:s20+$0xB120] =	vst v9;
	v9 =	vadd.f32 v10, v3;
	v10 =	vmul.f32 $1.131370830e+01, v12  }
0x6c: {  	v3 =	vld [tilespmem:s22+$0xCA40];
	[tilespmem:s20+$0xB130] =	vst v8;
	v8 =	vadd.f32 v11, v2;
	v11 =	vmul.f32 $1.131370830e+01, v16  }
0x6d: {  	v2 =	vld [tilespmem:s22+$0xCA50];
	[tilespmem:s20+$0xB140] =	vst v9;
	v9 =	vadd.f32 v10, v1  }
0x6e: {  	v1 =	vld [tilespmem:s22+$0xCA60];
	[tilespmem:s20+$0xB150] =	vst v8;
	v8 =	vadd.f32 v11, v0  }
0x6f: {  	v0 =	vld [tilespmem:s22+$0xCA70];
	[tilespmem:s20+$0xB160] =	vst v9  }
0x70: {  	v9 =	vld [tilespmem:s22+$0x200];
	[tilespmem:s20+$0xB170] =	vst v8;
	s20 =	smov.u32 s22  }
0x71: {  	v8 =	vld [tilespmem:s20+$0x210]  }
0x72: {  	v10 =	vld [tilespmem:s20+$0x220]  }
0x73: {  	v11 =	vld [tilespmem:s20+$0x230]  }
0x74: {  	v12 =	vld [tilespmem:s20+$0x240]  }
0x75: {  	v9 =	vmul.f32 $1.131370830e+01, v9;
	v13 =	vld [tilespmem:s20+$0x250]  }
0x76: {  	v8 =	vmul.f32 $1.131370830e+01, v8;
	v14 =	vld [tilespmem:s20+$0x260]  }
0x77: {  	v9 =	vadd.f32 v9, v7;
	v10 =	vmul.f32 $1.131370830e+01, v10;
	v15 =	vld [tilespmem:s20+$0x270]  }
0x78: {  	v8 =	vadd.f32 v8, v6;
	v11 =	vmul.f32 $1.131370830e+01, v11;
	v16 =	vld [tilespmem:s20+$0x1B00]  }
0x79: {  	[tilespmem:s20+$0x200] =	vst v9;
	v9 =	vadd.f32 v10, v5;
	v10 =	vmul.f32 $1.131370830e+01, v12;
	v12 =	vld [tilespmem:s20+$0x1B10]  }
0x7a: {  	[tilespmem:s20+$0x210] =	vst v8;
	v8 =	vadd.f32 v11, v4;
	v11 =	vmul.f32 $1.131370830e+01, v13;
	v13 =	vld [tilespmem:s20+$0x1B20]  }
0x7b: {  	[tilespmem:s20+$0x220] =	vst v9;
	v9 =	vadd.f32 v10, v3;
	v10 =	vmul.f32 $1.131370830e+01, v14;
	v14 =	vld [tilespmem:s20+$0x1B30]  }
0x7c: {  	[tilespmem:s20+$0x230] =	vst v8;
	v8 =	vadd.f32 v11, v2;
	v11 =	vmul.f32 $1.131370830e+01, v15;
	v15 =	vld [tilespmem:s20+$0x1B40]  }
0x7d: {  	[tilespmem:s20+$0x240] =	vst v9;
	v9 =	vadd.f32 v10, v1;
	v10 =	vmul.f32 $1.131370830e+01, v16;
	v16 =	vld [tilespmem:s20+$0x1B50]  }
0x7e: {  	[tilespmem:s20+$0x250] =	vst v8;
	v8 =	vadd.f32 v11, v0;
	v11 =	vmul.f32 $1.131370830e+01, v12;
	v12 =	vld [tilespmem:s20+$0x1B60]  }
0x7f: {  	[tilespmem:s20+$0x260] =	vst v9;
	v9 =	vadd.f32 v10, v7;
	v10 =	vmul.f32 $1.131370830e+01, v13;
	v13 =	vld [tilespmem:s20+$0x1B70]  }
0x80: {  	[tilespmem:s20+$0x270] =	vst v8;
	v8 =	vadd.f32 v11, v6;
	v11 =	vmul.f32 $1.131370830e+01, v14;
	v14 =	vld [tilespmem:s20+$0x3400]  }
0x81: {  	[tilespmem:s20+$0x1B00] =	vst v9;
	v9 =	vadd.f32 v10, v5;
	v10 =	vmul.f32 $1.131370830e+01, v15;
	v15 =	vld [tilespmem:s20+$0x3410]  }
0x82: {  	[tilespmem:s20+$0x1B10] =	vst v8;
	v8 =	vadd.f32 v11, v4;
	v11 =	vmul.f32 $1.131370830e+01, v16;
	v16 =	vld [tilespmem:s20+$0x3420]  }
0x83: {  	[tilespmem:s20+$0x1B20] =	vst v9;
	v9 =	vadd.f32 v10, v3;
	v10 =	vmul.f32 $1.131370830e+01, v12;
	v12 =	vld [tilespmem:s20+$0x3430]  }
0x84: {  	[tilespmem:s20+$0x1B30] =	vst v8;
	v8 =	vadd.f32 v11, v2;
	v11 =	vmul.f32 $1.131370830e+01, v13;
	v13 =	vld [tilespmem:s20+$0x3440]  }
0x85: {  	[tilespmem:s20+$0x1B40] =	vst v9;
	v9 =	vadd.f32 v10, v1;
	v10 =	vmul.f32 $1.131370830e+01, v14;
	v14 =	vld [tilespmem:s20+$0x3450]  }
0x86: {  	[tilespmem:s20+$0x1B50] =	vst v8;
	v8 =	vadd.f32 v11, v0;
	v11 =	vmul.f32 $1.131370830e+01, v15;
	v15 =	vld [tilespmem:s20+$0x3460]  }
0x87: {  	[tilespmem:s20+$0x1B60] =	vst v9;
	v9 =	vadd.f32 v10, v7;
	v10 =	vmul.f32 $1.131370830e+01, v16;
	v16 =	vld [tilespmem:s20+$0x3470]  }
0x88: {  	[tilespmem:s20+$0x1B70] =	vst v8;
	v8 =	vadd.f32 v11, v6;
	v11 =	vmul.f32 $1.131370830e+01, v12;
	v12 =	vld [tilespmem:s20+$0x4D00]  }
0x89: {  	[tilespmem:s20+$0x3400] =	vst v9;
	v9 =	vadd.f32 v10, v5;
	v10 =	vmul.f32 $1.131370830e+01, v13;
	v13 =	vld [tilespmem:s20+$0x4D10]  }
0x8a: {  	[tilespmem:s20+$0x3410] =	vst v8;
	v8 =	vadd.f32 v11, v4;
	v11 =	vmul.f32 $1.131370830e+01, v14;
	v14 =	vld [tilespmem:s20+$0x4D20]  }
0x8b: {  	[tilespmem:s20+$0x3420] =	vst v9;
	v9 =	vadd.f32 v10, v3;
	v10 =	vmul.f32 $1.131370830e+01, v15;
	v15 =	vld [tilespmem:s20+$0x4D30]  }
0x8c: {  	[tilespmem:s20+$0x3430] =	vst v8;
	v8 =	vadd.f32 v11, v2;
	v11 =	vmul.f32 $1.131370830e+01, v16;
	v16 =	vld [tilespmem:s20+$0x4D40]  }
0x8d: {  	[tilespmem:s20+$0x3440] =	vst v9;
	v9 =	vadd.f32 v10, v1;
	v10 =	vmul.f32 $1.131370830e+01, v12;
	v12 =	vld [tilespmem:s20+$0x4D50]  }
0x8e: {  	[tilespmem:s20+$0x3450] =	vst v8;
	v8 =	vadd.f32 v11, v0;
	v11 =	vmul.f32 $1.131370830e+01, v13;
	v13 =	vld [tilespmem:s20+$0x4D60]  }
0x8f: {  	[tilespmem:s20+$0x3460] =	vst v9;
	v9 =	vadd.f32 v10, v7;
	v10 =	vmul.f32 $1.131370830e+01, v14;
	v14 =	vld [tilespmem:s20+$0x4D70]  }
0x90: {  	[tilespmem:s20+$0x3470] =	vst v8;
	v8 =	vadd.f32 v11, v6;
	v11 =	vmul.f32 $1.131370830e+01, v15;
	v15 =	vld [tilespmem:s20+$0x6600]  }
0x91: {  	[tilespmem:s20+$0x4D00] =	vst v9;
	v9 =	vadd.f32 v10, v5;
	v10 =	vmul.f32 $1.131370830e+01, v16;
	v16 =	vld [tilespmem:s20+$0x6610]  }
0x92: {  	[tilespmem:s20+$0x4D10] =	vst v8;
	v8 =	vadd.f32 v11, v4;
	v11 =	vmul.f32 $1.131370830e+01, v12;
	v12 =	vld [tilespmem:s20+$0x6620]  }
0x93: {  	[tilespmem:s20+$0x4D20] =	vst v9;
	v9 =	vadd.f32 v10, v3;
	v10 =	vmul.f32 $1.131370830e+01, v13;
	v13 =	vld [tilespmem:s20+$0x6630]  }
0x94: {  	[tilespmem:s20+$0x4D30] =	vst v8;
	v8 =	vadd.f32 v11, v2;
	v11 =	vmul.f32 $1.131370830e+01, v14;
	v14 =	vld [tilespmem:s20+$0x6640]  }
0x95: {  	[tilespmem:s20+$0x4D40] =	vst v9;
	v9 =	vadd.f32 v10, v1;
	v10 =	vmul.f32 $1.131370830e+01, v15;
	v15 =	vld [tilespmem:s20+$0x6650]  }
0x96: {  	[tilespmem:s20+$0x4D50] =	vst v8;
	v8 =	vadd.f32 v11, v0;
	v11 =	vmul.f32 $1.131370830e+01, v16;
	v16 =	vld [tilespmem:s20+$0x6660]  }
0x97: {  	[tilespmem:s20+$0x4D60] =	vst v9;
	v9 =	vadd.f32 v10, v7;
	v10 =	vmul.f32 $1.131370830e+01, v12;
	v12 =	vld [tilespmem:s20+$0x6670]  }
0x98: {  	[tilespmem:s20+$0x4D70] =	vst v8;
	v8 =	vadd.f32 v11, v6;
	v11 =	vmul.f32 $1.131370830e+01, v13;
	v13 =	vld [tilespmem:s20+$0x7F00]  }
0x99: {  	[tilespmem:s20+$0x6600] =	vst v9;
	v9 =	vadd.f32 v10, v5;
	v10 =	vmul.f32 $1.131370830e+01, v14;
	v14 =	vld [tilespmem:s20+$0x7F10]  }
0x9a: {  	[tilespmem:s20+$0x6610] =	vst v8;
	v8 =	vadd.f32 v11, v4;
	v11 =	vmul.f32 $1.131370830e+01, v15;
	v15 =	vld [tilespmem:s20+$0x7F20]  }
0x9b: {  	[tilespmem:s20+$0x6620] =	vst v9;
	v9 =	vadd.f32 v10, v3;
	v10 =	vmul.f32 $1.131370830e+01, v16;
	v16 =	vld [tilespmem:s20+$0x7F30]  }
0x9c: {  	[tilespmem:s20+$0x6630] =	vst v8;
	v8 =	vadd.f32 v11, v2;
	v11 =	vmul.f32 $1.131370830e+01, v12;
	v12 =	vld [tilespmem:s20+$0x7F40]  }
0x9d: {  	[tilespmem:s20+$0x6640] =	vst v9;
	v9 =	vadd.f32 v10, v1;
	v10 =	vmul.f32 $1.131370830e+01, v13;
	v13 =	vld [tilespmem:s20+$0x7F50]  }
0x9e: {  	[tilespmem:s20+$0x6650] =	vst v8;
	v8 =	vadd.f32 v11, v0;
	v11 =	vmul.f32 $1.131370830e+01, v14;
	v14 =	vld [tilespmem:s20+$0x7F60]  }
0x9f: {  	[tilespmem:s20+$0x6660] =	vst v9;
	v9 =	vadd.f32 v10, v7;
	v10 =	vmul.f32 $1.131370830e+01, v15;
	v15 =	vld [tilespmem:s20+$0x7F70]  }
0xa0: {  	[tilespmem:s20+$0x6670] =	vst v8;
	v8 =	vadd.f32 v11, v6;
	v11 =	vmul.f32 $1.131370830e+01, v16;
	v16 =	vld [tilespmem:s20+$0x9800]  }
0xa1: {  	[tilespmem:s20+$0x7F00] =	vst v9;
	v9 =	vadd.f32 v10, v5;
	v10 =	vmul.f32 $1.131370830e+01, v12;
	v12 =	vld [tilespmem:s20+$0x9810]  }
0xa2: {  	[tilespmem:s20+$0x7F10] =	vst v8;
	v8 =	vadd.f32 v11, v4;
	v11 =	vmul.f32 $1.131370830e+01, v13;
	v13 =	vld [tilespmem:s20+$0x9820]  }
0xa3: {  	[tilespmem:s20+$0x7F20] =	vst v9;
	v9 =	vadd.f32 v10, v3;
	v10 =	vmul.f32 $1.131370830e+01, v14;
	v14 =	vld [tilespmem:s20+$0x9830]  }
0xa4: {  	[tilespmem:s20+$0x7F30] =	vst v8;
	v8 =	vadd.f32 v11, v2;
	v11 =	vmul.f32 $1.131370830e+01, v15;
	v15 =	vld [tilespmem:s20+$0x9840]  }
0xa5: {  	[tilespmem:s20+$0x7F40] =	vst v9;
	v9 =	vadd.f32 v10, v1;
	v10 =	vmul.f32 $1.131370830e+01, v16;
	v16 =	vld [tilespmem:s20+$0x9850]  }
0xa6: {  	[tilespmem:s20+$0x7F50] =	vst v8;
	v8 =	vadd.f32 v11, v0;
	v11 =	vmul.f32 $1.131370830e+01, v12;
	v12 =	vld [tilespmem:s20+$0x9860]  }
0xa7: {  	[tilespmem:s20+$0x7F60] =	vst v9;
	v9 =	vadd.f32 v10, v7;
	v10 =	vmul.f32 $1.131370830e+01, v13;
	v13 =	vld [tilespmem:s20+$0x9870]  }
0xa8: {  	[tilespmem:s20+$0x7F70] =	vst v8;
	v8 =	vadd.f32 v11, v6;
	v11 =	vmul.f32 $1.131370830e+01, v14;
	v14 =	vld [tilespmem:s20+$0xB100]  }
0xa9: {  	[tilespmem:s20+$0x9800] =	vst v9;
	v10 =	vadd.f32 v10, v5;
	v15 =	vmul.f32 $1.131370830e+01, v15;
	v17 =	vld [tilespmem:s20+$0xB110]  }
.Ltmp0:
0xaa: {  	[tilespmem:s20+$0x9810] =	vst v8;
	v11 =	vadd.f32 v11, v4;
	v16 =	vmul.f32 $1.131370830e+01, v16;
	v9 =	vld [tilespmem:s20+$0xB120];
	(pc) =	sbr.rel @p0 .LBB2_2-.Ltmp0, $4  }
0xab: {  	[tilespmem:s20+$0x9820] =	vst v10;
	v15 =	vadd.f32 v15, v3;
	v12 =	vmul.f32 $1.131370830e+01, v12;
	v8 =	vld [tilespmem:s20+$0xB130]  }
0xac: {  	[tilespmem:s20+$0x9830] =	vst v11;
	v18 =	vadd.f32 v16, v2;
	v13 =	vmul.f32 $1.131370830e+01, v13;
	v10 =	vld [tilespmem:s20+$0xB140]  }
0xad: {  	[tilespmem:s20+$0x9840] =	vst v15;
	v15 =	vadd.f32 v12, v1;
	v16 =	vmul.f32 $1.131370830e+01, v14;
	v11 =	vld [tilespmem:s20+$0xB150]  }
0xae: {  	s21 =	sadd.s32 $0x200, s21;
	[tilespmem:s20+$0x9850] =	vst v18;
	v13 =	vadd.f32 v13, v0;
	v14 =	vmul.f32 $1.131370830e+01, v17;
	v12 =	vld [tilespmem:s20+$0xB160]  }
0xaf: {  	[tilespmem:s20+$0x9860] =	vst v15;
	v7 =	vadd.f32 v16, v7;
	v9 =	vmul.f32 $1.131370830e+01, v9;
	v15 =	vld [tilespmem:s20+$0xB170]  }
0xb0: {  	[tilespmem:s20+$0x9870] =	vst v13;
	v6 =	vadd.f32 v14, v6;
	v8 =	vmul.f32 $1.131370830e+01, v8  }
0xb1: {  	[tilespmem:s20+$0xB100] =	vst v7;
	v5 =	vadd.f32 v9, v5;
	v7 =	vmul.f32 $1.131370830e+01, v10  }
0xb2: {  	[tilespmem:s20+$0xB110] =	vst v6;
	v4 =	vadd.f32 v8, v4;
	v6 =	vmul.f32 $1.131370830e+01, v11  }
0xb3: {  	[tilespmem:s20+$0xB120] =	vst v5;
	v3 =	vadd.f32 v7, v3;
	v5 =	vmul.f32 $1.131370830e+01, v12  }
0xb4: {  	[tilespmem:s20+$0xB130] =	vst v4;
	v2 =	vadd.f32 v6, v2;
	v4 =	vmul.f32 $1.131370830e+01, v15  }
0xb5: {  	[tilespmem:s20+$0xB140] =	vst v3;
	v1 =	vadd.f32 v5, v1  }
0xb6: {  	[tilespmem:s20+$0xB150] =	vst v2;
	v0 =	vadd.f32 v4, v0  }
0xb7: {  	[tilespmem:s20+$0xB160] =	vst v1  }
0xb8: {  	s31 =	simm.s32 $0x0;
	[tilespmem:s20+$0xB170] =	vst v0  }
0xb9: {  	[hbm4b:s6+s31] =	stream.linear.scatter [tilespmem:s17], [sflag:$0x2], $0xC800, $0x38;
	[tilespmem:$0xE600] =	vst v63  }
0xba: {  	_ =	swait.ge [sflag:s15], $0xC800  }
0xbb: {  	[sflag:s15] =	ssyncset.done $0x0  }
0xbc: {  	[sflag:s15] =	ssyncadd.s32 $0xFFFF3800  }
0xbd: {  	[tilespmem:s31], [sflag:$0x2] =	stream.linear.gather [hbm4b:s7+s31], $0x190, $0x38;
	[tilespmem:$0xE600] =	vst v63  }
0xbe: {  	_ =	swait.ge [sflag:s15], $0x190  }
0xbf: {  	[sflag:s15] =	ssyncset.done $0x0  }
0xc0: {  	[sflag:s15] =	ssyncadd.s32 $0xFFFFFE70  }
0xc1: {  	[tilespmem:s17], [sflag:$0x1] =	stream.indirect.gather [hbm4b:s2+s16], $0x80, s31, s16, $0xb8;
	[tilespmem:$0xE600] =	vst v63  }
0xc2: {  	_ =	swait.ge [sflag:s18], $0xC800  }
0xc3: {  	[sflag:s18] =	ssyncset.done $0x0  }
0xc4: {  	s20 =	simm.s32 $0x0;
	[sflag:s18] =	ssyncadd.s32 $0xFFFF3800  }
0xc5: {  	v7 =	vld [tilespmem:s20+$0xCA00]  }
0xc6: {  	v6 =	vld [tilespmem:s20+$0xCA10]  }
0xc7: {  	v5 =	vld [tilespmem:s20+$0xCA20]  }
0xc8: {  	v4 =	vld [tilespmem:s20+$0xCA30]  }
0xc9: {  	v3 =	vld [tilespmem:s20+$0xCA40]  }
0xca: {  	v2 =	vld [tilespmem:s20+$0xCA50]  }
0xcb: {  	v1 =	vld [tilespmem:s20+$0xCA60]  }
0xcc: {  	v8 =	vld [tilespmem:s20+$0x200]  }
0xcd: {  	v0 =	vld [tilespmem:s20+$0xCA70]  }
0xce: {  	v9 =	vld [tilespmem:s20+$0x210]  }
0xcf: {  	v10 =	vld [tilespmem:s20+$0x220]  }
0xd0: {  	v11 =	vld [tilespmem:s20+$0x230]  }
0xd1: {  	v12 =	vld [tilespmem:s20+$0x240];
	v8 =	vmul.f32 $1.131370830e+01, v8  }
0xd2: {  	v13 =	vld [tilespmem:s20+$0x250]  }
0xd3: {  	v14 =	vld [tilespmem:s20+$0x260];
	v9 =	vmul.f32 $1.131370830e+01, v9;
	v8 =	vadd.f32 v8, v7  }
0xd4: {  	v15 =	vld [tilespmem:s20+$0x270];
	v10 =	vmul.f32 $1.131370830e+01, v10  }
0xd5: {  	v11 =	vmul.f32 $1.131370830e+01, v11;
	v9 =	vadd.f32 v9, v6;
	[tilespmem:s20+$0x200] =	vst v8;
	v8 =	vld [tilespmem:s20+$0x1B10]  }
0xd6: {  	v16 =	vld [tilespmem:s20+$0x1B00];
	v12 =	vmul.f32 $1.131370830e+01, v12;
	v10 =	vadd.f32 v10, v5  }
0xd7: {  	v13 =	vmul.f32 $1.131370830e+01, v13;
	v11 =	vadd.f32 v11, v4;
	[tilespmem:s20+$0x210] =	vst v9;
	v9 =	vld [tilespmem:s20+$0x1B20]  }
0xd8: {  	v14 =	vmul.f32 $1.131370830e+01, v14;
	v12 =	vadd.f32 v12, v3;
	[tilespmem:s20+$0x220] =	vst v10;
	v10 =	vld [tilespmem:s20+$0x1B30]  }
0xd9: {  	v15 =	vmul.f32 $1.131370830e+01, v15;
	v13 =	vadd.f32 v13, v2;
	[tilespmem:s20+$0x230] =	vst v11;
	v11 =	vld [tilespmem:s20+$0x1B40]  }
0xda: {  	v14 =	vadd.f32 v14, v1;
	[tilespmem:s20+$0x240] =	vst v12;
	v12 =	vld [tilespmem:s20+$0x1B50];
	v8 =	vmul.f32 $1.131370830e+01, v8  }
0xdb: {  	v16 =	vmul.f32 $1.131370830e+01, v16;
	v15 =	vadd.f32 v15, v0;
	[tilespmem:s20+$0x250] =	vst v13;
	v13 =	vld [tilespmem:s20+$0x1B60]  }
0xdc: {  	[tilespmem:s20+$0x260] =	vst v14;
	v14 =	vld [tilespmem:s20+$0x1B70];
	v9 =	vmul.f32 $1.131370830e+01, v9;
	v8 =	vadd.f32 v8, v6  }
0xdd: {  	v16 =	vadd.f32 v16, v7;
	[tilespmem:s20+$0x270] =	vst v15;
	v15 =	vld [tilespmem:s20+$0x3400];
	v10 =	vmul.f32 $1.131370830e+01, v10  }
0xde: {  	v11 =	vmul.f32 $1.131370830e+01, v11;
	v9 =	vadd.f32 v9, v5;
	[tilespmem:s20+$0x1B10] =	vst v8;
	v8 =	vld [tilespmem:s20+$0x3420]  }
0xdf: {  	[tilespmem:s20+$0x1B00] =	vst v16;
	v16 =	vld [tilespmem:s20+$0x3410];
	v12 =	vmul.f32 $1.131370830e+01, v12;
	v10 =	vadd.f32 v10, v4  }
0xe0: {  	v13 =	vmul.f32 $1.131370830e+01, v13;
	v11 =	vadd.f32 v11, v3;
	[tilespmem:s20+$0x1B20] =	vst v9;
	v9 =	vld [tilespmem:s20+$0x3430]  }
0xe1: {  	v14 =	vmul.f32 $1.131370830e+01, v14;
	v12 =	vadd.f32 v12, v2;
	[tilespmem:s20+$0x1B30] =	vst v10;
	v10 =	vld [tilespmem:s20+$0x3440]  }
0xe2: {  	v15 =	vmul.f32 $1.131370830e+01, v15;
	v13 =	vadd.f32 v13, v1;
	[tilespmem:s20+$0x1B40] =	vst v11;
	v11 =	vld [tilespmem:s20+$0x3450]  }
0xe3: {  	v14 =	vadd.f32 v14, v0;
	[tilespmem:s20+$0x1B50] =	vst v12;
	v12 =	vld [tilespmem:s20+$0x3460];
	v8 =	vmul.f32 $1.131370830e+01, v8  }
0xe4: {  	v16 =	vmul.f32 $1.131370830e+01, v16;
	v15 =	vadd.f32 v15, v7;
	[tilespmem:s20+$0x1B60] =	vst v13;
	v13 =	vld [tilespmem:s20+$0x3470]  }
0xe5: {  	[tilespmem:s20+$0x1B70] =	vst v14;
	v14 =	vld [tilespmem:s20+$0x4D00];
	v9 =	vmul.f32 $1.131370830e+01, v9;
	v8 =	vadd.f32 v8, v5  }
0xe6: {  	v16 =	vadd.f32 v16, v6;
	[tilespmem:s20+$0x3400] =	vst v15;
	v15 =	vld [tilespmem:s20+$0x4D10];
	v10 =	vmul.f32 $1.131370830e+01, v10  }
0xe7: {  	v11 =	vmul.f32 $1.131370830e+01, v11;
	v9 =	vadd.f32 v9, v4;
	[tilespmem:s20+$0x3420] =	vst v8;
	v8 =	vld [tilespmem:s20+$0x4D30]  }
0xe8: {  	[tilespmem:s20+$0x3410] =	vst v16;
	v16 =	vld [tilespmem:s20+$0x4D20];
	v12 =	vmul.f32 $1.131370830e+01, v12;
	v10 =	vadd.f32 v10, v3  }
0xe9: {  	v13 =	vmul.f32 $1.131370830e+01, v13;
	v11 =	vadd.f32 v11, v2;
	[tilespmem:s20+$0x3430] =	vst v9;
	v9 =	vld [tilespmem:s20+$0x4D40]  }
0xea: {  	v14 =	vmul.f32 $1.131370830e+01, v14;
	v12 =	vadd.f32 v12, v1;
	[tilespmem:s20+$0x3440] =	vst v10;
	v10 =	vld [tilespmem:s20+$0x4D50]  }
0xeb: {  	v15 =	vmul.f32 $1.131370830e+01, v15;
	v13 =	vadd.f32 v13, v0;
	[tilespmem:s20+$0x3450] =	vst v11;
	v11 =	vld [tilespmem:s20+$0x4D60]  }
0xec: {  	v14 =	vadd.f32 v14, v7;
	[tilespmem:s20+$0x3460] =	vst v12;
	v12 =	vld [tilespmem:s20+$0x4D70];
	v8 =	vmul.f32 $1.131370830e+01, v8  }
0xed: {  	v16 =	vmul.f32 $1.131370830e+01, v16;
	v15 =	vadd.f32 v15, v6;
	[tilespmem:s20+$0x3470] =	vst v13;
	v13 =	vld [tilespmem:s20+$0x6600]  }
0xee: {  	[tilespmem:s20+$0x4D00] =	vst v14;
	v14 =	vld [tilespmem:s20+$0x6610];
	v9 =	vmul.f32 $1.131370830e+01, v9;
	v8 =	vadd.f32 v8, v4  }
0xef: {  	v16 =	vadd.f32 v16, v5;
	[tilespmem:s20+$0x4D10] =	vst v15;
	v15 =	vld [tilespmem:s20+$0x6620];
	v10 =	vmul.f32 $1.131370830e+01, v10  }
0xf0: {  	v11 =	vmul.f32 $1.131370830e+01, v11;
	v9 =	vadd.f32 v9, v3;
	[tilespmem:s20+$0x4D30] =	vst v8;
	v8 =	vld [tilespmem:s20+$0x6640]  }
0xf1: {  	[tilespmem:s20+$0x4D20] =	vst v16;
	v16 =	vld [tilespmem:s20+$0x6630];
	v12 =	vmul.f32 $1.131370830e+01, v12;
	v10 =	vadd.f32 v10, v2  }
0xf2: {  	v13 =	vmul.f32 $1.131370830e+01, v13;
	v11 =	vadd.f32 v11, v1;
	[tilespmem:s20+$0x4D40] =	vst v9;
	v9 =	vld [tilespmem:s20+$0x6650]  }
0xf3: {  	v14 =	vmul.f32 $1.131370830e+01, v14;
	v12 =	vadd.f32 v12, v0;
	[tilespmem:s20+$0x4D50] =	vst v10;
	v10 =	vld [tilespmem:s20+$0x6660]  }
0xf4: {  	v15 =	vmul.f32 $1.131370830e+01, v15;
	v13 =	vadd.f32 v13, v7;
	[tilespmem:s20+$0x4D60] =	vst v11;
	v11 =	vld [tilespmem:s20+$0x6670]  }
0xf5: {  	v14 =	vadd.f32 v14, v6;
	[tilespmem:s20+$0x4D70] =	vst v12;
	v12 =	vld [tilespmem:s20+$0x7F00];
	v8 =	vmul.f32 $1.131370830e+01, v8  }
0xf6: {  	v16 =	vmul.f32 $1.131370830e+01, v16;
	v15 =	vadd.f32 v15, v5;
	[tilespmem:s20+$0x6600] =	vst v13;
	v13 =	vld [tilespmem:s20+$0x7F10]  }
0xf7: {  	[tilespmem:s20+$0x6610] =	vst v14;
	v14 =	vld [tilespmem:s20+$0x7F20];
	v9 =	vmul.f32 $1.131370830e+01, v9;
	v8 =	vadd.f32 v8, v3  }
0xf8: {  	v16 =	vadd.f32 v16, v4;
	[tilespmem:s20+$0x6620] =	vst v15;
	v15 =	vld [tilespmem:s20+$0x7F30];
	v10 =	vmul.f32 $1.131370830e+01, v10  }
0xf9: {  	v11 =	vmul.f32 $1.131370830e+01, v11;
	v9 =	vadd.f32 v9, v2;
	[tilespmem:s20+$0x6640] =	vst v8;
	v8 =	vld [tilespmem:s20+$0x7F50]  }
0xfa: {  	[tilespmem:s20+$0x6630] =	vst v16;
	v16 =	vld [tilespmem:s20+$0x7F40];
	v12 =	vmul.f32 $1.131370830e+01, v12;
	v10 =	vadd.f32 v10, v1  }
0xfb: {  	v13 =	vmul.f32 $1.131370830e+01, v13;
	v11 =	vadd.f32 v11, v0;
	[tilespmem:s20+$0x6650] =	vst v9;
	v9 =	vld [tilespmem:s20+$0x7F60]  }
0xfc: {  	v14 =	vmul.f32 $1.131370830e+01, v14;
	v12 =	vadd.f32 v12, v7;
	[tilespmem:s20+$0x6660] =	vst v10;
	v10 =	vld [tilespmem:s20+$0x7F70]  }
0xfd: {  	v15 =	vmul.f32 $1.131370830e+01, v15;
	v13 =	vadd.f32 v13, v6;
	[tilespmem:s20+$0x6670] =	vst v11;
	v11 =	vld [tilespmem:s20+$0x9800]  }
0xfe: {  	v14 =	vadd.f32 v14, v5;
	[tilespmem:s20+$0x7F00] =	vst v12;
	v8 =	vmul.f32 $1.131370830e+01, v8  }
0xff: {  	v16 =	vmul.f32 $1.131370830e+01, v16;
	v15 =	vadd.f32 v15, v4;
	v12 =	vld [tilespmem:s20+$0x9810];
	[tilespmem:s20+$0x7F10] =	vst v13  }
0x100: {  	v13 =	vld [tilespmem:s20+$0x9820];
	[tilespmem:s20+$0x7F20] =	vst v14;
	v9 =	vmul.f32 $1.131370830e+01, v9;
	v8 =	vadd.f32 v8, v2  }
0x101: {  	v16 =	vadd.f32 v16, v3;
	v14 =	vld [tilespmem:s20+$0x9830];
	[tilespmem:s20+$0x7F30] =	vst v15;
	v10 =	vmul.f32 $1.131370830e+01, v10  }
0x102: {  	v15 =	vld [tilespmem:s20+$0x9840];
	v9 =	vadd.f32 v9, v1;
	[tilespmem:s20+$0x7F50] =	vst v8;
	v8 =	vmul.f32 $1.131370830e+01, v11  }
0x103: {  	[tilespmem:s20+$0x7F40] =	vst v16;
	v16 =	vld [tilespmem:s20+$0x9850];
	v10 =	vadd.f32 v10, v0  }
0x104: {  	[tilespmem:s20+$0x7F60] =	vst v9;
	v9 =	vmul.f32 $1.131370830e+01, v12;
	v8 =	vadd.f32 v8, v7  }
0x105: {  	v17 =	vld [tilespmem:s20+$0x9860];
	[tilespmem:s20+$0x7F70] =	vst v10;
	v10 =	vmul.f32 $1.131370830e+01, v13  }
0x106: {  	v11 =	vld [tilespmem:s20+$0x9870];
	v9 =	vadd.f32 v9, v6;
	[tilespmem:s20+$0x9800] =	vst v8;
	v8 =	vmul.f32 $1.131370830e+01, v14  }
0x107: {  	v12 =	vld [tilespmem:s20+$0xB100];
	v13 =	vmul.f32 $1.131370830e+01, v15;
	v10 =	vadd.f32 v10, v5  }
0x108: {  	v18 =	vld [tilespmem:s20+$0xB110];
	v15 =	vmul.f32 $1.131370830e+01, v16;
	[tilespmem:s20+$0x9810] =	vst v9;
	v14 =	vadd.f32 v8, v4  }
0x109: {  	v13 =	vadd.f32 v13, v3;
	v9 =	vld [tilespmem:s20+$0xB120];
	[tilespmem:s20+$0x9820] =	vst v10  }
0x10a: {  	v16 =	vadd.f32 v15, v2;
	v8 =	vld [tilespmem:s20+$0xB130];
	[tilespmem:s20+$0x9830] =	vst v14;
	v14 =	vmul.f32 $1.131370830e+01, v17  }
0x10b: {  	v10 =	vld [tilespmem:s20+$0xB140];
	[tilespmem:s20+$0x9840] =	vst v13;
	v13 =	vmul.f32 $1.131370830e+01, v11  }
0x10c: {  	[tilespmem:s20+$0x9850] =	vst v16;
	v11 =	vld [tilespmem:s20+$0xB150];
	v16 =	vmul.f32 $1.131370830e+01, v12;
	v15 =	vadd.f32 v14, v1  }
0x10d: {  	s21 =	simm.s32 $0x200;
	v12 =	vld [tilespmem:s20+$0xB160];
	v13 =	vadd.f32 v13, v0;
	v14 =	vmul.f32 $1.131370830e+01, v18  }
.LBB2_4:
0x10e: {  	s22 =	sshra.s32 s21, $0x2;
	p0 =	sne.s32 s21, $0x6200;
	[tilespmem:s20+$0x9860] =	vst v15;
	v15 =	vadd.f32 v16, v7;
	v9 =	vmul.f32 $1.131370830e+01, v9;
	v16 =	vld [tilespmem:s20+$0xB170]  }
0x10f: {  	v7 =	vld [tilespmem:s22+$0xCA00];
	[tilespmem:s20+$0x9870] =	vst v13;
	v13 =	vadd.f32 v14, v6;
	v8 =	vmul.f32 $1.131370830e+01, v8  }
0x110: {  	v6 =	vld [tilespmem:s22+$0xCA10];
	[tilespmem:s20+$0xB100] =	vst v15;
	v9 =	vadd.f32 v9, v5;
	v10 =	vmul.f32 $1.131370830e+01, v10  }
0x111: {  	v5 =	vld [tilespmem:s22+$0xCA20];
	[tilespmem:s20+$0xB110] =	vst v13;
	v8 =	vadd.f32 v8, v4;
	v11 =	vmul.f32 $1.131370830e+01, v11  }
0x112: {  	v4 =	vld [tilespmem:s22+$0xCA30];
	[tilespmem:s20+$0xB120] =	vst v9;
	v9 =	vadd.f32 v10, v3;
	v10 =	vmul.f32 $1.131370830e+01, v12  }
0x113: {  	v3 =	vld [tilespmem:s22+$0xCA40];
	[tilespmem:s20+$0xB130] =	vst v8;
	v8 =	vadd.f32 v11, v2;
	v11 =	vmul.f32 $1.131370830e+01, v16  }
0x114: {  	v2 =	vld [tilespmem:s22+$0xCA50];
	[tilespmem:s20+$0xB140] =	vst v9;
	v9 =	vadd.f32 v10, v1  }
0x115: {  	v1 =	vld [tilespmem:s22+$0xCA60];
	[tilespmem:s20+$0xB150] =	vst v8;
	v8 =	vadd.f32 v11, v0  }
0x116: {  	v0 =	vld [tilespmem:s22+$0xCA70];
	[tilespmem:s20+$0xB160] =	vst v9  }
0x117: {  	v9 =	vld [tilespmem:s22+$0x200];
	[tilespmem:s20+$0xB170] =	vst v8;
	s20 =	smov.u32 s22  }
0x118: {  	v8 =	vld [tilespmem:s20+$0x210]  }
0x119: {  	v10 =	vld [tilespmem:s20+$0x220]  }
0x11a: {  	v11 =	vld [tilespmem:s20+$0x230]  }
0x11b: {  	v12 =	vld [tilespmem:s20+$0x240]  }
0x11c: {  	v9 =	vmul.f32 $1.131370830e+01, v9;
	v13 =	vld [tilespmem:s20+$0x250]  }
0x11d: {  	v8 =	vmul.f32 $1.131370830e+01, v8;
	v14 =	vld [tilespmem:s20+$0x260]  }
0x11e: {  	v9 =	vadd.f32 v9, v7;
	v10 =	vmul.f32 $1.131370830e+01, v10;
	v15 =	vld [tilespmem:s20+$0x270]  }
0x11f: {  	v8 =	vadd.f32 v8, v6;
	v11 =	vmul.f32 $1.131370830e+01, v11;
	v16 =	vld [tilespmem:s20+$0x1B00]  }
0x120: {  	[tilespmem:s20+$0x200] =	vst v9;
	v9 =	vadd.f32 v10, v5;
	v10 =	vmul.f32 $1.131370830e+01, v12;
	v12 =	vld [tilespmem:s20+$0x1B10]  }
0x121: {  	[tilespmem:s20+$0x210] =	vst v8;
	v8 =	vadd.f32 v11, v4;
	v11 =	vmul.f32 $1.131370830e+01, v13;
	v13 =	vld [tilespmem:s20+$0x1B20]  }
0x122: {  	[tilespmem:s20+$0x220] =	vst v9;
	v9 =	vadd.f32 v10, v3;
	v10 =	vmul.f32 $1.131370830e+01, v14;
	v14 =	vld [tilespmem:s20+$0x1B30]  }
0x123: {  	[tilespmem:s20+$0x230] =	vst v8;
	v8 =	vadd.f32 v11, v2;
	v11 =	vmul.f32 $1.131370830e+01, v15;
	v15 =	vld [tilespmem:s20+$0x1B40]  }
0x124: {  	[tilespmem:s20+$0x240] =	vst v9;
	v9 =	vadd.f32 v10, v1;
	v10 =	vmul.f32 $1.131370830e+01, v16;
	v16 =	vld [tilespmem:s20+$0x1B50]  }
0x125: {  	[tilespmem:s20+$0x250] =	vst v8;
	v8 =	vadd.f32 v11, v0;
	v11 =	vmul.f32 $1.131370830e+01, v12;
	v12 =	vld [tilespmem:s20+$0x1B60]  }
0x126: {  	[tilespmem:s20+$0x260] =	vst v9;
	v9 =	vadd.f32 v10, v7;
	v10 =	vmul.f32 $1.131370830e+01, v13;
	v13 =	vld [tilespmem:s20+$0x1B70]  }
0x127: {  	[tilespmem:s20+$0x270] =	vst v8;
	v8 =	vadd.f32 v11, v6;
	v11 =	vmul.f32 $1.131370830e+01, v14;
	v14 =	vld [tilespmem:s20+$0x3400]  }
0x128: {  	[tilespmem:s20+$0x1B00] =	vst v9;
	v9 =	vadd.f32 v10, v5;
	v10 =	vmul.f32 $1.131370830e+01, v15;
	v15 =	vld [tilespmem:s20+$0x3410]  }
0x129: {  	[tilespmem:s20+$0x1B10] =	vst v8;
	v8 =	vadd.f32 v11, v4;
	v11 =	vmul.f32 $1.131370830e+01, v16;
	v16 =	vld [tilespmem:s20+$0x3420]  }
0x12a: {  	[tilespmem:s20+$0x1B20] =	vst v9;
	v9 =	vadd.f32 v10, v3;
	v10 =	vmul.f32 $1.131370830e+01, v12;
	v12 =	vld [tilespmem:s20+$0x3430]  }
0x12b: {  	[tilespmem:s20+$0x1B30] =	vst v8;
	v8 =	vadd.f32 v11, v2;
	v11 =	vmul.f32 $1.131370830e+01, v13;
	v13 =	vld [tilespmem:s20+$0x3440]  }
0x12c: {  	[tilespmem:s20+$0x1B40] =	vst v9;
	v9 =	vadd.f32 v10, v1;
	v10 =	vmul.f32 $1.131370830e+01, v14;
	v14 =	vld [tilespmem:s20+$0x3450]  }
0x12d: {  	[tilespmem:s20+$0x1B50] =	vst v8;
	v8 =	vadd.f32 v11, v0;
	v11 =	vmul.f32 $1.131370830e+01, v15;
	v15 =	vld [tilespmem:s20+$0x3460]  }
0x12e: {  	[tilespmem:s20+$0x1B60] =	vst v9;
	v9 =	vadd.f32 v10, v7;
	v10 =	vmul.f32 $1.131370830e+01, v16;
	v16 =	vld [tilespmem:s20+$0x3470]  }
0x12f: {  	[tilespmem:s20+$0x1B70] =	vst v8;
	v8 =	vadd.f32 v11, v6;
	v11 =	vmul.f32 $1.131370830e+01, v12;
	v12 =	vld [tilespmem:s20+$0x4D00]  }
0x130: {  	[tilespmem:s20+$0x3400] =	vst v9;
	v9 =	vadd.f32 v10, v5;
	v10 =	vmul.f32 $1.131370830e+01, v13;
	v13 =	vld [tilespmem:s20+$0x4D10]  }
0x131: {  	[tilespmem:s20+$0x3410] =	vst v8;
	v8 =	vadd.f32 v11, v4;
	v11 =	vmul.f32 $1.131370830e+01, v14;
	v14 =	vld [tilespmem:s20+$0x4D20]  }
0x132: {  	[tilespmem:s20+$0x3420] =	vst v9;
	v9 =	vadd.f32 v10, v3;
	v10 =	vmul.f32 $1.131370830e+01, v15;
	v15 =	vld [tilespmem:s20+$0x4D30]  }
0x133: {  	[tilespmem:s20+$0x3430] =	vst v8;
	v8 =	vadd.f32 v11, v2;
	v11 =	vmul.f32 $1.131370830e+01, v16;
	v16 =	vld [tilespmem:s20+$0x4D40]  }
0x134: {  	[tilespmem:s20+$0x3440] =	vst v9;
	v9 =	vadd.f32 v10, v1;
	v10 =	vmul.f32 $1.131370830e+01, v12;
	v12 =	vld [tilespmem:s20+$0x4D50]  }
0x135: {  	[tilespmem:s20+$0x3450] =	vst v8;
	v8 =	vadd.f32 v11, v0;
	v11 =	vmul.f32 $1.131370830e+01, v13;
	v13 =	vld [tilespmem:s20+$0x4D60]  }
0x136: {  	[tilespmem:s20+$0x3460] =	vst v9;
	v9 =	vadd.f32 v10, v7;
	v10 =	vmul.f32 $1.131370830e+01, v14;
	v14 =	vld [tilespmem:s20+$0x4D70]  }
0x137: {  	[tilespmem:s20+$0x3470] =	vst v8;
	v8 =	vadd.f32 v11, v6;
	v11 =	vmul.f32 $1.131370830e+01, v15;
	v15 =	vld [tilespmem:s20+$0x6600]  }
0x138: {  	[tilespmem:s20+$0x4D00] =	vst v9;
	v9 =	vadd.f32 v10, v5;
	v10 =	vmul.f32 $1.131370830e+01, v16;
	v16 =	vld [tilespmem:s20+$0x6610]  }
0x139: {  	[tilespmem:s20+$0x4D10] =	vst v8;
	v8 =	vadd.f32 v11, v4;
	v11 =	vmul.f32 $1.131370830e+01, v12;
	v12 =	vld [tilespmem:s20+$0x6620]  }
0x13a: {  	[tilespmem:s20+$0x4D20] =	vst v9;
	v9 =	vadd.f32 v10, v3;
	v10 =	vmul.f32 $1.131370830e+01, v13;
	v13 =	vld [tilespmem:s20+$0x6630]  }
0x13b: {  	[tilespmem:s20+$0x4D30] =	vst v8;
	v8 =	vadd.f32 v11, v2;
	v11 =	vmul.f32 $1.131370830e+01, v14;
	v14 =	vld [tilespmem:s20+$0x6640]  }
0x13c: {  	[tilespmem:s20+$0x4D40] =	vst v9;
	v9 =	vadd.f32 v10, v1;
	v10 =	vmul.f32 $1.131370830e+01, v15;
	v15 =	vld [tilespmem:s20+$0x6650]  }
0x13d: {  	[tilespmem:s20+$0x4D50] =	vst v8;
	v8 =	vadd.f32 v11, v0;
	v11 =	vmul.f32 $1.131370830e+01, v16;
	v16 =	vld [tilespmem:s20+$0x6660]  }
0x13e: {  	[tilespmem:s20+$0x4D60] =	vst v9;
	v9 =	vadd.f32 v10, v7;
	v10 =	vmul.f32 $1.131370830e+01, v12;
	v12 =	vld [tilespmem:s20+$0x6670]  }
0x13f: {  	[tilespmem:s20+$0x4D70] =	vst v8;
	v8 =	vadd.f32 v11, v6;
	v11 =	vmul.f32 $1.131370830e+01, v13;
	v13 =	vld [tilespmem:s20+$0x7F00]  }
0x140: {  	[tilespmem:s20+$0x6600] =	vst v9;
	v9 =	vadd.f32 v10, v5;
	v10 =	vmul.f32 $1.131370830e+01, v14;
	v14 =	vld [tilespmem:s20+$0x7F10]  }
0x141: {  	[tilespmem:s20+$0x6610] =	vst v8;
	v8 =	vadd.f32 v11, v4;
	v11 =	vmul.f32 $1.131370830e+01, v15;
	v15 =	vld [tilespmem:s20+$0x7F20]  }
0x142: {  	[tilespmem:s20+$0x6620] =	vst v9;
	v9 =	vadd.f32 v10, v3;
	v10 =	vmul.f32 $1.131370830e+01, v16;
	v16 =	vld [tilespmem:s20+$0x7F30]  }
0x143: {  	[tilespmem:s20+$0x6630] =	vst v8;
	v8 =	vadd.f32 v11, v2;
	v11 =	vmul.f32 $1.131370830e+01, v12;
	v12 =	vld [tilespmem:s20+$0x7F40]  }
0x144: {  	[tilespmem:s20+$0x6640] =	vst v9;
	v9 =	vadd.f32 v10, v1;
	v10 =	vmul.f32 $1.131370830e+01, v13;
	v13 =	vld [tilespmem:s20+$0x7F50]  }
0x145: {  	[tilespmem:s20+$0x6650] =	vst v8;
	v8 =	vadd.f32 v11, v0;
	v11 =	vmul.f32 $1.131370830e+01, v14;
	v14 =	vld [tilespmem:s20+$0x7F60]  }
0x146: {  	[tilespmem:s20+$0x6660] =	vst v9;
	v9 =	vadd.f32 v10, v7;
	v10 =	vmul.f32 $1.131370830e+01, v15;
	v15 =	vld [tilespmem:s20+$0x7F70]  }
0x147: {  	[tilespmem:s20+$0x6670] =	vst v8;
	v8 =	vadd.f32 v11, v6;
	v11 =	vmul.f32 $1.131370830e+01, v16;
	v16 =	vld [tilespmem:s20+$0x9800]  }
0x148: {  	[tilespmem:s20+$0x7F00] =	vst v9;
	v9 =	vadd.f32 v10, v5;
	v10 =	vmul.f32 $1.131370830e+01, v12;
	v12 =	vld [tilespmem:s20+$0x9810]  }
0x149: {  	[tilespmem:s20+$0x7F10] =	vst v8;
	v8 =	vadd.f32 v11, v4;
	v11 =	vmul.f32 $1.131370830e+01, v13;
	v13 =	vld [tilespmem:s20+$0x9820]  }
0x14a: {  	[tilespmem:s20+$0x7F20] =	vst v9;
	v9 =	vadd.f32 v10, v3;
	v10 =	vmul.f32 $1.131370830e+01, v14;
	v14 =	vld [tilespmem:s20+$0x9830]  }
0x14b: {  	[tilespmem:s20+$0x7F30] =	vst v8;
	v8 =	vadd.f32 v11, v2;
	v11 =	vmul.f32 $1.131370830e+01, v15;
	v15 =	vld [tilespmem:s20+$0x9840]  }
0x14c: {  	[tilespmem:s20+$0x7F40] =	vst v9;
	v9 =	vadd.f32 v10, v1;
	v10 =	vmul.f32 $1.131370830e+01, v16;
	v16 =	vld [tilespmem:s20+$0x9850]  }
0x14d: {  	[tilespmem:s20+$0x7F50] =	vst v8;
	v8 =	vadd.f32 v11, v0;
	v11 =	vmul.f32 $1.131370830e+01, v12;
	v12 =	vld [tilespmem:s20+$0x9860]  }
0x14e: {  	[tilespmem:s20+$0x7F60] =	vst v9;
	v9 =	vadd.f32 v10, v7;
	v10 =	vmul.f32 $1.131370830e+01, v13;
	v13 =	vld [tilespmem:s20+$0x9870]  }
0x14f: {  	[tilespmem:s20+$0x7F70] =	vst v8;
	v8 =	vadd.f32 v11, v6;
	v11 =	vmul.f32 $1.131370830e+01, v14;
	v14 =	vld [tilespmem:s20+$0xB100]  }
0x150: {  	[tilespmem:s20+$0x9800] =	vst v9;
	v10 =	vadd.f32 v10, v5;
	v15 =	vmul.f32 $1.131370830e+01, v15;
	v17 =	vld [tilespmem:s20+$0xB110]  }
.Ltmp1:
0x151: {  	[tilespmem:s20+$0x9810] =	vst v8;
	v11 =	vadd.f32 v11, v4;
	v16 =	vmul.f32 $1.131370830e+01, v16;
	v9 =	vld [tilespmem:s20+$0xB120];
	(pc) =	sbr.rel @p0 .LBB2_4-.Ltmp1, $4  }
0x152: {  	[tilespmem:s20+$0x9820] =	vst v10;
	v15 =	vadd.f32 v15, v3;
	v12 =	vmul.f32 $1.131370830e+01, v12;
	v8 =	vld [tilespmem:s20+$0xB130]  }
0x153: {  	[tilespmem:s20+$0x9830] =	vst v11;
	v18 =	vadd.f32 v16, v2;
	v13 =	vmul.f32 $1.131370830e+01, v13;
	v10 =	vld [tilespmem:s20+$0xB140]  }
0x154: {  	[tilespmem:s20+$0x9840] =	vst v15;
	v15 =	vadd.f32 v12, v1;
	v16 =	vmul.f32 $1.131370830e+01, v14;
	v11 =	vld [tilespmem:s20+$0xB150]  }
0x155: {  	s21 =	sadd.s32 $0x200, s21;
	[tilespmem:s20+$0x9850] =	vst v18;
	v13 =	vadd.f32 v13, v0;
	v14 =	vmul.f32 $1.131370830e+01, v17;
	v12 =	vld [tilespmem:s20+$0xB160]  }
0x156: {  	[tilespmem:s20+$0x9860] =	vst v15;
	v7 =	vadd.f32 v16, v7;
	v9 =	vmul.f32 $1.131370830e+01, v9;
	v15 =	vld [tilespmem:s20+$0xB170]  }
0x157: {  	[tilespmem:s20+$0x9870] =	vst v13;
	v6 =	vadd.f32 v14, v6;
	v8 =	vmul.f32 $1.131370830e+01, v8  }
0x158: {  	[tilespmem:s20+$0xB100] =	vst v7;
	v5 =	vadd.f32 v9, v5;
	v7 =	vmul.f32 $1.131370830e+01, v10  }
0x159: {  	[tilespmem:s20+$0xB110] =	vst v6;
	v4 =	vadd.f32 v8, v4;
	v6 =	vmul.f32 $1.131370830e+01, v11  }
0x15a: {  	[tilespmem:s20+$0xB120] =	vst v5;
	v3 =	vadd.f32 v7, v3;
	v5 =	vmul.f32 $1.131370830e+01, v12  }
0x15b: {  	[tilespmem:s20+$0xB130] =	vst v4;
	v2 =	vadd.f32 v6, v2;
	v4 =	vmul.f32 $1.131370830e+01, v15  }
0x15c: {  	[tilespmem:s20+$0xB140] =	vst v3;
	v1 =	vadd.f32 v5, v1  }
0x15d: {  	[tilespmem:s20+$0xB150] =	vst v2;
	v0 =	vadd.f32 v4, v0  }
0x15e: {  	[tilespmem:s20+$0xB160] =	vst v1  }
0x15f: {  	s31 =	simm.s32 $0x0;
	[tilespmem:s20+$0xB170] =	vst v0  }
0x160: {  	[hbm4b:s8+s31] =	stream.linear.scatter [tilespmem:s17], [sflag:$0x2], $0xC800, $0x38;
	[tilespmem:$0xE600] =	vst v63  }
0x161: {  	_ =	swait.ge [sflag:s15], $0xC800  }
0x162: {  	[sflag:s15] =	ssyncset.done $0x0  }
0x163: {  	[sflag:s15] =	ssyncadd.s32 $0xFFFF3800  }
0x164: {  	[tilespmem:s31], [sflag:$0x2] =	stream.linear.gather [hbm4b:s9+s31], $0x190, $0x38;
	[tilespmem:$0xE600] =	vst v63  }
0x165: {  	_ =	swait.ge [sflag:s15], $0x190  }
0x166: {  	[sflag:s15] =	ssyncset.done $0x0  }
0x167: {  	[sflag:s15] =	ssyncadd.s32 $0xFFFFFE70  }
0x168: {  	[tilespmem:s17], [sflag:$0x1] =	stream.indirect.gather [hbm4b:s2+s16], $0x80, s31, s16, $0xb8;
	[tilespmem:$0xE600] =	vst v63  }
0x169: {  	_ =	swait.ge [sflag:s18], $0xC800  }
0x16a: {  	[sflag:s18] =	ssyncset.done $0x0  }
0x16b: {  	s20 =	simm.s32 $0x0;
	[sflag:s18] =	ssyncadd.s32 $0xFFFF3800  }
0x16c: {  	v7 =	vld [tilespmem:s20+$0xCA00]  }
0x16d: {  	v6 =	vld [tilespmem:s20+$0xCA10]  }
0x16e: {  	v5 =	vld [tilespmem:s20+$0xCA20]  }
0x16f: {  	v4 =	vld [tilespmem:s20+$0xCA30]  }
0x170: {  	v3 =	vld [tilespmem:s20+$0xCA40]  }
0x171: {  	v2 =	vld [tilespmem:s20+$0xCA50]  }
0x172: {  	v1 =	vld [tilespmem:s20+$0xCA60]  }
0x173: {  	v8 =	vld [tilespmem:s20+$0x200]  }
0x174: {  	v0 =	vld [tilespmem:s20+$0xCA70]  }
0x175: {  	v9 =	vld [tilespmem:s20+$0x210]  }
0x176: {  	v10 =	vld [tilespmem:s20+$0x220]  }
0x177: {  	v11 =	vld [tilespmem:s20+$0x230]  }
0x178: {  	v12 =	vld [tilespmem:s20+$0x240];
	v8 =	vmul.f32 $1.131370830e+01, v8  }
0x179: {  	v13 =	vld [tilespmem:s20+$0x250]  }
0x17a: {  	v14 =	vld [tilespmem:s20+$0x260];
	v9 =	vmul.f32 $1.131370830e+01, v9;
	v8 =	vadd.f32 v8, v7  }
0x17b: {  	v15 =	vld [tilespmem:s20+$0x270];
	v10 =	vmul.f32 $1.131370830e+01, v10  }
0x17c: {  	v11 =	vmul.f32 $1.131370830e+01, v11;
	v9 =	vadd.f32 v9, v6;
	[tilespmem:s20+$0x200] =	vst v8;
	v8 =	vld [tilespmem:s20+$0x1B10]  }
0x17d: {  	v16 =	vld [tilespmem:s20+$0x1B00];
	v12 =	vmul.f32 $1.131370830e+01, v12;
	v10 =	vadd.f32 v10, v5  }
0x17e: {  	v13 =	vmul.f32 $1.131370830e+01, v13;
	v11 =	vadd.f32 v11, v4;
	[tilespmem:s20+$0x210] =	vst v9;
	v9 =	vld [tilespmem:s20+$0x1B20]  }
0x17f: {  	v14 =	vmul.f32 $1.131370830e+01, v14;
	v12 =	vadd.f32 v12, v3;
	[tilespmem:s20+$0x220] =	vst v10;
	v10 =	vld [tilespmem:s20+$0x1B30]  }
0x180: {  	v15 =	vmul.f32 $1.131370830e+01, v15;
	v13 =	vadd.f32 v13, v2;
	[tilespmem:s20+$0x230] =	vst v11;
	v11 =	vld [tilespmem:s20+$0x1B40]  }
0x181: {  	v14 =	vadd.f32 v14, v1;
	[tilespmem:s20+$0x240] =	vst v12;
	v12 =	vld [tilespmem:s20+$0x1B50];
	v8 =	vmul.f32 $1.131370830e+01, v8  }
0x182: {  	v16 =	vmul.f32 $1.131370830e+01, v16;
	v15 =	vadd.f32 v15, v0;
	[tilespmem:s20+$0x250] =	vst v13;
	v13 =	vld [tilespmem:s20+$0x1B60]  }
0x183: {  	[tilespmem:s20+$0x260] =	vst v14;
	v14 =	vld [tilespmem:s20+$0x1B70];
	v9 =	vmul.f32 $1.131370830e+01, v9;
	v8 =	vadd.f32 v8, v6  }
0x184: {  	v16 =	vadd.f32 v16, v7;
	[tilespmem:s20+$0x270] =	vst v15;
	v15 =	vld [tilespmem:s20+$0x3400];
	v10 =	vmul.f32 $1.131370830e+01, v10  }
0x185: {  	v11 =	vmul.f32 $1.131370830e+01, v11;
	v9 =	vadd.f32 v9, v5;
	[tilespmem:s20+$0x1B10] =	vst v8;
	v8 =	vld [tilespmem:s20+$0x3420]  }
0x186: {  	[tilespmem:s20+$0x1B00] =	vst v16;
	v16 =	vld [tilespmem:s20+$0x3410];
	v12 =	vmul.f32 $1.131370830e+01, v12;
	v10 =	vadd.f32 v10, v4  }
0x187: {  	v13 =	vmul.f32 $1.131370830e+01, v13;
	v11 =	vadd.f32 v11, v3;
	[tilespmem:s20+$0x1B20] =	vst v9;
	v9 =	vld [tilespmem:s20+$0x3430]  }
0x188: {  	v14 =	vmul.f32 $1.131370830e+01, v14;
	v12 =	vadd.f32 v12, v2;
	[tilespmem:s20+$0x1B30] =	vst v10;
	v10 =	vld [tilespmem:s20+$0x3440]  }
0x189: {  	v15 =	vmul.f32 $1.131370830e+01, v15;
	v13 =	vadd.f32 v13, v1;
	[tilespmem:s20+$0x1B40] =	vst v11;
	v11 =	vld [tilespmem:s20+$0x3450]  }
0x18a: {  	v14 =	vadd.f32 v14, v0;
	[tilespmem:s20+$0x1B50] =	vst v12;
	v12 =	vld [tilespmem:s20+$0x3460];
	v8 =	vmul.f32 $1.131370830e+01, v8  }
0x18b: {  	v16 =	vmul.f32 $1.131370830e+01, v16;
	v15 =	vadd.f32 v15, v7;
	[tilespmem:s20+$0x1B60] =	vst v13;
	v13 =	vld [tilespmem:s20+$0x3470]  }
0x18c: {  	[tilespmem:s20+$0x1B70] =	vst v14;
	v14 =	vld [tilespmem:s20+$0x4D00];
	v9 =	vmul.f32 $1.131370830e+01, v9;
	v8 =	vadd.f32 v8, v5  }
0x18d: {  	v16 =	vadd.f32 v16, v6;
	[tilespmem:s20+$0x3400] =	vst v15;
	v15 =	vld [tilespmem:s20+$0x4D10];
	v10 =	vmul.f32 $1.131370830e+01, v10  }
0x18e: {  	v11 =	vmul.f32 $1.131370830e+01, v11;
	v9 =	vadd.f32 v9, v4;
	[tilespmem:s20+$0x3420] =	vst v8;
	v8 =	vld [tilespmem:s20+$0x4D30]  }
0x18f: {  	[tilespmem:s20+$0x3410] =	vst v16;
	v16 =	vld [tilespmem:s20+$0x4D20];
	v12 =	vmul.f32 $1.131370830e+01, v12;
	v10 =	vadd.f32 v10, v3  }
0x190: {  	v13 =	vmul.f32 $1.131370830e+01, v13;
	v11 =	vadd.f32 v11, v2;
	[tilespmem:s20+$0x3430] =	vst v9;
	v9 =	vld [tilespmem:s20+$0x4D40]  }
0x191: {  	v14 =	vmul.f32 $1.131370830e+01, v14;
	v12 =	vadd.f32 v12, v1;
	[tilespmem:s20+$0x3440] =	vst v10;
	v10 =	vld [tilespmem:s20+$0x4D50]  }
0x192: {  	v15 =	vmul.f32 $1.131370830e+01, v15;
	v13 =	vadd.f32 v13, v0;
	[tilespmem:s20+$0x3450] =	vst v11;
	v11 =	vld [tilespmem:s20+$0x4D60]  }
0x193: {  	v14 =	vadd.f32 v14, v7;
	[tilespmem:s20+$0x3460] =	vst v12;
	v12 =	vld [tilespmem:s20+$0x4D70];
	v8 =	vmul.f32 $1.131370830e+01, v8  }
0x194: {  	v16 =	vmul.f32 $1.131370830e+01, v16;
	v15 =	vadd.f32 v15, v6;
	[tilespmem:s20+$0x3470] =	vst v13;
	v13 =	vld [tilespmem:s20+$0x6600]  }
0x195: {  	[tilespmem:s20+$0x4D00] =	vst v14;
	v14 =	vld [tilespmem:s20+$0x6610];
	v9 =	vmul.f32 $1.131370830e+01, v9;
	v8 =	vadd.f32 v8, v4  }
0x196: {  	v16 =	vadd.f32 v16, v5;
	[tilespmem:s20+$0x4D10] =	vst v15;
	v15 =	vld [tilespmem:s20+$0x6620];
	v10 =	vmul.f32 $1.131370830e+01, v10  }
0x197: {  	v11 =	vmul.f32 $1.131370830e+01, v11;
	v9 =	vadd.f32 v9, v3;
	[tilespmem:s20+$0x4D30] =	vst v8;
	v8 =	vld [tilespmem:s20+$0x6640]  }
0x198: {  	[tilespmem:s20+$0x4D20] =	vst v16;
	v16 =	vld [tilespmem:s20+$0x6630];
	v12 =	vmul.f32 $1.131370830e+01, v12;
	v10 =	vadd.f32 v10, v2  }
0x199: {  	v13 =	vmul.f32 $1.131370830e+01, v13;
	v11 =	vadd.f32 v11, v1;
	[tilespmem:s20+$0x4D40] =	vst v9;
	v9 =	vld [tilespmem:s20+$0x6650]  }
0x19a: {  	v14 =	vmul.f32 $1.131370830e+01, v14;
	v12 =	vadd.f32 v12, v0;
	[tilespmem:s20+$0x4D50] =	vst v10;
	v10 =	vld [tilespmem:s20+$0x6660]  }
0x19b: {  	v15 =	vmul.f32 $1.131370830e+01, v15;
	v13 =	vadd.f32 v13, v7;
	[tilespmem:s20+$0x4D60] =	vst v11;
	v11 =	vld [tilespmem:s20+$0x6670]  }
0x19c: {  	v14 =	vadd.f32 v14, v6;
	[tilespmem:s20+$0x4D70] =	vst v12;
	v12 =	vld [tilespmem:s20+$0x7F00];
	v8 =	vmul.f32 $1.131370830e+01, v8  }
0x19d: {  	v16 =	vmul.f32 $1.131370830e+01, v16;
	v15 =	vadd.f32 v15, v5;
	[tilespmem:s20+$0x6600] =	vst v13;
	v13 =	vld [tilespmem:s20+$0x7F10]  }
0x19e: {  	[tilespmem:s20+$0x6610] =	vst v14;
	v14 =	vld [tilespmem:s20+$0x7F20];
	v9 =	vmul.f32 $1.131370830e+01, v9;
	v8 =	vadd.f32 v8, v3  }
0x19f: {  	v16 =	vadd.f32 v16, v4;
	[tilespmem:s20+$0x6620] =	vst v15;
	v15 =	vld [tilespmem:s20+$0x7F30];
	v10 =	vmul.f32 $1.131370830e+01, v10  }
0x1a0: {  	v11 =	vmul.f32 $1.131370830e+01, v11;
	v9 =	vadd.f32 v9, v2;
	[tilespmem:s20+$0x6640] =	vst v8;
	v8 =	vld [tilespmem:s20+$0x7F50]  }
0x1a1: {  	[tilespmem:s20+$0x6630] =	vst v16;
	v16 =	vld [tilespmem:s20+$0x7F40];
	v12 =	vmul.f32 $1.131370830e+01, v12;
	v10 =	vadd.f32 v10, v1  }
0x1a2: {  	v13 =	vmul.f32 $1.131370830e+01, v13;
	v11 =	vadd.f32 v11, v0;
	[tilespmem:s20+$0x6650] =	vst v9;
	v9 =	vld [tilespmem:s20+$0x7F60]  }
0x1a3: {  	v14 =	vmul.f32 $1.131370830e+01, v14;
	v12 =	vadd.f32 v12, v7;
	[tilespmem:s20+$0x6660] =	vst v10;
	v10 =	vld [tilespmem:s20+$0x7F70]  }
0x1a4: {  	v15 =	vmul.f32 $1.131370830e+01, v15;
	v13 =	vadd.f32 v13, v6;
	[tilespmem:s20+$0x6670] =	vst v11;
	v11 =	vld [tilespmem:s20+$0x9800]  }
0x1a5: {  	v14 =	vadd.f32 v14, v5;
	[tilespmem:s20+$0x7F00] =	vst v12;
	v8 =	vmul.f32 $1.131370830e+01, v8  }
0x1a6: {  	v16 =	vmul.f32 $1.131370830e+01, v16;
	v15 =	vadd.f32 v15, v4;
	v12 =	vld [tilespmem:s20+$0x9810];
	[tilespmem:s20+$0x7F10] =	vst v13  }
0x1a7: {  	v13 =	vld [tilespmem:s20+$0x9820];
	[tilespmem:s20+$0x7F20] =	vst v14;
	v9 =	vmul.f32 $1.131370830e+01, v9;
	v8 =	vadd.f32 v8, v2  }
0x1a8: {  	v16 =	vadd.f32 v16, v3;
	v14 =	vld [tilespmem:s20+$0x9830];
	[tilespmem:s20+$0x7F30] =	vst v15;
	v10 =	vmul.f32 $1.131370830e+01, v10  }
0x1a9: {  	v15 =	vld [tilespmem:s20+$0x9840];
	v9 =	vadd.f32 v9, v1;
	[tilespmem:s20+$0x7F50] =	vst v8;
	v8 =	vmul.f32 $1.131370830e+01, v11  }
0x1aa: {  	[tilespmem:s20+$0x7F40] =	vst v16;
	v16 =	vld [tilespmem:s20+$0x9850];
	v10 =	vadd.f32 v10, v0  }
0x1ab: {  	[tilespmem:s20+$0x7F60] =	vst v9;
	v9 =	vmul.f32 $1.131370830e+01, v12;
	v8 =	vadd.f32 v8, v7  }
0x1ac: {  	v17 =	vld [tilespmem:s20+$0x9860];
	[tilespmem:s20+$0x7F70] =	vst v10;
	v10 =	vmul.f32 $1.131370830e+01, v13  }
0x1ad: {  	v11 =	vld [tilespmem:s20+$0x9870];
	v9 =	vadd.f32 v9, v6;
	[tilespmem:s20+$0x9800] =	vst v8;
	v8 =	vmul.f32 $1.131370830e+01, v14  }
0x1ae: {  	v12 =	vld [tilespmem:s20+$0xB100];
	v13 =	vmul.f32 $1.131370830e+01, v15;
	v10 =	vadd.f32 v10, v5  }
0x1af: {  	v18 =	vld [tilespmem:s20+$0xB110];
	v15 =	vmul.f32 $1.131370830e+01, v16;
	[tilespmem:s20+$0x9810] =	vst v9;
	v14 =	vadd.f32 v8, v4  }
0x1b0: {  	v13 =	vadd.f32 v13, v3;
	v9 =	vld [tilespmem:s20+$0xB120];
	[tilespmem:s20+$0x9820] =	vst v10  }
0x1b1: {  	v16 =	vadd.f32 v15, v2;
	v8 =	vld [tilespmem:s20+$0xB130];
	[tilespmem:s20+$0x9830] =	vst v14;
	v14 =	vmul.f32 $1.131370830e+01, v17  }
0x1b2: {  	v10 =	vld [tilespmem:s20+$0xB140];
	[tilespmem:s20+$0x9840] =	vst v13;
	v13 =	vmul.f32 $1.131370830e+01, v11  }
0x1b3: {  	[tilespmem:s20+$0x9850] =	vst v16;
	v11 =	vld [tilespmem:s20+$0xB150];
	v16 =	vmul.f32 $1.131370830e+01, v12;
	v15 =	vadd.f32 v14, v1  }
0x1b4: {  	s21 =	simm.s32 $0x200;
	v12 =	vld [tilespmem:s20+$0xB160];
	v13 =	vadd.f32 v13, v0;
	v14 =	vmul.f32 $1.131370830e+01, v18  }
.LBB2_6:
0x1b5: {  	s22 =	sshra.s32 s21, $0x2;
	p0 =	sne.s32 s21, $0x6200;
	[tilespmem:s20+$0x9860] =	vst v15;
	v15 =	vadd.f32 v16, v7;
	v9 =	vmul.f32 $1.131370830e+01, v9;
	v16 =	vld [tilespmem:s20+$0xB170]  }
0x1b6: {  	v7 =	vld [tilespmem:s22+$0xCA00];
	[tilespmem:s20+$0x9870] =	vst v13;
	v13 =	vadd.f32 v14, v6;
	v8 =	vmul.f32 $1.131370830e+01, v8  }
0x1b7: {  	v6 =	vld [tilespmem:s22+$0xCA10];
	[tilespmem:s20+$0xB100] =	vst v15;
	v9 =	vadd.f32 v9, v5;
	v10 =	vmul.f32 $1.131370830e+01, v10  }
0x1b8: {  	v5 =	vld [tilespmem:s22+$0xCA20];
	[tilespmem:s20+$0xB110] =	vst v13;
	v8 =	vadd.f32 v8, v4;
	v11 =	vmul.f32 $1.131370830e+01, v11  }
0x1b9: {  	v4 =	vld [tilespmem:s22+$0xCA30];
	[tilespmem:s20+$0xB120] =	vst v9;
	v9 =	vadd.f32 v10, v3;
	v10 =	vmul.f32 $1.131370830e+01, v12  }
0x1ba: {  	v3 =	vld [tilespmem:s22+$0xCA40];
	[tilespmem:s20+$0xB130] =	vst v8;
	v8 =	vadd.f32 v11, v2;
	v11 =	vmul.f32 $1.131370830e+01, v16  }
0x1bb: {  	v2 =	vld [tilespmem:s22+$0xCA50];
	[tilespmem:s20+$0xB140] =	vst v9;
	v9 =	vadd.f32 v10, v1  }
0x1bc: {  	v1 =	vld [tilespmem:s22+$0xCA60];
	[tilespmem:s20+$0xB150] =	vst v8;
	v8 =	vadd.f32 v11, v0  }
0x1bd: {  	v0 =	vld [tilespmem:s22+$0xCA70];
	[tilespmem:s20+$0xB160] =	vst v9  }
0x1be: {  	v9 =	vld [tilespmem:s22+$0x200];
	[tilespmem:s20+$0xB170] =	vst v8;
	s20 =	smov.u32 s22  }
0x1bf: {  	v8 =	vld [tilespmem:s20+$0x210]  }
0x1c0: {  	v10 =	vld [tilespmem:s20+$0x220]  }
0x1c1: {  	v11 =	vld [tilespmem:s20+$0x230]  }
0x1c2: {  	v12 =	vld [tilespmem:s20+$0x240]  }
0x1c3: {  	v9 =	vmul.f32 $1.131370830e+01, v9;
	v13 =	vld [tilespmem:s20+$0x250]  }
0x1c4: {  	v8 =	vmul.f32 $1.131370830e+01, v8;
	v14 =	vld [tilespmem:s20+$0x260]  }
0x1c5: {  	v9 =	vadd.f32 v9, v7;
	v10 =	vmul.f32 $1.131370830e+01, v10;
	v15 =	vld [tilespmem:s20+$0x270]  }
0x1c6: {  	v8 =	vadd.f32 v8, v6;
	v11 =	vmul.f32 $1.131370830e+01, v11;
	v16 =	vld [tilespmem:s20+$0x1B00]  }
0x1c7: {  	[tilespmem:s20+$0x200] =	vst v9;
	v9 =	vadd.f32 v10, v5;
	v10 =	vmul.f32 $1.131370830e+01, v12;
	v12 =	vld [tilespmem:s20+$0x1B10]  }
0x1c8: {  	[tilespmem:s20+$0x210] =	vst v8;
	v8 =	vadd.f32 v11, v4;
	v11 =	vmul.f32 $1.131370830e+01, v13;
	v13 =	vld [tilespmem:s20+$0x1B20]  }
0x1c9: {  	[tilespmem:s20+$0x220] =	vst v9;
	v9 =	vadd.f32 v10, v3;
	v10 =	vmul.f32 $1.131370830e+01, v14;
	v14 =	vld [tilespmem:s20+$0x1B30]  }
0x1ca: {  	[tilespmem:s20+$0x230] =	vst v8;
	v8 =	vadd.f32 v11, v2;
	v11 =	vmul.f32 $1.131370830e+01, v15;
	v15 =	vld [tilespmem:s20+$0x1B40]  }
0x1cb: {  	[tilespmem:s20+$0x240] =	vst v9;
	v9 =	vadd.f32 v10, v1;
	v10 =	vmul.f32 $1.131370830e+01, v16;
	v16 =	vld [tilespmem:s20+$0x1B50]  }
0x1cc: {  	[tilespmem:s20+$0x250] =	vst v8;
	v8 =	vadd.f32 v11, v0;
	v11 =	vmul.f32 $1.131370830e+01, v12;
	v12 =	vld [tilespmem:s20+$0x1B60]  }
0x1cd: {  	[tilespmem:s20+$0x260] =	vst v9;
	v9 =	vadd.f32 v10, v7;
	v10 =	vmul.f32 $1.131370830e+01, v13;
	v13 =	vld [tilespmem:s20+$0x1B70]  }
0x1ce: {  	[tilespmem:s20+$0x270] =	vst v8;
	v8 =	vadd.f32 v11, v6;
	v11 =	vmul.f32 $1.131370830e+01, v14;
	v14 =	vld [tilespmem:s20+$0x3400]  }
0x1cf: {  	[tilespmem:s20+$0x1B00] =	vst v9;
	v9 =	vadd.f32 v10, v5;
	v10 =	vmul.f32 $1.131370830e+01, v15;
	v15 =	vld [tilespmem:s20+$0x3410]  }
0x1d0: {  	[tilespmem:s20+$0x1B10] =	vst v8;
	v8 =	vadd.f32 v11, v4;
	v11 =	vmul.f32 $1.131370830e+01, v16;
	v16 =	vld [tilespmem:s20+$0x3420]  }
0x1d1: {  	[tilespmem:s20+$0x1B20] =	vst v9;
	v9 =	vadd.f32 v10, v3;
	v10 =	vmul.f32 $1.131370830e+01, v12;
	v12 =	vld [tilespmem:s20+$0x3430]  }
0x1d2: {  	[tilespmem:s20+$0x1B30] =	vst v8;
	v8 =	vadd.f32 v11, v2;
	v11 =	vmul.f32 $1.131370830e+01, v13;
	v13 =	vld [tilespmem:s20+$0x3440]  }
0x1d3: {  	[tilespmem:s20+$0x1B40] =	vst v9;
	v9 =	vadd.f32 v10, v1;
	v10 =	vmul.f32 $1.131370830e+01, v14;
	v14 =	vld [tilespmem:s20+$0x3450]  }
0x1d4: {  	[tilespmem:s20+$0x1B50] =	vst v8;
	v8 =	vadd.f32 v11, v0;
	v11 =	vmul.f32 $1.131370830e+01, v15;
	v15 =	vld [tilespmem:s20+$0x3460]  }
0x1d5: {  	[tilespmem:s20+$0x1B60] =	vst v9;
	v9 =	vadd.f32 v10, v7;
	v10 =	vmul.f32 $1.131370830e+01, v16;
	v16 =	vld [tilespmem:s20+$0x3470]  }
0x1d6: {  	[tilespmem:s20+$0x1B70] =	vst v8;
	v8 =	vadd.f32 v11, v6;
	v11 =	vmul.f32 $1.131370830e+01, v12;
	v12 =	vld [tilespmem:s20+$0x4D00]  }
0x1d7: {  	[tilespmem:s20+$0x3400] =	vst v9;
	v9 =	vadd.f32 v10, v5;
	v10 =	vmul.f32 $1.131370830e+01, v13;
	v13 =	vld [tilespmem:s20+$0x4D10]  }
0x1d8: {  	[tilespmem:s20+$0x3410] =	vst v8;
	v8 =	vadd.f32 v11, v4;
	v11 =	vmul.f32 $1.131370830e+01, v14;
	v14 =	vld [tilespmem:s20+$0x4D20]  }
0x1d9: {  	[tilespmem:s20+$0x3420] =	vst v9;
	v9 =	vadd.f32 v10, v3;
	v10 =	vmul.f32 $1.131370830e+01, v15;
	v15 =	vld [tilespmem:s20+$0x4D30]  }
0x1da: {  	[tilespmem:s20+$0x3430] =	vst v8;
	v8 =	vadd.f32 v11, v2;
	v11 =	vmul.f32 $1.131370830e+01, v16;
	v16 =	vld [tilespmem:s20+$0x4D40]  }
0x1db: {  	[tilespmem:s20+$0x3440] =	vst v9;
	v9 =	vadd.f32 v10, v1;
	v10 =	vmul.f32 $1.131370830e+01, v12;
	v12 =	vld [tilespmem:s20+$0x4D50]  }
0x1dc: {  	[tilespmem:s20+$0x3450] =	vst v8;
	v8 =	vadd.f32 v11, v0;
	v11 =	vmul.f32 $1.131370830e+01, v13;
	v13 =	vld [tilespmem:s20+$0x4D60]  }
0x1dd: {  	[tilespmem:s20+$0x3460] =	vst v9;
	v9 =	vadd.f32 v10, v7;
	v10 =	vmul.f32 $1.131370830e+01, v14;
	v14 =	vld [tilespmem:s20+$0x4D70]  }
0x1de: {  	[tilespmem:s20+$0x3470] =	vst v8;
	v8 =	vadd.f32 v11, v6;
	v11 =	vmul.f32 $1.131370830e+01, v15;
	v15 =	vld [tilespmem:s20+$0x6600]  }
0x1df: {  	[tilespmem:s20+$0x4D00] =	vst v9;
	v9 =	vadd.f32 v10, v5;
	v10 =	vmul.f32 $1.131370830e+01, v16;
	v16 =	vld [tilespmem:s20+$0x6610]  }
0x1e0: {  	[tilespmem:s20+$0x4D10] =	vst v8;
	v8 =	vadd.f32 v11, v4;
	v11 =	vmul.f32 $1.131370830e+01, v12;
	v12 =	vld [tilespmem:s20+$0x6620]  }
0x1e1: {  	[tilespmem:s20+$0x4D20] =	vst v9;
	v9 =	vadd.f32 v10, v3;
	v10 =	vmul.f32 $1.131370830e+01, v13;
	v13 =	vld [tilespmem:s20+$0x6630]  }
0x1e2: {  	[tilespmem:s20+$0x4D30] =	vst v8;
	v8 =	vadd.f32 v11, v2;
	v11 =	vmul.f32 $1.131370830e+01, v14;
	v14 =	vld [tilespmem:s20+$0x6640]  }
0x1e3: {  	[tilespmem:s20+$0x4D40] =	vst v9;
	v9 =	vadd.f32 v10, v1;
	v10 =	vmul.f32 $1.131370830e+01, v15;
	v15 =	vld [tilespmem:s20+$0x6650]  }
0x1e4: {  	[tilespmem:s20+$0x4D50] =	vst v8;
	v8 =	vadd.f32 v11, v0;
	v11 =	vmul.f32 $1.131370830e+01, v16;
	v16 =	vld [tilespmem:s20+$0x6660]  }
0x1e5: {  	[tilespmem:s20+$0x4D60] =	vst v9;
	v9 =	vadd.f32 v10, v7;
	v10 =	vmul.f32 $1.131370830e+01, v12;
	v12 =	vld [tilespmem:s20+$0x6670]  }
0x1e6: {  	[tilespmem:s20+$0x4D70] =	vst v8;
	v8 =	vadd.f32 v11, v6;
	v11 =	vmul.f32 $1.131370830e+01, v13;
	v13 =	vld [tilespmem:s20+$0x7F00]  }
0x1e7: {  	[tilespmem:s20+$0x6600] =	vst v9;
	v9 =	vadd.f32 v10, v5;
	v10 =	vmul.f32 $1.131370830e+01, v14;
	v14 =	vld [tilespmem:s20+$0x7F10]  }
0x1e8: {  	[tilespmem:s20+$0x6610] =	vst v8;
	v8 =	vadd.f32 v11, v4;
	v11 =	vmul.f32 $1.131370830e+01, v15;
	v15 =	vld [tilespmem:s20+$0x7F20]  }
0x1e9: {  	[tilespmem:s20+$0x6620] =	vst v9;
	v9 =	vadd.f32 v10, v3;
	v10 =	vmul.f32 $1.131370830e+01, v16;
	v16 =	vld [tilespmem:s20+$0x7F30]  }
0x1ea: {  	[tilespmem:s20+$0x6630] =	vst v8;
	v8 =	vadd.f32 v11, v2;
	v11 =	vmul.f32 $1.131370830e+01, v12;
	v12 =	vld [tilespmem:s20+$0x7F40]  }
0x1eb: {  	[tilespmem:s20+$0x6640] =	vst v9;
	v9 =	vadd.f32 v10, v1;
	v10 =	vmul.f32 $1.131370830e+01, v13;
	v13 =	vld [tilespmem:s20+$0x7F50]  }
0x1ec: {  	[tilespmem:s20+$0x6650] =	vst v8;
	v8 =	vadd.f32 v11, v0;
	v11 =	vmul.f32 $1.131370830e+01, v14;
	v14 =	vld [tilespmem:s20+$0x7F60]  }
0x1ed: {  	[tilespmem:s20+$0x6660] =	vst v9;
	v9 =	vadd.f32 v10, v7;
	v10 =	vmul.f32 $1.131370830e+01, v15;
	v15 =	vld [tilespmem:s20+$0x7F70]  }
0x1ee: {  	[tilespmem:s20+$0x6670] =	vst v8;
	v8 =	vadd.f32 v11, v6;
	v11 =	vmul.f32 $1.131370830e+01, v16;
	v16 =	vld [tilespmem:s20+$0x9800]  }
0x1ef: {  	[tilespmem:s20+$0x7F00] =	vst v9;
	v9 =	vadd.f32 v10, v5;
	v10 =	vmul.f32 $1.131370830e+01, v12;
	v12 =	vld [tilespmem:s20+$0x9810]  }
0x1f0: {  	[tilespmem:s20+$0x7F10] =	vst v8;
	v8 =	vadd.f32 v11, v4;
	v11 =	vmul.f32 $1.131370830e+01, v13;
	v13 =	vld [tilespmem:s20+$0x9820]  }
0x1f1: {  	[tilespmem:s20+$0x7F20] =	vst v9;
	v9 =	vadd.f32 v10, v3;
	v10 =	vmul.f32 $1.131370830e+01, v14;
	v14 =	vld [tilespmem:s20+$0x9830]  }
0x1f2: {  	[tilespmem:s20+$0x7F30] =	vst v8;
	v8 =	vadd.f32 v11, v2;
	v11 =	vmul.f32 $1.131370830e+01, v15;
	v15 =	vld [tilespmem:s20+$0x9840]  }
0x1f3: {  	[tilespmem:s20+$0x7F40] =	vst v9;
	v9 =	vadd.f32 v10, v1;
	v10 =	vmul.f32 $1.131370830e+01, v16;
	v16 =	vld [tilespmem:s20+$0x9850]  }
0x1f4: {  	[tilespmem:s20+$0x7F50] =	vst v8;
	v8 =	vadd.f32 v11, v0;
	v11 =	vmul.f32 $1.131370830e+01, v12;
	v12 =	vld [tilespmem:s20+$0x9860]  }
0x1f5: {  	[tilespmem:s20+$0x7F60] =	vst v9;
	v9 =	vadd.f32 v10, v7;
	v10 =	vmul.f32 $1.131370830e+01, v13;
	v13 =	vld [tilespmem:s20+$0x9870]  }
0x1f6: {  	[tilespmem:s20+$0x7F70] =	vst v8;
	v8 =	vadd.f32 v11, v6;
	v11 =	vmul.f32 $1.131370830e+01, v14;
	v14 =	vld [tilespmem:s20+$0xB100]  }
0x1f7: {  	[tilespmem:s20+$0x9800] =	vst v9;
	v10 =	vadd.f32 v10, v5;
	v15 =	vmul.f32 $1.131370830e+01, v15;
	v17 =	vld [tilespmem:s20+$0xB110]  }
.Ltmp2:
0x1f8: {  	[tilespmem:s20+$0x9810] =	vst v8;
	v11 =	vadd.f32 v11, v4;
	v16 =	vmul.f32 $1.131370830e+01, v16;
	v9 =	vld [tilespmem:s20+$0xB120];
	(pc) =	sbr.rel @p0 .LBB2_6-.Ltmp2, $4  }
0x1f9: {  	[tilespmem:s20+$0x9820] =	vst v10;
	v15 =	vadd.f32 v15, v3;
	v12 =	vmul.f32 $1.131370830e+01, v12;
	v8 =	vld [tilespmem:s20+$0xB130]  }
0x1fa: {  	[tilespmem:s20+$0x9830] =	vst v11;
	v18 =	vadd.f32 v16, v2;
	v13 =	vmul.f32 $1.131370830e+01, v13;
	v10 =	vld [tilespmem:s20+$0xB140]  }
0x1fb: {  	[tilespmem:s20+$0x9840] =	vst v15;
	v15 =	vadd.f32 v12, v1;
	v16 =	vmul.f32 $1.131370830e+01, v14;
	v11 =	vld [tilespmem:s20+$0xB150]  }
0x1fc: {  	s21 =	sadd.s32 $0x200, s21;
	[tilespmem:s20+$0x9850] =	vst v18;
	v13 =	vadd.f32 v13, v0;
	v14 =	vmul.f32 $1.131370830e+01, v17;
	v12 =	vld [tilespmem:s20+$0xB160]  }
0x1fd: {  	[tilespmem:s20+$0x9860] =	vst v15;
	v7 =	vadd.f32 v16, v7;
	v9 =	vmul.f32 $1.131370830e+01, v9;
	v15 =	vld [tilespmem:s20+$0xB170]  }
0x1fe: {  	[tilespmem:s20+$0x9870] =	vst v13;
	v6 =	vadd.f32 v14, v6;
	v8 =	vmul.f32 $1.131370830e+01, v8  }
0x1ff: {  	[tilespmem:s20+$0xB100] =	vst v7;
	v5 =	vadd.f32 v9, v5;
	v7 =	vmul.f32 $1.131370830e+01, v10  }
0x200: {  	[tilespmem:s20+$0xB110] =	vst v6;
	v4 =	vadd.f32 v8, v4;
	v6 =	vmul.f32 $1.131370830e+01, v11  }
0x201: {  	[tilespmem:s20+$0xB120] =	vst v5;
	v3 =	vadd.f32 v7, v3;
	v5 =	vmul.f32 $1.131370830e+01, v12  }
0x202: {  	[tilespmem:s20+$0xB130] =	vst v4;
	v2 =	vadd.f32 v6, v2;
	v4 =	vmul.f32 $1.131370830e+01, v15  }
0x203: {  	[tilespmem:s20+$0xB140] =	vst v3;
	v1 =	vadd.f32 v5, v1  }
0x204: {  	[tilespmem:s20+$0xB150] =	vst v2;
	v0 =	vadd.f32 v4, v0  }
0x205: {  	[tilespmem:s20+$0xB160] =	vst v1  }
0x206: {  	s31 =	simm.s32 $0x0;
	[tilespmem:s20+$0xB170] =	vst v0  }
0x207: {  	[hbm4b:s10+s31] =	stream.linear.scatter [tilespmem:s17], [sflag:$0x2], $0xC800, $0x38;
	[tilespmem:$0xE600] =	vst v63  }
0x208: {  	_ =	swait.ge [sflag:s15], $0xC800  }
0x209: {  	[sflag:s15] =	ssyncset.done $0x0  }
0x20a: {  	[sflag:s15] =	ssyncadd.s32 $0xFFFF3800  }
0x20b: {  	[tilespmem:s31], [sflag:$0x2] =	stream.linear.gather [hbm4b:s11+s31], $0x190, $0x38;
	[tilespmem:$0xE600] =	vst v63  }
0x20c: {  	_ =	swait.ge [sflag:s15], $0x190  }
0x20d: {  	[sflag:s15] =	ssyncset.done $0x0  }
0x20e: {  	[sflag:s15] =	ssyncadd.s32 $0xFFFFFE70  }
0x20f: {  	[tilespmem:s17], [sflag:$0x1] =	stream.indirect.gather [hbm4b:s2+s16], $0x80, s31, s16, $0xb8;
	[tilespmem:$0xE600] =	vst v63  }
0x210: {  	_ =	swait.ge [sflag:s18], $0xC800  }
0x211: {  	[sflag:s18] =	ssyncset.done $0x0  }
0x212: {  	s20 =	simm.s32 $0x0;
	[sflag:s18] =	ssyncadd.s32 $0xFFFF3800  }
0x213: {  	v7 =	vld [tilespmem:s20+$0xCA00]  }
0x214: {  	v6 =	vld [tilespmem:s20+$0xCA10]  }
0x215: {  	v5 =	vld [tilespmem:s20+$0xCA20]  }
0x216: {  	v4 =	vld [tilespmem:s20+$0xCA30]  }
0x217: {  	v3 =	vld [tilespmem:s20+$0xCA40]  }
0x218: {  	v2 =	vld [tilespmem:s20+$0xCA50]  }
0x219: {  	v1 =	vld [tilespmem:s20+$0xCA60]  }
0x21a: {  	v8 =	vld [tilespmem:s20+$0x200]  }
0x21b: {  	v0 =	vld [tilespmem:s20+$0xCA70]  }
0x21c: {  	v9 =	vld [tilespmem:s20+$0x210]  }
0x21d: {  	v10 =	vld [tilespmem:s20+$0x220]  }
0x21e: {  	v11 =	vld [tilespmem:s20+$0x230]  }
0x21f: {  	v12 =	vld [tilespmem:s20+$0x240];
	v8 =	vmul.f32 $1.131370830e+01, v8  }
0x220: {  	v13 =	vld [tilespmem:s20+$0x250]  }
0x221: {  	v14 =	vld [tilespmem:s20+$0x260];
	v9 =	vmul.f32 $1.131370830e+01, v9;
	v8 =	vadd.f32 v8, v7  }
0x222: {  	v15 =	vld [tilespmem:s20+$0x270];
	v10 =	vmul.f32 $1.131370830e+01, v10  }
0x223: {  	v11 =	vmul.f32 $1.131370830e+01, v11;
	v9 =	vadd.f32 v9, v6;
	[tilespmem:s20+$0x200] =	vst v8;
	v8 =	vld [tilespmem:s20+$0x1B10]  }
0x224: {  	v16 =	vld [tilespmem:s20+$0x1B00];
	v12 =	vmul.f32 $1.131370830e+01, v12;
	v10 =	vadd.f32 v10, v5  }
0x225: {  	v13 =	vmul.f32 $1.131370830e+01, v13;
	v11 =	vadd.f32 v11, v4;
	[tilespmem:s20+$0x210] =	vst v9;
	v9 =	vld [tilespmem:s20+$0x1B20]  }
0x226: {  	v14 =	vmul.f32 $1.131370830e+01, v14;
	v12 =	vadd.f32 v12, v3;
	[tilespmem:s20+$0x220] =	vst v10;
	v10 =	vld [tilespmem:s20+$0x1B30]  }
0x227: {  	v15 =	vmul.f32 $1.131370830e+01, v15;
	v13 =	vadd.f32 v13, v2;
	[tilespmem:s20+$0x230] =	vst v11;
	v11 =	vld [tilespmem:s20+$0x1B40]  }
0x228: {  	v14 =	vadd.f32 v14, v1;
	[tilespmem:s20+$0x240] =	vst v12;
	v12 =	vld [tilespmem:s20+$0x1B50];
	v8 =	vmul.f32 $1.131370830e+01, v8  }
0x229: {  	v16 =	vmul.f32 $1.131370830e+01, v16;
	v15 =	vadd.f32 v15, v0;
	[tilespmem:s20+$0x250] =	vst v13;
	v13 =	vld [tilespmem:s20+$0x1B60]  }
0x22a: {  	[tilespmem:s20+$0x260] =	vst v14;
	v14 =	vld [tilespmem:s20+$0x1B70];
	v9 =	vmul.f32 $1.131370830e+01, v9;
	v8 =	vadd.f32 v8, v6  }
0x22b: {  	v16 =	vadd.f32 v16, v7;
	[tilespmem:s20+$0x270] =	vst v15;
	v15 =	vld [tilespmem:s20+$0x3400];
	v10 =	vmul.f32 $1.131370830e+01, v10  }
0x22c: {  	v11 =	vmul.f32 $1.131370830e+01, v11;
	v9 =	vadd.f32 v9, v5;
	[tilespmem:s20+$0x1B10] =	vst v8;
	v8 =	vld [tilespmem:s20+$0x3420]  }
0x22d: {  	[tilespmem:s20+$0x1B00] =	vst v16;
	v16 =	vld [tilespmem:s20+$0x3410];
	v12 =	vmul.f32 $1.131370830e+01, v12;
	v10 =	vadd.f32 v10, v4  }
0x22e: {  	v13 =	vmul.f32 $1.131370830e+01, v13;
	v11 =	vadd.f32 v11, v3;
	[tilespmem:s20+$0x1B20] =	vst v9;
	v9 =	vld [tilespmem:s20+$0x3430]  }
0x22f: {  	v14 =	vmul.f32 $1.131370830e+01, v14;
	v12 =	vadd.f32 v12, v2;
	[tilespmem:s20+$0x1B30] =	vst v10;
	v10 =	vld [tilespmem:s20+$0x3440]  }
0x230: {  	v15 =	vmul.f32 $1.131370830e+01, v15;
	v13 =	vadd.f32 v13, v1;
	[tilespmem:s20+$0x1B40] =	vst v11;
	v11 =	vld [tilespmem:s20+$0x3450]  }
0x231: {  	v14 =	vadd.f32 v14, v0;
	[tilespmem:s20+$0x1B50] =	vst v12;
	v12 =	vld [tilespmem:s20+$0x3460];
	v8 =	vmul.f32 $1.131370830e+01, v8  }
0x232: {  	v16 =	vmul.f32 $1.131370830e+01, v16;
	v15 =	vadd.f32 v15, v7;
	[tilespmem:s20+$0x1B60] =	vst v13;
	v13 =	vld [tilespmem:s20+$0x3470]  }
0x233: {  	[tilespmem:s20+$0x1B70] =	vst v14;
	v14 =	vld [tilespmem:s20+$0x4D00];
	v9 =	vmul.f32 $1.131370830e+01, v9;
	v8 =	vadd.f32 v8, v5  }
0x234: {  	v16 =	vadd.f32 v16, v6;
	[tilespmem:s20+$0x3400] =	vst v15;
	v15 =	vld [tilespmem:s20+$0x4D10];
	v10 =	vmul.f32 $1.131370830e+01, v10  }
0x235: {  	v11 =	vmul.f32 $1.131370830e+01, v11;
	v9 =	vadd.f32 v9, v4;
	[tilespmem:s20+$0x3420] =	vst v8;
	v8 =	vld [tilespmem:s20+$0x4D30]  }
0x236: {  	[tilespmem:s20+$0x3410] =	vst v16;
	v16 =	vld [tilespmem:s20+$0x4D20];
	v12 =	vmul.f32 $1.131370830e+01, v12;
	v10 =	vadd.f32 v10, v3  }
0x237: {  	v13 =	vmul.f32 $1.131370830e+01, v13;
	v11 =	vadd.f32 v11, v2;
	[tilespmem:s20+$0x3430] =	vst v9;
	v9 =	vld [tilespmem:s20+$0x4D40]  }
0x238: {  	v14 =	vmul.f32 $1.131370830e+01, v14;
	v12 =	vadd.f32 v12, v1;
	[tilespmem:s20+$0x3440] =	vst v10;
	v10 =	vld [tilespmem:s20+$0x4D50]  }
0x239: {  	v15 =	vmul.f32 $1.131370830e+01, v15;
	v13 =	vadd.f32 v13, v0;
	[tilespmem:s20+$0x3450] =	vst v11;
	v11 =	vld [tilespmem:s20+$0x4D60]  }
0x23a: {  	v14 =	vadd.f32 v14, v7;
	[tilespmem:s20+$0x3460] =	vst v12;
	v12 =	vld [tilespmem:s20+$0x4D70];
	v8 =	vmul.f32 $1.131370830e+01, v8  }
0x23b: {  	v16 =	vmul.f32 $1.131370830e+01, v16;
	v15 =	vadd.f32 v15, v6;
	[tilespmem:s20+$0x3470] =	vst v13;
	v13 =	vld [tilespmem:s20+$0x6600]  }
0x23c: {  	[tilespmem:s20+$0x4D00] =	vst v14;
	v14 =	vld [tilespmem:s20+$0x6610];
	v9 =	vmul.f32 $1.131370830e+01, v9;
	v8 =	vadd.f32 v8, v4  }
0x23d: {  	v16 =	vadd.f32 v16, v5;
	[tilespmem:s20+$0x4D10] =	vst v15;
	v15 =	vld [tilespmem:s20+$0x6620];
	v10 =	vmul.f32 $1.131370830e+01, v10  }
0x23e: {  	v11 =	vmul.f32 $1.131370830e+01, v11;
	v9 =	vadd.f32 v9, v3;
	[tilespmem:s20+$0x4D30] =	vst v8;
	v8 =	vld [tilespmem:s20+$0x6640]  }
0x23f: {  	[tilespmem:s20+$0x4D20] =	vst v16;
	v16 =	vld [tilespmem:s20+$0x6630];
	v12 =	vmul.f32 $1.131370830e+01, v12;
	v10 =	vadd.f32 v10, v2  }
0x240: {  	v13 =	vmul.f32 $1.131370830e+01, v13;
	v11 =	vadd.f32 v11, v1;
	[tilespmem:s20+$0x4D40] =	vst v9;
	v9 =	vld [tilespmem:s20+$0x6650]  }
0x241: {  	v14 =	vmul.f32 $1.131370830e+01, v14;
	v12 =	vadd.f32 v12, v0;
	[tilespmem:s20+$0x4D50] =	vst v10;
	v10 =	vld [tilespmem:s20+$0x6660]  }
0x242: {  	v15 =	vmul.f32 $1.131370830e+01, v15;
	v13 =	vadd.f32 v13, v7;
	[tilespmem:s20+$0x4D60] =	vst v11;
	v11 =	vld [tilespmem:s20+$0x6670]  }
0x243: {  	v14 =	vadd.f32 v14, v6;
	[tilespmem:s20+$0x4D70] =	vst v12;
	v12 =	vld [tilespmem:s20+$0x7F00];
	v8 =	vmul.f32 $1.131370830e+01, v8  }
0x244: {  	v16 =	vmul.f32 $1.131370830e+01, v16;
	v15 =	vadd.f32 v15, v5;
	[tilespmem:s20+$0x6600] =	vst v13;
	v13 =	vld [tilespmem:s20+$0x7F10]  }
0x245: {  	[tilespmem:s20+$0x6610] =	vst v14;
	v14 =	vld [tilespmem:s20+$0x7F20];
	v9 =	vmul.f32 $1.131370830e+01, v9;
	v8 =	vadd.f32 v8, v3  }
0x246: {  	v16 =	vadd.f32 v16, v4;
	[tilespmem:s20+$0x6620] =	vst v15;
	v15 =	vld [tilespmem:s20+$0x7F30];
	v10 =	vmul.f32 $1.131370830e+01, v10  }
0x247: {  	v11 =	vmul.f32 $1.131370830e+01, v11;
	v9 =	vadd.f32 v9, v2;
	[tilespmem:s20+$0x6640] =	vst v8;
	v8 =	vld [tilespmem:s20+$0x7F50]  }
0x248: {  	[tilespmem:s20+$0x6630] =	vst v16;
	v16 =	vld [tilespmem:s20+$0x7F40];
	v12 =	vmul.f32 $1.131370830e+01, v12;
	v10 =	vadd.f32 v10, v1  }
0x249: {  	v13 =	vmul.f32 $1.131370830e+01, v13;
	v11 =	vadd.f32 v11, v0;
	[tilespmem:s20+$0x6650] =	vst v9;
	v9 =	vld [tilespmem:s20+$0x7F60]  }
0x24a: {  	v14 =	vmul.f32 $1.131370830e+01, v14;
	v12 =	vadd.f32 v12, v7;
	[tilespmem:s20+$0x6660] =	vst v10;
	v10 =	vld [tilespmem:s20+$0x7F70]  }
0x24b: {  	v15 =	vmul.f32 $1.131370830e+01, v15;
	v13 =	vadd.f32 v13, v6;
	[tilespmem:s20+$0x6670] =	vst v11;
	v11 =	vld [tilespmem:s20+$0x9800]  }
0x24c: {  	v14 =	vadd.f32 v14, v5;
	[tilespmem:s20+$0x7F00] =	vst v12;
	v8 =	vmul.f32 $1.131370830e+01, v8  }
0x24d: {  	v16 =	vmul.f32 $1.131370830e+01, v16;
	v15 =	vadd.f32 v15, v4;
	v12 =	vld [tilespmem:s20+$0x9810];
	[tilespmem:s20+$0x7F10] =	vst v13  }
0x24e: {  	v13 =	vld [tilespmem:s20+$0x9820];
	[tilespmem:s20+$0x7F20] =	vst v14;
	v9 =	vmul.f32 $1.131370830e+01, v9;
	v8 =	vadd.f32 v8, v2  }
0x24f: {  	v16 =	vadd.f32 v16, v3;
	v14 =	vld [tilespmem:s20+$0x9830];
	[tilespmem:s20+$0x7F30] =	vst v15;
	v10 =	vmul.f32 $1.131370830e+01, v10  }
0x250: {  	v15 =	vld [tilespmem:s20+$0x9840];
	v9 =	vadd.f32 v9, v1;
	[tilespmem:s20+$0x7F50] =	vst v8;
	v8 =	vmul.f32 $1.131370830e+01, v11  }
0x251: {  	[tilespmem:s20+$0x7F40] =	vst v16;
	v16 =	vld [tilespmem:s20+$0x9850];
	v10 =	vadd.f32 v10, v0  }
0x252: {  	[tilespmem:s20+$0x7F60] =	vst v9;
	v9 =	vmul.f32 $1.131370830e+01, v12;
	v8 =	vadd.f32 v8, v7  }
0x253: {  	v17 =	vld [tilespmem:s20+$0x9860];
	[tilespmem:s20+$0x7F70] =	vst v10;
	v10 =	vmul.f32 $1.131370830e+01, v13  }
0x254: {  	v11 =	vld [tilespmem:s20+$0x9870];
	v9 =	vadd.f32 v9, v6;
	[tilespmem:s20+$0x9800] =	vst v8;
	v8 =	vmul.f32 $1.131370830e+01, v14  }
0x255: {  	v12 =	vld [tilespmem:s20+$0xB100];
	v13 =	vmul.f32 $1.131370830e+01, v15;
	v10 =	vadd.f32 v10, v5  }
0x256: {  	v18 =	vld [tilespmem:s20+$0xB110];
	v15 =	vmul.f32 $1.131370830e+01, v16;
	[tilespmem:s20+$0x9810] =	vst v9;
	v14 =	vadd.f32 v8, v4  }
0x257: {  	v13 =	vadd.f32 v13, v3;
	v9 =	vld [tilespmem:s20+$0xB120];
	[tilespmem:s20+$0x9820] =	vst v10  }
0x258: {  	v16 =	vadd.f32 v15, v2;
	v8 =	vld [tilespmem:s20+$0xB130];
	[tilespmem:s20+$0x9830] =	vst v14;
	v14 =	vmul.f32 $1.131370830e+01, v17  }
0x259: {  	v10 =	vld [tilespmem:s20+$0xB140];
	[tilespmem:s20+$0x9840] =	vst v13;
	v13 =	vmul.f32 $1.131370830e+01, v11  }
0x25a: {  	[tilespmem:s20+$0x9850] =	vst v16;
	v11 =	vld [tilespmem:s20+$0xB150];
	v16 =	vmul.f32 $1.131370830e+01, v12;
	v15 =	vadd.f32 v14, v1  }
0x25b: {  	s21 =	simm.s32 $0x200;
	v12 =	vld [tilespmem:s20+$0xB160];
	v13 =	vadd.f32 v13, v0;
	v14 =	vmul.f32 $1.131370830e+01, v18  }
.LBB2_8:
0x25c: {  	s22 =	sshra.s32 s21, $0x2;
	p0 =	sne.s32 s21, $0x6200;
	[tilespmem:s20+$0x9860] =	vst v15;
	v15 =	vadd.f32 v16, v7;
	v9 =	vmul.f32 $1.131370830e+01, v9;
	v16 =	vld [tilespmem:s20+$0xB170]  }
0x25d: {  	v7 =	vld [tilespmem:s22+$0xCA00];
	[tilespmem:s20+$0x9870] =	vst v13;
	v13 =	vadd.f32 v14, v6;
	v8 =	vmul.f32 $1.131370830e+01, v8  }
0x25e: {  	v6 =	vld [tilespmem:s22+$0xCA10];
	[tilespmem:s20+$0xB100] =	vst v15;
	v9 =	vadd.f32 v9, v5;
	v10 =	vmul.f32 $1.131370830e+01, v10  }
0x25f: {  	v5 =	vld [tilespmem:s22+$0xCA20];
	[tilespmem:s20+$0xB110] =	vst v13;
	v8 =	vadd.f32 v8, v4;
	v11 =	vmul.f32 $1.131370830e+01, v11  }
0x260: {  	v4 =	vld [tilespmem:s22+$0xCA30];
	[tilespmem:s20+$0xB120] =	vst v9;
	v9 =	vadd.f32 v10, v3;
	v10 =	vmul.f32 $1.131370830e+01, v12  }
0x261: {  	v3 =	vld [tilespmem:s22+$0xCA40];
	[tilespmem:s20+$0xB130] =	vst v8;
	v8 =	vadd.f32 v11, v2;
	v11 =	vmul.f32 $1.131370830e+01, v16  }
0x262: {  	v2 =	vld [tilespmem:s22+$0xCA50];
	[tilespmem:s20+$0xB140] =	vst v9;
	v9 =	vadd.f32 v10, v1  }
0x263: {  	v1 =	vld [tilespmem:s22+$0xCA60];
	[tilespmem:s20+$0xB150] =	vst v8;
	v8 =	vadd.f32 v11, v0  }
0x264: {  	v0 =	vld [tilespmem:s22+$0xCA70];
	[tilespmem:s20+$0xB160] =	vst v9  }
0x265: {  	v9 =	vld [tilespmem:s22+$0x200];
	[tilespmem:s20+$0xB170] =	vst v8;
	s20 =	smov.u32 s22  }
0x266: {  	v8 =	vld [tilespmem:s20+$0x210]  }
0x267: {  	v10 =	vld [tilespmem:s20+$0x220]  }
0x268: {  	v11 =	vld [tilespmem:s20+$0x230]  }
0x269: {  	v12 =	vld [tilespmem:s20+$0x240]  }
0x26a: {  	v9 =	vmul.f32 $1.131370830e+01, v9;
	v13 =	vld [tilespmem:s20+$0x250]  }
0x26b: {  	v8 =	vmul.f32 $1.131370830e+01, v8;
	v14 =	vld [tilespmem:s20+$0x260]  }
0x26c: {  	v9 =	vadd.f32 v9, v7;
	v10 =	vmul.f32 $1.131370830e+01, v10;
	v15 =	vld [tilespmem:s20+$0x270]  }
0x26d: {  	v8 =	vadd.f32 v8, v6;
	v11 =	vmul.f32 $1.131370830e+01, v11;
	v16 =	vld [tilespmem:s20+$0x1B00]  }
0x26e: {  	[tilespmem:s20+$0x200] =	vst v9;
	v9 =	vadd.f32 v10, v5;
	v10 =	vmul.f32 $1.131370830e+01, v12;
	v12 =	vld [tilespmem:s20+$0x1B10]  }
0x26f: {  	[tilespmem:s20+$0x210] =	vst v8;
	v8 =	vadd.f32 v11, v4;
	v11 =	vmul.f32 $1.131370830e+01, v13;
	v13 =	vld [tilespmem:s20+$0x1B20]  }
0x270: {  	[tilespmem:s20+$0x220] =	vst v9;
	v9 =	vadd.f32 v10, v3;
	v10 =	vmul.f32 $1.131370830e+01, v14;
	v14 =	vld [tilespmem:s20+$0x1B30]  }
0x271: {  	[tilespmem:s20+$0x230] =	vst v8;
	v8 =	vadd.f32 v11, v2;
	v11 =	vmul.f32 $1.131370830e+01, v15;
	v15 =	vld [tilespmem:s20+$0x1B40]  }
0x272: {  	[tilespmem:s20+$0x240] =	vst v9;
	v9 =	vadd.f32 v10, v1;
	v10 =	vmul.f32 $1.131370830e+01, v16;
	v16 =	vld [tilespmem:s20+$0x1B50]  }
0x273: {  	[tilespmem:s20+$0x250] =	vst v8;
	v8 =	vadd.f32 v11, v0;
	v11 =	vmul.f32 $1.131370830e+01, v12;
	v12 =	vld [tilespmem:s20+$0x1B60]  }
0x274: {  	[tilespmem:s20+$0x260] =	vst v9;
	v9 =	vadd.f32 v10, v7;
	v10 =	vmul.f32 $1.131370830e+01, v13;
	v13 =	vld [tilespmem:s20+$0x1B70]  }
0x275: {  	[tilespmem:s20+$0x270] =	vst v8;
	v8 =	vadd.f32 v11, v6;
	v11 =	vmul.f32 $1.131370830e+01, v14;
	v14 =	vld [tilespmem:s20+$0x3400]  }
0x276: {  	[tilespmem:s20+$0x1B00] =	vst v9;
	v9 =	vadd.f32 v10, v5;
	v10 =	vmul.f32 $1.131370830e+01, v15;
	v15 =	vld [tilespmem:s20+$0x3410]  }
0x277: {  	[tilespmem:s20+$0x1B10] =	vst v8;
	v8 =	vadd.f32 v11, v4;
	v11 =	vmul.f32 $1.131370830e+01, v16;
	v16 =	vld [tilespmem:s20+$0x3420]  }
0x278: {  	[tilespmem:s20+$0x1B20] =	vst v9;
	v9 =	vadd.f32 v10, v3;
	v10 =	vmul.f32 $1.131370830e+01, v12;
	v12 =	vld [tilespmem:s20+$0x3430]  }
0x279: {  	[tilespmem:s20+$0x1B30] =	vst v8;
	v8 =	vadd.f32 v11, v2;
	v11 =	vmul.f32 $1.131370830e+01, v13;
	v13 =	vld [tilespmem:s20+$0x3440]  }
0x27a: {  	[tilespmem:s20+$0x1B40] =	vst v9;
	v9 =	vadd.f32 v10, v1;
	v10 =	vmul.f32 $1.131370830e+01, v14;
	v14 =	vld [tilespmem:s20+$0x3450]  }
0x27b: {  	[tilespmem:s20+$0x1B50] =	vst v8;
	v8 =	vadd.f32 v11, v0;
	v11 =	vmul.f32 $1.131370830e+01, v15;
	v15 =	vld [tilespmem:s20+$0x3460]  }
0x27c: {  	[tilespmem:s20+$0x1B60] =	vst v9;
	v9 =	vadd.f32 v10, v7;
	v10 =	vmul.f32 $1.131370830e+01, v16;
	v16 =	vld [tilespmem:s20+$0x3470]  }
0x27d: {  	[tilespmem:s20+$0x1B70] =	vst v8;
	v8 =	vadd.f32 v11, v6;
	v11 =	vmul.f32 $1.131370830e+01, v12;
	v12 =	vld [tilespmem:s20+$0x4D00]  }
0x27e: {  	[tilespmem:s20+$0x3400] =	vst v9;
	v9 =	vadd.f32 v10, v5;
	v10 =	vmul.f32 $1.131370830e+01, v13;
	v13 =	vld [tilespmem:s20+$0x4D10]  }
0x27f: {  	[tilespmem:s20+$0x3410] =	vst v8;
	v8 =	vadd.f32 v11, v4;
	v11 =	vmul.f32 $1.131370830e+01, v14;
	v14 =	vld [tilespmem:s20+$0x4D20]  }
0x280: {  	[tilespmem:s20+$0x3420] =	vst v9;
	v9 =	vadd.f32 v10, v3;
	v10 =	vmul.f32 $1.131370830e+01, v15;
	v15 =	vld [tilespmem:s20+$0x4D30]  }
0x281: {  	[tilespmem:s20+$0x3430] =	vst v8;
	v8 =	vadd.f32 v11, v2;
	v11 =	vmul.f32 $1.131370830e+01, v16;
	v16 =	vld [tilespmem:s20+$0x4D40]  }
0x282: {  	[tilespmem:s20+$0x3440] =	vst v9;
	v9 =	vadd.f32 v10, v1;
	v10 =	vmul.f32 $1.131370830e+01, v12;
	v12 =	vld [tilespmem:s20+$0x4D50]  }
0x283: {  	[tilespmem:s20+$0x3450] =	vst v8;
	v8 =	vadd.f32 v11, v0;
	v11 =	vmul.f32 $1.131370830e+01, v13;
	v13 =	vld [tilespmem:s20+$0x4D60]  }
0x284: {  	[tilespmem:s20+$0x3460] =	vst v9;
	v9 =	vadd.f32 v10, v7;
	v10 =	vmul.f32 $1.131370830e+01, v14;
	v14 =	vld [tilespmem:s20+$0x4D70]  }
0x285: {  	[tilespmem:s20+$0x3470] =	vst v8;
	v8 =	vadd.f32 v11, v6;
	v11 =	vmul.f32 $1.131370830e+01, v15;
	v15 =	vld [tilespmem:s20+$0x6600]  }
0x286: {  	[tilespmem:s20+$0x4D00] =	vst v9;
	v9 =	vadd.f32 v10, v5;
	v10 =	vmul.f32 $1.131370830e+01, v16;
	v16 =	vld [tilespmem:s20+$0x6610]  }
0x287: {  	[tilespmem:s20+$0x4D10] =	vst v8;
	v8 =	vadd.f32 v11, v4;
	v11 =	vmul.f32 $1.131370830e+01, v12;
	v12 =	vld [tilespmem:s20+$0x6620]  }
0x288: {  	[tilespmem:s20+$0x4D20] =	vst v9;
	v9 =	vadd.f32 v10, v3;
	v10 =	vmul.f32 $1.131370830e+01, v13;
	v13 =	vld [tilespmem:s20+$0x6630]  }
0x289: {  	[tilespmem:s20+$0x4D30] =	vst v8;
	v8 =	vadd.f32 v11, v2;
	v11 =	vmul.f32 $1.131370830e+01, v14;
	v14 =	vld [tilespmem:s20+$0x6640]  }
0x28a: {  	[tilespmem:s20+$0x4D40] =	vst v9;
	v9 =	vadd.f32 v10, v1;
	v10 =	vmul.f32 $1.131370830e+01, v15;
	v15 =	vld [tilespmem:s20+$0x6650]  }
0x28b: {  	[tilespmem:s20+$0x4D50] =	vst v8;
	v8 =	vadd.f32 v11, v0;
	v11 =	vmul.f32 $1.131370830e+01, v16;
	v16 =	vld [tilespmem:s20+$0x6660]  }
0x28c: {  	[tilespmem:s20+$0x4D60] =	vst v9;
	v9 =	vadd.f32 v10, v7;
	v10 =	vmul.f32 $1.131370830e+01, v12;
	v12 =	vld [tilespmem:s20+$0x6670]  }
0x28d: {  	[tilespmem:s20+$0x4D70] =	vst v8;
	v8 =	vadd.f32 v11, v6;
	v11 =	vmul.f32 $1.131370830e+01, v13;
	v13 =	vld [tilespmem:s20+$0x7F00]  }
0x28e: {  	[tilespmem:s20+$0x6600] =	vst v9;
	v9 =	vadd.f32 v10, v5;
	v10 =	vmul.f32 $1.131370830e+01, v14;
	v14 =	vld [tilespmem:s20+$0x7F10]  }
0x28f: {  	[tilespmem:s20+$0x6610] =	vst v8;
	v8 =	vadd.f32 v11, v4;
	v11 =	vmul.f32 $1.131370830e+01, v15;
	v15 =	vld [tilespmem:s20+$0x7F20]  }
0x290: {  	[tilespmem:s20+$0x6620] =	vst v9;
	v9 =	vadd.f32 v10, v3;
	v10 =	vmul.f32 $1.131370830e+01, v16;
	v16 =	vld [tilespmem:s20+$0x7F30]  }
0x291: {  	[tilespmem:s20+$0x6630] =	vst v8;
	v8 =	vadd.f32 v11, v2;
	v11 =	vmul.f32 $1.131370830e+01, v12;
	v12 =	vld [tilespmem:s20+$0x7F40]  }
0x292: {  	[tilespmem:s20+$0x6640] =	vst v9;
	v9 =	vadd.f32 v10, v1;
	v10 =	vmul.f32 $1.131370830e+01, v13;
	v13 =	vld [tilespmem:s20+$0x7F50]  }
0x293: {  	[tilespmem:s20+$0x6650] =	vst v8;
	v8 =	vadd.f32 v11, v0;
	v11 =	vmul.f32 $1.131370830e+01, v14;
	v14 =	vld [tilespmem:s20+$0x7F60]  }
0x294: {  	[tilespmem:s20+$0x6660] =	vst v9;
	v9 =	vadd.f32 v10, v7;
	v10 =	vmul.f32 $1.131370830e+01, v15;
	v15 =	vld [tilespmem:s20+$0x7F70]  }
0x295: {  	[tilespmem:s20+$0x6670] =	vst v8;
	v8 =	vadd.f32 v11, v6;
	v11 =	vmul.f32 $1.131370830e+01, v16;
	v16 =	vld [tilespmem:s20+$0x9800]  }
0x296: {  	[tilespmem:s20+$0x7F00] =	vst v9;
	v9 =	vadd.f32 v10, v5;
	v10 =	vmul.f32 $1.131370830e+01, v12;
	v12 =	vld [tilespmem:s20+$0x9810]  }
0x297: {  	[tilespmem:s20+$0x7F10] =	vst v8;
	v8 =	vadd.f32 v11, v4;
	v11 =	vmul.f32 $1.131370830e+01, v13;
	v13 =	vld [tilespmem:s20+$0x9820]  }
0x298: {  	[tilespmem:s20+$0x7F20] =	vst v9;
	v9 =	vadd.f32 v10, v3;
	v10 =	vmul.f32 $1.131370830e+01, v14;
	v14 =	vld [tilespmem:s20+$0x9830]  }
0x299: {  	[tilespmem:s20+$0x7F30] =	vst v8;
	v8 =	vadd.f32 v11, v2;
	v11 =	vmul.f32 $1.131370830e+01, v15;
	v15 =	vld [tilespmem:s20+$0x9840]  }
0x29a: {  	[tilespmem:s20+$0x7F40] =	vst v9;
	v9 =	vadd.f32 v10, v1;
	v10 =	vmul.f32 $1.131370830e+01, v16;
	v16 =	vld [tilespmem:s20+$0x9850]  }
0x29b: {  	[tilespmem:s20+$0x7F50] =	vst v8;
	v8 =	vadd.f32 v11, v0;
	v11 =	vmul.f32 $1.131370830e+01, v12;
	v12 =	vld [tilespmem:s20+$0x9860]  }
0x29c: {  	[tilespmem:s20+$0x7F60] =	vst v9;
	v9 =	vadd.f32 v10, v7;
	v10 =	vmul.f32 $1.131370830e+01, v13;
	v13 =	vld [tilespmem:s20+$0x9870]  }
0x29d: {  	[tilespmem:s20+$0x7F70] =	vst v8;
	v8 =	vadd.f32 v11, v6;
	v11 =	vmul.f32 $1.131370830e+01, v14;
	v14 =	vld [tilespmem:s20+$0xB100]  }
0x29e: {  	[tilespmem:s20+$0x9800] =	vst v9;
	v10 =	vadd.f32 v10, v5;
	v15 =	vmul.f32 $1.131370830e+01, v15;
	v17 =	vld [tilespmem:s20+$0xB110]  }
.Ltmp3:
0x29f: {  	[tilespmem:s20+$0x9810] =	vst v8;
	v11 =	vadd.f32 v11, v4;
	v16 =	vmul.f32 $1.131370830e+01, v16;
	v9 =	vld [tilespmem:s20+$0xB120];
	(pc) =	sbr.rel @p0 .LBB2_8-.Ltmp3, $4  }
0x2a0: {  	[tilespmem:s20+$0x9820] =	vst v10;
	v15 =	vadd.f32 v15, v3;
	v12 =	vmul.f32 $1.131370830e+01, v12;
	v8 =	vld [tilespmem:s20+$0xB130]  }
0x2a1: {  	[tilespmem:s20+$0x9830] =	vst v11;
	v18 =	vadd.f32 v16, v2;
	v13 =	vmul.f32 $1.131370830e+01, v13;
	v10 =	vld [tilespmem:s20+$0xB140]  }
0x2a2: {  	[tilespmem:s20+$0x9840] =	vst v15;
	v15 =	vadd.f32 v12, v1;
	v16 =	vmul.f32 $1.131370830e+01, v14;
	v11 =	vld [tilespmem:s20+$0xB150]  }
0x2a3: {  	s21 =	sadd.s32 $0x200, s21;
	[tilespmem:s20+$0x9850] =	vst v18;
	v13 =	vadd.f32 v13, v0;
	v14 =	vmul.f32 $1.131370830e+01, v17;
	v12 =	vld [tilespmem:s20+$0xB160]  }
0x2a4: {  	[tilespmem:s20+$0x9860] =	vst v15;
	v7 =	vadd.f32 v16, v7;
	v9 =	vmul.f32 $1.131370830e+01, v9;
	v59 =	vld [tilespmem:s20+$0xB170]  }
0x2a5: {  	[tilespmem:s20+$0x9870] =	vst v13;
	v6 =	vadd.f32 v14, v6;
	v8 =	vmul.f32 $1.131370830e+01, v8  }
0x2a6: {  	[tilespmem:s20+$0xB100] =	vst v7;
	v5 =	vadd.f32 v9, v5;
	v60 =	vmul.f32 $1.131370830e+01, v10  }
0x2a7: {  	[tilespmem:s20+$0xB110] =	vst v6;
	v4 =	vadd.f32 v8, v4;
	v61 =	vmul.f32 $1.131370830e+01, v11  }
0x2a8: {  	[tilespmem:s20+$0xB120] =	vst v5;
	v3 =	vadd.f32 v60, v3;
	v62 =	vmul.f32 $1.131370830e+01, v12  }
0x2a9: {  	[tilespmem:s20+$0xB130] =	vst v4;
	v2 =	vadd.f32 v61, v2;
	v63 =	vmul.f32 $1.131370830e+01, v59  }
0x2aa: {  	[tilespmem:s20+$0xB140] =	vst v3;
	v1 =	vadd.f32 v62, v1  }
0x2ab: {  	s19 =	sadd.s32 $0x1, s19;
	[tilespmem:s20+$0xB150] =	vst v2;
	v0 =	vadd.f32 v63, v0  }
0x2ac: {  	p0 =	sne.s32 s19, s13;
	[tilespmem:s20+$0xB160] =	vst v1  }
.Ltmp4:
0x2ad: {  	[tilespmem:s20+$0xB170] =	vst v0;
	(pc) =	sbr.rel @p0 .LBB2_1-.Ltmp4, $4  }
0x2ae: {  	[hbm4b:s12+s3] =	stream.linear.scatter [tilespmem:s17], [sflag:$0x2], $0xC800, $0x38;
	[tilespmem:$0xE600] =	vst v63  }
0x2af: {  	_ =	swait.ge [sflag:s15], $0xC800  }
0x2b0: {  	[sflag:s15] =	ssyncset.done $0x0  }
0x2b1: {  	[sflag:s15] =	ssyncadd.s32 $0xFFFF3800  }
0x2b2: {  	_ =	sfence.sel $0x180000  }
0x2b3: {  	[bflag:$0x0] =	sbarrier.arrive $0xFFFF  }
0x2b4: {  	p0 =	sne.s32 s1, $0x0;
	_ =	strace $0x90000047  }
0x2b5: {  	s0 =	sadd.s32 @!p0 $0x100000, s0;
	[bflag:$0x2] =	sbarrier.arrive $0xFFFF  }
0x2b6: {  	[sflag:s0] =	ssyncadd.tile.s32 @!p0 $0x1;
	_ =	shalt  }
.Lfunc_end2:
_tile_overlayer_lowered:
.L_overlay_start_2:
0x2b7: {  	(tag) =	ssettag $0x2  }
0x2b8: {  	s0 =	rddreg [dreg:$0x0];
	s2 =	stileid.u32  }
0x2b9: {  	s1 =	rddreg [dreg:$0x1];
	p0 =	sne.s32 s2, $0x0  }
0x2ba: {  	s3 =	rddreg [dreg:$0x2];
	[bflag:$0x3] =	sbarrier.arrive $0xFFFF;
	s2 =	simm.s32 @!p0 $0x1C02  }
0x2bb: {  	[timem:s3], [sflag:s2] =	dma.local @!p0 [hbm:s0], s1  }
0x2bc: {  	s0 =	simm.s32 @!p0 $0x2  }
0x2bd: {  	_ =	swait.ge @!p0 [sflag:s0], s1  }
0x2be: {  	s1 =	ssub.s32 @!p0 $0x0, s1;
	[sflag:s0] =	ssyncset.done @!p0 $0x0  }
0x2bf: {  	[sflag:s0] =	ssyncadd.s32 @!p0 s1  }
0x2c0: {  	[bflag:$0x3] =	sbarrier.arrive $0xFFFF  }
0x2c1: {  	_ =	shalt  }

</sc_bundles>
